<compile_context>
chip_gen: v7x
topology: tpu7x:2x2x1
jax: 0.10.2.dev20260603
libtpu: 0.0.44.dev20260713+nightly
codegen_flags: <defaults>
</compile_context>

<pallas_src>
import functools

import jax
import jax.numpy as jnp
from jax import lax
from jax.experimental import pallas as pl
from jax.experimental.pallas import tpu as pltpu
from jax.experimental.pallas import tpu_sc as plsc

_N = 10000
_E = 160000
_ACC = 10240
_EPB = 1280
_EP = _EPB * 128


def _mesh():
    return plsc.VectorSubcoreMesh(core_axis_name="c", subcore_axis_name="s")


def _seg_chunked(nch, cps):
    BT = _EPB // 16

    @functools.partial(
        pl.kernel,
        out_type=jax.ShapeDtypeStruct((nch, _ACC, 128), jnp.float32),
        mesh=_mesh(),
        scratch_types=[
            pltpu.VMEM((BT * 128,), jnp.int32),
            pltpu.VMEM((BT // 2, 128), jnp.int32),
            pltpu.VMEM((128, 128), jnp.float32),
            pltpu.VMEM((128, 128), jnp.float32),
            pltpu.VMEM_SHARED((_ACC, 128), jnp.float32),
            pltpu.SemaphoreType.DMA,
            pltpu.SemaphoreType.DMA,
        ],
    )
    def k(tbl, srcf, dst2, zer, out, gidx, dstb, gA, gB, acc, semA, semB):
        sc = lax.axis_index("c")
        t = lax.axis_index("s")
        HB = BT // 2
        pltpu.sync_copy(srcf.at[pl.ds(t * (BT * 128), BT * 128)], gidx)

        def chunk_body(cc, carry):
            pltpu.sync_copy(zer, gA)
            for z in range(_ACC // 16 // 128):
                pltpu.sync_copy(gA, acc.at[pl.ds(t * 640 + z * 128, 128)])

            def sbody(i, carry2):
                v = gidx[pl.ds(i * 16, 16)]
                gidx[pl.ds(i * 16, 16)] = jnp.where(
                    cc == 0, v * nch + sc * cps, v + 1)
                return carry2

            lax.fori_loop(0, BT * 8, sbody, 0)
            plsc.subcore_barrier()

            for h in range(2):
                off = h * HB
                pltpu.sync_copy(dst2.at[pl.ds(t * BT + off, HB)], dstb)
                pltpu.async_copy(
                    tbl.at[gidx.at[pl.ds(off * 128, 128)]], gA, semA)

                def ebody(p, carry2):
                    b0 = off + 2 * p
                    pltpu.async_copy(
                        tbl.at[gidx.at[pl.ds((b0 + 1) * 128, 128)]],
                        gB, semB)
                    pltpu.make_async_copy(
                        tbl.at[gidx.at[pl.ds(b0 * 128, 128)]],
                        gA, semA).wait()
                    pltpu.sync_copy(gA, acc.at[dstb.at[2 * p]], add=True)

                    @pl.when(p + 1 < HB // 2)
                    def _():
                        pltpu.async_copy(
                            tbl.at[gidx.at[pl.ds((b0 + 2) * 128, 128)]],
                            gA, semA)
                    pltpu.make_async_copy(
                        tbl.at[gidx.at[pl.ds((b0 + 1) * 128, 128)]],
                        gB, semB).wait()
                    pltpu.sync_copy(gB, acc.at[dstb.at[2 * p + 1]], add=True)
                    return carry2

                lax.fori_loop(0, HB // 2, ebody, 0)
            plsc.subcore_barrier()
            pltpu.sync_copy(acc.at[pl.ds(t * 640, 640)],
                            out.at[sc * cps + cc, pl.ds(t * 640, 640)])
            return carry

        lax.fori_loop(0, cps, chunk_body, 0)

    return k


def _seg_split(row_w):
    BT = _EPB // 32

    @functools.partial(
        pl.kernel,
        out_type=jax.ShapeDtypeStruct((2, _ACC, row_w), jnp.float32),
        mesh=_mesh(),
        scratch_types=[
            pltpu.VMEM((BT * 128,), jnp.int32),
            pltpu.VMEM((BT, 128), jnp.int32),
            pltpu.VMEM((128, row_w), jnp.float32),
            pltpu.VMEM((128, row_w), jnp.float32),
            pltpu.VMEM_SHARED((_ACC, row_w), jnp.float32),
        ],
    )
    def k(tbl, srcf, dst2, zer, out, srcv, dstb, gbuf, zbuf, acc):
        sc = lax.axis_index("c")
        t = lax.axis_index("s")
        w = sc * 16 + t
        pltpu.sync_copy(srcf.at[pl.ds(w * (BT * 128), BT * 128)], srcv)
        pltpu.sync_copy(dst2.at[pl.ds(w * BT, BT)], dstb)
        pltpu.sync_copy(zer, zbuf)
        for z in range(_ACC // 16 // 128):
            pltpu.sync_copy(zbuf, acc.at[pl.ds(t * 640 + z * 128, 128)])
        plsc.subcore_barrier()

        def ebody(b, carry):
            pltpu.sync_copy(tbl.at[srcv.at[pl.ds(b * 128, 128)]], gbuf)
            pltpu.sync_copy(gbuf, acc.at[dstb.at[b]], add=True)
            return carry

        lax.fori_loop(0, BT, ebody, 0)
        plsc.subcore_barrier()
        pltpu.sync_copy(acc.at[pl.ds(t * 640, 640)],
                        out.at[sc, pl.ds(t * 640, 640)])

    return k


def _deg_kernel():
    BT = _EPB // 32

    @functools.partial(
        pl.kernel,
        out_type=jax.ShapeDtypeStruct((2, _ACC, 128), jnp.float32),
        mesh=_mesh(),
        scratch_types=[
            pltpu.VMEM((BT, 128), jnp.int32),
            pltpu.VMEM((128, 128), jnp.float32),
            pltpu.VMEM((128, 128), jnp.float32),
            pltpu.VMEM_SHARED((_ACC, 128), jnp.float32),
        ],
    )
    def k(src2, ones, zer, out, dstb, gbuf, zbuf, acc):
        sc = lax.axis_index("c")
        t = lax.axis_index("s")
        w = sc * 16 + t
        pltpu.sync_copy(src2.at[pl.ds(w * BT, BT)], dstb)
        pltpu.sync_copy(ones, gbuf)
        pltpu.sync_copy(zer, zbuf)
        for z in range(_ACC // 16 // 128):
            pltpu.sync_copy(zbuf, acc.at[pl.ds(t * 640 + z * 128, 128)])
        plsc.subcore_barrier()

        def ebody(b, carry):
            pltpu.sync_copy(gbuf, acc.at[dstb.at[b]], add=True)
            return carry

        lax.fori_loop(0, BT, ebody, 0)
        plsc.subcore_barrier()
        pltpu.sync_copy(acc.at[pl.ds(t * 640, 640)],
                        out.at[sc, pl.ds(t * 640, 640)])

    return k


_deg_k = _deg_kernel()
_seg2_k = _seg_chunked(2, 1)
_seg8_k = _seg_chunked(8, 4)
_seg64_k = _seg_split(128)


def _tc_layer(din, dout, relu, emit_hp):
    nch = din // 128
    BN = 1000
    BJ = min(dout, 512)
    NK = max(1, din // 256)
    grid = (_N // BN, dout // BJ, NK)
    spc = 2 if NK > 1 else nch

    def body(h_ref, S_ref, W0_ref, W1_ref, b_ref, dis_ref, *rest):
        if emit_hp:
            out_ref, hp_ref, acc1, acc2 = rest
        else:
            out_ref, acc1, acc2 = rest
        kk = pl.program_id(2)

        @pl.when(kk == 0)
        def _():
            acc1[...] = jnp.zeros_like(acc1)
            acc2[...] = jnp.zeros_like(acc2)

        acc1[...] += jnp.dot(h_ref[...], W0_ref[...],
                             preferred_element_type=jnp.float32)
        a2 = jnp.dot(S_ref[0], W1_ref[0:128, :],
                     preferred_element_type=jnp.float32)
        for cc in range(1, spc):
            a2 += jnp.dot(S_ref[cc], W1_ref[cc * 128:(cc + 1) * 128, :],
                          preferred_element_type=jnp.float32)
        acc2[...] += a2

        @pl.when(kk == NK - 1)
        def _():
            o = acc1[...] - dis_ref[...] * acc2[...] + b_ref[...]
            if relu:
                o = jnp.maximum(o, 0.0)
            out_ref[...] = o
            if emit_hp:
                hp_ref[...] = dis_ref[...] * o

    BK = spc * 128
    out_shapes = [jax.ShapeDtypeStruct((_N, dout), jnp.float32)]
    if emit_hp:
        out_shapes.append(jax.ShapeDtypeStruct((_N, dout), jnp.float32))
    return pl.pallas_call(
        body,
        grid=grid,
        in_specs=[
            pl.BlockSpec((BN, BK), lambda i, j, k: (i, k)),
            pl.BlockSpec((spc, BN, 128), lambda i, j, k: (k, i, 0)),
            pl.BlockSpec((BK, BJ), lambda i, j, k: (k, j)),
            pl.BlockSpec((BK, BJ), lambda i, j, k: (k, j)),
            pl.BlockSpec((1, BJ), lambda i, j, k: (0, j)),
            pl.BlockSpec((BN, 1), lambda i, j, k: (i, 0)),
        ],
        out_specs=[pl.BlockSpec((BN, BJ), lambda i, j, k: (i, j))
                   for _ in out_shapes],
        out_shape=out_shapes,
        scratch_shapes=[pltpu.VMEM((BN, BJ), jnp.float32),
                        pltpu.VMEM((BN, BJ), jnp.float32)],
        compiler_params=pltpu.CompilerParams(
            dimension_semantics=("parallel", "parallel", "arbitrary")),
    )


def _tc_layer3(din, dout):
    BN = 1000
    NK = din // 256
    grid = (_N // BN, NK)

    def body(h_ref, W0_ref, W1_ref, b_ref, dis_ref, o_ref, g_ref, acc1, acc2):
        kk = pl.program_id(1)

        @pl.when(kk == 0)
        def _():
            acc1[...] = jnp.zeros_like(acc1)
            acc2[...] = jnp.zeros_like(acc2)

        acc1[...] += jnp.dot(h_ref[...], W0_ref[...],
                             preferred_element_type=jnp.float32)
        acc2[...] += jnp.dot(h_ref[...], W1_ref[...],
                             preferred_element_type=jnp.float32)

        @pl.when(kk == NK - 1)
        def _():
            o_ref[...] = acc1[...] + b_ref[...]
            g_ref[...] = jnp.concatenate(
                [dis_ref[...] * acc2[...],
                 jnp.zeros((BN, 128 - dout), jnp.float32)], axis=1)

    return pl.pallas_call(
        body,
        grid=grid,
        in_specs=[
            pl.BlockSpec((BN, 256), lambda i, k: (i, k)),
            pl.BlockSpec((256, dout), lambda i, k: (k, 0)),
            pl.BlockSpec((256, dout), lambda i, k: (k, 0)),
            pl.BlockSpec((1, dout), lambda i, k: (0, 0)),
            pl.BlockSpec((BN, 1), lambda i, k: (i, 0)),
        ],
        out_specs=[pl.BlockSpec((BN, dout), lambda i, k: (i, 0)),
                   pl.BlockSpec((BN, 128), lambda i, k: (i, 0))],
        out_shape=[jax.ShapeDtypeStruct((_N, dout), jnp.float32),
                   jax.ShapeDtypeStruct((_N, 128), jnp.float32)],
        scratch_shapes=[pltpu.VMEM((BN, dout), jnp.float32),
                        pltpu.VMEM((BN, dout), jnp.float32)],
        compiler_params=pltpu.CompilerParams(
            dimension_semantics=("parallel", "arbitrary")),
    )


_tc0 = _tc_layer(256, 1024, True, True)
_tc12 = _tc_layer(1024, 1024, True, True)
_tc2last = _tc_layer(1024, 1024, True, False)
_tc3 = _tc_layer3(1024, 64)


def kernel(x, edge_index, y, W0_0, W1_0, b_0, W0_1, W1_1, b_1,
           W0_2, W1_2, b_2, W0_3, W1_3, b_3):
    f32 = jnp.float32
    i32 = jnp.int32
    src = edge_index[0]
    dst = edge_index[1]
    padn = _EP - _E
    srcg = jnp.concatenate([src, jnp.zeros((padn,), i32)])
    srcN = jnp.concatenate([src, jnp.full((padn,), _N, i32)]).reshape(_EPB, 128)
    dst2 = jnp.concatenate([dst, jnp.full((padn,), _N, i32)]).reshape(_EPB, 128)
    ones128 = jnp.ones((128, 128), f32)
    zer128 = jnp.zeros((128, 128), f32)

    degp = _deg_k(srcN, ones128, zer128)
    deg = degp[0, :_N, 0] + degp[1, :_N, 0]
    dis = jnp.where(deg > 0, lax.rsqrt(deg), 0.0)
    dis1 = dis[:, None]

    hp0 = dis1 * x
    S0 = _seg2_k(hp0.reshape(_N * 2, 128), srcg, dst2, zer128)
    h1, hp1 = _tc0(x, S0, W0_0, W1_0, b_0.reshape(1, -1), dis1)
    S1 = _seg8_k(hp1.reshape(_N * 8, 128), srcg, dst2, zer128)
    h2, hp2 = _tc12(h1, S1, W0_1, W1_1, b_1.reshape(1, -1), dis1)
    S2 = _seg8_k(hp2.reshape(_N * 8, 128), srcg, dst2, zer128)
    h3 = _tc2last(h2, S2, W0_2, W1_2, b_2.reshape(1, -1), dis1)[0]
    o3a, gp = _tc3(h3, W0_3, W1_3, b_3.reshape(1, -1), dis1)
    S3 = _seg64_k(gp, srcg, dst2, zer128)
    return o3a - dis1 * (S3[0, :_N, :64] + S3[1, :_N, :64])

# --- scband reference (transcript-rebuilt; emitter-appended) ---
"""Pipeline reference for scband-cheby-83691732730259 (READ-ONLY COPY).

The authoritative reference and input builder live on the scoring server;
editing this copy changes nothing except your own understanding.
"""

import jax, jax.numpy as jnp
import numpy as np

N = 10000
E = 160000
D_IN = 256
D_H = 1024
D_OUT = 64
DIMS = [(D_IN, D_H), (D_H, D_H), (D_H, D_H), (D_H, D_OUT)]


def setup_inputs(seed: int = 0):
    key = jax.random.key(seed)
    ks = jax.random.split(key, 3 + 3 * len(DIMS))
    inp = {}
    inp["x"] = jax.random.normal(ks[0], (N, D_IN), dtype=jnp.float32)
    inp["edge_index"] = jax.random.randint(ks[1], (2, E), 0, N, dtype=jnp.int32)
    inp["y"] = jax.random.randint(ks[2], (N,), 0, D_OUT, dtype=jnp.int32)
    for i, (din, dout) in enumerate(DIMS):
        s = 1.0 / np.sqrt(din)
        inp["W0_%d" % i] = jax.random.normal(ks[3 + 3 * i], (din, dout), dtype=jnp.float32) * s
        inp["W1_%d" % i] = jax.random.normal(ks[4 + 3 * i], (din, dout), dtype=jnp.float32) * s
        inp["b_%d" % i] = jnp.zeros((dout,), dtype=jnp.float32)
    return inp


def _cheb_norm(edge_index, n):
    # PyG ChebConv.__norm__ with normalization='sym', lambda_max=2.0:
    # L = I - D^{-1/2} A D^{-1/2}; L_hat = (2/lambda_max) L - I = -D^{-1/2} A D^{-1/2}
    # (diagonal entries +1 from Laplacian cancel the -1 fill of add_self_loops)
    row = edge_index[0]
    col = edge_index[1]
    w = jnp.ones(row.shape[0], dtype=jnp.float32)
    deg = jnp.zeros(n, dtype=jnp.float32).at[row].add(w)
    dis = jnp.where(deg > 0, 1.0 / jnp.sqrt(deg), 0.0)
    return -dis[row] * w * dis[col]


def _cheb_conv(h, edge_index, norm, W0, W1, b, n):
    # K=2 Chebyshev: out = Tx_0 @ W0 + Tx_1 @ W1 + b, Tx_0 = h, Tx_1 = L_hat @ h
    src = edge_index[0]
    dst = edge_index[1]
    msg = norm[:, None] * h[src]
    Tx1 = jax.ops.segment_sum(msg, dst, num_segments=n)
    return h @ W0 + Tx1 @ W1 + b


def reference(x, edge_index, y, W0_0, W1_0, b_0, W0_1, W1_1, b_1, W0_2, W1_2, b_2, W0_3, W1_3, b_3):
    # Eval-mode forward: dropout is identity, type_norm='None' -> batch_norm is identity,
    # DDCD loss and report_metrics branches are training-only and skipped. y is unused in eval.
    n = x.shape[0]
    norm = _cheb_norm(edge_index, n)
    params = [(W0_0, W1_0, b_0), (W0_1, W1_1, b_1), (W0_2, W1_2, b_2), (W0_3, W1_3, b_3)]
    h = x
    for i, (W0, W1, b) in enumerate(params):
        h = _cheb_conv(h, edge_index, norm, W0, W1, b, n)
        if i != len(params) - 1:
            h = jax.nn.relu(h)
    return h

if __name__ == "__main__":
    import jax
    _d = setup_inputs()
    print(jax.jit(kernel)(*tuple(_d.values())))

</pallas_src>

<mosaic_0001>
#map = affine_map<(d0, d1) -> (0, 0)>
#map1 = affine_map<(d0, d1) -> (0, 0, 0)>
module attributes {stable_mosaic.version = 14 : i64} {
  func.func @k(%arg0: i32, %arg1: i32, %arg2: memref<1280x128xi32, #tpu.memory_space<hbm>>, %arg3: memref<128x128xf32, #tpu.memory_space<hbm>>, %arg4: memref<128x128xf32, #tpu.memory_space<hbm>>, %arg5: memref<2x10240x128xf32, #tpu.memory_space<hbm>>, %arg6: memref<40x128xi32, #tpu.memory_space<vmem>>, %arg7: memref<128x128xf32, #tpu.memory_space<vmem>>, %arg8: memref<128x128xf32, #tpu.memory_space<vmem>>, %arg9: memref<10240x128xf32, #tpu.memory_space<vmem_shared>>) attributes {dimension_semantics = [#tpu.dimension_semantics<core_parallel>, #tpu.dimension_semantics<subcore_parallel>], iteration_bounds = array<i64: 2, 16>, scalar_prefetch = 0 : i64, scratch_operands = 4 : i64, tpu.core_type = #tpu.core_type<sc_vector_subcore>, window_params = [{transform_indices = #map}, {transform_indices = #map}, {transform_indices = #map}, {transform_indices = #map1}]} {
    %mul3A = arith.constant 16 : i32
    %mul3A_0 = arith.muli %arg0, %mul3A : i32
    %add3A = arith.addi %mul3A_0, %arg1 : i32
    %mul3A_1 = arith.constant 40 : i32
    %mul3A_2 = arith.muli %add3A, %mul3A_1 : i32
    "tpu.region"() ({
      %run_scoped3A = tpu.sem_alloc : memref<!tpu.dma_semaphore, #tpu.memory_space<semaphore_mem>>
      %dma_start3A = arith.constant 0 : i32
      %dma_start3A_33 = tpu.memref_slice %arg2[%mul3A_2, %dma_start3A] : memref<1280x128xi32, #tpu.memory_space<hbm>> -> memref<40x128xi32, #tpu.memory_space<hbm>>
      %dma_start3A_34 = arith.constant 0 : i32
      %dma_start3A_35 = tpu.memref_slice %arg2[%mul3A_2, %dma_start3A_34] : memref<1280x128xi32, #tpu.memory_space<hbm>> -> memref<40x128xi32, #tpu.memory_space<hbm>>
      tpu.enqueue_dma source(%dma_start3A_35 : memref<40x128xi32, #tpu.memory_space<hbm>>) target(%arg6 : memref<40x128xi32, #tpu.memory_space<vmem>>) target_semaphore(%run_scoped3A : memref<!tpu.dma_semaphore, #tpu.memory_space<semaphore_mem>>)
      %dma_wait3A = arith.constant 0 : i32
      %dma_wait3A_36 = tpu.memref_slice %arg2[%mul3A_2, %dma_wait3A] : memref<1280x128xi32, #tpu.memory_space<hbm>> -> memref<40x128xi32, #tpu.memory_space<hbm>>
      %dma_wait3A_37 = arith.constant 0 : i32
      %dma_wait3A_38 = tpu.memref_slice %arg2[%mul3A_2, %dma_wait3A_37] : memref<1280x128xi32, #tpu.memory_space<hbm>> -> memref<40x128xi32, #tpu.memory_space<hbm>>
      tpu.wait_dma2 semaphore(%run_scoped3A : memref<!tpu.dma_semaphore, #tpu.memory_space<semaphore_mem>>) src(%dma_wait3A_38 : memref<40x128xi32, #tpu.memory_space<hbm>>) dst(%arg6 : memref<40x128xi32, #tpu.memory_space<vmem>>)
      tpu.yield
    }) : () -> ()
    "tpu.region"() ({
      %run_scoped3A = tpu.sem_alloc : memref<!tpu.dma_semaphore, #tpu.memory_space<semaphore_mem>>
      tpu.enqueue_dma source(%arg3 : memref<128x128xf32, #tpu.memory_space<hbm>>) target(%arg7 : memref<128x128xf32, #tpu.memory_space<vmem>>) target_semaphore(%run_scoped3A : memref<!tpu.dma_semaphore, #tpu.memory_space<semaphore_mem>>)
      tpu.wait_dma2 semaphore(%run_scoped3A : memref<!tpu.dma_semaphore, #tpu.memory_space<semaphore_mem>>) src(%arg3 : memref<128x128xf32, #tpu.memory_space<hbm>>) dst(%arg7 : memref<128x128xf32, #tpu.memory_space<vmem>>)
      tpu.yield
    }) : () -> ()
    "tpu.region"() ({
      %run_scoped3A = tpu.sem_alloc : memref<!tpu.dma_semaphore, #tpu.memory_space<semaphore_mem>>
      tpu.enqueue_dma source(%arg4 : memref<128x128xf32, #tpu.memory_space<hbm>>) target(%arg8 : memref<128x128xf32, #tpu.memory_space<vmem>>) target_semaphore(%run_scoped3A : memref<!tpu.dma_semaphore, #tpu.memory_space<semaphore_mem>>)
      tpu.wait_dma2 semaphore(%run_scoped3A : memref<!tpu.dma_semaphore, #tpu.memory_space<semaphore_mem>>) src(%arg4 : memref<128x128xf32, #tpu.memory_space<hbm>>) dst(%arg8 : memref<128x128xf32, #tpu.memory_space<vmem>>)
      tpu.yield
    }) : () -> ()
    %mul3A_3 = arith.constant 640 : i32
    %mul3A_4 = arith.muli %arg1, %mul3A_3 : i32
    %add3A_5 = arith.constant 0 : i32
    %add3A_6 = arith.addi %mul3A_4, %add3A_5 : i32
    "tpu.region"() ({
      %run_scoped3A = tpu.sem_alloc : memref<!tpu.dma_semaphore, #tpu.memory_space<semaphore_mem>>
      %dma_start3A = arith.constant 0 : i32
      %dma_start3A_33 = tpu.memref_slice %arg9[%add3A_6, %dma_start3A] : memref<10240x128xf32, #tpu.memory_space<vmem_shared>> -> memref<128x128xf32, #tpu.memory_space<vmem_shared>>
      %dma_start3A_34 = arith.constant 0 : i32
      %dma_start3A_35 = tpu.memref_slice %arg9[%add3A_6, %dma_start3A_34] : memref<10240x128xf32, #tpu.memory_space<vmem_shared>> -> memref<128x128xf32, #tpu.memory_space<vmem_shared>>
      tpu.enqueue_dma source(%arg8 : memref<128x128xf32, #tpu.memory_space<vmem>>) target(%dma_start3A_35 : memref<128x128xf32, #tpu.memory_space<vmem_shared>>) target_semaphore(%run_scoped3A : memref<!tpu.dma_semaphore, #tpu.memory_space<semaphore_mem>>)
      %dma_wait3A = arith.constant 0 : i32
      %dma_wait3A_36 = tpu.memref_slice %arg9[%add3A_6, %dma_wait3A] : memref<10240x128xf32, #tpu.memory_space<vmem_shared>> -> memref<128x128xf32, #tpu.memory_space<vmem_shared>>
      %dma_wait3A_37 = arith.constant 0 : i32
      %dma_wait3A_38 = tpu.memref_slice %arg9[%add3A_6, %dma_wait3A_37] : memref<10240x128xf32, #tpu.memory_space<vmem_shared>> -> memref<128x128xf32, #tpu.memory_space<vmem_shared>>
      tpu.wait_dma2 semaphore(%run_scoped3A : memref<!tpu.dma_semaphore, #tpu.memory_space<semaphore_mem>>) src(%arg8 : memref<128x128xf32, #tpu.memory_space<vmem>>) dst(%dma_wait3A_38 : memref<128x128xf32, #tpu.memory_space<vmem_shared>>)
      tpu.yield
    }) : () -> ()
    %mul3A_7 = arith.constant 640 : i32
    %mul3A_8 = arith.muli %arg1, %mul3A_7 : i32
    %add3A_9 = arith.constant 128 : i32
    %add3A_10 = arith.addi %mul3A_8, %add3A_9 : i32
    "tpu.region"() ({
      %run_scoped3A = tpu.sem_alloc : memref<!tpu.dma_semaphore, #tpu.memory_space<semaphore_mem>>
      %dma_start3A = arith.constant 0 : i32
      %dma_start3A_33 = tpu.memref_slice %arg9[%add3A_10, %dma_start3A] : memref<10240x128xf32, #tpu.memory_space<vmem_shared>> -> memref<128x128xf32, #tpu.memory_space<vmem_shared>>
      %dma_start3A_34 = arith.constant 0 : i32
      %dma_start3A_35 = tpu.memref_slice %arg9[%add3A_10, %dma_start3A_34] : memref<10240x128xf32, #tpu.memory_space<vmem_shared>> -> memref<128x128xf32, #tpu.memory_space<vmem_shared>>
      tpu.enqueue_dma source(%arg8 : memref<128x128xf32, #tpu.memory_space<vmem>>) target(%dma_start3A_35 : memref<128x128xf32, #tpu.memory_space<vmem_shared>>) target_semaphore(%run_scoped3A : memref<!tpu.dma_semaphore, #tpu.memory_space<semaphore_mem>>)
      %dma_wait3A = arith.constant 0 : i32
      %dma_wait3A_36 = tpu.memref_slice %arg9[%add3A_10, %dma_wait3A] : memref<10240x128xf32, #tpu.memory_space<vmem_shared>> -> memref<128x128xf32, #tpu.memory_space<vmem_shared>>
      %dma_wait3A_37 = arith.constant 0 : i32
      %dma_wait3A_38 = tpu.memref_slice %arg9[%add3A_10, %dma_wait3A_37] : memref<10240x128xf32, #tpu.memory_space<vmem_shared>> -> memref<128x128xf32, #tpu.memory_space<vmem_shared>>
      tpu.wait_dma2 semaphore(%run_scoped3A : memref<!tpu.dma_semaphore, #tpu.memory_space<semaphore_mem>>) src(%arg8 : memref<128x128xf32, #tpu.memory_space<vmem>>) dst(%dma_wait3A_38 : memref<128x128xf32, #tpu.memory_space<vmem_shared>>)
      tpu.yield
    }) : () -> ()
    %mul3A_11 = arith.constant 640 : i32
    %mul3A_12 = arith.muli %arg1, %mul3A_11 : i32
    %add3A_13 = arith.constant 256 : i32
    %add3A_14 = arith.addi %mul3A_12, %add3A_13 : i32
    "tpu.region"() ({
      %run_scoped3A = tpu.sem_alloc : memref<!tpu.dma_semaphore, #tpu.memory_space<semaphore_mem>>
      %dma_start3A = arith.constant 0 : i32
      %dma_start3A_33 = tpu.memref_slice %arg9[%add3A_14, %dma_start3A] : memref<10240x128xf32, #tpu.memory_space<vmem_shared>> -> memref<128x128xf32, #tpu.memory_space<vmem_shared>>
      %dma_start3A_34 = arith.constant 0 : i32
      %dma_start3A_35 = tpu.memref_slice %arg9[%add3A_14, %dma_start3A_34] : memref<10240x128xf32, #tpu.memory_space<vmem_shared>> -> memref<128x128xf32, #tpu.memory_space<vmem_shared>>
      tpu.enqueue_dma source(%arg8 : memref<128x128xf32, #tpu.memory_space<vmem>>) target(%dma_start3A_35 : memref<128x128xf32, #tpu.memory_space<vmem_shared>>) target_semaphore(%run_scoped3A : memref<!tpu.dma_semaphore, #tpu.memory_space<semaphore_mem>>)
      %dma_wait3A = arith.constant 0 : i32
      %dma_wait3A_36 = tpu.memref_slice %arg9[%add3A_14, %dma_wait3A] : memref<10240x128xf32, #tpu.memory_space<vmem_shared>> -> memref<128x128xf32, #tpu.memory_space<vmem_shared>>
      %dma_wait3A_37 = arith.constant 0 : i32
      %dma_wait3A_38 = tpu.memref_slice %arg9[%add3A_14, %dma_wait3A_37] : memref<10240x128xf32, #tpu.memory_space<vmem_shared>> -> memref<128x128xf32, #tpu.memory_space<vmem_shared>>
      tpu.wait_dma2 semaphore(%run_scoped3A : memref<!tpu.dma_semaphore, #tpu.memory_space<semaphore_mem>>) src(%arg8 : memref<128x128xf32, #tpu.memory_space<vmem>>) dst(%dma_wait3A_38 : memref<128x128xf32, #tpu.memory_space<vmem_shared>>)
      tpu.yield
    }) : () -> ()
    %mul3A_15 = arith.constant 640 : i32
    %mul3A_16 = arith.muli %arg1, %mul3A_15 : i32
    %add3A_17 = arith.constant 384 : i32
    %add3A_18 = arith.addi %mul3A_16, %add3A_17 : i32
    "tpu.region"() ({
      %run_scoped3A = tpu.sem_alloc : memref<!tpu.dma_semaphore, #tpu.memory_space<semaphore_mem>>
      %dma_start3A = arith.constant 0 : i32
      %dma_start3A_33 = tpu.memref_slice %arg9[%add3A_18, %dma_start3A] : memref<10240x128xf32, #tpu.memory_space<vmem_shared>> -> memref<128x128xf32, #tpu.memory_space<vmem_shared>>
      %dma_start3A_34 = arith.constant 0 : i32
      %dma_start3A_35 = tpu.memref_slice %arg9[%add3A_18, %dma_start3A_34] : memref<10240x128xf32, #tpu.memory_space<vmem_shared>> -> memref<128x128xf32, #tpu.memory_space<vmem_shared>>
      tpu.enqueue_dma source(%arg8 : memref<128x128xf32, #tpu.memory_space<vmem>>) target(%dma_start3A_35 : memref<128x128xf32, #tpu.memory_space<vmem_shared>>) target_semaphore(%run_scoped3A : memref<!tpu.dma_semaphore, #tpu.memory_space<semaphore_mem>>)
      %dma_wait3A = arith.constant 0 : i32
      %dma_wait3A_36 = tpu.memref_slice %arg9[%add3A_18, %dma_wait3A] : memref<10240x128xf32, #tpu.memory_space<vmem_shared>> -> memref<128x128xf32, #tpu.memory_space<vmem_shared>>
      %dma_wait3A_37 = arith.constant 0 : i32
      %dma_wait3A_38 = tpu.memref_slice %arg9[%add3A_18, %dma_wait3A_37] : memref<10240x128xf32, #tpu.memory_space<vmem_shared>> -> memref<128x128xf32, #tpu.memory_space<vmem_shared>>
      tpu.wait_dma2 semaphore(%run_scoped3A : memref<!tpu.dma_semaphore, #tpu.memory_space<semaphore_mem>>) src(%arg8 : memref<128x128xf32, #tpu.memory_space<vmem>>) dst(%dma_wait3A_38 : memref<128x128xf32, #tpu.memory_space<vmem_shared>>)
      tpu.yield
    }) : () -> ()
    %mul3A_19 = arith.constant 640 : i32
    %mul3A_20 = arith.muli %arg1, %mul3A_19 : i32
    %add3A_21 = arith.constant 512 : i32
    %add3A_22 = arith.addi %mul3A_20, %add3A_21 : i32
    "tpu.region"() ({
      %run_scoped3A = tpu.sem_alloc : memref<!tpu.dma_semaphore, #tpu.memory_space<semaphore_mem>>
      %dma_start3A = arith.constant 0 : i32
      %dma_start3A_33 = tpu.memref_slice %arg9[%add3A_22, %dma_start3A] : memref<10240x128xf32, #tpu.memory_space<vmem_shared>> -> memref<128x128xf32, #tpu.memory_space<vmem_shared>>
      %dma_start3A_34 = arith.constant 0 : i32
      %dma_start3A_35 = tpu.memref_slice %arg9[%add3A_22, %dma_start3A_34] : memref<10240x128xf32, #tpu.memory_space<vmem_shared>> -> memref<128x128xf32, #tpu.memory_space<vmem_shared>>
      tpu.enqueue_dma source(%arg8 : memref<128x128xf32, #tpu.memory_space<vmem>>) target(%dma_start3A_35 : memref<128x128xf32, #tpu.memory_space<vmem_shared>>) target_semaphore(%run_scoped3A : memref<!tpu.dma_semaphore, #tpu.memory_space<semaphore_mem>>)
      %dma_wait3A = arith.constant 0 : i32
      %dma_wait3A_36 = tpu.memref_slice %arg9[%add3A_22, %dma_wait3A] : memref<10240x128xf32, #tpu.memory_space<vmem_shared>> -> memref<128x128xf32, #tpu.memory_space<vmem_shared>>
      %dma_wait3A_37 = arith.constant 0 : i32
      %dma_wait3A_38 = tpu.memref_slice %arg9[%add3A_22, %dma_wait3A_37] : memref<10240x128xf32, #tpu.memory_space<vmem_shared>> -> memref<128x128xf32, #tpu.memory_space<vmem_shared>>
      tpu.wait_dma2 semaphore(%run_scoped3A : memref<!tpu.dma_semaphore, #tpu.memory_space<semaphore_mem>>) src(%arg8 : memref<128x128xf32, #tpu.memory_space<vmem>>) dst(%dma_wait3A_38 : memref<128x128xf32, #tpu.memory_space<vmem_shared>>)
      tpu.yield
    }) : () -> ()
    %barrier3A = arith.constant 0 : index
    tpu.barrier barrier_id(%barrier3A)
    %scan3A = arith.constant 0 : i32
    %scan3A_23 = arith.constant 0 : i32
    %scan3A_24 = arith.constant 40 : i32
    %scan3A_25 = arith.addi %scan3A_23, %scan3A_24 : i32
    %scan3A_26 = arith.constant 1 : i32
    scf.for %scan3A_33 = %scan3A_23 to %scan3A_25 step %scan3A_26  : i32 {
      "tpu.region"() ({
        %run_scoped3A = tpu.sem_alloc : memref<!tpu.dma_semaphore, #tpu.memory_space<semaphore_mem>>
        %dma_start3A = arith.constant 0 : i32
        %dma_start3A_34 = tpu.memref_slice %arg6[%scan3A_33, %dma_start3A] : memref<40x128xi32, #tpu.memory_space<vmem>> -> memref<1x128xi32, #tpu.memory_space<vmem>>
        %dma_start3A_35 = tpu.memref_squeeze %dma_start3A_34 : memref<1x128xi32, #tpu.memory_space<vmem>> -> memref<128xi32, #tpu.memory_space<vmem>>
        %dma_start3A_36 = arith.constant 0 : i32
        %dma_start3A_37 = arith.constant 0 : i32
        %dma_start3A_38 = tpu.memref_slice %arg9[%dma_start3A_36, %dma_start3A_37] : memref<10240x128xf32, #tpu.memory_space<vmem_shared>> -> memref<10240x128xf32, #tpu.memory_space<vmem_shared>>
        tpu.enqueue_indirect_dma source(%arg7 : memref<128x128xf32, #tpu.memory_space<vmem>>) target(%dma_start3A_38 : memref<10240x128xf32, #tpu.memory_space<vmem_shared>>) offsets(%dma_start3A_35 : memref<128xi32, #tpu.memory_space<vmem>>) semaphore(%run_scoped3A : memref<!tpu.dma_semaphore, #tpu.memory_space<semaphore_mem>>) {add = true}
        %dma_wait3A = arith.constant 0 : i32
        %dma_wait3A_39 = tpu.memref_slice %arg6[%scan3A_33, %dma_wait3A] : memref<40x128xi32, #tpu.memory_space<vmem>> -> memref<1x128xi32, #tpu.memory_space<vmem>>
        %dma_wait3A_40 = tpu.memref_squeeze %dma_wait3A_39 : memref<1x128xi32, #tpu.memory_space<vmem>> -> memref<128xi32, #tpu.memory_space<vmem>>
        %dma_wait3A_41 = arith.constant 0 : i32
        %dma_wait3A_42 = arith.constant 0 : i32
        %dma_wait3A_43 = tpu.memref_slice %arg9[%dma_wait3A_41, %dma_wait3A_42] : memref<10240x128xf32, #tpu.memory_space<vmem_shared>> -> memref<10240x128xf32, #tpu.memory_space<vmem_shared>>
        tpu.wait_indirect_dma semaphore(%run_scoped3A : memref<!tpu.dma_semaphore, #tpu.memory_space<semaphore_mem>>) src(%arg7 : memref<128x128xf32, #tpu.memory_space<vmem>>) dst(%dma_wait3A_43 : memref<10240x128xf32, #tpu.memory_space<vmem_shared>>)
        tpu.yield
      }) : () -> ()
    }
    %scan3A_27 = arith.constant 40 : i32
    %barrier3A_28 = arith.constant 0 : index
    tpu.barrier barrier_id(%barrier3A_28)
    %mul3A_29 = arith.constant 640 : i32
    %mul3A_30 = arith.muli %arg1, %mul3A_29 : i32
    %mul3A_31 = arith.constant 640 : i32
    %mul3A_32 = arith.muli %arg1, %mul3A_31 : i32
    "tpu.region"() ({
      %run_scoped3A = tpu.sem_alloc : memref<!tpu.dma_semaphore, #tpu.memory_space<semaphore_mem>>
      %dma_start3A = arith.constant 0 : i32
      %dma_start3A_33 = tpu.memref_slice %arg5[%arg0, %mul3A_32, %dma_start3A] : memref<2x10240x128xf32, #tpu.memory_space<hbm>> -> memref<1x640x128xf32, #tpu.memory_space<hbm>>
      %dma_start3A_34 = tpu.memref_squeeze %dma_start3A_33 : memref<1x640x128xf32, #tpu.memory_space<hbm>> -> memref<640x128xf32, #tpu.memory_space<hbm>>
      %dma_start3A_35 = arith.constant 0 : i32
      %dma_start3A_36 = tpu.memref_slice %arg9[%mul3A_30, %dma_start3A_35] : memref<10240x128xf32, #tpu.memory_space<vmem_shared>> -> memref<640x128xf32, #tpu.memory_space<vmem_shared>>
      tpu.enqueue_dma source(%dma_start3A_36 : memref<640x128xf32, #tpu.memory_space<vmem_shared>>) target(%dma_start3A_34 : memref<640x128xf32, #tpu.memory_space<hbm>>) target_semaphore(%run_scoped3A : memref<!tpu.dma_semaphore, #tpu.memory_space<semaphore_mem>>)
      %dma_wait3A = arith.constant 0 : i32
      %dma_wait3A_37 = tpu.memref_slice %arg5[%arg0, %mul3A_32, %dma_wait3A] : memref<2x10240x128xf32, #tpu.memory_space<hbm>> -> memref<1x640x128xf32, #tpu.memory_space<hbm>>
      %dma_wait3A_38 = tpu.memref_squeeze %dma_wait3A_37 : memref<1x640x128xf32, #tpu.memory_space<hbm>> -> memref<640x128xf32, #tpu.memory_space<hbm>>
      %dma_wait3A_39 = arith.constant 0 : i32
      %dma_wait3A_40 = tpu.memref_slice %arg9[%mul3A_30, %dma_wait3A_39] : memref<10240x128xf32, #tpu.memory_space<vmem_shared>> -> memref<640x128xf32, #tpu.memory_space<vmem_shared>>
      tpu.wait_dma2 semaphore(%run_scoped3A : memref<!tpu.dma_semaphore, #tpu.memory_space<semaphore_mem>>) src(%dma_wait3A_40 : memref<640x128xf32, #tpu.memory_space<vmem_shared>>) dst(%dma_wait3A_38 : memref<640x128xf32, #tpu.memory_space<hbm>>)
      tpu.yield
    }) : () -> ()
    return
  }
}

#map = affine_map<(d0, d1) -> (0, 0)>
#map1 = affine_map<(d0, d1) -> (0)>
#map2 = affine_map<(d0, d1) -> (0, 0, 0)>
module attributes {stable_mosaic.version = 14 : i64} {
  func.func @k(%arg0: i32, %arg1: i32, %arg2: memref<20000x128xf32, #tpu.memory_space<hbm>>, %arg3: memref<163840xi32, #tpu.memory_space<hbm>>, %arg4: memref<1280x128xi32, #tpu.memory_space<hbm>>, %arg5: memref<128x128xf32, #tpu.memory_space<hbm>>, %arg6: memref<2x10240x128xf32, #tpu.memory_space<hbm>>, %arg7: memref<10240xi32, #tpu.memory_space<vmem>>, %arg8: memref<40x128xi32, #tpu.memory_space<vmem>>, %arg9: memref<128x128xf32, #tpu.memory_space<vmem>>, %arg10: memref<128x128xf32, #tpu.memory_space<vmem>>, %arg11: memref<10240x128xf32, #tpu.memory_space<vmem_shared>>, %arg12: memref<!tpu.dma_semaphore, #tpu.memory_space<semaphore_mem>>, %arg13: memref<!tpu.dma_semaphore, #tpu.memory_space<semaphore_mem>>) attributes {dimension_semantics = [#tpu.dimension_semantics<core_parallel>, #tpu.dimension_semantics<subcore_parallel>], iteration_bounds = array<i64: 2, 16>, scalar_prefetch = 0 : i64, scratch_operands = 7 : i64, tpu.core_type = #tpu.core_type<sc_vector_subcore>, window_params = [{transform_indices = #map}, {transform_indices = #map1}, {transform_indices = #map}, {transform_indices = #map}, {transform_indices = #map2}]} {
    %mul3A = arith.constant 10240 : i32
    %mul3A_0 = arith.muli %arg1, %mul3A : i32
    "tpu.region"() ({
      %run_scoped3A = tpu.sem_alloc : memref<!tpu.dma_semaphore, #tpu.memory_space<semaphore_mem>>
      %dma_start3A_65 = tpu.memref_slice %arg3[%mul3A_0] : memref<163840xi32, #tpu.memory_space<hbm>> -> memref<10240xi32, #tpu.memory_space<hbm>>
      %dma_start3A_66 = tpu.memref_slice %arg3[%mul3A_0] : memref<163840xi32, #tpu.memory_space<hbm>> -> memref<10240xi32, #tpu.memory_space<hbm>>
      tpu.enqueue_dma source(%dma_start3A_66 : memref<10240xi32, #tpu.memory_space<hbm>>) target(%arg7 : memref<10240xi32, #tpu.memory_space<vmem>>) target_semaphore(%run_scoped3A : memref<!tpu.dma_semaphore, #tpu.memory_space<semaphore_mem>>)
      %dma_wait3A = tpu.memref_slice %arg3[%mul3A_0] : memref<163840xi32, #tpu.memory_space<hbm>> -> memref<10240xi32, #tpu.memory_space<hbm>>
      %dma_wait3A_67 = tpu.memref_slice %arg3[%mul3A_0] : memref<163840xi32, #tpu.memory_space<hbm>> -> memref<10240xi32, #tpu.memory_space<hbm>>
      tpu.wait_dma2 semaphore(%run_scoped3A : memref<!tpu.dma_semaphore, #tpu.memory_space<semaphore_mem>>) src(%dma_wait3A_67 : memref<10240xi32, #tpu.memory_space<hbm>>) dst(%arg7 : memref<10240xi32, #tpu.memory_space<vmem>>)
      tpu.yield
    }) : () -> ()
    %scan3A = arith.constant 0 : i32
    %scan3A_1 = arith.constant 0 : i32
    "tpu.region"() ({
      %run_scoped3A = tpu.sem_alloc : memref<!tpu.dma_semaphore, #tpu.memory_space<semaphore_mem>>
      tpu.enqueue_dma source(%arg5 : memref<128x128xf32, #tpu.memory_space<hbm>>) target(%arg9 : memref<128x128xf32, #tpu.memory_space<vmem>>) target_semaphore(%run_scoped3A : memref<!tpu.dma_semaphore, #tpu.memory_space<semaphore_mem>>)
      tpu.wait_dma2 semaphore(%run_scoped3A : memref<!tpu.dma_semaphore, #tpu.memory_space<semaphore_mem>>) src(%arg5 : memref<128x128xf32, #tpu.memory_space<hbm>>) dst(%arg9 : memref<128x128xf32, #tpu.memory_space<vmem>>)
      tpu.yield
    }) : () -> ()
    %mul3A_2 = arith.constant 640 : i32
    %mul3A_3 = arith.muli %arg1, %mul3A_2 : i32
    %add3A = arith.constant 0 : i32
    %add3A_4 = arith.addi %mul3A_3, %add3A : i32
    "tpu.region"() ({
      %run_scoped3A = tpu.sem_alloc : memref<!tpu.dma_semaphore, #tpu.memory_space<semaphore_mem>>
      %dma_start3A_65 = arith.constant 0 : i32
      %dma_start3A_66 = tpu.memref_slice %arg11[%add3A_4, %dma_start3A_65] : memref<10240x128xf32, #tpu.memory_space<vmem_shared>> -> memref<128x128xf32, #tpu.memory_space<vmem_shared>>
      %dma_start3A_67 = arith.constant 0 : i32
      %dma_start3A_68 = tpu.memref_slice %arg11[%add3A_4, %dma_start3A_67] : memref<10240x128xf32, #tpu.memory_space<vmem_shared>> -> memref<128x128xf32, #tpu.memory_space<vmem_shared>>
      tpu.enqueue_dma source(%arg9 : memref<128x128xf32, #tpu.memory_space<vmem>>) target(%dma_start3A_68 : memref<128x128xf32, #tpu.memory_space<vmem_shared>>) target_semaphore(%run_scoped3A : memref<!tpu.dma_semaphore, #tpu.memory_space<semaphore_mem>>)
      %dma_wait3A = arith.constant 0 : i32
      %dma_wait3A_69 = tpu.memref_slice %arg11[%add3A_4, %dma_wait3A] : memref<10240x128xf32, #tpu.memory_space<vmem_shared>> -> memref<128x128xf32, #tpu.memory_space<vmem_shared>>
      %dma_wait3A_70 = arith.constant 0 : i32
      %dma_wait3A_71 = tpu.memref_slice %arg11[%add3A_4, %dma_wait3A_70] : memref<10240x128xf32, #tpu.memory_space<vmem_shared>> -> memref<128x128xf32, #tpu.memory_space<vmem_shared>>
      tpu.wait_dma2 semaphore(%run_scoped3A : memref<!tpu.dma_semaphore, #tpu.memory_space<semaphore_mem>>) src(%arg9 : memref<128x128xf32, #tpu.memory_space<vmem>>) dst(%dma_wait3A_71 : memref<128x128xf32, #tpu.memory_space<vmem_shared>>)
      tpu.yield
    }) : () -> ()
    %mul3A_5 = arith.constant 640 : i32
    %mul3A_6 = arith.muli %arg1, %mul3A_5 : i32
    %add3A_7 = arith.constant 128 : i32
    %add3A_8 = arith.addi %mul3A_6, %add3A_7 : i32
    "tpu.region"() ({
      %run_scoped3A = tpu.sem_alloc : memref<!tpu.dma_semaphore, #tpu.memory_space<semaphore_mem>>
      %dma_start3A_65 = arith.constant 0 : i32
      %dma_start3A_66 = tpu.memref_slice %arg11[%add3A_8, %dma_start3A_65] : memref<10240x128xf32, #tpu.memory_space<vmem_shared>> -> memref<128x128xf32, #tpu.memory_space<vmem_shared>>
      %dma_start3A_67 = arith.constant 0 : i32
      %dma_start3A_68 = tpu.memref_slice %arg11[%add3A_8, %dma_start3A_67] : memref<10240x128xf32, #tpu.memory_space<vmem_shared>> -> memref<128x128xf32, #tpu.memory_space<vmem_shared>>
      tpu.enqueue_dma source(%arg9 : memref<128x128xf32, #tpu.memory_space<vmem>>) target(%dma_start3A_68 : memref<128x128xf32, #tpu.memory_space<vmem_shared>>) target_semaphore(%run_scoped3A : memref<!tpu.dma_semaphore, #tpu.memory_space<semaphore_mem>>)
      %dma_wait3A = arith.constant 0 : i32
      %dma_wait3A_69 = tpu.memref_slice %arg11[%add3A_8, %dma_wait3A] : memref<10240x128xf32, #tpu.memory_space<vmem_shared>> -> memref<128x128xf32, #tpu.memory_space<vmem_shared>>
      %dma_wait3A_70 = arith.constant 0 : i32
      %dma_wait3A_71 = tpu.memref_slice %arg11[%add3A_8, %dma_wait3A_70] : memref<10240x128xf32, #tpu.memory_space<vmem_shared>> -> memref<128x128xf32, #tpu.memory_space<vmem_shared>>
      tpu.wait_dma2 semaphore(%run_scoped3A : memref<!tpu.dma_semaphore, #tpu.memory_space<semaphore_mem>>) src(%arg9 : memref<128x128xf32, #tpu.memory_space<vmem>>) dst(%dma_wait3A_71 : memref<128x128xf32, #tpu.memory_space<vmem_shared>>)
      tpu.yield
    }) : () -> ()
    %mul3A_9 = arith.constant 640 : i32
    %mul3A_10 = arith.muli %arg1, %mul3A_9 : i32
    %add3A_11 = arith.constant 256 : i32
    %add3A_12 = arith.addi %mul3A_10, %add3A_11 : i32
    "tpu.region"() ({
      %run_scoped3A = tpu.sem_alloc : memref<!tpu.dma_semaphore, #tpu.memory_space<semaphore_mem>>
      %dma_start3A_65 = arith.constant 0 : i32
      %dma_start3A_66 = tpu.memref_slice %arg11[%add3A_12, %dma_start3A_65] : memref<10240x128xf32, #tpu.memory_space<vmem_shared>> -> memref<128x128xf32, #tpu.memory_space<vmem_shared>>
      %dma_start3A_67 = arith.constant 0 : i32
      %dma_start3A_68 = tpu.memref_slice %arg11[%add3A_12, %dma_start3A_67] : memref<10240x128xf32, #tpu.memory_space<vmem_shared>> -> memref<128x128xf32, #tpu.memory_space<vmem_shared>>
      tpu.enqueue_dma source(%arg9 : memref<128x128xf32, #tpu.memory_space<vmem>>) target(%dma_start3A_68 : memref<128x128xf32, #tpu.memory_space<vmem_shared>>) target_semaphore(%run_scoped3A : memref<!tpu.dma_semaphore, #tpu.memory_space<semaphore_mem>>)
      %dma_wait3A = arith.constant 0 : i32
      %dma_wait3A_69 = tpu.memref_slice %arg11[%add3A_12, %dma_wait3A] : memref<10240x128xf32, #tpu.memory_space<vmem_shared>> -> memref<128x128xf32, #tpu.memory_space<vmem_shared>>
      %dma_wait3A_70 = arith.constant 0 : i32
      %dma_wait3A_71 = tpu.memref_slice %arg11[%add3A_12, %dma_wait3A_70] : memref<10240x128xf32, #tpu.memory_space<vmem_shared>> -> memref<128x128xf32, #tpu.memory_space<vmem_shared>>
      tpu.wait_dma2 semaphore(%run_scoped3A : memref<!tpu.dma_semaphore, #tpu.memory_space<semaphore_mem>>) src(%arg9 : memref<128x128xf32, #tpu.memory_space<vmem>>) dst(%dma_wait3A_71 : memref<128x128xf32, #tpu.memory_space<vmem_shared>>)
      tpu.yield
    }) : () -> ()
    %mul3A_13 = arith.constant 640 : i32
    %mul3A_14 = arith.muli %arg1, %mul3A_13 : i32
    %add3A_15 = arith.constant 384 : i32
    %add3A_16 = arith.addi %mul3A_14, %add3A_15 : i32
    "tpu.region"() ({
      %run_scoped3A = tpu.sem_alloc : memref<!tpu.dma_semaphore, #tpu.memory_space<semaphore_mem>>
      %dma_start3A_65 = arith.constant 0 : i32
      %dma_start3A_66 = tpu.memref_slice %arg11[%add3A_16, %dma_start3A_65] : memref<10240x128xf32, #tpu.memory_space<vmem_shared>> -> memref<128x128xf32, #tpu.memory_space<vmem_shared>>
      %dma_start3A_67 = arith.constant 0 : i32
      %dma_start3A_68 = tpu.memref_slice %arg11[%add3A_16, %dma_start3A_67] : memref<10240x128xf32, #tpu.memory_space<vmem_shared>> -> memref<128x128xf32, #tpu.memory_space<vmem_shared>>
      tpu.enqueue_dma source(%arg9 : memref<128x128xf32, #tpu.memory_space<vmem>>) target(%dma_start3A_68 : memref<128x128xf32, #tpu.memory_space<vmem_shared>>) target_semaphore(%run_scoped3A : memref<!tpu.dma_semaphore, #tpu.memory_space<semaphore_mem>>)
      %dma_wait3A = arith.constant 0 : i32
      %dma_wait3A_69 = tpu.memref_slice %arg11[%add3A_16, %dma_wait3A] : memref<10240x128xf32, #tpu.memory_space<vmem_shared>> -> memref<128x128xf32, #tpu.memory_space<vmem_shared>>
      %dma_wait3A_70 = arith.constant 0 : i32
      %dma_wait3A_71 = tpu.memref_slice %arg11[%add3A_16, %dma_wait3A_70] : memref<10240x128xf32, #tpu.memory_space<vmem_shared>> -> memref<128x128xf32, #tpu.memory_space<vmem_shared>>
      tpu.wait_dma2 semaphore(%run_scoped3A : memref<!tpu.dma_semaphore, #tpu.memory_space<semaphore_mem>>) src(%arg9 : memref<128x128xf32, #tpu.memory_space<vmem>>) dst(%dma_wait3A_71 : memref<128x128xf32, #tpu.memory_space<vmem_shared>>)
      tpu.yield
    }) : () -> ()
    %mul3A_17 = arith.constant 640 : i32
    %mul3A_18 = arith.muli %arg1, %mul3A_17 : i32
    %add3A_19 = arith.constant 512 : i32
    %add3A_20 = arith.addi %mul3A_18, %add3A_19 : i32
    "tpu.region"() ({
      %run_scoped3A = tpu.sem_alloc : memref<!tpu.dma_semaphore, #tpu.memory_space<semaphore_mem>>
      %dma_start3A_65 = arith.constant 0 : i32
      %dma_start3A_66 = tpu.memref_slice %arg11[%add3A_20, %dma_start3A_65] : memref<10240x128xf32, #tpu.memory_space<vmem_shared>> -> memref<128x128xf32, #tpu.memory_space<vmem_shared>>
      %dma_start3A_67 = arith.constant 0 : i32
      %dma_start3A_68 = tpu.memref_slice %arg11[%add3A_20, %dma_start3A_67] : memref<10240x128xf32, #tpu.memory_space<vmem_shared>> -> memref<128x128xf32, #tpu.memory_space<vmem_shared>>
      tpu.enqueue_dma source(%arg9 : memref<128x128xf32, #tpu.memory_space<vmem>>) target(%dma_start3A_68 : memref<128x128xf32, #tpu.memory_space<vmem_shared>>) target_semaphore(%run_scoped3A : memref<!tpu.dma_semaphore, #tpu.memory_space<semaphore_mem>>)
      %dma_wait3A = arith.constant 0 : i32
      %dma_wait3A_69 = tpu.memref_slice %arg11[%add3A_20, %dma_wait3A] : memref<10240x128xf32, #tpu.memory_space<vmem_shared>> -> memref<128x128xf32, #tpu.memory_space<vmem_shared>>
      %dma_wait3A_70 = arith.constant 0 : i32
      %dma_wait3A_71 = tpu.memref_slice %arg11[%add3A_20, %dma_wait3A_70] : memref<10240x128xf32, #tpu.memory_space<vmem_shared>> -> memref<128x128xf32, #tpu.memory_space<vmem_shared>>
      tpu.wait_dma2 semaphore(%run_scoped3A : memref<!tpu.dma_semaphore, #tpu.memory_space<semaphore_mem>>) src(%arg9 : memref<128x128xf32, #tpu.memory_space<vmem>>) dst(%dma_wait3A_71 : memref<128x128xf32, #tpu.memory_space<vmem_shared>>)
      tpu.yield
    }) : () -> ()
    %scan3A_21 = arith.constant 0 : i32
    %scan3A_22 = arith.constant 0 : i32
    %scan3A_23 = arith.constant 640 : i32
    %scan3A_24 = arith.addi %scan3A_22, %scan3A_23 : i32
    %scan3A_25 = arith.constant 1 : i32
    scf.for %scan3A_65 = %scan3A_22 to %scan3A_24 step %scan3A_25  : i32 {
      %mul3A_66 = arith.constant 16 : i32
      %mul3A_67 = arith.muli %scan3A_65, %mul3A_66 : i32
      %get3A = arith.index_cast %mul3A_67 : i32 to index
      %get3A_68 = tpu.vector_load %arg7[%get3A] {strides = array<i32>} : memref<10240xi32, #tpu.memory_space<vmem>>, vector<16xi32>,
      %get3A_69 = vector.shape_cast %get3A_68 : vector<16xi32> to vector<16xi32>
      %eq3A = arith.constant 0 : i32
      %eq3A_70 = arith.cmpi eq, %scan3A_1, %eq3A : i32
      %mul3A_71 = arith.constant 2 : i32
      %mul3A_72 = vector.broadcast %mul3A_71 : i32 to vector<16xi32>
      %mul3A_73 = arith.muli %get3A_69, %mul3A_72 : vector<16xi32>
      %mul3A_74 = arith.constant 1 : i32
      %mul3A_75 = arith.muli %arg0, %mul3A_74 : i32
      %add3A_76 = vector.broadcast %mul3A_75 : i32 to vector<16xi32>
      %add3A_77 = arith.addi %mul3A_73, %add3A_76 : vector<16xi32>
      %add3A_78 = arith.constant 1 : i32
      %add3A_79 = vector.broadcast %add3A_78 : i32 to vector<16xi32>
      %add3A_80 = arith.addi %get3A_69, %add3A_79 : vector<16xi32>
      %select_n3A = arith.select %eq3A_70, %add3A_77, %add3A_80 : vector<16xi32>
      %mul3A_81 = arith.constant 16 : i32
      %mul3A_82 = arith.muli %scan3A_65, %mul3A_81 : i32
      %swap3A = arith.index_cast %mul3A_82 : i32 to index
      %swap3A_83 = tpu.vector_load %arg7[%swap3A] {strides = array<i32>} : memref<10240xi32, #tpu.memory_space<vmem>>, vector<16xi32>,
      %swap3A_84 = vector.shape_cast %swap3A_83 : vector<16xi32> to vector<16xi32>
      %swap3A_85 = vector.shape_cast %select_n3A : vector<16xi32> to vector<16xi32>
      tpu.vector_store %arg7[%swap3A], %swap3A_85 {strides = array<i32>} : memref<10240xi32, #tpu.memory_space<vmem>>, vector<16xi32>,
    }
    %scan3A_26 = arith.constant 640 : i32
    %barrier3A = arith.constant 0 : index
    tpu.barrier barrier_id(%barrier3A)
    %mul3A_27 = arith.constant 80 : i32
    %mul3A_28 = arith.muli %arg1, %mul3A_27 : i32
    %add3A_29 = arith.constant 0 : i32
    %add3A_30 = arith.addi %mul3A_28, %add3A_29 : i32
    "tpu.region"() ({
      %run_scoped3A = tpu.sem_alloc : memref<!tpu.dma_semaphore, #tpu.memory_space<semaphore_mem>>
      %dma_start3A_65 = arith.constant 0 : i32
      %dma_start3A_66 = tpu.memref_slice %arg4[%add3A_30, %dma_start3A_65] : memref<1280x128xi32, #tpu.memory_space<hbm>> -> memref<40x128xi32, #tpu.memory_space<hbm>>
      %dma_start3A_67 = arith.constant 0 : i32
      %dma_start3A_68 = tpu.memref_slice %arg4[%add3A_30, %dma_start3A_67] : memref<1280x128xi32, #tpu.memory_space<hbm>> -> memref<40x128xi32, #tpu.memory_space<hbm>>
      tpu.enqueue_dma source(%dma_start3A_68 : memref<40x128xi32, #tpu.memory_space<hbm>>) target(%arg8 : memref<40x128xi32, #tpu.memory_space<vmem>>) target_semaphore(%run_scoped3A : memref<!tpu.dma_semaphore, #tpu.memory_space<semaphore_mem>>)
      %dma_wait3A = arith.constant 0 : i32
      %dma_wait3A_69 = tpu.memref_slice %arg4[%add3A_30, %dma_wait3A] : memref<1280x128xi32, #tpu.memory_space<hbm>> -> memref<40x128xi32, #tpu.memory_space<hbm>>
      %dma_wait3A_70 = arith.constant 0 : i32
      %dma_wait3A_71 = tpu.memref_slice %arg4[%add3A_30, %dma_wait3A_70] : memref<1280x128xi32, #tpu.memory_space<hbm>> -> memref<40x128xi32, #tpu.memory_space<hbm>>
      tpu.wait_dma2 semaphore(%run_scoped3A : memref<!tpu.dma_semaphore, #tpu.memory_space<semaphore_mem>>) src(%dma_wait3A_71 : memref<40x128xi32, #tpu.memory_space<hbm>>) dst(%arg8 : memref<40x128xi32, #tpu.memory_space<vmem>>)
      tpu.yield
    }) : () -> ()
    %dma_start3A = arith.constant 0 : i32
    %dma_start3A_31 = tpu.memref_slice %arg7[%dma_start3A] : memref<10240xi32, #tpu.memory_space<vmem>> -> memref<128xi32, #tpu.memory_space<vmem>>
    %dma_start3A_32 = arith.constant 0 : i32
    %dma_start3A_33 = arith.constant 0 : i32
    %dma_start3A_34 = tpu.memref_slice %arg2[%dma_start3A_32, %dma_start3A_33] : memref<20000x128xf32, #tpu.memory_space<hbm>> -> memref<20000x128xf32, #tpu.memory_space<hbm>>
    tpu.enqueue_indirect_dma source(%dma_start3A_34 : memref<20000x128xf32, #tpu.memory_space<hbm>>) target(%arg9 : memref<128x128xf32, #tpu.memory_space<vmem>>) offsets(%dma_start3A_31 : memref<128xi32, #tpu.memory_space<vmem>>) semaphore(%arg12 : memref<!tpu.dma_semaphore, #tpu.memory_space<semaphore_mem>>)
    %scan3A_35 = arith.constant 0 : i32
    %scan3A_36 = arith.constant 0 : i32
    %scan3A_37 = arith.constant 20 : i32
    %scan3A_38 = arith.addi %scan3A_36, %scan3A_37 : i32
    %scan3A_39 = arith.constant 1 : i32
    scf.for %scan3A_65 = %scan3A_36 to %scan3A_38 step %scan3A_39  : i32 {
      %mul3A_66 = arith.constant 2 : i32
      %mul3A_67 = arith.muli %mul3A_66, %scan3A_65 : i32
      %add3A_68 = arith.constant 0 : i32
      %add3A_69 = arith.addi %add3A_68, %mul3A_67 : i32
      %add3A_70 = arith.constant 1 : i32
      %add3A_71 = arith.addi %add3A_69, %add3A_70 : i32
      %mul3A_72 = arith.constant 128 : i32
      %mul3A_73 = arith.muli %add3A_71, %mul3A_72 : i32
      %dma_start3A_74 = tpu.memref_slice %arg7[%mul3A_73] : memref<10240xi32, #tpu.memory_space<vmem>> -> memref<128xi32, #tpu.memory_space<vmem>>
      %dma_start3A_75 = arith.constant 0 : i32
      %dma_start3A_76 = arith.constant 0 : i32
      %dma_start3A_77 = tpu.memref_slice %arg2[%dma_start3A_75, %dma_start3A_76] : memref<20000x128xf32, #tpu.memory_space<hbm>> -> memref<20000x128xf32, #tpu.memory_space<hbm>>
      tpu.enqueue_indirect_dma source(%dma_start3A_77 : memref<20000x128xf32, #tpu.memory_space<hbm>>) target(%arg10 : memref<128x128xf32, #tpu.memory_space<vmem>>) offsets(%dma_start3A_74 : memref<128xi32, #tpu.memory_space<vmem>>) semaphore(%arg13 : memref<!tpu.dma_semaphore, #tpu.memory_space<semaphore_mem>>)
      %mul3A_78 = arith.constant 128 : i32
      %mul3A_79 = arith.muli %add3A_69, %mul3A_78 : i32
      %dma_wait3A = tpu.memref_slice %arg7[%mul3A_79] : memref<10240xi32, #tpu.memory_space<vmem>> -> memref<128xi32, #tpu.memory_space<vmem>>
      %dma_wait3A_80 = arith.constant 0 : i32
      %dma_wait3A_81 = arith.constant 0 : i32
      %dma_wait3A_82 = tpu.memref_slice %arg2[%dma_wait3A_80, %dma_wait3A_81] : memref<20000x128xf32, #tpu.memory_space<hbm>> -> memref<20000x128xf32, #tpu.memory_space<hbm>>
      tpu.wait_indirect_dma semaphore(%arg12 : memref<!tpu.dma_semaphore, #tpu.memory_space<semaphore_mem>>) src(%dma_wait3A_82 : memref<20000x128xf32, #tpu.memory_space<hbm>>) dst(%arg9 : memref<128x128xf32, #tpu.memory_space<vmem>>)
      %mul3A_83 = arith.constant 2 : i32
      %mul3A_84 = arith.muli %mul3A_83, %scan3A_65 : i32
      "tpu.region"() ({
        %run_scoped3A = tpu.sem_alloc : memref<!tpu.dma_semaphore, #tpu.memory_space<semaphore_mem>>
        %dma_start3A_101 = arith.constant 0 : i32
        %dma_start3A_102 = tpu.memref_slice %arg8[%mul3A_84, %dma_start3A_101] : memref<40x128xi32, #tpu.memory_space<vmem>> -> memref<1x128xi32, #tpu.memory_space<vmem>>
        %dma_start3A_103 = tpu.memref_squeeze %dma_start3A_102 : memref<1x128xi32, #tpu.memory_space<vmem>> -> memref<128xi32, #tpu.memory_space<vmem>>
        %dma_start3A_104 = arith.constant 0 : i32
        %dma_start3A_105 = arith.constant 0 : i32
        %dma_start3A_106 = tpu.memref_slice %arg11[%dma_start3A_104, %dma_start3A_105] : memref<10240x128xf32, #tpu.memory_space<vmem_shared>> -> memref<10240x128xf32, #tpu.memory_space<vmem_shared>>
        tpu.enqueue_indirect_dma source(%arg9 : memref<128x128xf32, #tpu.memory_space<vmem>>) target(%dma_start3A_106 : memref<10240x128xf32, #tpu.memory_space<vmem_shared>>) offsets(%dma_start3A_103 : memref<128xi32, #tpu.memory_space<vmem>>) semaphore(%run_scoped3A : memref<!tpu.dma_semaphore, #tpu.memory_space<semaphore_mem>>) {add = true}
        %dma_wait3A_107 = arith.constant 0 : i32
        %dma_wait3A_108 = tpu.memref_slice %arg8[%mul3A_84, %dma_wait3A_107] : memref<40x128xi32, #tpu.memory_space<vmem>> -> memref<1x128xi32, #tpu.memory_space<vmem>>
        %dma_wait3A_109 = tpu.memref_squeeze %dma_wait3A_108 : memref<1x128xi32, #tpu.memory_space<vmem>> -> memref<128xi32, #tpu.memory_space<vmem>>
        %dma_wait3A_110 = arith.constant 0 : i32
        %dma_wait3A_111 = arith.constant 0 : i32
        %dma_wait3A_112 = tpu.memref_slice %arg11[%dma_wait3A_110, %dma_wait3A_111] : memref<10240x128xf32, #tpu.memory_space<vmem_shared>> -> memref<10240x128xf32, #tpu.memory_space<vmem_shared>>
        tpu.wait_indirect_dma semaphore(%run_scoped3A : memref<!tpu.dma_semaphore, #tpu.memory_space<semaphore_mem>>) src(%arg9 : memref<128x128xf32, #tpu.memory_space<vmem>>) dst(%dma_wait3A_112 : memref<10240x128xf32, #tpu.memory_space<vmem_shared>>)
        tpu.yield
      }) : () -> ()
      %add3A_85 = arith.constant 1 : i32
      %add3A_86 = arith.addi %scan3A_65, %add3A_85 : i32
      %lt3A = arith.constant 20 : i32
      %lt3A_87 = arith.cmpi slt, %add3A_86, %lt3A : i32
      %convert_element_type3A = arith.extui %lt3A_87 : i1 to i32
      %cond3A = arith.constant 0 : i32
      %cond3A_88 = arith.cmpi ne, %convert_element_type3A, %cond3A : i32
      scf.if %cond3A_88 {
        %add3A_101 = arith.constant 2 : i32
        %add3A_102 = arith.addi %add3A_69, %add3A_101 : i32
        %mul3A_103 = arith.constant 128 : i32
        %mul3A_104 = arith.muli %add3A_102, %mul3A_103 : i32
        %dma_start3A_105 = tpu.memref_slice %arg7[%mul3A_104] : memref<10240xi32, #tpu.memory_space<vmem>> -> memref<128xi32, #tpu.memory_space<vmem>>
        %dma_start3A_106 = arith.constant 0 : i32
        %dma_start3A_107 = arith.constant 0 : i32
        %dma_start3A_108 = tpu.memref_slice %arg2[%dma_start3A_106, %dma_start3A_107] : memref<20000x128xf32, #tpu.memory_space<hbm>> -> memref<20000x128xf32, #tpu.memory_space<hbm>>
        tpu.enqueue_indirect_dma source(%dma_start3A_108 : memref<20000x128xf32, #tpu.memory_space<hbm>>) target(%arg9 : memref<128x128xf32, #tpu.memory_space<vmem>>) offsets(%dma_start3A_105 : memref<128xi32, #tpu.memory_space<vmem>>) semaphore(%arg12 : memref<!tpu.dma_semaphore, #tpu.memory_space<semaphore_mem>>)
      } else {
      }
      %add3A_89 = arith.constant 1 : i32
      %add3A_90 = arith.addi %add3A_69, %add3A_89 : i32
      %mul3A_91 = arith.constant 128 : i32
      %mul3A_92 = arith.muli %add3A_90, %mul3A_91 : i32
      %dma_wait3A_93 = tpu.memref_slice %arg7[%mul3A_92] : memref<10240xi32, #tpu.memory_space<vmem>> -> memref<128xi32, #tpu.memory_space<vmem>>
      %dma_wait3A_94 = arith.constant 0 : i32
      %dma_wait3A_95 = arith.constant 0 : i32
      %dma_wait3A_96 = tpu.memref_slice %arg2[%dma_wait3A_94, %dma_wait3A_95] : memref<20000x128xf32, #tpu.memory_space<hbm>> -> memref<20000x128xf32, #tpu.memory_space<hbm>>
      tpu.wait_indirect_dma semaphore(%arg13 : memref<!tpu.dma_semaphore, #tpu.memory_space<semaphore_mem>>) src(%dma_wait3A_96 : memref<20000x128xf32, #tpu.memory_space<hbm>>) dst(%arg10 : memref<128x128xf32, #tpu.memory_space<vmem>>)
      %mul3A_97 = arith.constant 2 : i32
      %mul3A_98 = arith.muli %mul3A_97, %scan3A_65 : i32
      %add3A_99 = arith.constant 1 : i32
      %add3A_100 = arith.addi %mul3A_98, %add3A_99 : i32
      "tpu.region"() ({
        %run_scoped3A = tpu.sem_alloc : memref<!tpu.dma_semaphore, #tpu.memory_space<semaphore_mem>>
        %dma_start3A_101 = arith.constant 0 : i32
        %dma_start3A_102 = tpu.memref_slice %arg8[%add3A_100, %dma_start3A_101] : memref<40x128xi32, #tpu.memory_space<vmem>> -> memref<1x128xi32, #tpu.memory_space<vmem>>
        %dma_start3A_103 = tpu.memref_squeeze %dma_start3A_102 : memref<1x128xi32, #tpu.memory_space<vmem>> -> memref<128xi32, #tpu.memory_space<vmem>>
        %dma_start3A_104 = arith.constant 0 : i32
        %dma_start3A_105 = arith.constant 0 : i32
        %dma_start3A_106 = tpu.memref_slice %arg11[%dma_start3A_104, %dma_start3A_105] : memref<10240x128xf32, #tpu.memory_space<vmem_shared>> -> memref<10240x128xf32, #tpu.memory_space<vmem_shared>>
        tpu.enqueue_indirect_dma source(%arg10 : memref<128x128xf32, #tpu.memory_space<vmem>>) target(%dma_start3A_106 : memref<10240x128xf32, #tpu.memory_space<vmem_shared>>) offsets(%dma_start3A_103 : memref<128xi32, #tpu.memory_space<vmem>>) semaphore(%run_scoped3A : memref<!tpu.dma_semaphore, #tpu.memory_space<semaphore_mem>>) {add = true}
        %dma_wait3A_107 = arith.constant 0 : i32
        %dma_wait3A_108 = tpu.memref_slice %arg8[%add3A_100, %dma_wait3A_107] : memref<40x128xi32, #tpu.memory_space<vmem>> -> memref<1x128xi32, #tpu.memory_space<vmem>>
        %dma_wait3A_109 = tpu.memref_squeeze %dma_wait3A_108 : memref<1x128xi32, #tpu.memory_space<vmem>> -> memref<128xi32, #tpu.memory_space<vmem>>
        %dma_wait3A_110 = arith.constant 0 : i32
        %dma_wait3A_111 = arith.constant 0 : i32
        %dma_wait3A_112 = tpu.memref_slice %arg11[%dma_wait3A_110, %dma_wait3A_111] : memref<10240x128xf32, #tpu.memory_space<vmem_shared>> -> memref<10240x128xf32, #tpu.memory_space<vmem_shared>>
        tpu.wait_indirect_dma semaphore(%run_scoped3A : memref<!tpu.dma_semaphore, #tpu.memory_space<semaphore_mem>>) src(%arg10 : memref<128x128xf32, #tpu.memory_space<vmem>>) dst(%dma_wait3A_112 : memref<10240x128xf32, #tpu.memory_space<vmem_shared>>)
        tpu.yield
      }) : () -> ()
    }
    %scan3A_40 = arith.constant 20 : i32
    %mul3A_41 = arith.constant 80 : i32
    %mul3A_42 = arith.muli %arg1, %mul3A_41 : i32
    %add3A_43 = arith.constant 40 : i32
    %add3A_44 = arith.addi %mul3A_42, %add3A_43 : i32
    "tpu.region"() ({
      %run_scoped3A = tpu.sem_alloc : memref<!tpu.dma_semaphore, #tpu.memory_space<semaphore_mem>>
      %dma_start3A_65 = arith.constant 0 : i32
      %dma_start3A_66 = tpu.memref_slice %arg4[%add3A_44, %dma_start3A_65] : memref<1280x128xi32, #tpu.memory_space<hbm>> -> memref<40x128xi32, #tpu.memory_space<hbm>>
      %dma_start3A_67 = arith.constant 0 : i32
      %dma_start3A_68 = tpu.memref_slice %arg4[%add3A_44, %dma_start3A_67] : memref<1280x128xi32, #tpu.memory_space<hbm>> -> memref<40x128xi32, #tpu.memory_space<hbm>>
      tpu.enqueue_dma source(%dma_start3A_68 : memref<40x128xi32, #tpu.memory_space<hbm>>) target(%arg8 : memref<40x128xi32, #tpu.memory_space<vmem>>) target_semaphore(%run_scoped3A : memref<!tpu.dma_semaphore, #tpu.memory_space<semaphore_mem>>)
      %dma_wait3A = arith.constant 0 : i32
      %dma_wait3A_69 = tpu.memref_slice %arg4[%add3A_44, %dma_wait3A] : memref<1280x128xi32, #tpu.memory_space<hbm>> -> memref<40x128xi32, #tpu.memory_space<hbm>>
      %dma_wait3A_70 = arith.constant 0 : i32
      %dma_wait3A_71 = tpu.memref_slice %arg4[%add3A_44, %dma_wait3A_70] : memref<1280x128xi32, #tpu.memory_space<hbm>> -> memref<40x128xi32, #tpu.memory_space<hbm>>
      tpu.wait_dma2 semaphore(%run_scoped3A : memref<!tpu.dma_semaphore, #tpu.memory_space<semaphore_mem>>) src(%dma_wait3A_71 : memref<40x128xi32, #tpu.memory_space<hbm>>) dst(%arg8 : memref<40x128xi32, #tpu.memory_space<vmem>>)
      tpu.yield
    }) : () -> ()
    %dma_start3A_45 = arith.constant 5120 : i32
    %dma_start3A_46 = tpu.memref_slice %arg7[%dma_start3A_45] : memref<10240xi32, #tpu.memory_space<vmem>> -> memref<128xi32, #tpu.memory_space<vmem>>
    %dma_start3A_47 = arith.constant 0 : i32
    %dma_start3A_48 = arith.constant 0 : i32
    %dma_start3A_49 = tpu.memref_slice %arg2[%dma_start3A_47, %dma_start3A_48] : memref<20000x128xf32, #tpu.memory_space<hbm>> -> memref<20000x128xf32, #tpu.memory_space<hbm>>
    tpu.enqueue_indirect_dma source(%dma_start3A_49 : memref<20000x128xf32, #tpu.memory_space<hbm>>) target(%arg9 : memref<128x128xf32, #tpu.memory_space<vmem>>) offsets(%dma_start3A_46 : memref<128xi32, #tpu.memory_space<vmem>>) semaphore(%arg12 : memref<!tpu.dma_semaphore, #tpu.memory_space<semaphore_mem>>)
    %scan3A_50 = arith.constant 0 : i32
    %scan3A_51 = arith.constant 0 : i32
    %scan3A_52 = arith.constant 20 : i32
    %scan3A_53 = arith.addi %scan3A_51, %scan3A_52 : i32
    %scan3A_54 = arith.constant 1 : i32
    scf.for %scan3A_65 = %scan3A_51 to %scan3A_53 step %scan3A_54  : i32 {
      %mul3A_66 = arith.constant 2 : i32
      %mul3A_67 = arith.muli %mul3A_66, %scan3A_65 : i32
      %add3A_68 = arith.constant 40 : i32
      %add3A_69 = arith.addi %add3A_68, %mul3A_67 : i32
      %add3A_70 = arith.constant 1 : i32
      %add3A_71 = arith.addi %add3A_69, %add3A_70 : i32
      %mul3A_72 = arith.constant 128 : i32
      %mul3A_73 = arith.muli %add3A_71, %mul3A_72 : i32
      %dma_start3A_74 = tpu.memref_slice %arg7[%mul3A_73] : memref<10240xi32, #tpu.memory_space<vmem>> -> memref<128xi32, #tpu.memory_space<vmem>>
      %dma_start3A_75 = arith.constant 0 : i32
      %dma_start3A_76 = arith.constant 0 : i32
      %dma_start3A_77 = tpu.memref_slice %arg2[%dma_start3A_75, %dma_start3A_76] : memref<20000x128xf32, #tpu.memory_space<hbm>> -> memref<20000x128xf32, #tpu.memory_space<hbm>>
      tpu.enqueue_indirect_dma source(%dma_start3A_77 : memref<20000x128xf32, #tpu.memory_space<hbm>>) target(%arg10 : memref<128x128xf32, #tpu.memory_space<vmem>>) offsets(%dma_start3A_74 : memref<128xi32, #tpu.memory_space<vmem>>) semaphore(%arg13 : memref<!tpu.dma_semaphore, #tpu.memory_space<semaphore_mem>>)
      %mul3A_78 = arith.constant 128 : i32
      %mul3A_79 = arith.muli %add3A_69, %mul3A_78 : i32
      %dma_wait3A = tpu.memref_slice %arg7[%mul3A_79] : memref<10240xi32, #tpu.memory_space<vmem>> -> memref<128xi32, #tpu.memory_space<vmem>>
      %dma_wait3A_80 = arith.constant 0 : i32
      %dma_wait3A_81 = arith.constant 0 : i32
      %dma_wait3A_82 = tpu.memref_slice %arg2[%dma_wait3A_80, %dma_wait3A_81] : memref<20000x128xf32, #tpu.memory_space<hbm>> -> memref<20000x128xf32, #tpu.memory_space<hbm>>
      tpu.wait_indirect_dma semaphore(%arg12 : memref<!tpu.dma_semaphore, #tpu.memory_space<semaphore_mem>>) src(%dma_wait3A_82 : memref<20000x128xf32, #tpu.memory_space<hbm>>) dst(%arg9 : memref<128x128xf32, #tpu.memory_space<vmem>>)
      %mul3A_83 = arith.constant 2 : i32
      %mul3A_84 = arith.muli %mul3A_83, %scan3A_65 : i32
      "tpu.region"() ({
        %run_scoped3A = tpu.sem_alloc : memref<!tpu.dma_semaphore, #tpu.memory_space<semaphore_mem>>
        %dma_start3A_101 = arith.constant 0 : i32
        %dma_start3A_102 = tpu.memref_slice %arg8[%mul3A_84, %dma_start3A_101] : memref<40x128xi32, #tpu.memory_space<vmem>> -> memref<1x128xi32, #tpu.memory_space<vmem>>
        %dma_start3A_103 = tpu.memref_squeeze %dma_start3A_102 : memref<1x128xi32, #tpu.memory_space<vmem>> -> memref<128xi32, #tpu.memory_space<vmem>>
        %dma_start3A_104 = arith.constant 0 : i32
        %dma_start3A_105 = arith.constant 0 : i32
        %dma_start3A_106 = tpu.memref_slice %arg11[%dma_start3A_104, %dma_start3A_105] : memref<10240x128xf32, #tpu.memory_space<vmem_shared>> -> memref<10240x128xf32, #tpu.memory_space<vmem_shared>>
        tpu.enqueue_indirect_dma source(%arg9 : memref<128x128xf32, #tpu.memory_space<vmem>>) target(%dma_start3A_106 : memref<10240x128xf32, #tpu.memory_space<vmem_shared>>) offsets(%dma_start3A_103 : memref<128xi32, #tpu.memory_space<vmem>>) semaphore(%run_scoped3A : memref<!tpu.dma_semaphore, #tpu.memory_space<semaphore_mem>>) {add = true}
        %dma_wait3A_107 = arith.constant 0 : i32
        %dma_wait3A_108 = tpu.memref_slice %arg8[%mul3A_84, %dma_wait3A_107] : memref<40x128xi32, #tpu.memory_space<vmem>> -> memref<1x128xi32, #tpu.memory_space<vmem>>
        %dma_wait3A_109 = tpu.memref_squeeze %dma_wait3A_108 : memref<1x128xi32, #tpu.memory_space<vmem>> -> memref<128xi32, #tpu.memory_space<vmem>>
        %dma_wait3A_110 = arith.constant 0 : i32
        %dma_wait3A_111 = arith.constant 0 : i32
        %dma_wait3A_112 = tpu.memref_slice %arg11[%dma_wait3A_110, %dma_wait3A_111] : memref<10240x128xf32, #tpu.memory_space<vmem_shared>> -> memref<10240x128xf32, #tpu.memory_space<vmem_shared>>
        tpu.wait_indirect_dma semaphore(%run_scoped3A : memref<!tpu.dma_semaphore, #tpu.memory_space<semaphore_mem>>) src(%arg9 : memref<128x128xf32, #tpu.memory_space<vmem>>) dst(%dma_wait3A_112 : memref<10240x128xf32, #tpu.memory_space<vmem_shared>>)
        tpu.yield
      }) : () -> ()
      %add3A_85 = arith.constant 1 : i32
      %add3A_86 = arith.addi %scan3A_65, %add3A_85 : i32
      %lt3A = arith.constant 20 : i32
      %lt3A_87 = arith.cmpi slt, %add3A_86, %lt3A : i32
      %convert_element_type3A = arith.extui %lt3A_87 : i1 to i32
      %cond3A = arith.constant 0 : i32
      %cond3A_88 = arith.cmpi ne, %convert_element_type3A, %cond3A : i32
      scf.if %cond3A_88 {
        %add3A_101 = arith.constant 2 : i32
        %add3A_102 = arith.addi %add3A_69, %add3A_101 : i32
        %mul3A_103 = arith.constant 128 : i32
        %mul3A_104 = arith.muli %add3A_102, %mul3A_103 : i32
        %dma_start3A_105 = tpu.memref_slice %arg7[%mul3A_104] : memref<10240xi32, #tpu.memory_space<vmem>> -> memref<128xi32, #tpu.memory_space<vmem>>
        %dma_start3A_106 = arith.constant 0 : i32
        %dma_start3A_107 = arith.constant 0 : i32
        %dma_start3A_108 = tpu.memref_slice %arg2[%dma_start3A_106, %dma_start3A_107] : memref<20000x128xf32, #tpu.memory_space<hbm>> -> memref<20000x128xf32, #tpu.memory_space<hbm>>
        tpu.enqueue_indirect_dma source(%dma_start3A_108 : memref<20000x128xf32, #tpu.memory_space<hbm>>) target(%arg9 : memref<128x128xf32, #tpu.memory_space<vmem>>) offsets(%dma_start3A_105 : memref<128xi32, #tpu.memory_space<vmem>>) semaphore(%arg12 : memref<!tpu.dma_semaphore, #tpu.memory_space<semaphore_mem>>)
      } else {
      }
      %add3A_89 = arith.constant 1 : i32
      %add3A_90 = arith.addi %add3A_69, %add3A_89 : i32
      %mul3A_91 = arith.constant 128 : i32
      %mul3A_92 = arith.muli %add3A_90, %mul3A_91 : i32
      %dma_wait3A_93 = tpu.memref_slice %arg7[%mul3A_92] : memref<10240xi32, #tpu.memory_space<vmem>> -> memref<128xi32, #tpu.memory_space<vmem>>
      %dma_wait3A_94 = arith.constant 0 : i32
      %dma_wait3A_95 = arith.constant 0 : i32
      %dma_wait3A_96 = tpu.memref_slice %arg2[%dma_wait3A_94, %dma_wait3A_95] : memref<20000x128xf32, #tpu.memory_space<hbm>> -> memref<20000x128xf32, #tpu.memory_space<hbm>>
      tpu.wait_indirect_dma semaphore(%arg13 : memref<!tpu.dma_semaphore, #tpu.memory_space<semaphore_mem>>) src(%dma_wait3A_96 : memref<20000x128xf32, #tpu.memory_space<hbm>>) dst(%arg10 : memref<128x128xf32, #tpu.memory_space<vmem>>)
      %mul3A_97 = arith.constant 2 : i32
      %mul3A_98 = arith.muli %mul3A_97, %scan3A_65 : i32
      %add3A_99 = arith.constant 1 : i32
      %add3A_100 = arith.addi %mul3A_98, %add3A_99 : i32
      "tpu.region"() ({
        %run_scoped3A = tpu.sem_alloc : memref<!tpu.dma_semaphore, #tpu.memory_space<semaphore_mem>>
        %dma_start3A_101 = arith.constant 0 : i32
        %dma_start3A_102 = tpu.memref_slice %arg8[%add3A_100, %dma_start3A_101] : memref<40x128xi32, #tpu.memory_space<vmem>> -> memref<1x128xi32, #tpu.memory_space<vmem>>
        %dma_start3A_103 = tpu.memref_squeeze %dma_start3A_102 : memref<1x128xi32, #tpu.memory_space<vmem>> -> memref<128xi32, #tpu.memory_space<vmem>>
        %dma_start3A_104 = arith.constant 0 : i32
        %dma_start3A_105 = arith.constant 0 : i32
        %dma_start3A_106 = tpu.memref_slice %arg11[%dma_start3A_104, %dma_start3A_105] : memref<10240x128xf32, #tpu.memory_space<vmem_shared>> -> memref<10240x128xf32, #tpu.memory_space<vmem_shared>>
        tpu.enqueue_indirect_dma source(%arg10 : memref<128x128xf32, #tpu.memory_space<vmem>>) target(%dma_start3A_106 : memref<10240x128xf32, #tpu.memory_space<vmem_shared>>) offsets(%dma_start3A_103 : memref<128xi32, #tpu.memory_space<vmem>>) semaphore(%run_scoped3A : memref<!tpu.dma_semaphore, #tpu.memory_space<semaphore_mem>>) {add = true}
        %dma_wait3A_107 = arith.constant 0 : i32
        %dma_wait3A_108 = tpu.memref_slice %arg8[%add3A_100, %dma_wait3A_107] : memref<40x128xi32, #tpu.memory_space<vmem>> -> memref<1x128xi32, #tpu.memory_space<vmem>>
        %dma_wait3A_109 = tpu.memref_squeeze %dma_wait3A_108 : memref<1x128xi32, #tpu.memory_space<vmem>> -> memref<128xi32, #tpu.memory_space<vmem>>
        %dma_wait3A_110 = arith.constant 0 : i32
        %dma_wait3A_111 = arith.constant 0 : i32
        %dma_wait3A_112 = tpu.memref_slice %arg11[%dma_wait3A_110, %dma_wait3A_111] : memref<10240x128xf32, #tpu.memory_space<vmem_shared>> -> memref<10240x128xf32, #tpu.memory_space<vmem_shared>>
        tpu.wait_indirect_dma semaphore(%run_scoped3A : memref<!tpu.dma_semaphore, #tpu.memory_space<semaphore_mem>>) src(%arg10 : memref<128x128xf32, #tpu.memory_space<vmem>>) dst(%dma_wait3A_112 : memref<10240x128xf32, #tpu.memory_space<vmem_shared>>)
        tpu.yield
      }) : () -> ()
    }
    %scan3A_55 = arith.constant 20 : i32
    %barrier3A_56 = arith.constant 0 : index
    tpu.barrier barrier_id(%barrier3A_56)
    %mul3A_57 = arith.constant 640 : i32
    %mul3A_58 = arith.muli %arg1, %mul3A_57 : i32
    %mul3A_59 = arith.constant 1 : i32
    %mul3A_60 = arith.muli %arg0, %mul3A_59 : i32
    %add3A_61 = arith.addi %mul3A_60, %scan3A_1 : i32
    %mul3A_62 = arith.constant 640 : i32
    %mul3A_63 = arith.muli %arg1, %mul3A_62 : i32
    "tpu.region"() ({
      %run_scoped3A = tpu.sem_alloc : memref<!tpu.dma_semaphore, #tpu.memory_space<semaphore_mem>>
      %dma_start3A_65 = arith.constant 0 : i32
      %dma_start3A_66 = tpu.memref_slice %arg6[%add3A_61, %mul3A_63, %dma_start3A_65] : memref<2x10240x128xf32, #tpu.memory_space<hbm>> -> memref<1x640x128xf32, #tpu.memory_space<hbm>>
      %dma_start3A_67 = tpu.memref_squeeze %dma_start3A_66 : memref<1x640x128xf32, #tpu.memory_space<hbm>> -> memref<640x128xf32, #tpu.memory_space<hbm>>
      %dma_start3A_68 = arith.constant 0 : i32
      %dma_start3A_69 = tpu.memref_slice %arg11[%mul3A_58, %dma_start3A_68] : memref<10240x128xf32, #tpu.memory_space<vmem_shared>> -> memref<640x128xf32, #tpu.memory_space<vmem_shared>>
      tpu.enqueue_dma source(%dma_start3A_69 : memref<640x128xf32, #tpu.memory_space<vmem_shared>>) target(%dma_start3A_67 : memref<640x128xf32, #tpu.memory_space<hbm>>) target_semaphore(%run_scoped3A : memref<!tpu.dma_semaphore, #tpu.memory_space<semaphore_mem>>)
      %dma_wait3A = arith.constant 0 : i32
      %dma_wait3A_70 = tpu.memref_slice %arg6[%add3A_61, %mul3A_63, %dma_wait3A] : memref<2x10240x128xf32, #tpu.memory_space<hbm>> -> memref<1x640x128xf32, #tpu.memory_space<hbm>>
      %dma_wait3A_71 = tpu.memref_squeeze %dma_wait3A_70 : memref<1x640x128xf32, #tpu.memory_space<hbm>> -> memref<640x128xf32, #tpu.memory_space<hbm>>
      %dma_wait3A_72 = arith.constant 0 : i32
      %dma_wait3A_73 = tpu.memref_slice %arg11[%mul3A_58, %dma_wait3A_72] : memref<10240x128xf32, #tpu.memory_space<vmem_shared>> -> memref<640x128xf32, #tpu.memory_space<vmem_shared>>
      tpu.wait_dma2 semaphore(%run_scoped3A : memref<!tpu.dma_semaphore, #tpu.memory_space<semaphore_mem>>) src(%dma_wait3A_73 : memref<640x128xf32, #tpu.memory_space<vmem_shared>>) dst(%dma_wait3A_71 : memref<640x128xf32, #tpu.memory_space<hbm>>)
      tpu.yield
    }) : () -> ()
    %scan3A_64 = arith.constant 1 : i32
    return
  }
}

#map = affine_map<(d0, d1) -> (0, 0)>
#map1 = affine_map<(d0, d1) -> (0)>
#map2 = affine_map<(d0, d1) -> (0, 0, 0)>
module attributes {stable_mosaic.version = 14 : i64} {
  func.func @k(%arg0: i32, %arg1: i32, %arg2: memref<80000x128xf32, #tpu.memory_space<hbm>>, %arg3: memref<163840xi32, #tpu.memory_space<hbm>>, %arg4: memref<1280x128xi32, #tpu.memory_space<hbm>>, %arg5: memref<128x128xf32, #tpu.memory_space<hbm>>, %arg6: memref<8x10240x128xf32, #tpu.memory_space<hbm>>, %arg7: memref<10240xi32, #tpu.memory_space<vmem>>, %arg8: memref<40x128xi32, #tpu.memory_space<vmem>>, %arg9: memref<128x128xf32, #tpu.memory_space<vmem>>, %arg10: memref<128x128xf32, #tpu.memory_space<vmem>>, %arg11: memref<10240x128xf32, #tpu.memory_space<vmem_shared>>, %arg12: memref<!tpu.dma_semaphore, #tpu.memory_space<semaphore_mem>>, %arg13: memref<!tpu.dma_semaphore, #tpu.memory_space<semaphore_mem>>) attributes {dimension_semantics = [#tpu.dimension_semantics<core_parallel>, #tpu.dimension_semantics<subcore_parallel>], iteration_bounds = array<i64: 2, 16>, scalar_prefetch = 0 : i64, scratch_operands = 7 : i64, tpu.core_type = #tpu.core_type<sc_vector_subcore>, window_params = [{transform_indices = #map}, {transform_indices = #map1}, {transform_indices = #map}, {transform_indices = #map}, {transform_indices = #map2}]} {
    %mul3A = arith.constant 10240 : i32
    %mul3A_0 = arith.muli %arg1, %mul3A : i32
    "tpu.region"() ({
      %run_scoped3A = tpu.sem_alloc : memref<!tpu.dma_semaphore, #tpu.memory_space<semaphore_mem>>
      %dma_start3A = tpu.memref_slice %arg3[%mul3A_0] : memref<163840xi32, #tpu.memory_space<hbm>> -> memref<10240xi32, #tpu.memory_space<hbm>>
      %dma_start3A_6 = tpu.memref_slice %arg3[%mul3A_0] : memref<163840xi32, #tpu.memory_space<hbm>> -> memref<10240xi32, #tpu.memory_space<hbm>>
      tpu.enqueue_dma source(%dma_start3A_6 : memref<10240xi32, #tpu.memory_space<hbm>>) target(%arg7 : memref<10240xi32, #tpu.memory_space<vmem>>) target_semaphore(%run_scoped3A : memref<!tpu.dma_semaphore, #tpu.memory_space<semaphore_mem>>)
      %dma_wait3A = tpu.memref_slice %arg3[%mul3A_0] : memref<163840xi32, #tpu.memory_space<hbm>> -> memref<10240xi32, #tpu.memory_space<hbm>>
      %dma_wait3A_7 = tpu.memref_slice %arg3[%mul3A_0] : memref<163840xi32, #tpu.memory_space<hbm>> -> memref<10240xi32, #tpu.memory_space<hbm>>
      tpu.wait_dma2 semaphore(%run_scoped3A : memref<!tpu.dma_semaphore, #tpu.memory_space<semaphore_mem>>) src(%dma_wait3A_7 : memref<10240xi32, #tpu.memory_space<hbm>>) dst(%arg7 : memref<10240xi32, #tpu.memory_space<vmem>>)
      tpu.yield
    }) : () -> ()
    %scan3A = arith.constant 0 : i32
    %scan3A_1 = arith.constant 0 : i32
    %scan3A_2 = arith.constant 4 : i32
    %scan3A_3 = arith.addi %scan3A_1, %scan3A_2 : i32
    %scan3A_4 = arith.constant 1 : i32
    scf.for %scan3A_6 = %scan3A_1 to %scan3A_3 step %scan3A_4  : i32 {
      "tpu.region"() ({
        %run_scoped3A = tpu.sem_alloc : memref<!tpu.dma_semaphore, #tpu.memory_space<semaphore_mem>>
        tpu.enqueue_dma source(%arg5 : memref<128x128xf32, #tpu.memory_space<hbm>>) target(%arg9 : memref<128x128xf32, #tpu.memory_space<vmem>>) target_semaphore(%run_scoped3A : memref<!tpu.dma_semaphore, #tpu.memory_space<semaphore_mem>>)
        tpu.wait_dma2 semaphore(%run_scoped3A : memref<!tpu.dma_semaphore, #tpu.memory_space<semaphore_mem>>) src(%arg5 : memref<128x128xf32, #tpu.memory_space<hbm>>) dst(%arg9 : memref<128x128xf32, #tpu.memory_space<vmem>>)
        tpu.yield
      }) : () -> ()
      %mul3A_7 = arith.constant 640 : i32
      %mul3A_8 = arith.muli %arg1, %mul3A_7 : i32
      %add3A = arith.constant 0 : i32
      %add3A_9 = arith.addi %mul3A_8, %add3A : i32
      "tpu.region"() ({
        %run_scoped3A = tpu.sem_alloc : memref<!tpu.dma_semaphore, #tpu.memory_space<semaphore_mem>>
        %dma_start3A_69 = arith.constant 0 : i32
        %dma_start3A_70 = tpu.memref_slice %arg11[%add3A_9, %dma_start3A_69] : memref<10240x128xf32, #tpu.memory_space<vmem_shared>> -> memref<128x128xf32, #tpu.memory_space<vmem_shared>>
        %dma_start3A_71 = arith.constant 0 : i32
        %dma_start3A_72 = tpu.memref_slice %arg11[%add3A_9, %dma_start3A_71] : memref<10240x128xf32, #tpu.memory_space<vmem_shared>> -> memref<128x128xf32, #tpu.memory_space<vmem_shared>>
        tpu.enqueue_dma source(%arg9 : memref<128x128xf32, #tpu.memory_space<vmem>>) target(%dma_start3A_72 : memref<128x128xf32, #tpu.memory_space<vmem_shared>>) target_semaphore(%run_scoped3A : memref<!tpu.dma_semaphore, #tpu.memory_space<semaphore_mem>>)
        %dma_wait3A = arith.constant 0 : i32
        %dma_wait3A_73 = tpu.memref_slice %arg11[%add3A_9, %dma_wait3A] : memref<10240x128xf32, #tpu.memory_space<vmem_shared>> -> memref<128x128xf32, #tpu.memory_space<vmem_shared>>
        %dma_wait3A_74 = arith.constant 0 : i32
        %dma_wait3A_75 = tpu.memref_slice %arg11[%add3A_9, %dma_wait3A_74] : memref<10240x128xf32, #tpu.memory_space<vmem_shared>> -> memref<128x128xf32, #tpu.memory_space<vmem_shared>>
        tpu.wait_dma2 semaphore(%run_scoped3A : memref<!tpu.dma_semaphore, #tpu.memory_space<semaphore_mem>>) src(%arg9 : memref<128x128xf32, #tpu.memory_space<vmem>>) dst(%dma_wait3A_75 : memref<128x128xf32, #tpu.memory_space<vmem_shared>>)
        tpu.yield
      }) : () -> ()
      %mul3A_10 = arith.constant 640 : i32
      %mul3A_11 = arith.muli %arg1, %mul3A_10 : i32
      %add3A_12 = arith.constant 128 : i32
      %add3A_13 = arith.addi %mul3A_11, %add3A_12 : i32
      "tpu.region"() ({
        %run_scoped3A = tpu.sem_alloc : memref<!tpu.dma_semaphore, #tpu.memory_space<semaphore_mem>>
        %dma_start3A_69 = arith.constant 0 : i32
        %dma_start3A_70 = tpu.memref_slice %arg11[%add3A_13, %dma_start3A_69] : memref<10240x128xf32, #tpu.memory_space<vmem_shared>> -> memref<128x128xf32, #tpu.memory_space<vmem_shared>>
        %dma_start3A_71 = arith.constant 0 : i32
        %dma_start3A_72 = tpu.memref_slice %arg11[%add3A_13, %dma_start3A_71] : memref<10240x128xf32, #tpu.memory_space<vmem_shared>> -> memref<128x128xf32, #tpu.memory_space<vmem_shared>>
        tpu.enqueue_dma source(%arg9 : memref<128x128xf32, #tpu.memory_space<vmem>>) target(%dma_start3A_72 : memref<128x128xf32, #tpu.memory_space<vmem_shared>>) target_semaphore(%run_scoped3A : memref<!tpu.dma_semaphore, #tpu.memory_space<semaphore_mem>>)
        %dma_wait3A = arith.constant 0 : i32
        %dma_wait3A_73 = tpu.memref_slice %arg11[%add3A_13, %dma_wait3A] : memref<10240x128xf32, #tpu.memory_space<vmem_shared>> -> memref<128x128xf32, #tpu.memory_space<vmem_shared>>
        %dma_wait3A_74 = arith.constant 0 : i32
        %dma_wait3A_75 = tpu.memref_slice %arg11[%add3A_13, %dma_wait3A_74] : memref<10240x128xf32, #tpu.memory_space<vmem_shared>> -> memref<128x128xf32, #tpu.memory_space<vmem_shared>>
        tpu.wait_dma2 semaphore(%run_scoped3A : memref<!tpu.dma_semaphore, #tpu.memory_space<semaphore_mem>>) src(%arg9 : memref<128x128xf32, #tpu.memory_space<vmem>>) dst(%dma_wait3A_75 : memref<128x128xf32, #tpu.memory_space<vmem_shared>>)
        tpu.yield
      }) : () -> ()
      %mul3A_14 = arith.constant 640 : i32
      %mul3A_15 = arith.muli %arg1, %mul3A_14 : i32
      %add3A_16 = arith.constant 256 : i32
      %add3A_17 = arith.addi %mul3A_15, %add3A_16 : i32
      "tpu.region"() ({
        %run_scoped3A = tpu.sem_alloc : memref<!tpu.dma_semaphore, #tpu.memory_space<semaphore_mem>>
        %dma_start3A_69 = arith.constant 0 : i32
        %dma_start3A_70 = tpu.memref_slice %arg11[%add3A_17, %dma_start3A_69] : memref<10240x128xf32, #tpu.memory_space<vmem_shared>> -> memref<128x128xf32, #tpu.memory_space<vmem_shared>>
        %dma_start3A_71 = arith.constant 0 : i32
        %dma_start3A_72 = tpu.memref_slice %arg11[%add3A_17, %dma_start3A_71] : memref<10240x128xf32, #tpu.memory_space<vmem_shared>> -> memref<128x128xf32, #tpu.memory_space<vmem_shared>>
        tpu.enqueue_dma source(%arg9 : memref<128x128xf32, #tpu.memory_space<vmem>>) target(%dma_start3A_72 : memref<128x128xf32, #tpu.memory_space<vmem_shared>>) target_semaphore(%run_scoped3A : memref<!tpu.dma_semaphore, #tpu.memory_space<semaphore_mem>>)
        %dma_wait3A = arith.constant 0 : i32
        %dma_wait3A_73 = tpu.memref_slice %arg11[%add3A_17, %dma_wait3A] : memref<10240x128xf32, #tpu.memory_space<vmem_shared>> -> memref<128x128xf32, #tpu.memory_space<vmem_shared>>
        %dma_wait3A_74 = arith.constant 0 : i32
        %dma_wait3A_75 = tpu.memref_slice %arg11[%add3A_17, %dma_wait3A_74] : memref<10240x128xf32, #tpu.memory_space<vmem_shared>> -> memref<128x128xf32, #tpu.memory_space<vmem_shared>>
        tpu.wait_dma2 semaphore(%run_scoped3A : memref<!tpu.dma_semaphore, #tpu.memory_space<semaphore_mem>>) src(%arg9 : memref<128x128xf32, #tpu.memory_space<vmem>>) dst(%dma_wait3A_75 : memref<128x128xf32, #tpu.memory_space<vmem_shared>>)
        tpu.yield
      }) : () -> ()
      %mul3A_18 = arith.constant 640 : i32
      %mul3A_19 = arith.muli %arg1, %mul3A_18 : i32
      %add3A_20 = arith.constant 384 : i32
      %add3A_21 = arith.addi %mul3A_19, %add3A_20 : i32
      "tpu.region"() ({
        %run_scoped3A = tpu.sem_alloc : memref<!tpu.dma_semaphore, #tpu.memory_space<semaphore_mem>>
        %dma_start3A_69 = arith.constant 0 : i32
        %dma_start3A_70 = tpu.memref_slice %arg11[%add3A_21, %dma_start3A_69] : memref<10240x128xf32, #tpu.memory_space<vmem_shared>> -> memref<128x128xf32, #tpu.memory_space<vmem_shared>>
        %dma_start3A_71 = arith.constant 0 : i32
        %dma_start3A_72 = tpu.memref_slice %arg11[%add3A_21, %dma_start3A_71] : memref<10240x128xf32, #tpu.memory_space<vmem_shared>> -> memref<128x128xf32, #tpu.memory_space<vmem_shared>>
        tpu.enqueue_dma source(%arg9 : memref<128x128xf32, #tpu.memory_space<vmem>>) target(%dma_start3A_72 : memref<128x128xf32, #tpu.memory_space<vmem_shared>>) target_semaphore(%run_scoped3A : memref<!tpu.dma_semaphore, #tpu.memory_space<semaphore_mem>>)
        %dma_wait3A = arith.constant 0 : i32
        %dma_wait3A_73 = tpu.memref_slice %arg11[%add3A_21, %dma_wait3A] : memref<10240x128xf32, #tpu.memory_space<vmem_shared>> -> memref<128x128xf32, #tpu.memory_space<vmem_shared>>
        %dma_wait3A_74 = arith.constant 0 : i32
        %dma_wait3A_75 = tpu.memref_slice %arg11[%add3A_21, %dma_wait3A_74] : memref<10240x128xf32, #tpu.memory_space<vmem_shared>> -> memref<128x128xf32, #tpu.memory_space<vmem_shared>>
        tpu.wait_dma2 semaphore(%run_scoped3A : memref<!tpu.dma_semaphore, #tpu.memory_space<semaphore_mem>>) src(%arg9 : memref<128x128xf32, #tpu.memory_space<vmem>>) dst(%dma_wait3A_75 : memref<128x128xf32, #tpu.memory_space<vmem_shared>>)
        tpu.yield
      }) : () -> ()
      %mul3A_22 = arith.constant 640 : i32
      %mul3A_23 = arith.muli %arg1, %mul3A_22 : i32
      %add3A_24 = arith.constant 512 : i32
      %add3A_25 = arith.addi %mul3A_23, %add3A_24 : i32
      "tpu.region"() ({
        %run_scoped3A = tpu.sem_alloc : memref<!tpu.dma_semaphore, #tpu.memory_space<semaphore_mem>>
        %dma_start3A_69 = arith.constant 0 : i32
        %dma_start3A_70 = tpu.memref_slice %arg11[%add3A_25, %dma_start3A_69] : memref<10240x128xf32, #tpu.memory_space<vmem_shared>> -> memref<128x128xf32, #tpu.memory_space<vmem_shared>>
        %dma_start3A_71 = arith.constant 0 : i32
        %dma_start3A_72 = tpu.memref_slice %arg11[%add3A_25, %dma_start3A_71] : memref<10240x128xf32, #tpu.memory_space<vmem_shared>> -> memref<128x128xf32, #tpu.memory_space<vmem_shared>>
        tpu.enqueue_dma source(%arg9 : memref<128x128xf32, #tpu.memory_space<vmem>>) target(%dma_start3A_72 : memref<128x128xf32, #tpu.memory_space<vmem_shared>>) target_semaphore(%run_scoped3A : memref<!tpu.dma_semaphore, #tpu.memory_space<semaphore_mem>>)
        %dma_wait3A = arith.constant 0 : i32
        %dma_wait3A_73 = tpu.memref_slice %arg11[%add3A_25, %dma_wait3A] : memref<10240x128xf32, #tpu.memory_space<vmem_shared>> -> memref<128x128xf32, #tpu.memory_space<vmem_shared>>
        %dma_wait3A_74 = arith.constant 0 : i32
        %dma_wait3A_75 = tpu.memref_slice %arg11[%add3A_25, %dma_wait3A_74] : memref<10240x128xf32, #tpu.memory_space<vmem_shared>> -> memref<128x128xf32, #tpu.memory_space<vmem_shared>>
        tpu.wait_dma2 semaphore(%run_scoped3A : memref<!tpu.dma_semaphore, #tpu.memory_space<semaphore_mem>>) src(%arg9 : memref<128x128xf32, #tpu.memory_space<vmem>>) dst(%dma_wait3A_75 : memref<128x128xf32, #tpu.memory_space<vmem_shared>>)
        tpu.yield
      }) : () -> ()
      %scan3A_26 = arith.constant 0 : i32
      %scan3A_27 = arith.constant 0 : i32
      %scan3A_28 = arith.constant 640 : i32
      %scan3A_29 = arith.addi %scan3A_27, %scan3A_28 : i32
      %scan3A_30 = arith.constant 1 : i32
      scf.for %scan3A_69 = %scan3A_27 to %scan3A_29 step %scan3A_30  : i32 {
        %mul3A_70 = arith.constant 16 : i32
        %mul3A_71 = arith.muli %scan3A_69, %mul3A_70 : i32
        %get3A = arith.index_cast %mul3A_71 : i32 to index
        %get3A_72 = tpu.vector_load %arg7[%get3A] {strides = array<i32>} : memref<10240xi32, #tpu.memory_space<vmem>>, vector<16xi32>,
        %get3A_73 = vector.shape_cast %get3A_72 : vector<16xi32> to vector<16xi32>
        %eq3A = arith.constant 0 : i32
        %eq3A_74 = arith.cmpi eq, %scan3A_6, %eq3A : i32
        %mul3A_75 = arith.constant 8 : i32
        %mul3A_76 = vector.broadcast %mul3A_75 : i32 to vector<16xi32>
        %mul3A_77 = arith.muli %get3A_73, %mul3A_76 : vector<16xi32>
        %mul3A_78 = arith.constant 4 : i32
        %mul3A_79 = arith.muli %arg0, %mul3A_78 : i32
        %add3A_80 = vector.broadcast %mul3A_79 : i32 to vector<16xi32>
        %add3A_81 = arith.addi %mul3A_77, %add3A_80 : vector<16xi32>
        %add3A_82 = arith.constant 1 : i32
        %add3A_83 = vector.broadcast %add3A_82 : i32 to vector<16xi32>
        %add3A_84 = arith.addi %get3A_73, %add3A_83 : vector<16xi32>
        %select_n3A = arith.select %eq3A_74, %add3A_81, %add3A_84 : vector<16xi32>
        %mul3A_85 = arith.constant 16 : i32
        %mul3A_86 = arith.muli %scan3A_69, %mul3A_85 : i32
        %swap3A = arith.index_cast %mul3A_86 : i32 to index
        %swap3A_87 = tpu.vector_load %arg7[%swap3A] {strides = array<i32>} : memref<10240xi32, #tpu.memory_space<vmem>>, vector<16xi32>,
        %swap3A_88 = vector.shape_cast %swap3A_87 : vector<16xi32> to vector<16xi32>
        %swap3A_89 = vector.shape_cast %select_n3A : vector<16xi32> to vector<16xi32>
        tpu.vector_store %arg7[%swap3A], %swap3A_89 {strides = array<i32>} : memref<10240xi32, #tpu.memory_space<vmem>>, vector<16xi32>,
      }
      %scan3A_31 = arith.constant 640 : i32
      %barrier3A = arith.constant 0 : index
      tpu.barrier barrier_id(%barrier3A)
      %mul3A_32 = arith.constant 80 : i32
      %mul3A_33 = arith.muli %arg1, %mul3A_32 : i32
      %add3A_34 = arith.constant 0 : i32
      %add3A_35 = arith.addi %mul3A_33, %add3A_34 : i32
      "tpu.region"() ({
        %run_scoped3A = tpu.sem_alloc : memref<!tpu.dma_semaphore, #tpu.memory_space<semaphore_mem>>
        %dma_start3A_69 = arith.constant 0 : i32
        %dma_start3A_70 = tpu.memref_slice %arg4[%add3A_35, %dma_start3A_69] : memref<1280x128xi32, #tpu.memory_space<hbm>> -> memref<40x128xi32, #tpu.memory_space<hbm>>
        %dma_start3A_71 = arith.constant 0 : i32
        %dma_start3A_72 = tpu.memref_slice %arg4[%add3A_35, %dma_start3A_71] : memref<1280x128xi32, #tpu.memory_space<hbm>> -> memref<40x128xi32, #tpu.memory_space<hbm>>
        tpu.enqueue_dma source(%dma_start3A_72 : memref<40x128xi32, #tpu.memory_space<hbm>>) target(%arg8 : memref<40x128xi32, #tpu.memory_space<vmem>>) target_semaphore(%run_scoped3A : memref<!tpu.dma_semaphore, #tpu.memory_space<semaphore_mem>>)
        %dma_wait3A = arith.constant 0 : i32
        %dma_wait3A_73 = tpu.memref_slice %arg4[%add3A_35, %dma_wait3A] : memref<1280x128xi32, #tpu.memory_space<hbm>> -> memref<40x128xi32, #tpu.memory_space<hbm>>
        %dma_wait3A_74 = arith.constant 0 : i32
        %dma_wait3A_75 = tpu.memref_slice %arg4[%add3A_35, %dma_wait3A_74] : memref<1280x128xi32, #tpu.memory_space<hbm>> -> memref<40x128xi32, #tpu.memory_space<hbm>>
        tpu.wait_dma2 semaphore(%run_scoped3A : memref<!tpu.dma_semaphore, #tpu.memory_space<semaphore_mem>>) src(%dma_wait3A_75 : memref<40x128xi32, #tpu.memory_space<hbm>>) dst(%arg8 : memref<40x128xi32, #tpu.memory_space<vmem>>)
        tpu.yield
      }) : () -> ()
      %dma_start3A = arith.constant 0 : i32
      %dma_start3A_36 = tpu.memref_slice %arg7[%dma_start3A] : memref<10240xi32, #tpu.memory_space<vmem>> -> memref<128xi32, #tpu.memory_space<vmem>>
      %dma_start3A_37 = arith.constant 0 : i32
      %dma_start3A_38 = arith.constant 0 : i32
      %dma_start3A_39 = tpu.memref_slice %arg2[%dma_start3A_37, %dma_start3A_38] : memref<80000x128xf32, #tpu.memory_space<hbm>> -> memref<80000x128xf32, #tpu.memory_space<hbm>>
      tpu.enqueue_indirect_dma source(%dma_start3A_39 : memref<80000x128xf32, #tpu.memory_space<hbm>>) target(%arg9 : memref<128x128xf32, #tpu.memory_space<vmem>>) offsets(%dma_start3A_36 : memref<128xi32, #tpu.memory_space<vmem>>) semaphore(%arg12 : memref<!tpu.dma_semaphore, #tpu.memory_space<semaphore_mem>>)
      %scan3A_40 = arith.constant 0 : i32
      %scan3A_41 = arith.constant 0 : i32
      %scan3A_42 = arith.constant 20 : i32
      %scan3A_43 = arith.addi %scan3A_41, %scan3A_42 : i32
      %scan3A_44 = arith.constant 1 : i32
      scf.for %scan3A_69 = %scan3A_41 to %scan3A_43 step %scan3A_44  : i32 {
        %mul3A_70 = arith.constant 2 : i32
        %mul3A_71 = arith.muli %mul3A_70, %scan3A_69 : i32
        %add3A_72 = arith.constant 0 : i32
        %add3A_73 = arith.addi %add3A_72, %mul3A_71 : i32
        %add3A_74 = arith.constant 1 : i32
        %add3A_75 = arith.addi %add3A_73, %add3A_74 : i32
        %mul3A_76 = arith.constant 128 : i32
        %mul3A_77 = arith.muli %add3A_75, %mul3A_76 : i32
        %dma_start3A_78 = tpu.memref_slice %arg7[%mul3A_77] : memref<10240xi32, #tpu.memory_space<vmem>> -> memref<128xi32, #tpu.memory_space<vmem>>
        %dma_start3A_79 = arith.constant 0 : i32
        %dma_start3A_80 = arith.constant 0 : i32
        %dma_start3A_81 = tpu.memref_slice %arg2[%dma_start3A_79, %dma_start3A_80] : memref<80000x128xf32, #tpu.memory_space<hbm>> -> memref<80000x128xf32, #tpu.memory_space<hbm>>
        tpu.enqueue_indirect_dma source(%dma_start3A_81 : memref<80000x128xf32, #tpu.memory_space<hbm>>) target(%arg10 : memref<128x128xf32, #tpu.memory_space<vmem>>) offsets(%dma_start3A_78 : memref<128xi32, #tpu.memory_space<vmem>>) semaphore(%arg13 : memref<!tpu.dma_semaphore, #tpu.memory_space<semaphore_mem>>)
        %mul3A_82 = arith.constant 128 : i32
        %mul3A_83 = arith.muli %add3A_73, %mul3A_82 : i32
        %dma_wait3A = tpu.memref_slice %arg7[%mul3A_83] : memref<10240xi32, #tpu.memory_space<vmem>> -> memref<128xi32, #tpu.memory_space<vmem>>
        %dma_wait3A_84 = arith.constant 0 : i32
        %dma_wait3A_85 = arith.constant 0 : i32
        %dma_wait3A_86 = tpu.memref_slice %arg2[%dma_wait3A_84, %dma_wait3A_85] : memref<80000x128xf32, #tpu.memory_space<hbm>> -> memref<80000x128xf32, #tpu.memory_space<hbm>>
        tpu.wait_indirect_dma semaphore(%arg12 : memref<!tpu.dma_semaphore, #tpu.memory_space<semaphore_mem>>) src(%dma_wait3A_86 : memref<80000x128xf32, #tpu.memory_space<hbm>>) dst(%arg9 : memref<128x128xf32, #tpu.memory_space<vmem>>)
        %mul3A_87 = arith.constant 2 : i32
        %mul3A_88 = arith.muli %mul3A_87, %scan3A_69 : i32
        "tpu.region"() ({
          %run_scoped3A = tpu.sem_alloc : memref<!tpu.dma_semaphore, #tpu.memory_space<semaphore_mem>>
          %dma_start3A_105 = arith.constant 0 : i32
          %dma_start3A_106 = tpu.memref_slice %arg8[%mul3A_88, %dma_start3A_105] : memref<40x128xi32, #tpu.memory_space<vmem>> -> memref<1x128xi32, #tpu.memory_space<vmem>>
          %dma_start3A_107 = tpu.memref_squeeze %dma_start3A_106 : memref<1x128xi32, #tpu.memory_space<vmem>> -> memref<128xi32, #tpu.memory_space<vmem>>
          %dma_start3A_108 = arith.constant 0 : i32
          %dma_start3A_109 = arith.constant 0 : i32
          %dma_start3A_110 = tpu.memref_slice %arg11[%dma_start3A_108, %dma_start3A_109] : memref<10240x128xf32, #tpu.memory_space<vmem_shared>> -> memref<10240x128xf32, #tpu.memory_space<vmem_shared>>
          tpu.enqueue_indirect_dma source(%arg9 : memref<128x128xf32, #tpu.memory_space<vmem>>) target(%dma_start3A_110 : memref<10240x128xf32, #tpu.memory_space<vmem_shared>>) offsets(%dma_start3A_107 : memref<128xi32, #tpu.memory_space<vmem>>) semaphore(%run_scoped3A : memref<!tpu.dma_semaphore, #tpu.memory_space<semaphore_mem>>) {add = true}
          %dma_wait3A_111 = arith.constant 0 : i32
          %dma_wait3A_112 = tpu.memref_slice %arg8[%mul3A_88, %dma_wait3A_111] : memref<40x128xi32, #tpu.memory_space<vmem>> -> memref<1x128xi32, #tpu.memory_space<vmem>>
          %dma_wait3A_113 = tpu.memref_squeeze %dma_wait3A_112 : memref<1x128xi32, #tpu.memory_space<vmem>> -> memref<128xi32, #tpu.memory_space<vmem>>
          %dma_wait3A_114 = arith.constant 0 : i32
          %dma_wait3A_115 = arith.constant 0 : i32
          %dma_wait3A_116 = tpu.memref_slice %arg11[%dma_wait3A_114, %dma_wait3A_115] : memref<10240x128xf32, #tpu.memory_space<vmem_shared>> -> memref<10240x128xf32, #tpu.memory_space<vmem_shared>>
          tpu.wait_indirect_dma semaphore(%run_scoped3A : memref<!tpu.dma_semaphore, #tpu.memory_space<semaphore_mem>>) src(%arg9 : memref<128x128xf32, #tpu.memory_space<vmem>>) dst(%dma_wait3A_116 : memref<10240x128xf32, #tpu.memory_space<vmem_shared>>)
          tpu.yield
        }) : () -> ()
        %add3A_89 = arith.constant 1 : i32
        %add3A_90 = arith.addi %scan3A_69, %add3A_89 : i32
        %lt3A = arith.constant 20 : i32
        %lt3A_91 = arith.cmpi slt, %add3A_90, %lt3A : i32
        %convert_element_type3A = arith.extui %lt3A_91 : i1 to i32
        %cond3A = arith.constant 0 : i32
        %cond3A_92 = arith.cmpi ne, %convert_element_type3A, %cond3A : i32
        scf.if %cond3A_92 {
          %add3A_105 = arith.constant 2 : i32
          %add3A_106 = arith.addi %add3A_73, %add3A_105 : i32
          %mul3A_107 = arith.constant 128 : i32
          %mul3A_108 = arith.muli %add3A_106, %mul3A_107 : i32
          %dma_start3A_109 = tpu.memref_slice %arg7[%mul3A_108] : memref<10240xi32, #tpu.memory_space<vmem>> -> memref<128xi32, #tpu.memory_space<vmem>>
          %dma_start3A_110 = arith.constant 0 : i32
          %dma_start3A_111 = arith.constant 0 : i32
          %dma_start3A_112 = tpu.memref_slice %arg2[%dma_start3A_110, %dma_start3A_111] : memref<80000x128xf32, #tpu.memory_space<hbm>> -> memref<80000x128xf32, #tpu.memory_space<hbm>>
          tpu.enqueue_indirect_dma source(%dma_start3A_112 : memref<80000x128xf32, #tpu.memory_space<hbm>>) target(%arg9 : memref<128x128xf32, #tpu.memory_space<vmem>>) offsets(%dma_start3A_109 : memref<128xi32, #tpu.memory_space<vmem>>) semaphore(%arg12 : memref<!tpu.dma_semaphore, #tpu.memory_space<semaphore_mem>>)
        } else {
        }
        %add3A_93 = arith.constant 1 : i32
        %add3A_94 = arith.addi %add3A_73, %add3A_93 : i32
        %mul3A_95 = arith.constant 128 : i32
        %mul3A_96 = arith.muli %add3A_94, %mul3A_95 : i32
        %dma_wait3A_97 = tpu.memref_slice %arg7[%mul3A_96] : memref<10240xi32, #tpu.memory_space<vmem>> -> memref<128xi32, #tpu.memory_space<vmem>>
        %dma_wait3A_98 = arith.constant 0 : i32
        %dma_wait3A_99 = arith.constant 0 : i32
        %dma_wait3A_100 = tpu.memref_slice %arg2[%dma_wait3A_98, %dma_wait3A_99] : memref<80000x128xf32, #tpu.memory_space<hbm>> -> memref<80000x128xf32, #tpu.memory_space<hbm>>
        tpu.wait_indirect_dma semaphore(%arg13 : memref<!tpu.dma_semaphore, #tpu.memory_space<semaphore_mem>>) src(%dma_wait3A_100 : memref<80000x128xf32, #tpu.memory_space<hbm>>) dst(%arg10 : memref<128x128xf32, #tpu.memory_space<vmem>>)
        %mul3A_101 = arith.constant 2 : i32
        %mul3A_102 = arith.muli %mul3A_101, %scan3A_69 : i32
        %add3A_103 = arith.constant 1 : i32
        %add3A_104 = arith.addi %mul3A_102, %add3A_103 : i32
        "tpu.region"() ({
          %run_scoped3A = tpu.sem_alloc : memref<!tpu.dma_semaphore, #tpu.memory_space<semaphore_mem>>
          %dma_start3A_105 = arith.constant 0 : i32
          %dma_start3A_106 = tpu.memref_slice %arg8[%add3A_104, %dma_start3A_105] : memref<40x128xi32, #tpu.memory_space<vmem>> -> memref<1x128xi32, #tpu.memory_space<vmem>>
          %dma_start3A_107 = tpu.memref_squeeze %dma_start3A_106 : memref<1x128xi32, #tpu.memory_space<vmem>> -> memref<128xi32, #tpu.memory_space<vmem>>
          %dma_start3A_108 = arith.constant 0 : i32
          %dma_start3A_109 = arith.constant 0 : i32
          %dma_start3A_110 = tpu.memref_slice %arg11[%dma_start3A_108, %dma_start3A_109] : memref<10240x128xf32, #tpu.memory_space<vmem_shared>> -> memref<10240x128xf32, #tpu.memory_space<vmem_shared>>
          tpu.enqueue_indirect_dma source(%arg10 : memref<128x128xf32, #tpu.memory_space<vmem>>) target(%dma_start3A_110 : memref<10240x128xf32, #tpu.memory_space<vmem_shared>>) offsets(%dma_start3A_107 : memref<128xi32, #tpu.memory_space<vmem>>) semaphore(%run_scoped3A : memref<!tpu.dma_semaphore, #tpu.memory_space<semaphore_mem>>) {add = true}
          %dma_wait3A_111 = arith.constant 0 : i32
          %dma_wait3A_112 = tpu.memref_slice %arg8[%add3A_104, %dma_wait3A_111] : memref<40x128xi32, #tpu.memory_space<vmem>> -> memref<1x128xi32, #tpu.memory_space<vmem>>
          %dma_wait3A_113 = tpu.memref_squeeze %dma_wait3A_112 : memref<1x128xi32, #tpu.memory_space<vmem>> -> memref<128xi32, #tpu.memory_space<vmem>>
          %dma_wait3A_114 = arith.constant 0 : i32
          %dma_wait3A_115 = arith.constant 0 : i32
          %dma_wait3A_116 = tpu.memref_slice %arg11[%dma_wait3A_114, %dma_wait3A_115] : memref<10240x128xf32, #tpu.memory_space<vmem_shared>> -> memref<10240x128xf32, #tpu.memory_space<vmem_shared>>
          tpu.wait_indirect_dma semaphore(%run_scoped3A : memref<!tpu.dma_semaphore, #tpu.memory_space<semaphore_mem>>) src(%arg10 : memref<128x128xf32, #tpu.memory_space<vmem>>) dst(%dma_wait3A_116 : memref<10240x128xf32, #tpu.memory_space<vmem_shared>>)
          tpu.yield
        }) : () -> ()
      }
      %scan3A_45 = arith.constant 20 : i32
      %mul3A_46 = arith.constant 80 : i32
      %mul3A_47 = arith.muli %arg1, %mul3A_46 : i32
      %add3A_48 = arith.constant 40 : i32
      %add3A_49 = arith.addi %mul3A_47, %add3A_48 : i32
      "tpu.region"() ({
        %run_scoped3A = tpu.sem_alloc : memref<!tpu.dma_semaphore, #tpu.memory_space<semaphore_mem>>
        %dma_start3A_69 = arith.constant 0 : i32
        %dma_start3A_70 = tpu.memref_slice %arg4[%add3A_49, %dma_start3A_69] : memref<1280x128xi32, #tpu.memory_space<hbm>> -> memref<40x128xi32, #tpu.memory_space<hbm>>
        %dma_start3A_71 = arith.constant 0 : i32
        %dma_start3A_72 = tpu.memref_slice %arg4[%add3A_49, %dma_start3A_71] : memref<1280x128xi32, #tpu.memory_space<hbm>> -> memref<40x128xi32, #tpu.memory_space<hbm>>
        tpu.enqueue_dma source(%dma_start3A_72 : memref<40x128xi32, #tpu.memory_space<hbm>>) target(%arg8 : memref<40x128xi32, #tpu.memory_space<vmem>>) target_semaphore(%run_scoped3A : memref<!tpu.dma_semaphore, #tpu.memory_space<semaphore_mem>>)
        %dma_wait3A = arith.constant 0 : i32
        %dma_wait3A_73 = tpu.memref_slice %arg4[%add3A_49, %dma_wait3A] : memref<1280x128xi32, #tpu.memory_space<hbm>> -> memref<40x128xi32, #tpu.memory_space<hbm>>
        %dma_wait3A_74 = arith.constant 0 : i32
        %dma_wait3A_75 = tpu.memref_slice %arg4[%add3A_49, %dma_wait3A_74] : memref<1280x128xi32, #tpu.memory_space<hbm>> -> memref<40x128xi32, #tpu.memory_space<hbm>>
        tpu.wait_dma2 semaphore(%run_scoped3A : memref<!tpu.dma_semaphore, #tpu.memory_space<semaphore_mem>>) src(%dma_wait3A_75 : memref<40x128xi32, #tpu.memory_space<hbm>>) dst(%arg8 : memref<40x128xi32, #tpu.memory_space<vmem>>)
        tpu.yield
      }) : () -> ()
      %dma_start3A_50 = arith.constant 5120 : i32
      %dma_start3A_51 = tpu.memref_slice %arg7[%dma_start3A_50] : memref<10240xi32, #tpu.memory_space<vmem>> -> memref<128xi32, #tpu.memory_space<vmem>>
      %dma_start3A_52 = arith.constant 0 : i32
      %dma_start3A_53 = arith.constant 0 : i32
      %dma_start3A_54 = tpu.memref_slice %arg2[%dma_start3A_52, %dma_start3A_53] : memref<80000x128xf32, #tpu.memory_space<hbm>> -> memref<80000x128xf32, #tpu.memory_space<hbm>>
      tpu.enqueue_indirect_dma source(%dma_start3A_54 : memref<80000x128xf32, #tpu.memory_space<hbm>>) target(%arg9 : memref<128x128xf32, #tpu.memory_space<vmem>>) offsets(%dma_start3A_51 : memref<128xi32, #tpu.memory_space<vmem>>) semaphore(%arg12 : memref<!tpu.dma_semaphore, #tpu.memory_space<semaphore_mem>>)
      %scan3A_55 = arith.constant 0 : i32
      %scan3A_56 = arith.constant 0 : i32
      %scan3A_57 = arith.constant 20 : i32
      %scan3A_58 = arith.addi %scan3A_56, %scan3A_57 : i32
      %scan3A_59 = arith.constant 1 : i32
      scf.for %scan3A_69 = %scan3A_56 to %scan3A_58 step %scan3A_59  : i32 {
        %mul3A_70 = arith.constant 2 : i32
        %mul3A_71 = arith.muli %mul3A_70, %scan3A_69 : i32
        %add3A_72 = arith.constant 40 : i32
        %add3A_73 = arith.addi %add3A_72, %mul3A_71 : i32
        %add3A_74 = arith.constant 1 : i32
        %add3A_75 = arith.addi %add3A_73, %add3A_74 : i32
        %mul3A_76 = arith.constant 128 : i32
        %mul3A_77 = arith.muli %add3A_75, %mul3A_76 : i32
        %dma_start3A_78 = tpu.memref_slice %arg7[%mul3A_77] : memref<10240xi32, #tpu.memory_space<vmem>> -> memref<128xi32, #tpu.memory_space<vmem>>
        %dma_start3A_79 = arith.constant 0 : i32
        %dma_start3A_80 = arith.constant 0 : i32
        %dma_start3A_81 = tpu.memref_slice %arg2[%dma_start3A_79, %dma_start3A_80] : memref<80000x128xf32, #tpu.memory_space<hbm>> -> memref<80000x128xf32, #tpu.memory_space<hbm>>
        tpu.enqueue_indirect_dma source(%dma_start3A_81 : memref<80000x128xf32, #tpu.memory_space<hbm>>) target(%arg10 : memref<128x128xf32, #tpu.memory_space<vmem>>) offsets(%dma_start3A_78 : memref<128xi32, #tpu.memory_space<vmem>>) semaphore(%arg13 : memref<!tpu.dma_semaphore, #tpu.memory_space<semaphore_mem>>)
        %mul3A_82 = arith.constant 128 : i32
        %mul3A_83 = arith.muli %add3A_73, %mul3A_82 : i32
        %dma_wait3A = tpu.memref_slice %arg7[%mul3A_83] : memref<10240xi32, #tpu.memory_space<vmem>> -> memref<128xi32, #tpu.memory_space<vmem>>
        %dma_wait3A_84 = arith.constant 0 : i32
        %dma_wait3A_85 = arith.constant 0 : i32
        %dma_wait3A_86 = tpu.memref_slice %arg2[%dma_wait3A_84, %dma_wait3A_85] : memref<80000x128xf32, #tpu.memory_space<hbm>> -> memref<80000x128xf32, #tpu.memory_space<hbm>>
        tpu.wait_indirect_dma semaphore(%arg12 : memref<!tpu.dma_semaphore, #tpu.memory_space<semaphore_mem>>) src(%dma_wait3A_86 : memref<80000x128xf32, #tpu.memory_space<hbm>>) dst(%arg9 : memref<128x128xf32, #tpu.memory_space<vmem>>)
        %mul3A_87 = arith.constant 2 : i32
        %mul3A_88 = arith.muli %mul3A_87, %scan3A_69 : i32
        "tpu.region"() ({
          %run_scoped3A = tpu.sem_alloc : memref<!tpu.dma_semaphore, #tpu.memory_space<semaphore_mem>>
          %dma_start3A_105 = arith.constant 0 : i32
          %dma_start3A_106 = tpu.memref_slice %arg8[%mul3A_88, %dma_start3A_105] : memref<40x128xi32, #tpu.memory_space<vmem>> -> memref<1x128xi32, #tpu.memory_space<vmem>>
          %dma_start3A_107 = tpu.memref_squeeze %dma_start3A_106 : memref<1x128xi32, #tpu.memory_space<vmem>> -> memref<128xi32, #tpu.memory_space<vmem>>
          %dma_start3A_108 = arith.constant 0 : i32
          %dma_start3A_109 = arith.constant 0 : i32
          %dma_start3A_110 = tpu.memref_slice %arg11[%dma_start3A_108, %dma_start3A_109] : memref<10240x128xf32, #tpu.memory_space<vmem_shared>> -> memref<10240x128xf32, #tpu.memory_space<vmem_shared>>
          tpu.enqueue_indirect_dma source(%arg9 : memref<128x128xf32, #tpu.memory_space<vmem>>) target(%dma_start3A_110 : memref<10240x128xf32, #tpu.memory_space<vmem_shared>>) offsets(%dma_start3A_107 : memref<128xi32, #tpu.memory_space<vmem>>) semaphore(%run_scoped3A : memref<!tpu.dma_semaphore, #tpu.memory_space<semaphore_mem>>) {add = true}
          %dma_wait3A_111 = arith.constant 0 : i32
          %dma_wait3A_112 = tpu.memref_slice %arg8[%mul3A_88, %dma_wait3A_111] : memref<40x128xi32, #tpu.memory_space<vmem>> -> memref<1x128xi32, #tpu.memory_space<vmem>>
          %dma_wait3A_113 = tpu.memref_squeeze %dma_wait3A_112 : memref<1x128xi32, #tpu.memory_space<vmem>> -> memref<128xi32, #tpu.memory_space<vmem>>
          %dma_wait3A_114 = arith.constant 0 : i32
          %dma_wait3A_115 = arith.constant 0 : i32
          %dma_wait3A_116 = tpu.memref_slice %arg11[%dma_wait3A_114, %dma_wait3A_115] : memref<10240x128xf32, #tpu.memory_space<vmem_shared>> -> memref<10240x128xf32, #tpu.memory_space<vmem_shared>>
          tpu.wait_indirect_dma semaphore(%run_scoped3A : memref<!tpu.dma_semaphore, #tpu.memory_space<semaphore_mem>>) src(%arg9 : memref<128x128xf32, #tpu.memory_space<vmem>>) dst(%dma_wait3A_116 : memref<10240x128xf32, #tpu.memory_space<vmem_shared>>)
          tpu.yield
        }) : () -> ()
        %add3A_89 = arith.constant 1 : i32
        %add3A_90 = arith.addi %scan3A_69, %add3A_89 : i32
        %lt3A = arith.constant 20 : i32
        %lt3A_91 = arith.cmpi slt, %add3A_90, %lt3A : i32
        %convert_element_type3A = arith.extui %lt3A_91 : i1 to i32
        %cond3A = arith.constant 0 : i32
        %cond3A_92 = arith.cmpi ne, %convert_element_type3A, %cond3A : i32
        scf.if %cond3A_92 {
          %add3A_105 = arith.constant 2 : i32
          %add3A_106 = arith.addi %add3A_73, %add3A_105 : i32
          %mul3A_107 = arith.constant 128 : i32
          %mul3A_108 = arith.muli %add3A_106, %mul3A_107 : i32
          %dma_start3A_109 = tpu.memref_slice %arg7[%mul3A_108] : memref<10240xi32, #tpu.memory_space<vmem>> -> memref<128xi32, #tpu.memory_space<vmem>>
          %dma_start3A_110 = arith.constant 0 : i32
          %dma_start3A_111 = arith.constant 0 : i32
          %dma_start3A_112 = tpu.memref_slice %arg2[%dma_start3A_110, %dma_start3A_111] : memref<80000x128xf32, #tpu.memory_space<hbm>> -> memref<80000x128xf32, #tpu.memory_space<hbm>>
          tpu.enqueue_indirect_dma source(%dma_start3A_112 : memref<80000x128xf32, #tpu.memory_space<hbm>>) target(%arg9 : memref<128x128xf32, #tpu.memory_space<vmem>>) offsets(%dma_start3A_109 : memref<128xi32, #tpu.memory_space<vmem>>) semaphore(%arg12 : memref<!tpu.dma_semaphore, #tpu.memory_space<semaphore_mem>>)
        } else {
        }
        %add3A_93 = arith.constant 1 : i32
        %add3A_94 = arith.addi %add3A_73, %add3A_93 : i32
        %mul3A_95 = arith.constant 128 : i32
        %mul3A_96 = arith.muli %add3A_94, %mul3A_95 : i32
        %dma_wait3A_97 = tpu.memref_slice %arg7[%mul3A_96] : memref<10240xi32, #tpu.memory_space<vmem>> -> memref<128xi32, #tpu.memory_space<vmem>>
        %dma_wait3A_98 = arith.constant 0 : i32
        %dma_wait3A_99 = arith.constant 0 : i32
        %dma_wait3A_100 = tpu.memref_slice %arg2[%dma_wait3A_98, %dma_wait3A_99] : memref<80000x128xf32, #tpu.memory_space<hbm>> -> memref<80000x128xf32, #tpu.memory_space<hbm>>
        tpu.wait_indirect_dma semaphore(%arg13 : memref<!tpu.dma_semaphore, #tpu.memory_space<semaphore_mem>>) src(%dma_wait3A_100 : memref<80000x128xf32, #tpu.memory_space<hbm>>) dst(%arg10 : memref<128x128xf32, #tpu.memory_space<vmem>>)
        %mul3A_101 = arith.constant 2 : i32
        %mul3A_102 = arith.muli %mul3A_101, %scan3A_69 : i32
        %add3A_103 = arith.constant 1 : i32
        %add3A_104 = arith.addi %mul3A_102, %add3A_103 : i32
        "tpu.region"() ({
          %run_scoped3A = tpu.sem_alloc : memref<!tpu.dma_semaphore, #tpu.memory_space<semaphore_mem>>
          %dma_start3A_105 = arith.constant 0 : i32
          %dma_start3A_106 = tpu.memref_slice %arg8[%add3A_104, %dma_start3A_105] : memref<40x128xi32, #tpu.memory_space<vmem>> -> memref<1x128xi32, #tpu.memory_space<vmem>>
          %dma_start3A_107 = tpu.memref_squeeze %dma_start3A_106 : memref<1x128xi32, #tpu.memory_space<vmem>> -> memref<128xi32, #tpu.memory_space<vmem>>
          %dma_start3A_108 = arith.constant 0 : i32
          %dma_start3A_109 = arith.constant 0 : i32
          %dma_start3A_110 = tpu.memref_slice %arg11[%dma_start3A_108, %dma_start3A_109] : memref<10240x128xf32, #tpu.memory_space<vmem_shared>> -> memref<10240x128xf32, #tpu.memory_space<vmem_shared>>
          tpu.enqueue_indirect_dma source(%arg10 : memref<128x128xf32, #tpu.memory_space<vmem>>) target(%dma_start3A_110 : memref<10240x128xf32, #tpu.memory_space<vmem_shared>>) offsets(%dma_start3A_107 : memref<128xi32, #tpu.memory_space<vmem>>) semaphore(%run_scoped3A : memref<!tpu.dma_semaphore, #tpu.memory_space<semaphore_mem>>) {add = true}
          %dma_wait3A_111 = arith.constant 0 : i32
          %dma_wait3A_112 = tpu.memref_slice %arg8[%add3A_104, %dma_wait3A_111] : memref<40x128xi32, #tpu.memory_space<vmem>> -> memref<1x128xi32, #tpu.memory_space<vmem>>
          %dma_wait3A_113 = tpu.memref_squeeze %dma_wait3A_112 : memref<1x128xi32, #tpu.memory_space<vmem>> -> memref<128xi32, #tpu.memory_space<vmem>>
          %dma_wait3A_114 = arith.constant 0 : i32
          %dma_wait3A_115 = arith.constant 0 : i32
          %dma_wait3A_116 = tpu.memref_slice %arg11[%dma_wait3A_114, %dma_wait3A_115] : memref<10240x128xf32, #tpu.memory_space<vmem_shared>> -> memref<10240x128xf32, #tpu.memory_space<vmem_shared>>
          tpu.wait_indirect_dma semaphore(%run_scoped3A : memref<!tpu.dma_semaphore, #tpu.memory_space<semaphore_mem>>) src(%arg10 : memref<128x128xf32, #tpu.memory_space<vmem>>) dst(%dma_wait3A_116 : memref<10240x128xf32, #tpu.memory_space<vmem_shared>>)
          tpu.yield
        }) : () -> ()
      }
      %scan3A_60 = arith.constant 20 : i32
      %barrier3A_61 = arith.constant 0 : index
      tpu.barrier barrier_id(%barrier3A_61)
      %mul3A_62 = arith.constant 640 : i32
      %mul3A_63 = arith.muli %arg1, %mul3A_62 : i32
      %mul3A_64 = arith.constant 4 : i32
      %mul3A_65 = arith.muli %arg0, %mul3A_64 : i32
      %add3A_66 = arith.addi %mul3A_65, %scan3A_6 : i32
      %mul3A_67 = arith.constant 640 : i32
      %mul3A_68 = arith.muli %arg1, %mul3A_67 : i32
      "tpu.region"() ({
        %run_scoped3A = tpu.sem_alloc : memref<!tpu.dma_semaphore, #tpu.memory_space<semaphore_mem>>
        %dma_start3A_69 = arith.constant 0 : i32
        %dma_start3A_70 = tpu.memref_slice %arg6[%add3A_66, %mul3A_68, %dma_start3A_69] : memref<8x10240x128xf32, #tpu.memory_space<hbm>> -> memref<1x640x128xf32, #tpu.memory_space<hbm>>
        %dma_start3A_71 = tpu.memref_squeeze %dma_start3A_70 : memref<1x640x128xf32, #tpu.memory_space<hbm>> -> memref<640x128xf32, #tpu.memory_space<hbm>>
        %dma_start3A_72 = arith.constant 0 : i32
        %dma_start3A_73 = tpu.memref_slice %arg11[%mul3A_63, %dma_start3A_72] : memref<10240x128xf32, #tpu.memory_space<vmem_shared>> -> memref<640x128xf32, #tpu.memory_space<vmem_shared>>
        tpu.enqueue_dma source(%dma_start3A_73 : memref<640x128xf32, #tpu.memory_space<vmem_shared>>) target(%dma_start3A_71 : memref<640x128xf32, #tpu.memory_space<hbm>>) target_semaphore(%run_scoped3A : memref<!tpu.dma_semaphore, #tpu.memory_space<semaphore_mem>>)
        %dma_wait3A = arith.constant 0 : i32
        %dma_wait3A_74 = tpu.memref_slice %arg6[%add3A_66, %mul3A_68, %dma_wait3A] : memref<8x10240x128xf32, #tpu.memory_space<hbm>> -> memref<1x640x128xf32, #tpu.memory_space<hbm>>
        %dma_wait3A_75 = tpu.memref_squeeze %dma_wait3A_74 : memref<1x640x128xf32, #tpu.memory_space<hbm>> -> memref<640x128xf32, #tpu.memory_space<hbm>>
        %dma_wait3A_76 = arith.constant 0 : i32
        %dma_wait3A_77 = tpu.memref_slice %arg11[%mul3A_63, %dma_wait3A_76] : memref<10240x128xf32, #tpu.memory_space<vmem_shared>> -> memref<640x128xf32, #tpu.memory_space<vmem_shared>>
        tpu.wait_dma2 semaphore(%run_scoped3A : memref<!tpu.dma_semaphore, #tpu.memory_space<semaphore_mem>>) src(%dma_wait3A_77 : memref<640x128xf32, #tpu.memory_space<vmem_shared>>) dst(%dma_wait3A_75 : memref<640x128xf32, #tpu.memory_space<hbm>>)
        tpu.yield
      }) : () -> ()
    }
    %scan3A_5 = arith.constant 4 : i32
    return
  }
}

#map = affine_map<(d0, d1) -> (0, 0)>
#map1 = affine_map<(d0, d1) -> (0)>
#map2 = affine_map<(d0, d1) -> (0, 0, 0)>
module attributes {stable_mosaic.version = 14 : i64} {
  func.func @k(%arg0: i32, %arg1: i32, %arg2: memref<80000x128xf32, #tpu.memory_space<hbm>>, %arg3: memref<163840xi32, #tpu.memory_space<hbm>>, %arg4: memref<1280x128xi32, #tpu.memory_space<hbm>>, %arg5: memref<128x128xf32, #tpu.memory_space<hbm>>, %arg6: memref<8x10240x128xf32, #tpu.memory_space<hbm>>, %arg7: memref<10240xi32, #tpu.memory_space<vmem>>, %arg8: memref<40x128xi32, #tpu.memory_space<vmem>>, %arg9: memref<128x128xf32, #tpu.memory_space<vmem>>, %arg10: memref<128x128xf32, #tpu.memory_space<vmem>>, %arg11: memref<10240x128xf32, #tpu.memory_space<vmem_shared>>, %arg12: memref<!tpu.dma_semaphore, #tpu.memory_space<semaphore_mem>>, %arg13: memref<!tpu.dma_semaphore, #tpu.memory_space<semaphore_mem>>) attributes {dimension_semantics = [#tpu.dimension_semantics<core_parallel>, #tpu.dimension_semantics<subcore_parallel>], iteration_bounds = array<i64: 2, 16>, scalar_prefetch = 0 : i64, scratch_operands = 7 : i64, tpu.core_type = #tpu.core_type<sc_vector_subcore>, window_params = [{transform_indices = #map}, {transform_indices = #map1}, {transform_indices = #map}, {transform_indices = #map}, {transform_indices = #map2}]} {
    %mul3A = arith.constant 10240 : i32
    %mul3A_0 = arith.muli %arg1, %mul3A : i32
    "tpu.region"() ({
      %run_scoped3A = tpu.sem_alloc : memref<!tpu.dma_semaphore, #tpu.memory_space<semaphore_mem>>
      %dma_start3A = tpu.memref_slice %arg3[%mul3A_0] : memref<163840xi32, #tpu.memory_space<hbm>> -> memref<10240xi32, #tpu.memory_space<hbm>>
      %dma_start3A_6 = tpu.memref_slice %arg3[%mul3A_0] : memref<163840xi32, #tpu.memory_space<hbm>> -> memref<10240xi32, #tpu.memory_space<hbm>>
      tpu.enqueue_dma source(%dma_start3A_6 : memref<10240xi32, #tpu.memory_space<hbm>>) target(%arg7 : memref<10240xi32, #tpu.memory_space<vmem>>) target_semaphore(%run_scoped3A : memref<!tpu.dma_semaphore, #tpu.memory_space<semaphore_mem>>)
      %dma_wait3A = tpu.memref_slice %arg3[%mul3A_0] : memref<163840xi32, #tpu.memory_space<hbm>> -> memref<10240xi32, #tpu.memory_space<hbm>>
      %dma_wait3A_7 = tpu.memref_slice %arg3[%mul3A_0] : memref<163840xi32, #tpu.memory_space<hbm>> -> memref<10240xi32, #tpu.memory_space<hbm>>
      tpu.wait_dma2 semaphore(%run_scoped3A : memref<!tpu.dma_semaphore, #tpu.memory_space<semaphore_mem>>) src(%dma_wait3A_7 : memref<10240xi32, #tpu.memory_space<hbm>>) dst(%arg7 : memref<10240xi32, #tpu.memory_space<vmem>>)
      tpu.yield
    }) : () -> ()
    %scan3A = arith.constant 0 : i32
    %scan3A_1 = arith.constant 0 : i32
    %scan3A_2 = arith.constant 4 : i32
    %scan3A_3 = arith.addi %scan3A_1, %scan3A_2 : i32
    %scan3A_4 = arith.constant 1 : i32
    scf.for %scan3A_6 = %scan3A_1 to %scan3A_3 step %scan3A_4  : i32 {
      "tpu.region"() ({
        %run_scoped3A = tpu.sem_alloc : memref<!tpu.dma_semaphore, #tpu.memory_space<semaphore_mem>>
        tpu.enqueue_dma source(%arg5 : memref<128x128xf32, #tpu.memory_space<hbm>>) target(%arg9 : memref<128x128xf32, #tpu.memory_space<vmem>>) target_semaphore(%run_scoped3A : memref<!tpu.dma_semaphore, #tpu.memory_space<semaphore_mem>>)
        tpu.wait_dma2 semaphore(%run_scoped3A : memref<!tpu.dma_semaphore, #tpu.memory_space<semaphore_mem>>) src(%arg5 : memref<128x128xf32, #tpu.memory_space<hbm>>) dst(%arg9 : memref<128x128xf32, #tpu.memory_space<vmem>>)
        tpu.yield
      }) : () -> ()
      %mul3A_7 = arith.constant 640 : i32
      %mul3A_8 = arith.muli %arg1, %mul3A_7 : i32
      %add3A = arith.constant 0 : i32
      %add3A_9 = arith.addi %mul3A_8, %add3A : i32
      "tpu.region"() ({
        %run_scoped3A = tpu.sem_alloc : memref<!tpu.dma_semaphore, #tpu.memory_space<semaphore_mem>>
        %dma_start3A_69 = arith.constant 0 : i32
        %dma_start3A_70 = tpu.memref_slice %arg11[%add3A_9, %dma_start3A_69] : memref<10240x128xf32, #tpu.memory_space<vmem_shared>> -> memref<128x128xf32, #tpu.memory_space<vmem_shared>>
        %dma_start3A_71 = arith.constant 0 : i32
        %dma_start3A_72 = tpu.memref_slice %arg11[%add3A_9, %dma_start3A_71] : memref<10240x128xf32, #tpu.memory_space<vmem_shared>> -> memref<128x128xf32, #tpu.memory_space<vmem_shared>>
        tpu.enqueue_dma source(%arg9 : memref<128x128xf32, #tpu.memory_space<vmem>>) target(%dma_start3A_72 : memref<128x128xf32, #tpu.memory_space<vmem_shared>>) target_semaphore(%run_scoped3A : memref<!tpu.dma_semaphore, #tpu.memory_space<semaphore_mem>>)
        %dma_wait3A = arith.constant 0 : i32
        %dma_wait3A_73 = tpu.memref_slice %arg11[%add3A_9, %dma_wait3A] : memref<10240x128xf32, #tpu.memory_space<vmem_shared>> -> memref<128x128xf32, #tpu.memory_space<vmem_shared>>
        %dma_wait3A_74 = arith.constant 0 : i32
        %dma_wait3A_75 = tpu.memref_slice %arg11[%add3A_9, %dma_wait3A_74] : memref<10240x128xf32, #tpu.memory_space<vmem_shared>> -> memref<128x128xf32, #tpu.memory_space<vmem_shared>>
        tpu.wait_dma2 semaphore(%run_scoped3A : memref<!tpu.dma_semaphore, #tpu.memory_space<semaphore_mem>>) src(%arg9 : memref<128x128xf32, #tpu.memory_space<vmem>>) dst(%dma_wait3A_75 : memref<128x128xf32, #tpu.memory_space<vmem_shared>>)
        tpu.yield
      }) : () -> ()
      %mul3A_10 = arith.constant 640 : i32
      %mul3A_11 = arith.muli %arg1, %mul3A_10 : i32
      %add3A_12 = arith.constant 128 : i32
      %add3A_13 = arith.addi %mul3A_11, %add3A_12 : i32
      "tpu.region"() ({
        %run_scoped3A = tpu.sem_alloc : memref<!tpu.dma_semaphore, #tpu.memory_space<semaphore_mem>>
        %dma_start3A_69 = arith.constant 0 : i32
        %dma_start3A_70 = tpu.memref_slice %arg11[%add3A_13, %dma_start3A_69] : memref<10240x128xf32, #tpu.memory_space<vmem_shared>> -> memref<128x128xf32, #tpu.memory_space<vmem_shared>>
        %dma_start3A_71 = arith.constant 0 : i32
        %dma_start3A_72 = tpu.memref_slice %arg11[%add3A_13, %dma_start3A_71] : memref<10240x128xf32, #tpu.memory_space<vmem_shared>> -> memref<128x128xf32, #tpu.memory_space<vmem_shared>>
        tpu.enqueue_dma source(%arg9 : memref<128x128xf32, #tpu.memory_space<vmem>>) target(%dma_start3A_72 : memref<128x128xf32, #tpu.memory_space<vmem_shared>>) target_semaphore(%run_scoped3A : memref<!tpu.dma_semaphore, #tpu.memory_space<semaphore_mem>>)
        %dma_wait3A = arith.constant 0 : i32
        %dma_wait3A_73 = tpu.memref_slice %arg11[%add3A_13, %dma_wait3A] : memref<10240x128xf32, #tpu.memory_space<vmem_shared>> -> memref<128x128xf32, #tpu.memory_space<vmem_shared>>
        %dma_wait3A_74 = arith.constant 0 : i32
        %dma_wait3A_75 = tpu.memref_slice %arg11[%add3A_13, %dma_wait3A_74] : memref<10240x128xf32, #tpu.memory_space<vmem_shared>> -> memref<128x128xf32, #tpu.memory_space<vmem_shared>>
        tpu.wait_dma2 semaphore(%run_scoped3A : memref<!tpu.dma_semaphore, #tpu.memory_space<semaphore_mem>>) src(%arg9 : memref<128x128xf32, #tpu.memory_space<vmem>>) dst(%dma_wait3A_75 : memref<128x128xf32, #tpu.memory_space<vmem_shared>>)
        tpu.yield
      }) : () -> ()
      %mul3A_14 = arith.constant 640 : i32
      %mul3A_15 = arith.muli %arg1, %mul3A_14 : i32
      %add3A_16 = arith.constant 256 : i32
      %add3A_17 = arith.addi %mul3A_15, %add3A_16 : i32
      "tpu.region"() ({
        %run_scoped3A = tpu.sem_alloc : memref<!tpu.dma_semaphore, #tpu.memory_space<semaphore_mem>>
        %dma_start3A_69 = arith.constant 0 : i32
        %dma_start3A_70 = tpu.memref_slice %arg11[%add3A_17, %dma_start3A_69] : memref<10240x128xf32, #tpu.memory_space<vmem_shared>> -> memref<128x128xf32, #tpu.memory_space<vmem_shared>>
        %dma_start3A_71 = arith.constant 0 : i32
        %dma_start3A_72 = tpu.memref_slice %arg11[%add3A_17, %dma_start3A_71] : memref<10240x128xf32, #tpu.memory_space<vmem_shared>> -> memref<128x128xf32, #tpu.memory_space<vmem_shared>>
        tpu.enqueue_dma source(%arg9 : memref<128x128xf32, #tpu.memory_space<vmem>>) target(%dma_start3A_72 : memref<128x128xf32, #tpu.memory_space<vmem_shared>>) target_semaphore(%run_scoped3A : memref<!tpu.dma_semaphore, #tpu.memory_space<semaphore_mem>>)
        %dma_wait3A = arith.constant 0 : i32
        %dma_wait3A_73 = tpu.memref_slice %arg11[%add3A_17, %dma_wait3A] : memref<10240x128xf32, #tpu.memory_space<vmem_shared>> -> memref<128x128xf32, #tpu.memory_space<vmem_shared>>
        %dma_wait3A_74 = arith.constant 0 : i32
        %dma_wait3A_75 = tpu.memref_slice %arg11[%add3A_17, %dma_wait3A_74] : memref<10240x128xf32, #tpu.memory_space<vmem_shared>> -> memref<128x128xf32, #tpu.memory_space<vmem_shared>>
        tpu.wait_dma2 semaphore(%run_scoped3A : memref<!tpu.dma_semaphore, #tpu.memory_space<semaphore_mem>>) src(%arg9 : memref<128x128xf32, #tpu.memory_space<vmem>>) dst(%dma_wait3A_75 : memref<128x128xf32, #tpu.memory_space<vmem_shared>>)
        tpu.yield
      }) : () -> ()
      %mul3A_18 = arith.constant 640 : i32
      %mul3A_19 = arith.muli %arg1, %mul3A_18 : i32
      %add3A_20 = arith.constant 384 : i32
      %add3A_21 = arith.addi %mul3A_19, %add3A_20 : i32
      "tpu.region"() ({
        %run_scoped3A = tpu.sem_alloc : memref<!tpu.dma_semaphore, #tpu.memory_space<semaphore_mem>>
        %dma_start3A_69 = arith.constant 0 : i32
        %dma_start3A_70 = tpu.memref_slice %arg11[%add3A_21, %dma_start3A_69] : memref<10240x128xf32, #tpu.memory_space<vmem_shared>> -> memref<128x128xf32, #tpu.memory_space<vmem_shared>>
        %dma_start3A_71 = arith.constant 0 : i32
        %dma_start3A_72 = tpu.memref_slice %arg11[%add3A_21, %dma_start3A_71] : memref<10240x128xf32, #tpu.memory_space<vmem_shared>> -> memref<128x128xf32, #tpu.memory_space<vmem_shared>>
        tpu.enqueue_dma source(%arg9 : memref<128x128xf32, #tpu.memory_space<vmem>>) target(%dma_start3A_72 : memref<128x128xf32, #tpu.memory_space<vmem_shared>>) target_semaphore(%run_scoped3A : memref<!tpu.dma_semaphore, #tpu.memory_space<semaphore_mem>>)
        %dma_wait3A = arith.constant 0 : i32
        %dma_wait3A_73 = tpu.memref_slice %arg11[%add3A_21, %dma_wait3A] : memref<10240x128xf32, #tpu.memory_space<vmem_shared>> -> memref<128x128xf32, #tpu.memory_space<vmem_shared>>
        %dma_wait3A_74 = arith.constant 0 : i32
        %dma_wait3A_75 = tpu.memref_slice %arg11[%add3A_21, %dma_wait3A_74] : memref<10240x128xf32, #tpu.memory_space<vmem_shared>> -> memref<128x128xf32, #tpu.memory_space<vmem_shared>>
        tpu.wait_dma2 semaphore(%run_scoped3A : memref<!tpu.dma_semaphore, #tpu.memory_space<semaphore_mem>>) src(%arg9 : memref<128x128xf32, #tpu.memory_space<vmem>>) dst(%dma_wait3A_75 : memref<128x128xf32, #tpu.memory_space<vmem_shared>>)
        tpu.yield
      }) : () -> ()
      %mul3A_22 = arith.constant 640 : i32
      %mul3A_23 = arith.muli %arg1, %mul3A_22 : i32
      %add3A_24 = arith.constant 512 : i32
      %add3A_25 = arith.addi %mul3A_23, %add3A_24 : i32
      "tpu.region"() ({
        %run_scoped3A = tpu.sem_alloc : memref<!tpu.dma_semaphore, #tpu.memory_space<semaphore_mem>>
        %dma_start3A_69 = arith.constant 0 : i32
        %dma_start3A_70 = tpu.memref_slice %arg11[%add3A_25, %dma_start3A_69] : memref<10240x128xf32, #tpu.memory_space<vmem_shared>> -> memref<128x128xf32, #tpu.memory_space<vmem_shared>>
        %dma_start3A_71 = arith.constant 0 : i32
        %dma_start3A_72 = tpu.memref_slice %arg11[%add3A_25, %dma_start3A_71] : memref<10240x128xf32, #tpu.memory_space<vmem_shared>> -> memref<128x128xf32, #tpu.memory_space<vmem_shared>>
        tpu.enqueue_dma source(%arg9 : memref<128x128xf32, #tpu.memory_space<vmem>>) target(%dma_start3A_72 : memref<128x128xf32, #tpu.memory_space<vmem_shared>>) target_semaphore(%run_scoped3A : memref<!tpu.dma_semaphore, #tpu.memory_space<semaphore_mem>>)
        %dma_wait3A = arith.constant 0 : i32
        %dma_wait3A_73 = tpu.memref_slice %arg11[%add3A_25, %dma_wait3A] : memref<10240x128xf32, #tpu.memory_space<vmem_shared>> -> memref<128x128xf32, #tpu.memory_space<vmem_shared>>
        %dma_wait3A_74 = arith.constant 0 : i32
        %dma_wait3A_75 = tpu.memref_slice %arg11[%add3A_25, %dma_wait3A_74] : memref<10240x128xf32, #tpu.memory_space<vmem_shared>> -> memref<128x128xf32, #tpu.memory_space<vmem_shared>>
        tpu.wait_dma2 semaphore(%run_scoped3A : memref<!tpu.dma_semaphore, #tpu.memory_space<semaphore_mem>>) src(%arg9 : memref<128x128xf32, #tpu.memory_space<vmem>>) dst(%dma_wait3A_75 : memref<128x128xf32, #tpu.memory_space<vmem_shared>>)
        tpu.yield
      }) : () -> ()
      %scan3A_26 = arith.constant 0 : i32
      %scan3A_27 = arith.constant 0 : i32
      %scan3A_28 = arith.constant 640 : i32
      %scan3A_29 = arith.addi %scan3A_27, %scan3A_28 : i32
      %scan3A_30 = arith.constant 1 : i32
      scf.for %scan3A_69 = %scan3A_27 to %scan3A_29 step %scan3A_30  : i32 {
        %mul3A_70 = arith.constant 16 : i32
        %mul3A_71 = arith.muli %scan3A_69, %mul3A_70 : i32
        %get3A = arith.index_cast %mul3A_71 : i32 to index
        %get3A_72 = tpu.vector_load %arg7[%get3A] {strides = array<i32>} : memref<10240xi32, #tpu.memory_space<vmem>>, vector<16xi32>,
        %get3A_73 = vector.shape_cast %get3A_72 : vector<16xi32> to vector<16xi32>
        %eq3A = arith.constant 0 : i32
        %eq3A_74 = arith.cmpi eq, %scan3A_6, %eq3A : i32
        %mul3A_75 = arith.constant 8 : i32
        %mul3A_76 = vector.broadcast %mul3A_75 : i32 to vector<16xi32>
        %mul3A_77 = arith.muli %get3A_73, %mul3A_76 : vector<16xi32>
        %mul3A_78 = arith.constant 4 : i32
        %mul3A_79 = arith.muli %arg0, %mul3A_78 : i32
        %add3A_80 = vector.broadcast %mul3A_79 : i32 to vector<16xi32>
        %add3A_81 = arith.addi %mul3A_77, %add3A_80 : vector<16xi32>
        %add3A_82 = arith.constant 1 : i32
        %add3A_83 = vector.broadcast %add3A_82 : i32 to vector<16xi32>
        %add3A_84 = arith.addi %get3A_73, %add3A_83 : vector<16xi32>
        %select_n3A = arith.select %eq3A_74, %add3A_81, %add3A_84 : vector<16xi32>
        %mul3A_85 = arith.constant 16 : i32
        %mul3A_86 = arith.muli %scan3A_69, %mul3A_85 : i32
        %swap3A = arith.index_cast %mul3A_86 : i32 to index
        %swap3A_87 = tpu.vector_load %arg7[%swap3A] {strides = array<i32>} : memref<10240xi32, #tpu.memory_space<vmem>>, vector<16xi32>,
        %swap3A_88 = vector.shape_cast %swap3A_87 : vector<16xi32> to vector<16xi32>
        %swap3A_89 = vector.shape_cast %select_n3A : vector<16xi32> to vector<16xi32>
        tpu.vector_store %arg7[%swap3A], %swap3A_89 {strides = array<i32>} : memref<10240xi32, #tpu.memory_space<vmem>>, vector<16xi32>,
      }
      %scan3A_31 = arith.constant 640 : i32
      %barrier3A = arith.constant 0 : index
      tpu.barrier barrier_id(%barrier3A)
      %mul3A_32 = arith.constant 80 : i32
      %mul3A_33 = arith.muli %arg1, %mul3A_32 : i32
      %add3A_34 = arith.constant 0 : i32
      %add3A_35 = arith.addi %mul3A_33, %add3A_34 : i32
      "tpu.region"() ({
        %run_scoped3A = tpu.sem_alloc : memref<!tpu.dma_semaphore, #tpu.memory_space<semaphore_mem>>
        %dma_start3A_69 = arith.constant 0 : i32
        %dma_start3A_70 = tpu.memref_slice %arg4[%add3A_35, %dma_start3A_69] : memref<1280x128xi32, #tpu.memory_space<hbm>> -> memref<40x128xi32, #tpu.memory_space<hbm>>
        %dma_start3A_71 = arith.constant 0 : i32
        %dma_start3A_72 = tpu.memref_slice %arg4[%add3A_35, %dma_start3A_71] : memref<1280x128xi32, #tpu.memory_space<hbm>> -> memref<40x128xi32, #tpu.memory_space<hbm>>
        tpu.enqueue_dma source(%dma_start3A_72 : memref<40x128xi32, #tpu.memory_space<hbm>>) target(%arg8 : memref<40x128xi32, #tpu.memory_space<vmem>>) target_semaphore(%run_scoped3A : memref<!tpu.dma_semaphore, #tpu.memory_space<semaphore_mem>>)
        %dma_wait3A = arith.constant 0 : i32
        %dma_wait3A_73 = tpu.memref_slice %arg4[%add3A_35, %dma_wait3A] : memref<1280x128xi32, #tpu.memory_space<hbm>> -> memref<40x128xi32, #tpu.memory_space<hbm>>
        %dma_wait3A_74 = arith.constant 0 : i32
        %dma_wait3A_75 = tpu.memref_slice %arg4[%add3A_35, %dma_wait3A_74] : memref<1280x128xi32, #tpu.memory_space<hbm>> -> memref<40x128xi32, #tpu.memory_space<hbm>>
        tpu.wait_dma2 semaphore(%run_scoped3A : memref<!tpu.dma_semaphore, #tpu.memory_space<semaphore_mem>>) src(%dma_wait3A_75 : memref<40x128xi32, #tpu.memory_space<hbm>>) dst(%arg8 : memref<40x128xi32, #tpu.memory_space<vmem>>)
        tpu.yield
      }) : () -> ()
      %dma_start3A = arith.constant 0 : i32
      %dma_start3A_36 = tpu.memref_slice %arg7[%dma_start3A] : memref<10240xi32, #tpu.memory_space<vmem>> -> memref<128xi32, #tpu.memory_space<vmem>>
      %dma_start3A_37 = arith.constant 0 : i32
      %dma_start3A_38 = arith.constant 0 : i32
      %dma_start3A_39 = tpu.memref_slice %arg2[%dma_start3A_37, %dma_start3A_38] : memref<80000x128xf32, #tpu.memory_space<hbm>> -> memref<80000x128xf32, #tpu.memory_space<hbm>>
      tpu.enqueue_indirect_dma source(%dma_start3A_39 : memref<80000x128xf32, #tpu.memory_space<hbm>>) target(%arg9 : memref<128x128xf32, #tpu.memory_space<vmem>>) offsets(%dma_start3A_36 : memref<128xi32, #tpu.memory_space<vmem>>) semaphore(%arg12 : memref<!tpu.dma_semaphore, #tpu.memory_space<semaphore_mem>>)
      %scan3A_40 = arith.constant 0 : i32
      %scan3A_41 = arith.constant 0 : i32
      %scan3A_42 = arith.constant 20 : i32
      %scan3A_43 = arith.addi %scan3A_41, %scan3A_42 : i32
      %scan3A_44 = arith.constant 1 : i32
      scf.for %scan3A_69 = %scan3A_41 to %scan3A_43 step %scan3A_44  : i32 {
        %mul3A_70 = arith.constant 2 : i32
        %mul3A_71 = arith.muli %mul3A_70, %scan3A_69 : i32
        %add3A_72 = arith.constant 0 : i32
        %add3A_73 = arith.addi %add3A_72, %mul3A_71 : i32
        %add3A_74 = arith.constant 1 : i32
        %add3A_75 = arith.addi %add3A_73, %add3A_74 : i32
        %mul3A_76 = arith.constant 128 : i32
        %mul3A_77 = arith.muli %add3A_75, %mul3A_76 : i32
        %dma_start3A_78 = tpu.memref_slice %arg7[%mul3A_77] : memref<10240xi32, #tpu.memory_space<vmem>> -> memref<128xi32, #tpu.memory_space<vmem>>
        %dma_start3A_79 = arith.constant 0 : i32
        %dma_start3A_80 = arith.constant 0 : i32
        %dma_start3A_81 = tpu.memref_slice %arg2[%dma_start3A_79, %dma_start3A_80] : memref<80000x128xf32, #tpu.memory_space<hbm>> -> memref<80000x128xf32, #tpu.memory_space<hbm>>
        tpu.enqueue_indirect_dma source(%dma_start3A_81 : memref<80000x128xf32, #tpu.memory_space<hbm>>) target(%arg10 : memref<128x128xf32, #tpu.memory_space<vmem>>) offsets(%dma_start3A_78 : memref<128xi32, #tpu.memory_space<vmem>>) semaphore(%arg13 : memref<!tpu.dma_semaphore, #tpu.memory_space<semaphore_mem>>)
        %mul3A_82 = arith.constant 128 : i32
        %mul3A_83 = arith.muli %add3A_73, %mul3A_82 : i32
        %dma_wait3A = tpu.memref_slice %arg7[%mul3A_83] : memref<10240xi32, #tpu.memory_space<vmem>> -> memref<128xi32, #tpu.memory_space<vmem>>
        %dma_wait3A_84 = arith.constant 0 : i32
        %dma_wait3A_85 = arith.constant 0 : i32
        %dma_wait3A_86 = tpu.memref_slice %arg2[%dma_wait3A_84, %dma_wait3A_85] : memref<80000x128xf32, #tpu.memory_space<hbm>> -> memref<80000x128xf32, #tpu.memory_space<hbm>>
        tpu.wait_indirect_dma semaphore(%arg12 : memref<!tpu.dma_semaphore, #tpu.memory_space<semaphore_mem>>) src(%dma_wait3A_86 : memref<80000x128xf32, #tpu.memory_space<hbm>>) dst(%arg9 : memref<128x128xf32, #tpu.memory_space<vmem>>)
        %mul3A_87 = arith.constant 2 : i32
        %mul3A_88 = arith.muli %mul3A_87, %scan3A_69 : i32
        "tpu.region"() ({
          %run_scoped3A = tpu.sem_alloc : memref<!tpu.dma_semaphore, #tpu.memory_space<semaphore_mem>>
          %dma_start3A_105 = arith.constant 0 : i32
          %dma_start3A_106 = tpu.memref_slice %arg8[%mul3A_88, %dma_start3A_105] : memref<40x128xi32, #tpu.memory_space<vmem>> -> memref<1x128xi32, #tpu.memory_space<vmem>>
          %dma_start3A_107 = tpu.memref_squeeze %dma_start3A_106 : memref<1x128xi32, #tpu.memory_space<vmem>> -> memref<128xi32, #tpu.memory_space<vmem>>
          %dma_start3A_108 = arith.constant 0 : i32
          %dma_start3A_109 = arith.constant 0 : i32
          %dma_start3A_110 = tpu.memref_slice %arg11[%dma_start3A_108, %dma_start3A_109] : memref<10240x128xf32, #tpu.memory_space<vmem_shared>> -> memref<10240x128xf32, #tpu.memory_space<vmem_shared>>
          tpu.enqueue_indirect_dma source(%arg9 : memref<128x128xf32, #tpu.memory_space<vmem>>) target(%dma_start3A_110 : memref<10240x128xf32, #tpu.memory_space<vmem_shared>>) offsets(%dma_start3A_107 : memref<128xi32, #tpu.memory_space<vmem>>) semaphore(%run_scoped3A : memref<!tpu.dma_semaphore, #tpu.memory_space<semaphore_mem>>) {add = true}
          %dma_wait3A_111 = arith.constant 0 : i32
          %dma_wait3A_112 = tpu.memref_slice %arg8[%mul3A_88, %dma_wait3A_111] : memref<40x128xi32, #tpu.memory_space<vmem>> -> memref<1x128xi32, #tpu.memory_space<vmem>>
          %dma_wait3A_113 = tpu.memref_squeeze %dma_wait3A_112 : memref<1x128xi32, #tpu.memory_space<vmem>> -> memref<128xi32, #tpu.memory_space<vmem>>
          %dma_wait3A_114 = arith.constant 0 : i32
          %dma_wait3A_115 = arith.constant 0 : i32
          %dma_wait3A_116 = tpu.memref_slice %arg11[%dma_wait3A_114, %dma_wait3A_115] : memref<10240x128xf32, #tpu.memory_space<vmem_shared>> -> memref<10240x128xf32, #tpu.memory_space<vmem_shared>>
          tpu.wait_indirect_dma semaphore(%run_scoped3A : memref<!tpu.dma_semaphore, #tpu.memory_space<semaphore_mem>>) src(%arg9 : memref<128x128xf32, #tpu.memory_space<vmem>>) dst(%dma_wait3A_116 : memref<10240x128xf32, #tpu.memory_space<vmem_shared>>)
          tpu.yield
        }) : () -> ()
        %add3A_89 = arith.constant 1 : i32
        %add3A_90 = arith.addi %scan3A_69, %add3A_89 : i32
        %lt3A = arith.constant 20 : i32
        %lt3A_91 = arith.cmpi slt, %add3A_90, %lt3A : i32
        %convert_element_type3A = arith.extui %lt3A_91 : i1 to i32
        %cond3A = arith.constant 0 : i32
        %cond3A_92 = arith.cmpi ne, %convert_element_type3A, %cond3A : i32
        scf.if %cond3A_92 {
          %add3A_105 = arith.constant 2 : i32
          %add3A_106 = arith.addi %add3A_73, %add3A_105 : i32
          %mul3A_107 = arith.constant 128 : i32
          %mul3A_108 = arith.muli %add3A_106, %mul3A_107 : i32
          %dma_start3A_109 = tpu.memref_slice %arg7[%mul3A_108] : memref<10240xi32, #tpu.memory_space<vmem>> -> memref<128xi32, #tpu.memory_space<vmem>>
          %dma_start3A_110 = arith.constant 0 : i32
          %dma_start3A_111 = arith.constant 0 : i32
          %dma_start3A_112 = tpu.memref_slice %arg2[%dma_start3A_110, %dma_start3A_111] : memref<80000x128xf32, #tpu.memory_space<hbm>> -> memref<80000x128xf32, #tpu.memory_space<hbm>>
          tpu.enqueue_indirect_dma source(%dma_start3A_112 : memref<80000x128xf32, #tpu.memory_space<hbm>>) target(%arg9 : memref<128x128xf32, #tpu.memory_space<vmem>>) offsets(%dma_start3A_109 : memref<128xi32, #tpu.memory_space<vmem>>) semaphore(%arg12 : memref<!tpu.dma_semaphore, #tpu.memory_space<semaphore_mem>>)
        } else {
        }
        %add3A_93 = arith.constant 1 : i32
        %add3A_94 = arith.addi %add3A_73, %add3A_93 : i32
        %mul3A_95 = arith.constant 128 : i32
        %mul3A_96 = arith.muli %add3A_94, %mul3A_95 : i32
        %dma_wait3A_97 = tpu.memref_slice %arg7[%mul3A_96] : memref<10240xi32, #tpu.memory_space<vmem>> -> memref<128xi32, #tpu.memory_space<vmem>>
        %dma_wait3A_98 = arith.constant 0 : i32
        %dma_wait3A_99 = arith.constant 0 : i32
        %dma_wait3A_100 = tpu.memref_slice %arg2[%dma_wait3A_98, %dma_wait3A_99] : memref<80000x128xf32, #tpu.memory_space<hbm>> -> memref<80000x128xf32, #tpu.memory_space<hbm>>
        tpu.wait_indirect_dma semaphore(%arg13 : memref<!tpu.dma_semaphore, #tpu.memory_space<semaphore_mem>>) src(%dma_wait3A_100 : memref<80000x128xf32, #tpu.memory_space<hbm>>) dst(%arg10 : memref<128x128xf32, #tpu.memory_space<vmem>>)
        %mul3A_101 = arith.constant 2 : i32
        %mul3A_102 = arith.muli %mul3A_101, %scan3A_69 : i32
        %add3A_103 = arith.constant 1 : i32
        %add3A_104 = arith.addi %mul3A_102, %add3A_103 : i32
        "tpu.region"() ({
          %run_scoped3A = tpu.sem_alloc : memref<!tpu.dma_semaphore, #tpu.memory_space<semaphore_mem>>
          %dma_start3A_105 = arith.constant 0 : i32
          %dma_start3A_106 = tpu.memref_slice %arg8[%add3A_104, %dma_start3A_105] : memref<40x128xi32, #tpu.memory_space<vmem>> -> memref<1x128xi32, #tpu.memory_space<vmem>>
          %dma_start3A_107 = tpu.memref_squeeze %dma_start3A_106 : memref<1x128xi32, #tpu.memory_space<vmem>> -> memref<128xi32, #tpu.memory_space<vmem>>
          %dma_start3A_108 = arith.constant 0 : i32
          %dma_start3A_109 = arith.constant 0 : i32
          %dma_start3A_110 = tpu.memref_slice %arg11[%dma_start3A_108, %dma_start3A_109] : memref<10240x128xf32, #tpu.memory_space<vmem_shared>> -> memref<10240x128xf32, #tpu.memory_space<vmem_shared>>
          tpu.enqueue_indirect_dma source(%arg10 : memref<128x128xf32, #tpu.memory_space<vmem>>) target(%dma_start3A_110 : memref<10240x128xf32, #tpu.memory_space<vmem_shared>>) offsets(%dma_start3A_107 : memref<128xi32, #tpu.memory_space<vmem>>) semaphore(%run_scoped3A : memref<!tpu.dma_semaphore, #tpu.memory_space<semaphore_mem>>) {add = true}
          %dma_wait3A_111 = arith.constant 0 : i32
          %dma_wait3A_112 = tpu.memref_slice %arg8[%add3A_104, %dma_wait3A_111] : memref<40x128xi32, #tpu.memory_space<vmem>> -> memref<1x128xi32, #tpu.memory_space<vmem>>
          %dma_wait3A_113 = tpu.memref_squeeze %dma_wait3A_112 : memref<1x128xi32, #tpu.memory_space<vmem>> -> memref<128xi32, #tpu.memory_space<vmem>>
          %dma_wait3A_114 = arith.constant 0 : i32
          %dma_wait3A_115 = arith.constant 0 : i32
          %dma_wait3A_116 = tpu.memref_slice %arg11[%dma_wait3A_114, %dma_wait3A_115] : memref<10240x128xf32, #tpu.memory_space<vmem_shared>> -> memref<10240x128xf32, #tpu.memory_space<vmem_shared>>
          tpu.wait_indirect_dma semaphore(%run_scoped3A : memref<!tpu.dma_semaphore, #tpu.memory_space<semaphore_mem>>) src(%arg10 : memref<128x128xf32, #tpu.memory_space<vmem>>) dst(%dma_wait3A_116 : memref<10240x128xf32, #tpu.memory_space<vmem_shared>>)
          tpu.yield
        }) : () -> ()
      }
      %scan3A_45 = arith.constant 20 : i32
      %mul3A_46 = arith.constant 80 : i32
      %mul3A_47 = arith.muli %arg1, %mul3A_46 : i32
      %add3A_48 = arith.constant 40 : i32
      %add3A_49 = arith.addi %mul3A_47, %add3A_48 : i32
      "tpu.region"() ({
        %run_scoped3A = tpu.sem_alloc : memref<!tpu.dma_semaphore, #tpu.memory_space<semaphore_mem>>
        %dma_start3A_69 = arith.constant 0 : i32
        %dma_start3A_70 = tpu.memref_slice %arg4[%add3A_49, %dma_start3A_69] : memref<1280x128xi32, #tpu.memory_space<hbm>> -> memref<40x128xi32, #tpu.memory_space<hbm>>
        %dma_start3A_71 = arith.constant 0 : i32
        %dma_start3A_72 = tpu.memref_slice %arg4[%add3A_49, %dma_start3A_71] : memref<1280x128xi32, #tpu.memory_space<hbm>> -> memref<40x128xi32, #tpu.memory_space<hbm>>
        tpu.enqueue_dma source(%dma_start3A_72 : memref<40x128xi32, #tpu.memory_space<hbm>>) target(%arg8 : memref<40x128xi32, #tpu.memory_space<vmem>>) target_semaphore(%run_scoped3A : memref<!tpu.dma_semaphore, #tpu.memory_space<semaphore_mem>>)
        %dma_wait3A = arith.constant 0 : i32
        %dma_wait3A_73 = tpu.memref_slice %arg4[%add3A_49, %dma_wait3A] : memref<1280x128xi32, #tpu.memory_space<hbm>> -> memref<40x128xi32, #tpu.memory_space<hbm>>
        %dma_wait3A_74 = arith.constant 0 : i32
        %dma_wait3A_75 = tpu.memref_slice %arg4[%add3A_49, %dma_wait3A_74] : memref<1280x128xi32, #tpu.memory_space<hbm>> -> memref<40x128xi32, #tpu.memory_space<hbm>>
        tpu.wait_dma2 semaphore(%run_scoped3A : memref<!tpu.dma_semaphore, #tpu.memory_space<semaphore_mem>>) src(%dma_wait3A_75 : memref<40x128xi32, #tpu.memory_space<hbm>>) dst(%arg8 : memref<40x128xi32, #tpu.memory_space<vmem>>)
        tpu.yield
      }) : () -> ()
      %dma_start3A_50 = arith.constant 5120 : i32
      %dma_start3A_51 = tpu.memref_slice %arg7[%dma_start3A_50] : memref<10240xi32, #tpu.memory_space<vmem>> -> memref<128xi32, #tpu.memory_space<vmem>>
      %dma_start3A_52 = arith.constant 0 : i32
      %dma_start3A_53 = arith.constant 0 : i32
      %dma_start3A_54 = tpu.memref_slice %arg2[%dma_start3A_52, %dma_start3A_53] : memref<80000x128xf32, #tpu.memory_space<hbm>> -> memref<80000x128xf32, #tpu.memory_space<hbm>>
      tpu.enqueue_indirect_dma source(%dma_start3A_54 : memref<80000x128xf32, #tpu.memory_space<hbm>>) target(%arg9 : memref<128x128xf32, #tpu.memory_space<vmem>>) offsets(%dma_start3A_51 : memref<128xi32, #tpu.memory_space<vmem>>) semaphore(%arg12 : memref<!tpu.dma_semaphore, #tpu.memory_space<semaphore_mem>>)
      %scan3A_55 = arith.constant 0 : i32
      %scan3A_56 = arith.constant 0 : i32
      %scan3A_57 = arith.constant 20 : i32
      %scan3A_58 = arith.addi %scan3A_56, %scan3A_57 : i32
      %scan3A_59 = arith.constant 1 : i32
      scf.for %scan3A_69 = %scan3A_56 to %scan3A_58 step %scan3A_59  : i32 {
        %mul3A_70 = arith.constant 2 : i32
        %mul3A_71 = arith.muli %mul3A_70, %scan3A_69 : i32
        %add3A_72 = arith.constant 40 : i32
        %add3A_73 = arith.addi %add3A_72, %mul3A_71 : i32
        %add3A_74 = arith.constant 1 : i32
        %add3A_75 = arith.addi %add3A_73, %add3A_74 : i32
        %mul3A_76 = arith.constant 128 : i32
        %mul3A_77 = arith.muli %add3A_75, %mul3A_76 : i32
        %dma_start3A_78 = tpu.memref_slice %arg7[%mul3A_77] : memref<10240xi32, #tpu.memory_space<vmem>> -> memref<128xi32, #tpu.memory_space<vmem>>
        %dma_start3A_79 = arith.constant 0 : i32
        %dma_start3A_80 = arith.constant 0 : i32
        %dma_start3A_81 = tpu.memref_slice %arg2[%dma_start3A_79, %dma_start3A_80] : memref<80000x128xf32, #tpu.memory_space<hbm>> -> memref<80000x128xf32, #tpu.memory_space<hbm>>
        tpu.enqueue_indirect_dma source(%dma_start3A_81 : memref<80000x128xf32, #tpu.memory_space<hbm>>) target(%arg10 : memref<128x128xf32, #tpu.memory_space<vmem>>) offsets(%dma_start3A_78 : memref<128xi32, #tpu.memory_space<vmem>>) semaphore(%arg13 : memref<!tpu.dma_semaphore, #tpu.memory_space<semaphore_mem>>)
        %mul3A_82 = arith.constant 128 : i32
        %mul3A_83 = arith.muli %add3A_73, %mul3A_82 : i32
        %dma_wait3A = tpu.memref_slice %arg7[%mul3A_83] : memref<10240xi32, #tpu.memory_space<vmem>> -> memref<128xi32, #tpu.memory_space<vmem>>
        %dma_wait3A_84 = arith.constant 0 : i32
        %dma_wait3A_85 = arith.constant 0 : i32
        %dma_wait3A_86 = tpu.memref_slice %arg2[%dma_wait3A_84, %dma_wait3A_85] : memref<80000x128xf32, #tpu.memory_space<hbm>> -> memref<80000x128xf32, #tpu.memory_space<hbm>>
        tpu.wait_indirect_dma semaphore(%arg12 : memref<!tpu.dma_semaphore, #tpu.memory_space<semaphore_mem>>) src(%dma_wait3A_86 : memref<80000x128xf32, #tpu.memory_space<hbm>>) dst(%arg9 : memref<128x128xf32, #tpu.memory_space<vmem>>)
        %mul3A_87 = arith.constant 2 : i32
        %mul3A_88 = arith.muli %mul3A_87, %scan3A_69 : i32
        "tpu.region"() ({
          %run_scoped3A = tpu.sem_alloc : memref<!tpu.dma_semaphore, #tpu.memory_space<semaphore_mem>>
          %dma_start3A_105 = arith.constant 0 : i32
          %dma_start3A_106 = tpu.memref_slice %arg8[%mul3A_88, %dma_start3A_105] : memref<40x128xi32, #tpu.memory_space<vmem>> -> memref<1x128xi32, #tpu.memory_space<vmem>>
          %dma_start3A_107 = tpu.memref_squeeze %dma_start3A_106 : memref<1x128xi32, #tpu.memory_space<vmem>> -> memref<128xi32, #tpu.memory_space<vmem>>
          %dma_start3A_108 = arith.constant 0 : i32
          %dma_start3A_109 = arith.constant 0 : i32
          %dma_start3A_110 = tpu.memref_slice %arg11[%dma_start3A_108, %dma_start3A_109] : memref<10240x128xf32, #tpu.memory_space<vmem_shared>> -> memref<10240x128xf32, #tpu.memory_space<vmem_shared>>
          tpu.enqueue_indirect_dma source(%arg9 : memref<128x128xf32, #tpu.memory_space<vmem>>) target(%dma_start3A_110 : memref<10240x128xf32, #tpu.memory_space<vmem_shared>>) offsets(%dma_start3A_107 : memref<128xi32, #tpu.memory_space<vmem>>) semaphore(%run_scoped3A : memref<!tpu.dma_semaphore, #tpu.memory_space<semaphore_mem>>) {add = true}
          %dma_wait3A_111 = arith.constant 0 : i32
          %dma_wait3A_112 = tpu.memref_slice %arg8[%mul3A_88, %dma_wait3A_111] : memref<40x128xi32, #tpu.memory_space<vmem>> -> memref<1x128xi32, #tpu.memory_space<vmem>>
          %dma_wait3A_113 = tpu.memref_squeeze %dma_wait3A_112 : memref<1x128xi32, #tpu.memory_space<vmem>> -> memref<128xi32, #tpu.memory_space<vmem>>
          %dma_wait3A_114 = arith.constant 0 : i32
          %dma_wait3A_115 = arith.constant 0 : i32
          %dma_wait3A_116 = tpu.memref_slice %arg11[%dma_wait3A_114, %dma_wait3A_115] : memref<10240x128xf32, #tpu.memory_space<vmem_shared>> -> memref<10240x128xf32, #tpu.memory_space<vmem_shared>>
          tpu.wait_indirect_dma semaphore(%run_scoped3A : memref<!tpu.dma_semaphore, #tpu.memory_space<semaphore_mem>>) src(%arg9 : memref<128x128xf32, #tpu.memory_space<vmem>>) dst(%dma_wait3A_116 : memref<10240x128xf32, #tpu.memory_space<vmem_shared>>)
          tpu.yield
        }) : () -> ()
        %add3A_89 = arith.constant 1 : i32
        %add3A_90 = arith.addi %scan3A_69, %add3A_89 : i32
        %lt3A = arith.constant 20 : i32
        %lt3A_91 = arith.cmpi slt, %add3A_90, %lt3A : i32
        %convert_element_type3A = arith.extui %lt3A_91 : i1 to i32
        %cond3A = arith.constant 0 : i32
        %cond3A_92 = arith.cmpi ne, %convert_element_type3A, %cond3A : i32
        scf.if %cond3A_92 {
          %add3A_105 = arith.constant 2 : i32
          %add3A_106 = arith.addi %add3A_73, %add3A_105 : i32
          %mul3A_107 = arith.constant 128 : i32
          %mul3A_108 = arith.muli %add3A_106, %mul3A_107 : i32
          %dma_start3A_109 = tpu.memref_slice %arg7[%mul3A_108] : memref<10240xi32, #tpu.memory_space<vmem>> -> memref<128xi32, #tpu.memory_space<vmem>>
          %dma_start3A_110 = arith.constant 0 : i32
          %dma_start3A_111 = arith.constant 0 : i32
          %dma_start3A_112 = tpu.memref_slice %arg2[%dma_start3A_110, %dma_start3A_111] : memref<80000x128xf32, #tpu.memory_space<hbm>> -> memref<80000x128xf32, #tpu.memory_space<hbm>>
          tpu.enqueue_indirect_dma source(%dma_start3A_112 : memref<80000x128xf32, #tpu.memory_space<hbm>>) target(%arg9 : memref<128x128xf32, #tpu.memory_space<vmem>>) offsets(%dma_start3A_109 : memref<128xi32, #tpu.memory_space<vmem>>) semaphore(%arg12 : memref<!tpu.dma_semaphore, #tpu.memory_space<semaphore_mem>>)
        } else {
        }
        %add3A_93 = arith.constant 1 : i32
        %add3A_94 = arith.addi %add3A_73, %add3A_93 : i32
        %mul3A_95 = arith.constant 128 : i32
        %mul3A_96 = arith.muli %add3A_94, %mul3A_95 : i32
        %dma_wait3A_97 = tpu.memref_slice %arg7[%mul3A_96] : memref<10240xi32, #tpu.memory_space<vmem>> -> memref<128xi32, #tpu.memory_space<vmem>>
        %dma_wait3A_98 = arith.constant 0 : i32
        %dma_wait3A_99 = arith.constant 0 : i32
        %dma_wait3A_100 = tpu.memref_slice %arg2[%dma_wait3A_98, %dma_wait3A_99] : memref<80000x128xf32, #tpu.memory_space<hbm>> -> memref<80000x128xf32, #tpu.memory_space<hbm>>
        tpu.wait_indirect_dma semaphore(%arg13 : memref<!tpu.dma_semaphore, #tpu.memory_space<semaphore_mem>>) src(%dma_wait3A_100 : memref<80000x128xf32, #tpu.memory_space<hbm>>) dst(%arg10 : memref<128x128xf32, #tpu.memory_space<vmem>>)
        %mul3A_101 = arith.constant 2 : i32
        %mul3A_102 = arith.muli %mul3A_101, %scan3A_69 : i32
        %add3A_103 = arith.constant 1 : i32
        %add3A_104 = arith.addi %mul3A_102, %add3A_103 : i32
        "tpu.region"() ({
          %run_scoped3A = tpu.sem_alloc : memref<!tpu.dma_semaphore, #tpu.memory_space<semaphore_mem>>
          %dma_start3A_105 = arith.constant 0 : i32
          %dma_start3A_106 = tpu.memref_slice %arg8[%add3A_104, %dma_start3A_105] : memref<40x128xi32, #tpu.memory_space<vmem>> -> memref<1x128xi32, #tpu.memory_space<vmem>>
          %dma_start3A_107 = tpu.memref_squeeze %dma_start3A_106 : memref<1x128xi32, #tpu.memory_space<vmem>> -> memref<128xi32, #tpu.memory_space<vmem>>
          %dma_start3A_108 = arith.constant 0 : i32
          %dma_start3A_109 = arith.constant 0 : i32
          %dma_start3A_110 = tpu.memref_slice %arg11[%dma_start3A_108, %dma_start3A_109] : memref<10240x128xf32, #tpu.memory_space<vmem_shared>> -> memref<10240x128xf32, #tpu.memory_space<vmem_shared>>
          tpu.enqueue_indirect_dma source(%arg10 : memref<128x128xf32, #tpu.memory_space<vmem>>) target(%dma_start3A_110 : memref<10240x128xf32, #tpu.memory_space<vmem_shared>>) offsets(%dma_start3A_107 : memref<128xi32, #tpu.memory_space<vmem>>) semaphore(%run_scoped3A : memref<!tpu.dma_semaphore, #tpu.memory_space<semaphore_mem>>) {add = true}
          %dma_wait3A_111 = arith.constant 0 : i32
          %dma_wait3A_112 = tpu.memref_slice %arg8[%add3A_104, %dma_wait3A_111] : memref<40x128xi32, #tpu.memory_space<vmem>> -> memref<1x128xi32, #tpu.memory_space<vmem>>
          %dma_wait3A_113 = tpu.memref_squeeze %dma_wait3A_112 : memref<1x128xi32, #tpu.memory_space<vmem>> -> memref<128xi32, #tpu.memory_space<vmem>>
          %dma_wait3A_114 = arith.constant 0 : i32
          %dma_wait3A_115 = arith.constant 0 : i32
          %dma_wait3A_116 = tpu.memref_slice %arg11[%dma_wait3A_114, %dma_wait3A_115] : memref<10240x128xf32, #tpu.memory_space<vmem_shared>> -> memref<10240x128xf32, #tpu.memory_space<vmem_shared>>
          tpu.wait_indirect_dma semaphore(%run_scoped3A : memref<!tpu.dma_semaphore, #tpu.memory_space<semaphore_mem>>) src(%arg10 : memref<128x128xf32, #tpu.memory_space<vmem>>) dst(%dma_wait3A_116 : memref<10240x128xf32, #tpu.memory_space<vmem_shared>>)
          tpu.yield
        }) : () -> ()
      }
      %scan3A_60 = arith.constant 20 : i32
      %barrier3A_61 = arith.constant 0 : index
      tpu.barrier barrier_id(%barrier3A_61)
      %mul3A_62 = arith.constant 640 : i32
      %mul3A_63 = arith.muli %arg1, %mul3A_62 : i32
      %mul3A_64 = arith.constant 4 : i32
      %mul3A_65 = arith.muli %arg0, %mul3A_64 : i32
      %add3A_66 = arith.addi %mul3A_65, %scan3A_6 : i32
      %mul3A_67 = arith.constant 640 : i32
      %mul3A_68 = arith.muli %arg1, %mul3A_67 : i32
      "tpu.region"() ({
        %run_scoped3A = tpu.sem_alloc : memref<!tpu.dma_semaphore, #tpu.memory_space<semaphore_mem>>
        %dma_start3A_69 = arith.constant 0 : i32
        %dma_start3A_70 = tpu.memref_slice %arg6[%add3A_66, %mul3A_68, %dma_start3A_69] : memref<8x10240x128xf32, #tpu.memory_space<hbm>> -> memref<1x640x128xf32, #tpu.memory_space<hbm>>
        %dma_start3A_71 = tpu.memref_squeeze %dma_start3A_70 : memref<1x640x128xf32, #tpu.memory_space<hbm>> -> memref<640x128xf32, #tpu.memory_space<hbm>>
        %dma_start3A_72 = arith.constant 0 : i32
        %dma_start3A_73 = tpu.memref_slice %arg11[%mul3A_63, %dma_start3A_72] : memref<10240x128xf32, #tpu.memory_space<vmem_shared>> -> memref<640x128xf32, #tpu.memory_space<vmem_shared>>
        tpu.enqueue_dma source(%dma_start3A_73 : memref<640x128xf32, #tpu.memory_space<vmem_shared>>) target(%dma_start3A_71 : memref<640x128xf32, #tpu.memory_space<hbm>>) target_semaphore(%run_scoped3A : memref<!tpu.dma_semaphore, #tpu.memory_space<semaphore_mem>>)
        %dma_wait3A = arith.constant 0 : i32
        %dma_wait3A_74 = tpu.memref_slice %arg6[%add3A_66, %mul3A_68, %dma_wait3A] : memref<8x10240x128xf32, #tpu.memory_space<hbm>> -> memref<1x640x128xf32, #tpu.memory_space<hbm>>
        %dma_wait3A_75 = tpu.memref_squeeze %dma_wait3A_74 : memref<1x640x128xf32, #tpu.memory_space<hbm>> -> memref<640x128xf32, #tpu.memory_space<hbm>>
        %dma_wait3A_76 = arith.constant 0 : i32
        %dma_wait3A_77 = tpu.memref_slice %arg11[%mul3A_63, %dma_wait3A_76] : memref<10240x128xf32, #tpu.memory_space<vmem_shared>> -> memref<640x128xf32, #tpu.memory_space<vmem_shared>>
        tpu.wait_dma2 semaphore(%run_scoped3A : memref<!tpu.dma_semaphore, #tpu.memory_space<semaphore_mem>>) src(%dma_wait3A_77 : memref<640x128xf32, #tpu.memory_space<vmem_shared>>) dst(%dma_wait3A_75 : memref<640x128xf32, #tpu.memory_space<hbm>>)
        tpu.yield
      }) : () -> ()
    }
    %scan3A_5 = arith.constant 4 : i32
    return
  }
}

#map = affine_map<(d0, d1) -> (0, 0)>
#map1 = affine_map<(d0, d1) -> (0)>
#map2 = affine_map<(d0, d1) -> (0, 0, 0)>
module attributes {stable_mosaic.version = 14 : i64} {
  func.func @k(%arg0: i32, %arg1: i32, %arg2: memref<10000x128xf32, #tpu.memory_space<hbm>>, %arg3: memref<163840xi32, #tpu.memory_space<hbm>>, %arg4: memref<1280x128xi32, #tpu.memory_space<hbm>>, %arg5: memref<128x128xf32, #tpu.memory_space<hbm>>, %arg6: memref<2x10240x128xf32, #tpu.memory_space<hbm>>, %arg7: memref<5120xi32, #tpu.memory_space<vmem>>, %arg8: memref<40x128xi32, #tpu.memory_space<vmem>>, %arg9: memref<128x128xf32, #tpu.memory_space<vmem>>, %arg10: memref<128x128xf32, #tpu.memory_space<vmem>>, %arg11: memref<10240x128xf32, #tpu.memory_space<vmem_shared>>) attributes {dimension_semantics = [#tpu.dimension_semantics<core_parallel>, #tpu.dimension_semantics<subcore_parallel>], iteration_bounds = array<i64: 2, 16>, scalar_prefetch = 0 : i64, scratch_operands = 5 : i64, tpu.core_type = #tpu.core_type<sc_vector_subcore>, window_params = [{transform_indices = #map}, {transform_indices = #map1}, {transform_indices = #map}, {transform_indices = #map}, {transform_indices = #map2}]} {
    %mul3A = arith.constant 16 : i32
    %mul3A_0 = arith.muli %arg0, %mul3A : i32
    %add3A = arith.addi %mul3A_0, %arg1 : i32
    %mul3A_1 = arith.constant 5120 : i32
    %mul3A_2 = arith.muli %add3A, %mul3A_1 : i32
    "tpu.region"() ({
      %run_scoped3A = tpu.sem_alloc : memref<!tpu.dma_semaphore, #tpu.memory_space<semaphore_mem>>
      %dma_start3A = tpu.memref_slice %arg3[%mul3A_2] : memref<163840xi32, #tpu.memory_space<hbm>> -> memref<5120xi32, #tpu.memory_space<hbm>>
      %dma_start3A_35 = tpu.memref_slice %arg3[%mul3A_2] : memref<163840xi32, #tpu.memory_space<hbm>> -> memref<5120xi32, #tpu.memory_space<hbm>>
      tpu.enqueue_dma source(%dma_start3A_35 : memref<5120xi32, #tpu.memory_space<hbm>>) target(%arg7 : memref<5120xi32, #tpu.memory_space<vmem>>) target_semaphore(%run_scoped3A : memref<!tpu.dma_semaphore, #tpu.memory_space<semaphore_mem>>)
      %dma_wait3A = tpu.memref_slice %arg3[%mul3A_2] : memref<163840xi32, #tpu.memory_space<hbm>> -> memref<5120xi32, #tpu.memory_space<hbm>>
      %dma_wait3A_36 = tpu.memref_slice %arg3[%mul3A_2] : memref<163840xi32, #tpu.memory_space<hbm>> -> memref<5120xi32, #tpu.memory_space<hbm>>
      tpu.wait_dma2 semaphore(%run_scoped3A : memref<!tpu.dma_semaphore, #tpu.memory_space<semaphore_mem>>) src(%dma_wait3A_36 : memref<5120xi32, #tpu.memory_space<hbm>>) dst(%arg7 : memref<5120xi32, #tpu.memory_space<vmem>>)
      tpu.yield
    }) : () -> ()
    %mul3A_3 = arith.constant 40 : i32
    %mul3A_4 = arith.muli %add3A, %mul3A_3 : i32
    "tpu.region"() ({
      %run_scoped3A = tpu.sem_alloc : memref<!tpu.dma_semaphore, #tpu.memory_space<semaphore_mem>>
      %dma_start3A = arith.constant 0 : i32
      %dma_start3A_35 = tpu.memref_slice %arg4[%mul3A_4, %dma_start3A] : memref<1280x128xi32, #tpu.memory_space<hbm>> -> memref<40x128xi32, #tpu.memory_space<hbm>>
      %dma_start3A_36 = arith.constant 0 : i32
      %dma_start3A_37 = tpu.memref_slice %arg4[%mul3A_4, %dma_start3A_36] : memref<1280x128xi32, #tpu.memory_space<hbm>> -> memref<40x128xi32, #tpu.memory_space<hbm>>
      tpu.enqueue_dma source(%dma_start3A_37 : memref<40x128xi32, #tpu.memory_space<hbm>>) target(%arg8 : memref<40x128xi32, #tpu.memory_space<vmem>>) target_semaphore(%run_scoped3A : memref<!tpu.dma_semaphore, #tpu.memory_space<semaphore_mem>>)
      %dma_wait3A = arith.constant 0 : i32
      %dma_wait3A_38 = tpu.memref_slice %arg4[%mul3A_4, %dma_wait3A] : memref<1280x128xi32, #tpu.memory_space<hbm>> -> memref<40x128xi32, #tpu.memory_space<hbm>>
      %dma_wait3A_39 = arith.constant 0 : i32
      %dma_wait3A_40 = tpu.memref_slice %arg4[%mul3A_4, %dma_wait3A_39] : memref<1280x128xi32, #tpu.memory_space<hbm>> -> memref<40x128xi32, #tpu.memory_space<hbm>>
      tpu.wait_dma2 semaphore(%run_scoped3A : memref<!tpu.dma_semaphore, #tpu.memory_space<semaphore_mem>>) src(%dma_wait3A_40 : memref<40x128xi32, #tpu.memory_space<hbm>>) dst(%arg8 : memref<40x128xi32, #tpu.memory_space<vmem>>)
      tpu.yield
    }) : () -> ()
    "tpu.region"() ({
      %run_scoped3A = tpu.sem_alloc : memref<!tpu.dma_semaphore, #tpu.memory_space<semaphore_mem>>
      tpu.enqueue_dma source(%arg5 : memref<128x128xf32, #tpu.memory_space<hbm>>) target(%arg10 : memref<128x128xf32, #tpu.memory_space<vmem>>) target_semaphore(%run_scoped3A : memref<!tpu.dma_semaphore, #tpu.memory_space<semaphore_mem>>)
      tpu.wait_dma2 semaphore(%run_scoped3A : memref<!tpu.dma_semaphore, #tpu.memory_space<semaphore_mem>>) src(%arg5 : memref<128x128xf32, #tpu.memory_space<hbm>>) dst(%arg10 : memref<128x128xf32, #tpu.memory_space<vmem>>)
      tpu.yield
    }) : () -> ()
    %mul3A_5 = arith.constant 640 : i32
    %mul3A_6 = arith.muli %arg1, %mul3A_5 : i32
    %add3A_7 = arith.constant 0 : i32
    %add3A_8 = arith.addi %mul3A_6, %add3A_7 : i32
    "tpu.region"() ({
      %run_scoped3A = tpu.sem_alloc : memref<!tpu.dma_semaphore, #tpu.memory_space<semaphore_mem>>
      %dma_start3A = arith.constant 0 : i32
      %dma_start3A_35 = tpu.memref_slice %arg11[%add3A_8, %dma_start3A] : memref<10240x128xf32, #tpu.memory_space<vmem_shared>> -> memref<128x128xf32, #tpu.memory_space<vmem_shared>>
      %dma_start3A_36 = arith.constant 0 : i32
      %dma_start3A_37 = tpu.memref_slice %arg11[%add3A_8, %dma_start3A_36] : memref<10240x128xf32, #tpu.memory_space<vmem_shared>> -> memref<128x128xf32, #tpu.memory_space<vmem_shared>>
      tpu.enqueue_dma source(%arg10 : memref<128x128xf32, #tpu.memory_space<vmem>>) target(%dma_start3A_37 : memref<128x128xf32, #tpu.memory_space<vmem_shared>>) target_semaphore(%run_scoped3A : memref<!tpu.dma_semaphore, #tpu.memory_space<semaphore_mem>>)
      %dma_wait3A = arith.constant 0 : i32
      %dma_wait3A_38 = tpu.memref_slice %arg11[%add3A_8, %dma_wait3A] : memref<10240x128xf32, #tpu.memory_space<vmem_shared>> -> memref<128x128xf32, #tpu.memory_space<vmem_shared>>
      %dma_wait3A_39 = arith.constant 0 : i32
      %dma_wait3A_40 = tpu.memref_slice %arg11[%add3A_8, %dma_wait3A_39] : memref<10240x128xf32, #tpu.memory_space<vmem_shared>> -> memref<128x128xf32, #tpu.memory_space<vmem_shared>>
      tpu.wait_dma2 semaphore(%run_scoped3A : memref<!tpu.dma_semaphore, #tpu.memory_space<semaphore_mem>>) src(%arg10 : memref<128x128xf32, #tpu.memory_space<vmem>>) dst(%dma_wait3A_40 : memref<128x128xf32, #tpu.memory_space<vmem_shared>>)
      tpu.yield
    }) : () -> ()
    %mul3A_9 = arith.constant 640 : i32
    %mul3A_10 = arith.muli %arg1, %mul3A_9 : i32
    %add3A_11 = arith.constant 128 : i32
    %add3A_12 = arith.addi %mul3A_10, %add3A_11 : i32
    "tpu.region"() ({
      %run_scoped3A = tpu.sem_alloc : memref<!tpu.dma_semaphore, #tpu.memory_space<semaphore_mem>>
      %dma_start3A = arith.constant 0 : i32
      %dma_start3A_35 = tpu.memref_slice %arg11[%add3A_12, %dma_start3A] : memref<10240x128xf32, #tpu.memory_space<vmem_shared>> -> memref<128x128xf32, #tpu.memory_space<vmem_shared>>
      %dma_start3A_36 = arith.constant 0 : i32
      %dma_start3A_37 = tpu.memref_slice %arg11[%add3A_12, %dma_start3A_36] : memref<10240x128xf32, #tpu.memory_space<vmem_shared>> -> memref<128x128xf32, #tpu.memory_space<vmem_shared>>
      tpu.enqueue_dma source(%arg10 : memref<128x128xf32, #tpu.memory_space<vmem>>) target(%dma_start3A_37 : memref<128x128xf32, #tpu.memory_space<vmem_shared>>) target_semaphore(%run_scoped3A : memref<!tpu.dma_semaphore, #tpu.memory_space<semaphore_mem>>)
      %dma_wait3A = arith.constant 0 : i32
      %dma_wait3A_38 = tpu.memref_slice %arg11[%add3A_12, %dma_wait3A] : memref<10240x128xf32, #tpu.memory_space<vmem_shared>> -> memref<128x128xf32, #tpu.memory_space<vmem_shared>>
      %dma_wait3A_39 = arith.constant 0 : i32
      %dma_wait3A_40 = tpu.memref_slice %arg11[%add3A_12, %dma_wait3A_39] : memref<10240x128xf32, #tpu.memory_space<vmem_shared>> -> memref<128x128xf32, #tpu.memory_space<vmem_shared>>
      tpu.wait_dma2 semaphore(%run_scoped3A : memref<!tpu.dma_semaphore, #tpu.memory_space<semaphore_mem>>) src(%arg10 : memref<128x128xf32, #tpu.memory_space<vmem>>) dst(%dma_wait3A_40 : memref<128x128xf32, #tpu.memory_space<vmem_shared>>)
      tpu.yield
    }) : () -> ()
    %mul3A_13 = arith.constant 640 : i32
    %mul3A_14 = arith.muli %arg1, %mul3A_13 : i32
    %add3A_15 = arith.constant 256 : i32
    %add3A_16 = arith.addi %mul3A_14, %add3A_15 : i32
    "tpu.region"() ({
      %run_scoped3A = tpu.sem_alloc : memref<!tpu.dma_semaphore, #tpu.memory_space<semaphore_mem>>
      %dma_start3A = arith.constant 0 : i32
      %dma_start3A_35 = tpu.memref_slice %arg11[%add3A_16, %dma_start3A] : memref<10240x128xf32, #tpu.memory_space<vmem_shared>> -> memref<128x128xf32, #tpu.memory_space<vmem_shared>>
      %dma_start3A_36 = arith.constant 0 : i32
      %dma_start3A_37 = tpu.memref_slice %arg11[%add3A_16, %dma_start3A_36] : memref<10240x128xf32, #tpu.memory_space<vmem_shared>> -> memref<128x128xf32, #tpu.memory_space<vmem_shared>>
      tpu.enqueue_dma source(%arg10 : memref<128x128xf32, #tpu.memory_space<vmem>>) target(%dma_start3A_37 : memref<128x128xf32, #tpu.memory_space<vmem_shared>>) target_semaphore(%run_scoped3A : memref<!tpu.dma_semaphore, #tpu.memory_space<semaphore_mem>>)
      %dma_wait3A = arith.constant 0 : i32
      %dma_wait3A_38 = tpu.memref_slice %arg11[%add3A_16, %dma_wait3A] : memref<10240x128xf32, #tpu.memory_space<vmem_shared>> -> memref<128x128xf32, #tpu.memory_space<vmem_shared>>
      %dma_wait3A_39 = arith.constant 0 : i32
      %dma_wait3A_40 = tpu.memref_slice %arg11[%add3A_16, %dma_wait3A_39] : memref<10240x128xf32, #tpu.memory_space<vmem_shared>> -> memref<128x128xf32, #tpu.memory_space<vmem_shared>>
      tpu.wait_dma2 semaphore(%run_scoped3A : memref<!tpu.dma_semaphore, #tpu.memory_space<semaphore_mem>>) src(%arg10 : memref<128x128xf32, #tpu.memory_space<vmem>>) dst(%dma_wait3A_40 : memref<128x128xf32, #tpu.memory_space<vmem_shared>>)
      tpu.yield
    }) : () -> ()
    %mul3A_17 = arith.constant 640 : i32
    %mul3A_18 = arith.muli %arg1, %mul3A_17 : i32
    %add3A_19 = arith.constant 384 : i32
    %add3A_20 = arith.addi %mul3A_18, %add3A_19 : i32
    "tpu.region"() ({
      %run_scoped3A = tpu.sem_alloc : memref<!tpu.dma_semaphore, #tpu.memory_space<semaphore_mem>>
      %dma_start3A = arith.constant 0 : i32
      %dma_start3A_35 = tpu.memref_slice %arg11[%add3A_20, %dma_start3A] : memref<10240x128xf32, #tpu.memory_space<vmem_shared>> -> memref<128x128xf32, #tpu.memory_space<vmem_shared>>
      %dma_start3A_36 = arith.constant 0 : i32
      %dma_start3A_37 = tpu.memref_slice %arg11[%add3A_20, %dma_start3A_36] : memref<10240x128xf32, #tpu.memory_space<vmem_shared>> -> memref<128x128xf32, #tpu.memory_space<vmem_shared>>
      tpu.enqueue_dma source(%arg10 : memref<128x128xf32, #tpu.memory_space<vmem>>) target(%dma_start3A_37 : memref<128x128xf32, #tpu.memory_space<vmem_shared>>) target_semaphore(%run_scoped3A : memref<!tpu.dma_semaphore, #tpu.memory_space<semaphore_mem>>)
      %dma_wait3A = arith.constant 0 : i32
      %dma_wait3A_38 = tpu.memref_slice %arg11[%add3A_20, %dma_wait3A] : memref<10240x128xf32, #tpu.memory_space<vmem_shared>> -> memref<128x128xf32, #tpu.memory_space<vmem_shared>>
      %dma_wait3A_39 = arith.constant 0 : i32
      %dma_wait3A_40 = tpu.memref_slice %arg11[%add3A_20, %dma_wait3A_39] : memref<10240x128xf32, #tpu.memory_space<vmem_shared>> -> memref<128x128xf32, #tpu.memory_space<vmem_shared>>
      tpu.wait_dma2 semaphore(%run_scoped3A : memref<!tpu.dma_semaphore, #tpu.memory_space<semaphore_mem>>) src(%arg10 : memref<128x128xf32, #tpu.memory_space<vmem>>) dst(%dma_wait3A_40 : memref<128x128xf32, #tpu.memory_space<vmem_shared>>)
      tpu.yield
    }) : () -> ()
    %mul3A_21 = arith.constant 640 : i32
    %mul3A_22 = arith.muli %arg1, %mul3A_21 : i32
    %add3A_23 = arith.constant 512 : i32
    %add3A_24 = arith.addi %mul3A_22, %add3A_23 : i32
    "tpu.region"() ({
      %run_scoped3A = tpu.sem_alloc : memref<!tpu.dma_semaphore, #tpu.memory_space<semaphore_mem>>
      %dma_start3A = arith.constant 0 : i32
      %dma_start3A_35 = tpu.memref_slice %arg11[%add3A_24, %dma_start3A] : memref<10240x128xf32, #tpu.memory_space<vmem_shared>> -> memref<128x128xf32, #tpu.memory_space<vmem_shared>>
      %dma_start3A_36 = arith.constant 0 : i32
      %dma_start3A_37 = tpu.memref_slice %arg11[%add3A_24, %dma_start3A_36] : memref<10240x128xf32, #tpu.memory_space<vmem_shared>> -> memref<128x128xf32, #tpu.memory_space<vmem_shared>>
      tpu.enqueue_dma source(%arg10 : memref<128x128xf32, #tpu.memory_space<vmem>>) target(%dma_start3A_37 : memref<128x128xf32, #tpu.memory_space<vmem_shared>>) target_semaphore(%run_scoped3A : memref<!tpu.dma_semaphore, #tpu.memory_space<semaphore_mem>>)
      %dma_wait3A = arith.constant 0 : i32
      %dma_wait3A_38 = tpu.memref_slice %arg11[%add3A_24, %dma_wait3A] : memref<10240x128xf32, #tpu.memory_space<vmem_shared>> -> memref<128x128xf32, #tpu.memory_space<vmem_shared>>
      %dma_wait3A_39 = arith.constant 0 : i32
      %dma_wait3A_40 = tpu.memref_slice %arg11[%add3A_24, %dma_wait3A_39] : memref<10240x128xf32, #tpu.memory_space<vmem_shared>> -> memref<128x128xf32, #tpu.memory_space<vmem_shared>>
      tpu.wait_dma2 semaphore(%run_scoped3A : memref<!tpu.dma_semaphore, #tpu.memory_space<semaphore_mem>>) src(%arg10 : memref<128x128xf32, #tpu.memory_space<vmem>>) dst(%dma_wait3A_40 : memref<128x128xf32, #tpu.memory_space<vmem_shared>>)
      tpu.yield
    }) : () -> ()
    %barrier3A = arith.constant 0 : index
    tpu.barrier barrier_id(%barrier3A)
    %scan3A = arith.constant 0 : i32
    %scan3A_25 = arith.constant 0 : i32
    %scan3A_26 = arith.constant 40 : i32
    %scan3A_27 = arith.addi %scan3A_25, %scan3A_26 : i32
    %scan3A_28 = arith.constant 1 : i32
    scf.for %scan3A_35 = %scan3A_25 to %scan3A_27 step %scan3A_28  : i32 {
      %mul3A_36 = arith.constant 128 : i32
      %mul3A_37 = arith.muli %scan3A_35, %mul3A_36 : i32
      "tpu.region"() ({
        %run_scoped3A = tpu.sem_alloc : memref<!tpu.dma_semaphore, #tpu.memory_space<semaphore_mem>>
        %dma_start3A = tpu.memref_slice %arg7[%mul3A_37] : memref<5120xi32, #tpu.memory_space<vmem>> -> memref<128xi32, #tpu.memory_space<vmem>>
        %dma_start3A_38 = arith.constant 0 : i32
        %dma_start3A_39 = arith.constant 0 : i32
        %dma_start3A_40 = tpu.memref_slice %arg2[%dma_start3A_38, %dma_start3A_39] : memref<10000x128xf32, #tpu.memory_space<hbm>> -> memref<10000x128xf32, #tpu.memory_space<hbm>>
        tpu.enqueue_indirect_dma source(%dma_start3A_40 : memref<10000x128xf32, #tpu.memory_space<hbm>>) target(%arg9 : memref<128x128xf32, #tpu.memory_space<vmem>>) offsets(%dma_start3A : memref<128xi32, #tpu.memory_space<vmem>>) semaphore(%run_scoped3A : memref<!tpu.dma_semaphore, #tpu.memory_space<semaphore_mem>>)
        %dma_wait3A = tpu.memref_slice %arg7[%mul3A_37] : memref<5120xi32, #tpu.memory_space<vmem>> -> memref<128xi32, #tpu.memory_space<vmem>>
        %dma_wait3A_41 = arith.constant 0 : i32
        %dma_wait3A_42 = arith.constant 0 : i32
        %dma_wait3A_43 = tpu.memref_slice %arg2[%dma_wait3A_41, %dma_wait3A_42] : memref<10000x128xf32, #tpu.memory_space<hbm>> -> memref<10000x128xf32, #tpu.memory_space<hbm>>
        tpu.wait_indirect_dma semaphore(%run_scoped3A : memref<!tpu.dma_semaphore, #tpu.memory_space<semaphore_mem>>) src(%dma_wait3A_43 : memref<10000x128xf32, #tpu.memory_space<hbm>>) dst(%arg9 : memref<128x128xf32, #tpu.memory_space<vmem>>)
        tpu.yield
      }) : () -> ()
      "tpu.region"() ({
        %run_scoped3A = tpu.sem_alloc : memref<!tpu.dma_semaphore, #tpu.memory_space<semaphore_mem>>
        %dma_start3A = arith.constant 0 : i32
        %dma_start3A_38 = tpu.memref_slice %arg8[%scan3A_35, %dma_start3A] : memref<40x128xi32, #tpu.memory_space<vmem>> -> memref<1x128xi32, #tpu.memory_space<vmem>>
        %dma_start3A_39 = tpu.memref_squeeze %dma_start3A_38 : memref<1x128xi32, #tpu.memory_space<vmem>> -> memref<128xi32, #tpu.memory_space<vmem>>
        %dma_start3A_40 = arith.constant 0 : i32
        %dma_start3A_41 = arith.constant 0 : i32
        %dma_start3A_42 = tpu.memref_slice %arg11[%dma_start3A_40, %dma_start3A_41] : memref<10240x128xf32, #tpu.memory_space<vmem_shared>> -> memref<10240x128xf32, #tpu.memory_space<vmem_shared>>
        tpu.enqueue_indirect_dma source(%arg9 : memref<128x128xf32, #tpu.memory_space<vmem>>) target(%dma_start3A_42 : memref<10240x128xf32, #tpu.memory_space<vmem_shared>>) offsets(%dma_start3A_39 : memref<128xi32, #tpu.memory_space<vmem>>) semaphore(%run_scoped3A : memref<!tpu.dma_semaphore, #tpu.memory_space<semaphore_mem>>) {add = true}
        %dma_wait3A = arith.constant 0 : i32
        %dma_wait3A_43 = tpu.memref_slice %arg8[%scan3A_35, %dma_wait3A] : memref<40x128xi32, #tpu.memory_space<vmem>> -> memref<1x128xi32, #tpu.memory_space<vmem>>
        %dma_wait3A_44 = tpu.memref_squeeze %dma_wait3A_43 : memref<1x128xi32, #tpu.memory_space<vmem>> -> memref<128xi32, #tpu.memory_space<vmem>>
        %dma_wait3A_45 = arith.constant 0 : i32
        %dma_wait3A_46 = arith.constant 0 : i32
        %dma_wait3A_47 = tpu.memref_slice %arg11[%dma_wait3A_45, %dma_wait3A_46] : memref<10240x128xf32, #tpu.memory_space<vmem_shared>> -> memref<10240x128xf32, #tpu.memory_space<vmem_shared>>
        tpu.wait_indirect_dma semaphore(%run_scoped3A : memref<!tpu.dma_semaphore, #tpu.memory_space<semaphore_mem>>) src(%arg9 : memref<128x128xf32, #tpu.memory_space<vmem>>) dst(%dma_wait3A_47 : memref<10240x128xf32, #tpu.memory_space<vmem_shared>>)
        tpu.yield
      }) : () -> ()
    }
    %scan3A_29 = arith.constant 40 : i32
    %barrier3A_30 = arith.constant 0 : index
    tpu.barrier barrier_id(%barrier3A_30)
    %mul3A_31 = arith.constant 640 : i32
    %mul3A_32 = arith.muli %arg1, %mul3A_31 : i32
    %mul3A_33 = arith.constant 640 : i32
    %mul3A_34 = arith.muli %arg1, %mul3A_33 : i32
    "tpu.region"() ({
      %run_scoped3A = tpu.sem_alloc : memref<!tpu.dma_semaphore, #tpu.memory_space<semaphore_mem>>
      %dma_start3A = arith.constant 0 : i32
      %dma_start3A_35 = tpu.memref_slice %arg6[%arg0, %mul3A_34, %dma_start3A] : memref<2x10240x128xf32, #tpu.memory_space<hbm>> -> memref<1x640x128xf32, #tpu.memory_space<hbm>>
      %dma_start3A_36 = tpu.memref_squeeze %dma_start3A_35 : memref<1x640x128xf32, #tpu.memory_space<hbm>> -> memref<640x128xf32, #tpu.memory_space<hbm>>
      %dma_start3A_37 = arith.constant 0 : i32
      %dma_start3A_38 = tpu.memref_slice %arg11[%mul3A_32, %dma_start3A_37] : memref<10240x128xf32, #tpu.memory_space<vmem_shared>> -> memref<640x128xf32, #tpu.memory_space<vmem_shared>>
      tpu.enqueue_dma source(%dma_start3A_38 : memref<640x128xf32, #tpu.memory_space<vmem_shared>>) target(%dma_start3A_36 : memref<640x128xf32, #tpu.memory_space<hbm>>) target_semaphore(%run_scoped3A : memref<!tpu.dma_semaphore, #tpu.memory_space<semaphore_mem>>)
      %dma_wait3A = arith.constant 0 : i32
      %dma_wait3A_39 = tpu.memref_slice %arg6[%arg0, %mul3A_34, %dma_wait3A] : memref<2x10240x128xf32, #tpu.memory_space<hbm>> -> memref<1x640x128xf32, #tpu.memory_space<hbm>>
      %dma_wait3A_40 = tpu.memref_squeeze %dma_wait3A_39 : memref<1x640x128xf32, #tpu.memory_space<hbm>> -> memref<640x128xf32, #tpu.memory_space<hbm>>
      %dma_wait3A_41 = arith.constant 0 : i32
      %dma_wait3A_42 = tpu.memref_slice %arg11[%mul3A_32, %dma_wait3A_41] : memref<10240x128xf32, #tpu.memory_space<vmem_shared>> -> memref<640x128xf32, #tpu.memory_space<vmem_shared>>
      tpu.wait_dma2 semaphore(%run_scoped3A : memref<!tpu.dma_semaphore, #tpu.memory_space<semaphore_mem>>) src(%dma_wait3A_42 : memref<640x128xf32, #tpu.memory_space<vmem_shared>>) dst(%dma_wait3A_40 : memref<640x128xf32, #tpu.memory_space<hbm>>)
      tpu.yield
    }) : () -> ()
    return
  }
}

module attributes {stable_mosaic.version = 14 : i64} {
  func.func @body(%arg0: i32, %arg1: i32, %arg2: i32, %arg3: memref<1000x256xf32, #tpu.memory_space<vmem>>, %arg4: memref<2x1000x128xf32, #tpu.memory_space<vmem>>, %arg5: memref<256x512xf32, #tpu.memory_space<vmem>>, %arg6: memref<256x512xf32, #tpu.memory_space<vmem>>, %arg7: memref<1x512xf32, #tpu.memory_space<vmem>>, %arg8: memref<1000x1xf32, #tpu.memory_space<vmem>>, %arg9: memref<1000x512xf32, #tpu.memory_space<vmem>>, %arg10: memref<1000x512xf32, #tpu.memory_space<vmem>>, %arg11: memref<1000x512xf32, #tpu.memory_space<vmem>>, %arg12: memref<1000x512xf32, #tpu.memory_space<vmem>>) attributes {dimension_semantics = [#tpu.dimension_semantics<parallel>, #tpu.dimension_semantics<parallel>, #tpu.dimension_semantics<arbitrary>], iteration_bounds = array<i64: 10, 2, 1>, scalar_prefetch = 0 : i64, scratch_operands = 2 : i64, tpu.core_type = #tpu.core_type<tc>, window_params = [{transform_indices = @transform_0, window_bounds = array<i64: 1000, 256>}, {transform_indices = @transform_1, window_bounds = array<i64: 2, 1000, 128>}, {transform_indices = @transform_2, window_bounds = array<i64: 256, 512>}, {transform_indices = @transform_3, window_bounds = array<i64: 256, 512>}, {transform_indices = @transform_4, window_bounds = array<i64: 1, 512>}, {transform_indices = @transform_5, window_bounds = array<i64: 1000, 1>}, {transform_indices = @transform_6, window_bounds = array<i64: 1000, 512>}, {transform_indices = @transform_7, window_bounds = array<i64: 1000, 512>}]} {
    %eq3A = arith.constant 0 : i32
    %eq3A_0 = arith.cmpi eq, %arg2, %eq3A : i32
    %convert_element_type3A = arith.extui %eq3A_0 : i1 to i32
    %cond3A = arith.constant 0 : i32
    %cond3A_1 = arith.cmpi ne, %convert_element_type3A, %cond3A : i32
    scf.if %cond3A_1 {
      %broadcast_in_dim3A = arith.constant 0.000000e+00 : f32
      %broadcast_in_dim3A_46 = vector.broadcast %broadcast_in_dim3A : f32 to vector<1000x512xf32>
      %swap3A_47 = arith.constant 0 : index
      %swap3A_48 = arith.constant 0 : index
      %swap3A_49 = vector.load %arg11[%swap3A_47, %swap3A_48] : memref<1000x512xf32, #tpu.memory_space<vmem>>, vector<1000x512xf32>
      tpu.vector_store %arg11[%swap3A_47, %swap3A_48], %broadcast_in_dim3A_46 {strides = array<i32>} : memref<1000x512xf32, #tpu.memory_space<vmem>>, vector<1000x512xf32>,
      %broadcast_in_dim3A_50 = arith.constant 0.000000e+00 : f32
      %broadcast_in_dim3A_51 = vector.broadcast %broadcast_in_dim3A_50 : f32 to vector<1000x512xf32>
      %swap3A_52 = arith.constant 0 : index
      %swap3A_53 = arith.constant 0 : index
      %swap3A_54 = vector.load %arg12[%swap3A_52, %swap3A_53] : memref<1000x512xf32, #tpu.memory_space<vmem>>, vector<1000x512xf32>
      tpu.vector_store %arg12[%swap3A_52, %swap3A_53], %broadcast_in_dim3A_51 {strides = array<i32>} : memref<1000x512xf32, #tpu.memory_space<vmem>>, vector<1000x512xf32>,
    } else {
    }
    %get3A = arith.constant 0 : index
    %get3A_2 = arith.constant 0 : index
    %get3A_3 = vector.load %arg11[%get3A, %get3A_2] : memref<1000x512xf32, #tpu.memory_space<vmem>>, vector<1000x512xf32>
    %get3A_4 = arith.constant 0 : index
    %get3A_5 = arith.constant 0 : index
    %get3A_6 = vector.load %arg3[%get3A_4, %get3A_5] : memref<1000x256xf32, #tpu.memory_space<vmem>>, vector<1000x256xf32>
    %get3A_7 = arith.constant 0 : index
    %get3A_8 = arith.constant 0 : index
    %get3A_9 = vector.load %arg5[%get3A_7, %get3A_8] : memref<256x512xf32, #tpu.memory_space<vmem>>, vector<256x512xf32>
    %dot_general3A = arith.constant dense<0.000000e+00> : vector<1000x512xf32>
    %dot_general3A_10 = tpu.matmul %get3A_6, %get3A_9, %dot_general3A {dimension_numbers = #tpu.dot_dimension_numbers<[1], [0], [0], [1], [0, 0, 1, 1], [], []>, transpose_lhs_hint = false} : vector<1000x256xf32>, vector<256x512xf32>, vector<1000x512xf32> -> vector<1000x512xf32>
    %add3A = arith.addf %get3A_3, %dot_general3A_10 : vector<1000x512xf32>
    %swap3A = arith.constant 0 : index
    %swap3A_11 = arith.constant 0 : index
    %swap3A_12 = vector.load %arg11[%swap3A, %swap3A_11] : memref<1000x512xf32, #tpu.memory_space<vmem>>, vector<1000x512xf32>
    tpu.vector_store %arg11[%swap3A, %swap3A_11], %add3A {strides = array<i32>} : memref<1000x512xf32, #tpu.memory_space<vmem>>, vector<1000x512xf32>,
    %get3A_13 = arith.constant 0 : index
    %get3A_14 = arith.constant 0 : index
    %get3A_15 = arith.constant 0 : index
    %get3A_16 = vector.load %arg4[%get3A_13, %get3A_14, %get3A_15] : memref<2x1000x128xf32, #tpu.memory_space<vmem>>, vector<1x1000x128xf32>
    %get3A_17 = vector.shape_cast %get3A_16 : vector<1x1000x128xf32> to vector<1000x128xf32>
    %get3A_18 = arith.constant 0 : index
    %get3A_19 = arith.constant 0 : index
    %get3A_20 = vector.load %arg6[%get3A_18, %get3A_19] : memref<256x512xf32, #tpu.memory_space<vmem>>, vector<128x512xf32>
    %dot_general3A_21 = arith.constant dense<0.000000e+00> : vector<1000x512xf32>
    %dot_general3A_22 = tpu.matmul %get3A_17, %get3A_20, %dot_general3A_21 {dimension_numbers = #tpu.dot_dimension_numbers<[1], [0], [0], [1], [0, 0, 1, 1], [], []>, transpose_lhs_hint = false} : vector<1000x128xf32>, vector<128x512xf32>, vector<1000x512xf32> -> vector<1000x512xf32>
    %get3A_23 = arith.constant 1 : index
    %get3A_24 = arith.constant 0 : index
    %get3A_25 = arith.constant 0 : index
    %get3A_26 = vector.load %arg4[%get3A_23, %get3A_24, %get3A_25] : memref<2x1000x128xf32, #tpu.memory_space<vmem>>, vector<1x1000x128xf32>
    %get3A_27 = vector.shape_cast %get3A_26 : vector<1x1000x128xf32> to vector<1000x128xf32>
    %get3A_28 = arith.constant 128 : index
    %get3A_29 = arith.constant 0 : index
    %get3A_30 = vector.load %arg6[%get3A_28, %get3A_29] : memref<256x512xf32, #tpu.memory_space<vmem>>, vector<128x512xf32>
    %dot_general3A_31 = arith.constant dense<0.000000e+00> : vector<1000x512xf32>
    %dot_general3A_32 = tpu.matmul %get3A_27, %get3A_30, %dot_general3A_31 {dimension_numbers = #tpu.dot_dimension_numbers<[1], [0], [0], [1], [0, 0, 1, 1], [], []>, transpose_lhs_hint = false} : vector<1000x128xf32>, vector<128x512xf32>, vector<1000x512xf32> -> vector<1000x512xf32>
    %add3A_33 = arith.addf %dot_general3A_22, %dot_general3A_32 : vector<1000x512xf32>
    %get3A_34 = arith.constant 0 : index
    %get3A_35 = arith.constant 0 : index
    %get3A_36 = vector.load %arg12[%get3A_34, %get3A_35] : memref<1000x512xf32, #tpu.memory_space<vmem>>, vector<1000x512xf32>
    %add3A_37 = arith.addf %get3A_36, %add3A_33 : vector<1000x512xf32>
    %swap3A_38 = arith.constant 0 : index
    %swap3A_39 = arith.constant 0 : index
    %swap3A_40 = vector.load %arg12[%swap3A_38, %swap3A_39] : memref<1000x512xf32, #tpu.memory_space<vmem>>, vector<1000x512xf32>
    tpu.vector_store %arg12[%swap3A_38, %swap3A_39], %add3A_37 {strides = array<i32>} : memref<1000x512xf32, #tpu.memory_space<vmem>>, vector<1000x512xf32>,
    %eq3A_41 = arith.constant 0 : i32
    %eq3A_42 = arith.cmpi eq, %arg2, %eq3A_41 : i32
    %convert_element_type3A_43 = arith.extui %eq3A_42 : i1 to i32
    %cond3A_44 = arith.constant 0 : i32
    %cond3A_45 = arith.cmpi ne, %convert_element_type3A_43, %cond3A_44 : i32
    scf.if %cond3A_45 {
      %get3A_46 = arith.constant 0 : index
      %get3A_47 = arith.constant 0 : index
      %get3A_48 = vector.load %arg11[%get3A_46, %get3A_47] : memref<1000x512xf32, #tpu.memory_space<vmem>>, vector<1000x512xf32>
      %get3A_49 = arith.constant 0 : index
      %get3A_50 = arith.constant 0 : index
      %get3A_51 = vector.load %arg8[%get3A_49, %get3A_50] : memref<1000x1xf32, #tpu.memory_space<vmem>>, vector<1000x1xf32>
      %get3A_52 = arith.constant 0 : index
      %get3A_53 = arith.constant 0 : index
      %get3A_54 = vector.load %arg12[%get3A_52, %get3A_53] : memref<1000x512xf32, #tpu.memory_space<vmem>>, vector<1000x512xf32>
      %mul3A = vector.broadcast %get3A_51 : vector<1000x1xf32> to vector<1000x512xf32>
      %mul3A_55 = arith.mulf %mul3A, %get3A_54 : vector<1000x512xf32>
      %sub3A = arith.subf %get3A_48, %mul3A_55 : vector<1000x512xf32>
      %get3A_56 = arith.constant 0 : index
      %get3A_57 = arith.constant 0 : index
      %get3A_58 = vector.load %arg7[%get3A_56, %get3A_57] : memref<1x512xf32, #tpu.memory_space<vmem>>, vector<1x512xf32>
      %add3A_59 = vector.broadcast %get3A_58 : vector<1x512xf32> to vector<1000x512xf32>
      %add3A_60 = arith.addf %sub3A, %add3A_59 : vector<1000x512xf32>
      %max3A = arith.constant 0.000000e+00 : f32
      %max3A_61 = vector.broadcast %max3A : f32 to vector<1000x512xf32>
      %max3A_62 = arith.maximumf %add3A_60, %max3A_61 : vector<1000x512xf32>
      %swap3A_63 = arith.constant 0 : index
      %swap3A_64 = arith.constant 0 : index
      %swap3A_65 = vector.load %arg9[%swap3A_63, %swap3A_64] : memref<1000x512xf32, #tpu.memory_space<vmem>>, vector<1000x512xf32>
      tpu.vector_store %arg9[%swap3A_63, %swap3A_64], %max3A_62 {strides = array<i32>} : memref<1000x512xf32, #tpu.memory_space<vmem>>, vector<1000x512xf32>,
      %get3A_66 = arith.constant 0 : index
      %get3A_67 = arith.constant 0 : index
      %get3A_68 = vector.load %arg8[%get3A_66, %get3A_67] : memref<1000x1xf32, #tpu.memory_space<vmem>>, vector<1000x1xf32>
      %mul3A_69 = vector.broadcast %get3A_68 : vector<1000x1xf32> to vector<1000x512xf32>
      %mul3A_70 = arith.mulf %mul3A_69, %max3A_62 : vector<1000x512xf32>
      %swap3A_71 = arith.constant 0 : index
      %swap3A_72 = arith.constant 0 : index
      %swap3A_73 = vector.load %arg10[%swap3A_71, %swap3A_72] : memref<1000x512xf32, #tpu.memory_space<vmem>>, vector<1000x512xf32>
      tpu.vector_store %arg10[%swap3A_71, %swap3A_72], %mul3A_70 {strides = array<i32>} : memref<1000x512xf32, #tpu.memory_space<vmem>>, vector<1000x512xf32>,
    } else {
    }
    return
  }
  func.func @transform_0(%arg0: i32, %arg1: i32, %arg2: i32) -> (i32, i32) {
    %c0_i32 = arith.constant 0 : i32
    return %arg0, %arg2 : i32, i32
  }
  func.func @transform_1(%arg0: i32, %arg1: i32, %arg2: i32) -> (i32, i32, i32) {
    %c0_i32 = arith.constant 0 : i32
    %c0_i32_0 = arith.constant 0 : i32
    return %arg2, %arg0, %c0_i32 : i32, i32, i32
  }
  func.func @transform_2(%arg0: i32, %arg1: i32, %arg2: i32) -> (i32, i32) {
    %c0_i32 = arith.constant 0 : i32
    return %arg2, %arg1 : i32, i32
  }
  func.func @transform_3(%arg0: i32, %arg1: i32, %arg2: i32) -> (i32, i32) {
    %c0_i32 = arith.constant 0 : i32
    return %arg2, %arg1 : i32, i32
  }
  func.func @transform_4(%arg0: i32, %arg1: i32, %arg2: i32) -> (i32, i32) {
    %c0_i32 = arith.constant 0 : i32
    %c0_i32_0 = arith.constant 0 : i32
    return %c0_i32, %arg1 : i32, i32
  }
  func.func @transform_5(%arg0: i32, %arg1: i32, %arg2: i32) -> (i32, i32) {
    %c0_i32 = arith.constant 0 : i32
    %c0_i32_0 = arith.constant 0 : i32
    return %arg0, %c0_i32 : i32, i32
  }
  func.func @transform_6(%arg0: i32, %arg1: i32, %arg2: i32) -> (i32, i32) {
    %c0_i32 = arith.constant 0 : i32
    return %arg0, %arg1 : i32, i32
  }
  func.func @transform_7(%arg0: i32, %arg1: i32, %arg2: i32) -> (i32, i32) {
    %c0_i32 = arith.constant 0 : i32
    return %arg0, %arg1 : i32, i32
  }
}

module attributes {stable_mosaic.version = 14 : i64} {
  func.func @body(%arg0: i32, %arg1: i32, %arg2: i32, %arg3: memref<1000x256xf32, #tpu.memory_space<vmem>>, %arg4: memref<2x1000x128xf32, #tpu.memory_space<vmem>>, %arg5: memref<256x512xf32, #tpu.memory_space<vmem>>, %arg6: memref<256x512xf32, #tpu.memory_space<vmem>>, %arg7: memref<1x512xf32, #tpu.memory_space<vmem>>, %arg8: memref<1000x1xf32, #tpu.memory_space<vmem>>, %arg9: memref<1000x512xf32, #tpu.memory_space<vmem>>, %arg10: memref<1000x512xf32, #tpu.memory_space<vmem>>, %arg11: memref<1000x512xf32, #tpu.memory_space<vmem>>, %arg12: memref<1000x512xf32, #tpu.memory_space<vmem>>) attributes {dimension_semantics = [#tpu.dimension_semantics<parallel>, #tpu.dimension_semantics<parallel>, #tpu.dimension_semantics<arbitrary>], iteration_bounds = array<i64: 10, 2, 4>, scalar_prefetch = 0 : i64, scratch_operands = 2 : i64, tpu.core_type = #tpu.core_type<tc>, window_params = [{transform_indices = @transform_0, window_bounds = array<i64: 1000, 256>}, {transform_indices = @transform_1, window_bounds = array<i64: 2, 1000, 128>}, {transform_indices = @transform_2, window_bounds = array<i64: 256, 512>}, {transform_indices = @transform_3, window_bounds = array<i64: 256, 512>}, {transform_indices = @transform_4, window_bounds = array<i64: 1, 512>}, {transform_indices = @transform_5, window_bounds = array<i64: 1000, 1>}, {transform_indices = @transform_6, window_bounds = array<i64: 1000, 512>}, {transform_indices = @transform_7, window_bounds = array<i64: 1000, 512>}]} {
    %eq3A = arith.constant 0 : i32
    %eq3A_0 = arith.cmpi eq, %arg2, %eq3A : i32
    %convert_element_type3A = arith.extui %eq3A_0 : i1 to i32
    %cond3A = arith.constant 0 : i32
    %cond3A_1 = arith.cmpi ne, %convert_element_type3A, %cond3A : i32
    scf.if %cond3A_1 {
      %broadcast_in_dim3A = arith.constant 0.000000e+00 : f32
      %broadcast_in_dim3A_46 = vector.broadcast %broadcast_in_dim3A : f32 to vector<1000x512xf32>
      %swap3A_47 = arith.constant 0 : index
      %swap3A_48 = arith.constant 0 : index
      %swap3A_49 = vector.load %arg11[%swap3A_47, %swap3A_48] : memref<1000x512xf32, #tpu.memory_space<vmem>>, vector<1000x512xf32>
      tpu.vector_store %arg11[%swap3A_47, %swap3A_48], %broadcast_in_dim3A_46 {strides = array<i32>} : memref<1000x512xf32, #tpu.memory_space<vmem>>, vector<1000x512xf32>,
      %broadcast_in_dim3A_50 = arith.constant 0.000000e+00 : f32
      %broadcast_in_dim3A_51 = vector.broadcast %broadcast_in_dim3A_50 : f32 to vector<1000x512xf32>
      %swap3A_52 = arith.constant 0 : index
      %swap3A_53 = arith.constant 0 : index
      %swap3A_54 = vector.load %arg12[%swap3A_52, %swap3A_53] : memref<1000x512xf32, #tpu.memory_space<vmem>>, vector<1000x512xf32>
      tpu.vector_store %arg12[%swap3A_52, %swap3A_53], %broadcast_in_dim3A_51 {strides = array<i32>} : memref<1000x512xf32, #tpu.memory_space<vmem>>, vector<1000x512xf32>,
    } else {
    }
    %get3A = arith.constant 0 : index
    %get3A_2 = arith.constant 0 : index
    %get3A_3 = vector.load %arg11[%get3A, %get3A_2] : memref<1000x512xf32, #tpu.memory_space<vmem>>, vector<1000x512xf32>
    %get3A_4 = arith.constant 0 : index
    %get3A_5 = arith.constant 0 : index
    %get3A_6 = vector.load %arg3[%get3A_4, %get3A_5] : memref<1000x256xf32, #tpu.memory_space<vmem>>, vector<1000x256xf32>
    %get3A_7 = arith.constant 0 : index
    %get3A_8 = arith.constant 0 : index
    %get3A_9 = vector.load %arg5[%get3A_7, %get3A_8] : memref<256x512xf32, #tpu.memory_space<vmem>>, vector<256x512xf32>
    %dot_general3A = arith.constant dense<0.000000e+00> : vector<1000x512xf32>
    %dot_general3A_10 = tpu.matmul %get3A_6, %get3A_9, %dot_general3A {dimension_numbers = #tpu.dot_dimension_numbers<[1], [0], [0], [1], [0, 0, 1, 1], [], []>, transpose_lhs_hint = false} : vector<1000x256xf32>, vector<256x512xf32>, vector<1000x512xf32> -> vector<1000x512xf32>
    %add3A = arith.addf %get3A_3, %dot_general3A_10 : vector<1000x512xf32>
    %swap3A = arith.constant 0 : index
    %swap3A_11 = arith.constant 0 : index
    %swap3A_12 = vector.load %arg11[%swap3A, %swap3A_11] : memref<1000x512xf32, #tpu.memory_space<vmem>>, vector<1000x512xf32>
    tpu.vector_store %arg11[%swap3A, %swap3A_11], %add3A {strides = array<i32>} : memref<1000x512xf32, #tpu.memory_space<vmem>>, vector<1000x512xf32>,
    %get3A_13 = arith.constant 0 : index
    %get3A_14 = arith.constant 0 : index
    %get3A_15 = arith.constant 0 : index
    %get3A_16 = vector.load %arg4[%get3A_13, %get3A_14, %get3A_15] : memref<2x1000x128xf32, #tpu.memory_space<vmem>>, vector<1x1000x128xf32>
    %get3A_17 = vector.shape_cast %get3A_16 : vector<1x1000x128xf32> to vector<1000x128xf32>
    %get3A_18 = arith.constant 0 : index
    %get3A_19 = arith.constant 0 : index
    %get3A_20 = vector.load %arg6[%get3A_18, %get3A_19] : memref<256x512xf32, #tpu.memory_space<vmem>>, vector<128x512xf32>
    %dot_general3A_21 = arith.constant dense<0.000000e+00> : vector<1000x512xf32>
    %dot_general3A_22 = tpu.matmul %get3A_17, %get3A_20, %dot_general3A_21 {dimension_numbers = #tpu.dot_dimension_numbers<[1], [0], [0], [1], [0, 0, 1, 1], [], []>, transpose_lhs_hint = false} : vector<1000x128xf32>, vector<128x512xf32>, vector<1000x512xf32> -> vector<1000x512xf32>
    %get3A_23 = arith.constant 1 : index
    %get3A_24 = arith.constant 0 : index
    %get3A_25 = arith.constant 0 : index
    %get3A_26 = vector.load %arg4[%get3A_23, %get3A_24, %get3A_25] : memref<2x1000x128xf32, #tpu.memory_space<vmem>>, vector<1x1000x128xf32>
    %get3A_27 = vector.shape_cast %get3A_26 : vector<1x1000x128xf32> to vector<1000x128xf32>
    %get3A_28 = arith.constant 128 : index
    %get3A_29 = arith.constant 0 : index
    %get3A_30 = vector.load %arg6[%get3A_28, %get3A_29] : memref<256x512xf32, #tpu.memory_space<vmem>>, vector<128x512xf32>
    %dot_general3A_31 = arith.constant dense<0.000000e+00> : vector<1000x512xf32>
    %dot_general3A_32 = tpu.matmul %get3A_27, %get3A_30, %dot_general3A_31 {dimension_numbers = #tpu.dot_dimension_numbers<[1], [0], [0], [1], [0, 0, 1, 1], [], []>, transpose_lhs_hint = false} : vector<1000x128xf32>, vector<128x512xf32>, vector<1000x512xf32> -> vector<1000x512xf32>
    %add3A_33 = arith.addf %dot_general3A_22, %dot_general3A_32 : vector<1000x512xf32>
    %get3A_34 = arith.constant 0 : index
    %get3A_35 = arith.constant 0 : index
    %get3A_36 = vector.load %arg12[%get3A_34, %get3A_35] : memref<1000x512xf32, #tpu.memory_space<vmem>>, vector<1000x512xf32>
    %add3A_37 = arith.addf %get3A_36, %add3A_33 : vector<1000x512xf32>
    %swap3A_38 = arith.constant 0 : index
    %swap3A_39 = arith.constant 0 : index
    %swap3A_40 = vector.load %arg12[%swap3A_38, %swap3A_39] : memref<1000x512xf32, #tpu.memory_space<vmem>>, vector<1000x512xf32>
    tpu.vector_store %arg12[%swap3A_38, %swap3A_39], %add3A_37 {strides = array<i32>} : memref<1000x512xf32, #tpu.memory_space<vmem>>, vector<1000x512xf32>,
    %eq3A_41 = arith.constant 3 : i32
    %eq3A_42 = arith.cmpi eq, %arg2, %eq3A_41 : i32
    %convert_element_type3A_43 = arith.extui %eq3A_42 : i1 to i32
    %cond3A_44 = arith.constant 0 : i32
    %cond3A_45 = arith.cmpi ne, %convert_element_type3A_43, %cond3A_44 : i32
    scf.if %cond3A_45 {
      %get3A_46 = arith.constant 0 : index
      %get3A_47 = arith.constant 0 : index
      %get3A_48 = vector.load %arg11[%get3A_46, %get3A_47] : memref<1000x512xf32, #tpu.memory_space<vmem>>, vector<1000x512xf32>
      %get3A_49 = arith.constant 0 : index
      %get3A_50 = arith.constant 0 : index
      %get3A_51 = vector.load %arg8[%get3A_49, %get3A_50] : memref<1000x1xf32, #tpu.memory_space<vmem>>, vector<1000x1xf32>
      %get3A_52 = arith.constant 0 : index
      %get3A_53 = arith.constant 0 : index
      %get3A_54 = vector.load %arg12[%get3A_52, %get3A_53] : memref<1000x512xf32, #tpu.memory_space<vmem>>, vector<1000x512xf32>
      %mul3A = vector.broadcast %get3A_51 : vector<1000x1xf32> to vector<1000x512xf32>
      %mul3A_55 = arith.mulf %mul3A, %get3A_54 : vector<1000x512xf32>
      %sub3A = arith.subf %get3A_48, %mul3A_55 : vector<1000x512xf32>
      %get3A_56 = arith.constant 0 : index
      %get3A_57 = arith.constant 0 : index
      %get3A_58 = vector.load %arg7[%get3A_56, %get3A_57] : memref<1x512xf32, #tpu.memory_space<vmem>>, vector<1x512xf32>
      %add3A_59 = vector.broadcast %get3A_58 : vector<1x512xf32> to vector<1000x512xf32>
      %add3A_60 = arith.addf %sub3A, %add3A_59 : vector<1000x512xf32>
      %max3A = arith.constant 0.000000e+00 : f32
      %max3A_61 = vector.broadcast %max3A : f32 to vector<1000x512xf32>
      %max3A_62 = arith.maximumf %add3A_60, %max3A_61 : vector<1000x512xf32>
      %swap3A_63 = arith.constant 0 : index
      %swap3A_64 = arith.constant 0 : index
      %swap3A_65 = vector.load %arg9[%swap3A_63, %swap3A_64] : memref<1000x512xf32, #tpu.memory_space<vmem>>, vector<1000x512xf32>
      tpu.vector_store %arg9[%swap3A_63, %swap3A_64], %max3A_62 {strides = array<i32>} : memref<1000x512xf32, #tpu.memory_space<vmem>>, vector<1000x512xf32>,
      %get3A_66 = arith.constant 0 : index
      %get3A_67 = arith.constant 0 : index
      %get3A_68 = vector.load %arg8[%get3A_66, %get3A_67] : memref<1000x1xf32, #tpu.memory_space<vmem>>, vector<1000x1xf32>
      %mul3A_69 = vector.broadcast %get3A_68 : vector<1000x1xf32> to vector<1000x512xf32>
      %mul3A_70 = arith.mulf %mul3A_69, %max3A_62 : vector<1000x512xf32>
      %swap3A_71 = arith.constant 0 : index
      %swap3A_72 = arith.constant 0 : index
      %swap3A_73 = vector.load %arg10[%swap3A_71, %swap3A_72] : memref<1000x512xf32, #tpu.memory_space<vmem>>, vector<1000x512xf32>
      tpu.vector_store %arg10[%swap3A_71, %swap3A_72], %mul3A_70 {strides = array<i32>} : memref<1000x512xf32, #tpu.memory_space<vmem>>, vector<1000x512xf32>,
    } else {
    }
    return
  }
  func.func @transform_0(%arg0: i32, %arg1: i32, %arg2: i32) -> (i32, i32) {
    %c0_i32 = arith.constant 0 : i32
    return %arg0, %arg2 : i32, i32
  }
  func.func @transform_1(%arg0: i32, %arg1: i32, %arg2: i32) -> (i32, i32, i32) {
    %c0_i32 = arith.constant 0 : i32
    %c0_i32_0 = arith.constant 0 : i32
    return %arg2, %arg0, %c0_i32 : i32, i32, i32
  }
  func.func @transform_2(%arg0: i32, %arg1: i32, %arg2: i32) -> (i32, i32) {
    %c0_i32 = arith.constant 0 : i32
    return %arg2, %arg1 : i32, i32
  }
  func.func @transform_3(%arg0: i32, %arg1: i32, %arg2: i32) -> (i32, i32) {
    %c0_i32 = arith.constant 0 : i32
    return %arg2, %arg1 : i32, i32
  }
  func.func @transform_4(%arg0: i32, %arg1: i32, %arg2: i32) -> (i32, i32) {
    %c0_i32 = arith.constant 0 : i32
    %c0_i32_0 = arith.constant 0 : i32
    return %c0_i32, %arg1 : i32, i32
  }
  func.func @transform_5(%arg0: i32, %arg1: i32, %arg2: i32) -> (i32, i32) {
    %c0_i32 = arith.constant 0 : i32
    %c0_i32_0 = arith.constant 0 : i32
    return %arg0, %c0_i32 : i32, i32
  }
  func.func @transform_6(%arg0: i32, %arg1: i32, %arg2: i32) -> (i32, i32) {
    %c0_i32 = arith.constant 0 : i32
    return %arg0, %arg1 : i32, i32
  }
  func.func @transform_7(%arg0: i32, %arg1: i32, %arg2: i32) -> (i32, i32) {
    %c0_i32 = arith.constant 0 : i32
    return %arg0, %arg1 : i32, i32
  }
}

module attributes {stable_mosaic.version = 14 : i64} {
  func.func @body(%arg0: i32, %arg1: i32, %arg2: i32, %arg3: memref<1000x256xf32, #tpu.memory_space<vmem>>, %arg4: memref<2x1000x128xf32, #tpu.memory_space<vmem>>, %arg5: memref<256x512xf32, #tpu.memory_space<vmem>>, %arg6: memref<256x512xf32, #tpu.memory_space<vmem>>, %arg7: memref<1x512xf32, #tpu.memory_space<vmem>>, %arg8: memref<1000x1xf32, #tpu.memory_space<vmem>>, %arg9: memref<1000x512xf32, #tpu.memory_space<vmem>>, %arg10: memref<1000x512xf32, #tpu.memory_space<vmem>>, %arg11: memref<1000x512xf32, #tpu.memory_space<vmem>>) attributes {dimension_semantics = [#tpu.dimension_semantics<parallel>, #tpu.dimension_semantics<parallel>, #tpu.dimension_semantics<arbitrary>], iteration_bounds = array<i64: 10, 2, 4>, scalar_prefetch = 0 : i64, scratch_operands = 2 : i64, tpu.core_type = #tpu.core_type<tc>, window_params = [{transform_indices = @transform_0, window_bounds = array<i64: 1000, 256>}, {transform_indices = @transform_1, window_bounds = array<i64: 2, 1000, 128>}, {transform_indices = @transform_2, window_bounds = array<i64: 256, 512>}, {transform_indices = @transform_3, window_bounds = array<i64: 256, 512>}, {transform_indices = @transform_4, window_bounds = array<i64: 1, 512>}, {transform_indices = @transform_5, window_bounds = array<i64: 1000, 1>}, {transform_indices = @transform_6, window_bounds = array<i64: 1000, 512>}]} {
    %eq3A = arith.constant 0 : i32
    %eq3A_0 = arith.cmpi eq, %arg2, %eq3A : i32
    %convert_element_type3A = arith.extui %eq3A_0 : i1 to i32
    %cond3A = arith.constant 0 : i32
    %cond3A_1 = arith.cmpi ne, %convert_element_type3A, %cond3A : i32
    scf.if %cond3A_1 {
      %broadcast_in_dim3A = arith.constant 0.000000e+00 : f32
      %broadcast_in_dim3A_46 = vector.broadcast %broadcast_in_dim3A : f32 to vector<1000x512xf32>
      %swap3A_47 = arith.constant 0 : index
      %swap3A_48 = arith.constant 0 : index
      %swap3A_49 = vector.load %arg10[%swap3A_47, %swap3A_48] : memref<1000x512xf32, #tpu.memory_space<vmem>>, vector<1000x512xf32>
      tpu.vector_store %arg10[%swap3A_47, %swap3A_48], %broadcast_in_dim3A_46 {strides = array<i32>} : memref<1000x512xf32, #tpu.memory_space<vmem>>, vector<1000x512xf32>,
      %broadcast_in_dim3A_50 = arith.constant 0.000000e+00 : f32
      %broadcast_in_dim3A_51 = vector.broadcast %broadcast_in_dim3A_50 : f32 to vector<1000x512xf32>
      %swap3A_52 = arith.constant 0 : index
      %swap3A_53 = arith.constant 0 : index
      %swap3A_54 = vector.load %arg11[%swap3A_52, %swap3A_53] : memref<1000x512xf32, #tpu.memory_space<vmem>>, vector<1000x512xf32>
      tpu.vector_store %arg11[%swap3A_52, %swap3A_53], %broadcast_in_dim3A_51 {strides = array<i32>} : memref<1000x512xf32, #tpu.memory_space<vmem>>, vector<1000x512xf32>,
    } else {
    }
    %get3A = arith.constant 0 : index
    %get3A_2 = arith.constant 0 : index
    %get3A_3 = vector.load %arg10[%get3A, %get3A_2] : memref<1000x512xf32, #tpu.memory_space<vmem>>, vector<1000x512xf32>
    %get3A_4 = arith.constant 0 : index
    %get3A_5 = arith.constant 0 : index
    %get3A_6 = vector.load %arg3[%get3A_4, %get3A_5] : memref<1000x256xf32, #tpu.memory_space<vmem>>, vector<1000x256xf32>
    %get3A_7 = arith.constant 0 : index
    %get3A_8 = arith.constant 0 : index
    %get3A_9 = vector.load %arg5[%get3A_7, %get3A_8] : memref<256x512xf32, #tpu.memory_space<vmem>>, vector<256x512xf32>
    %dot_general3A = arith.constant dense<0.000000e+00> : vector<1000x512xf32>
    %dot_general3A_10 = tpu.matmul %get3A_6, %get3A_9, %dot_general3A {dimension_numbers = #tpu.dot_dimension_numbers<[1], [0], [0], [1], [0, 0, 1, 1], [], []>, transpose_lhs_hint = false} : vector<1000x256xf32>, vector<256x512xf32>, vector<1000x512xf32> -> vector<1000x512xf32>
    %add3A = arith.addf %get3A_3, %dot_general3A_10 : vector<1000x512xf32>
    %swap3A = arith.constant 0 : index
    %swap3A_11 = arith.constant 0 : index
    %swap3A_12 = vector.load %arg10[%swap3A, %swap3A_11] : memref<1000x512xf32, #tpu.memory_space<vmem>>, vector<1000x512xf32>
    tpu.vector_store %arg10[%swap3A, %swap3A_11], %add3A {strides = array<i32>} : memref<1000x512xf32, #tpu.memory_space<vmem>>, vector<1000x512xf32>,
    %get3A_13 = arith.constant 0 : index
    %get3A_14 = arith.constant 0 : index
    %get3A_15 = arith.constant 0 : index
    %get3A_16 = vector.load %arg4[%get3A_13, %get3A_14, %get3A_15] : memref<2x1000x128xf32, #tpu.memory_space<vmem>>, vector<1x1000x128xf32>
    %get3A_17 = vector.shape_cast %get3A_16 : vector<1x1000x128xf32> to vector<1000x128xf32>
    %get3A_18 = arith.constant 0 : index
    %get3A_19 = arith.constant 0 : index
    %get3A_20 = vector.load %arg6[%get3A_18, %get3A_19] : memref<256x512xf32, #tpu.memory_space<vmem>>, vector<128x512xf32>
    %dot_general3A_21 = arith.constant dense<0.000000e+00> : vector<1000x512xf32>
    %dot_general3A_22 = tpu.matmul %get3A_17, %get3A_20, %dot_general3A_21 {dimension_numbers = #tpu.dot_dimension_numbers<[1], [0], [0], [1], [0, 0, 1, 1], [], []>, transpose_lhs_hint = false} : vector<1000x128xf32>, vector<128x512xf32>, vector<1000x512xf32> -> vector<1000x512xf32>
    %get3A_23 = arith.constant 1 : index
    %get3A_24 = arith.constant 0 : index
    %get3A_25 = arith.constant 0 : index
    %get3A_26 = vector.load %arg4[%get3A_23, %get3A_24, %get3A_25] : memref<2x1000x128xf32, #tpu.memory_space<vmem>>, vector<1x1000x128xf32>
    %get3A_27 = vector.shape_cast %get3A_26 : vector<1x1000x128xf32> to vector<1000x128xf32>
    %get3A_28 = arith.constant 128 : index
    %get3A_29 = arith.constant 0 : index
    %get3A_30 = vector.load %arg6[%get3A_28, %get3A_29] : memref<256x512xf32, #tpu.memory_space<vmem>>, vector<128x512xf32>
    %dot_general3A_31 = arith.constant dense<0.000000e+00> : vector<1000x512xf32>
    %dot_general3A_32 = tpu.matmul %get3A_27, %get3A_30, %dot_general3A_31 {dimension_numbers = #tpu.dot_dimension_numbers<[1], [0], [0], [1], [0, 0, 1, 1], [], []>, transpose_lhs_hint = false} : vector<1000x128xf32>, vector<128x512xf32>, vector<1000x512xf32> -> vector<1000x512xf32>
    %add3A_33 = arith.addf %dot_general3A_22, %dot_general3A_32 : vector<1000x512xf32>
    %get3A_34 = arith.constant 0 : index
    %get3A_35 = arith.constant 0 : index
    %get3A_36 = vector.load %arg11[%get3A_34, %get3A_35] : memref<1000x512xf32, #tpu.memory_space<vmem>>, vector<1000x512xf32>
    %add3A_37 = arith.addf %get3A_36, %add3A_33 : vector<1000x512xf32>
    %swap3A_38 = arith.constant 0 : index
    %swap3A_39 = arith.constant 0 : index
    %swap3A_40 = vector.load %arg11[%swap3A_38, %swap3A_39] : memref<1000x512xf32, #tpu.memory_space<vmem>>, vector<1000x512xf32>
    tpu.vector_store %arg11[%swap3A_38, %swap3A_39], %add3A_37 {strides = array<i32>} : memref<1000x512xf32, #tpu.memory_space<vmem>>, vector<1000x512xf32>,
    %eq3A_41 = arith.constant 3 : i32
    %eq3A_42 = arith.cmpi eq, %arg2, %eq3A_41 : i32
    %convert_element_type3A_43 = arith.extui %eq3A_42 : i1 to i32
    %cond3A_44 = arith.constant 0 : i32
    %cond3A_45 = arith.cmpi ne, %convert_element_type3A_43, %cond3A_44 : i32
    scf.if %cond3A_45 {
      %get3A_46 = arith.constant 0 : index
      %get3A_47 = arith.constant 0 : index
      %get3A_48 = vector.load %arg10[%get3A_46, %get3A_47] : memref<1000x512xf32, #tpu.memory_space<vmem>>, vector<1000x512xf32>
      %get3A_49 = arith.constant 0 : index
      %get3A_50 = arith.constant 0 : index
      %get3A_51 = vector.load %arg8[%get3A_49, %get3A_50] : memref<1000x1xf32, #tpu.memory_space<vmem>>, vector<1000x1xf32>
      %get3A_52 = arith.constant 0 : index
      %get3A_53 = arith.constant 0 : index
      %get3A_54 = vector.load %arg11[%get3A_52, %get3A_53] : memref<1000x512xf32, #tpu.memory_space<vmem>>, vector<1000x512xf32>
      %mul3A = vector.broadcast %get3A_51 : vector<1000x1xf32> to vector<1000x512xf32>
      %mul3A_55 = arith.mulf %mul3A, %get3A_54 : vector<1000x512xf32>
      %sub3A = arith.subf %get3A_48, %mul3A_55 : vector<1000x512xf32>
      %get3A_56 = arith.constant 0 : index
      %get3A_57 = arith.constant 0 : index
      %get3A_58 = vector.load %arg7[%get3A_56, %get3A_57] : memref<1x512xf32, #tpu.memory_space<vmem>>, vector<1x512xf32>
      %add3A_59 = vector.broadcast %get3A_58 : vector<1x512xf32> to vector<1000x512xf32>
      %add3A_60 = arith.addf %sub3A, %add3A_59 : vector<1000x512xf32>
      %max3A = arith.constant 0.000000e+00 : f32
      %max3A_61 = vector.broadcast %max3A : f32 to vector<1000x512xf32>
      %max3A_62 = arith.maximumf %add3A_60, %max3A_61 : vector<1000x512xf32>
      %swap3A_63 = arith.constant 0 : index
      %swap3A_64 = arith.constant 0 : index
      %swap3A_65 = vector.load %arg9[%swap3A_63, %swap3A_64] : memref<1000x512xf32, #tpu.memory_space<vmem>>, vector<1000x512xf32>
      tpu.vector_store %arg9[%swap3A_63, %swap3A_64], %max3A_62 {strides = array<i32>} : memref<1000x512xf32, #tpu.memory_space<vmem>>, vector<1000x512xf32>,
    } else {
    }
    return
  }
  func.func @transform_0(%arg0: i32, %arg1: i32, %arg2: i32) -> (i32, i32) {
    %c0_i32 = arith.constant 0 : i32
    return %arg0, %arg2 : i32, i32
  }
  func.func @transform_1(%arg0: i32, %arg1: i32, %arg2: i32) -> (i32, i32, i32) {
    %c0_i32 = arith.constant 0 : i32
    %c0_i32_0 = arith.constant 0 : i32
    return %arg2, %arg0, %c0_i32 : i32, i32, i32
  }
  func.func @transform_2(%arg0: i32, %arg1: i32, %arg2: i32) -> (i32, i32) {
    %c0_i32 = arith.constant 0 : i32
    return %arg2, %arg1 : i32, i32
  }
  func.func @transform_3(%arg0: i32, %arg1: i32, %arg2: i32) -> (i32, i32) {
    %c0_i32 = arith.constant 0 : i32
    return %arg2, %arg1 : i32, i32
  }
  func.func @transform_4(%arg0: i32, %arg1: i32, %arg2: i32) -> (i32, i32) {
    %c0_i32 = arith.constant 0 : i32
    %c0_i32_0 = arith.constant 0 : i32
    return %c0_i32, %arg1 : i32, i32
  }
  func.func @transform_5(%arg0: i32, %arg1: i32, %arg2: i32) -> (i32, i32) {
    %c0_i32 = arith.constant 0 : i32
    %c0_i32_0 = arith.constant 0 : i32
    return %arg0, %c0_i32 : i32, i32
  }
  func.func @transform_6(%arg0: i32, %arg1: i32, %arg2: i32) -> (i32, i32) {
    %c0_i32 = arith.constant 0 : i32
    return %arg0, %arg1 : i32, i32
  }
}

module attributes {stable_mosaic.version = 14 : i64} {
  func.func @body(%arg0: i32, %arg1: i32, %arg2: memref<1000x256xf32, #tpu.memory_space<vmem>>, %arg3: memref<256x64xf32, #tpu.memory_space<vmem>>, %arg4: memref<256x64xf32, #tpu.memory_space<vmem>>, %arg5: memref<1x64xf32, #tpu.memory_space<vmem>>, %arg6: memref<1000x1xf32, #tpu.memory_space<vmem>>, %arg7: memref<1000x64xf32, #tpu.memory_space<vmem>>, %arg8: memref<1000x128xf32, #tpu.memory_space<vmem>>, %arg9: memref<1000x64xf32, #tpu.memory_space<vmem>>, %arg10: memref<1000x64xf32, #tpu.memory_space<vmem>>) attributes {dimension_semantics = [#tpu.dimension_semantics<parallel>, #tpu.dimension_semantics<arbitrary>], iteration_bounds = array<i64: 10, 4>, scalar_prefetch = 0 : i64, scratch_operands = 2 : i64, tpu.core_type = #tpu.core_type<tc>, window_params = [{transform_indices = @transform_0, window_bounds = array<i64: 1000, 256>}, {transform_indices = @transform_1, window_bounds = array<i64: 256, 64>}, {transform_indices = @transform_2, window_bounds = array<i64: 256, 64>}, {pipeline_mode = #tpu.pipeline_mode<synchronous>, transform_indices = @transform_3, window_bounds = array<i64: 1, 64>}, {transform_indices = @transform_4, window_bounds = array<i64: 1000, 1>}, {transform_indices = @transform_5, window_bounds = array<i64: 1000, 64>}, {transform_indices = @transform_6, window_bounds = array<i64: 1000, 128>}]} {
    %eq3A = arith.constant 0 : i32
    %eq3A_0 = arith.cmpi eq, %arg1, %eq3A : i32
    %convert_element_type3A = arith.extui %eq3A_0 : i1 to i32
    %cond3A = arith.constant 0 : i32
    %cond3A_1 = arith.cmpi ne, %convert_element_type3A, %cond3A : i32
    scf.if %cond3A_1 {
      %broadcast_in_dim3A = arith.constant 0.000000e+00 : f32
      %broadcast_in_dim3A_33 = vector.broadcast %broadcast_in_dim3A : f32 to vector<1000x64xf32>
      %swap3A_34 = arith.constant 0 : index
      %swap3A_35 = arith.constant 0 : index
      %swap3A_36 = vector.load %arg9[%swap3A_34, %swap3A_35] : memref<1000x64xf32, #tpu.memory_space<vmem>>, vector<1000x64xf32>
      tpu.vector_store %arg9[%swap3A_34, %swap3A_35], %broadcast_in_dim3A_33 {strides = array<i32>} : memref<1000x64xf32, #tpu.memory_space<vmem>>, vector<1000x64xf32>,
      %broadcast_in_dim3A_37 = arith.constant 0.000000e+00 : f32
      %broadcast_in_dim3A_38 = vector.broadcast %broadcast_in_dim3A_37 : f32 to vector<1000x64xf32>
      %swap3A_39 = arith.constant 0 : index
      %swap3A_40 = arith.constant 0 : index
      %swap3A_41 = vector.load %arg10[%swap3A_39, %swap3A_40] : memref<1000x64xf32, #tpu.memory_space<vmem>>, vector<1000x64xf32>
      tpu.vector_store %arg10[%swap3A_39, %swap3A_40], %broadcast_in_dim3A_38 {strides = array<i32>} : memref<1000x64xf32, #tpu.memory_space<vmem>>, vector<1000x64xf32>,
    } else {
    }
    %get3A = arith.constant 0 : index
    %get3A_2 = arith.constant 0 : index
    %get3A_3 = vector.load %arg9[%get3A, %get3A_2] : memref<1000x64xf32, #tpu.memory_space<vmem>>, vector<1000x64xf32>
    %get3A_4 = arith.constant 0 : index
    %get3A_5 = arith.constant 0 : index
    %get3A_6 = vector.load %arg2[%get3A_4, %get3A_5] : memref<1000x256xf32, #tpu.memory_space<vmem>>, vector<1000x256xf32>
    %get3A_7 = arith.constant 0 : index
    %get3A_8 = arith.constant 0 : index
    %get3A_9 = vector.load %arg3[%get3A_7, %get3A_8] : memref<256x64xf32, #tpu.memory_space<vmem>>, vector<256x64xf32>
    %dot_general3A = arith.constant dense<0.000000e+00> : vector<1000x64xf32>
    %dot_general3A_10 = tpu.matmul %get3A_6, %get3A_9, %dot_general3A {dimension_numbers = #tpu.dot_dimension_numbers<[1], [0], [0], [1], [0, 0, 1, 1], [], []>, transpose_lhs_hint = false} : vector<1000x256xf32>, vector<256x64xf32>, vector<1000x64xf32> -> vector<1000x64xf32>
    %add3A = arith.addf %get3A_3, %dot_general3A_10 : vector<1000x64xf32>
    %swap3A = arith.constant 0 : index
    %swap3A_11 = arith.constant 0 : index
    %swap3A_12 = vector.load %arg9[%swap3A, %swap3A_11] : memref<1000x64xf32, #tpu.memory_space<vmem>>, vector<1000x64xf32>
    tpu.vector_store %arg9[%swap3A, %swap3A_11], %add3A {strides = array<i32>} : memref<1000x64xf32, #tpu.memory_space<vmem>>, vector<1000x64xf32>,
    %get3A_13 = arith.constant 0 : index
    %get3A_14 = arith.constant 0 : index
    %get3A_15 = vector.load %arg10[%get3A_13, %get3A_14] : memref<1000x64xf32, #tpu.memory_space<vmem>>, vector<1000x64xf32>
    %get3A_16 = arith.constant 0 : index
    %get3A_17 = arith.constant 0 : index
    %get3A_18 = vector.load %arg2[%get3A_16, %get3A_17] : memref<1000x256xf32, #tpu.memory_space<vmem>>, vector<1000x256xf32>
    %get3A_19 = arith.constant 0 : index
    %get3A_20 = arith.constant 0 : index
    %get3A_21 = vector.load %arg4[%get3A_19, %get3A_20] : memref<256x64xf32, #tpu.memory_space<vmem>>, vector<256x64xf32>
    %dot_general3A_22 = arith.constant dense<0.000000e+00> : vector<1000x64xf32>
    %dot_general3A_23 = tpu.matmul %get3A_18, %get3A_21, %dot_general3A_22 {dimension_numbers = #tpu.dot_dimension_numbers<[1], [0], [0], [1], [0, 0, 1, 1], [], []>, transpose_lhs_hint = false} : vector<1000x256xf32>, vector<256x64xf32>, vector<1000x64xf32> -> vector<1000x64xf32>
    %add3A_24 = arith.addf %get3A_15, %dot_general3A_23 : vector<1000x64xf32>
    %swap3A_25 = arith.constant 0 : index
    %swap3A_26 = arith.constant 0 : index
    %swap3A_27 = vector.load %arg10[%swap3A_25, %swap3A_26] : memref<1000x64xf32, #tpu.memory_space<vmem>>, vector<1000x64xf32>
    tpu.vector_store %arg10[%swap3A_25, %swap3A_26], %add3A_24 {strides = array<i32>} : memref<1000x64xf32, #tpu.memory_space<vmem>>, vector<1000x64xf32>,
    %eq3A_28 = arith.constant 3 : i32
    %eq3A_29 = arith.cmpi eq, %arg1, %eq3A_28 : i32
    %convert_element_type3A_30 = arith.extui %eq3A_29 : i1 to i32
    %cond3A_31 = arith.constant 0 : i32
    %cond3A_32 = arith.cmpi ne, %convert_element_type3A_30, %cond3A_31 : i32
    scf.if %cond3A_32 {
      %get3A_33 = arith.constant 0 : index
      %get3A_34 = arith.constant 0 : index
      %get3A_35 = vector.load %arg9[%get3A_33, %get3A_34] : memref<1000x64xf32, #tpu.memory_space<vmem>>, vector<1000x64xf32>
      %get3A_36 = arith.constant 0 : index
      %get3A_37 = arith.constant 0 : index
      %get3A_38 = vector.load %arg5[%get3A_36, %get3A_37] : memref<1x64xf32, #tpu.memory_space<vmem>>, vector<1x64xf32>
      %add3A_39 = vector.broadcast %get3A_38 : vector<1x64xf32> to vector<1000x64xf32>
      %add3A_40 = arith.addf %get3A_35, %add3A_39 : vector<1000x64xf32>
      %swap3A_41 = arith.constant 0 : index
      %swap3A_42 = arith.constant 0 : index
      %swap3A_43 = vector.load %arg7[%swap3A_41, %swap3A_42] : memref<1000x64xf32, #tpu.memory_space<vmem>>, vector<1000x64xf32>
      tpu.vector_store %arg7[%swap3A_41, %swap3A_42], %add3A_40 {strides = array<i32>} : memref<1000x64xf32, #tpu.memory_space<vmem>>, vector<1000x64xf32>,
      %get3A_44 = arith.constant 0 : index
      %get3A_45 = arith.constant 0 : index
      %get3A_46 = vector.load %arg6[%get3A_44, %get3A_45] : memref<1000x1xf32, #tpu.memory_space<vmem>>, vector<1000x1xf32>
      %get3A_47 = arith.constant 0 : index
      %get3A_48 = arith.constant 0 : index
      %get3A_49 = vector.load %arg10[%get3A_47, %get3A_48] : memref<1000x64xf32, #tpu.memory_space<vmem>>, vector<1000x64xf32>
      %mul3A = vector.broadcast %get3A_46 : vector<1000x1xf32> to vector<1000x64xf32>
      %mul3A_50 = arith.mulf %mul3A, %get3A_49 : vector<1000x64xf32>
      %broadcast_in_dim3A = arith.constant 0.000000e+00 : f32
      %broadcast_in_dim3A_51 = vector.broadcast %broadcast_in_dim3A : f32 to vector<1000x64xf32>
      %concatenate3A = tpu.concatenate %mul3A_50, %broadcast_in_dim3A_51 in 1 : vector<1000x64xf32>, vector<1000x64xf32> -> vector<1000x128xf32>
      %swap3A_52 = arith.constant 0 : index
      %swap3A_53 = arith.constant 0 : index
      %swap3A_54 = vector.load %arg8[%swap3A_52, %swap3A_53] : memref<1000x128xf32, #tpu.memory_space<vmem>>, vector<1000x128xf32>
      tpu.vector_store %arg8[%swap3A_52, %swap3A_53], %concatenate3A {strides = array<i32>} : memref<1000x128xf32, #tpu.memory_space<vmem>>, vector<1000x128xf32>,
    } else {
    }
    return
  }
  func.func @transform_0(%arg0: i32, %arg1: i32) -> (i32, i32) {
    %c0_i32 = arith.constant 0 : i32
    return %arg0, %arg1 : i32, i32
  }
  func.func @transform_1(%arg0: i32, %arg1: i32) -> (i32, i32) {
    %c0_i32 = arith.constant 0 : i32
    %c0_i32_0 = arith.constant 0 : i32
    return %arg1, %c0_i32 : i32, i32
  }
  func.func @transform_2(%arg0: i32, %arg1: i32) -> (i32, i32) {
    %c0_i32 = arith.constant 0 : i32
    %c0_i32_0 = arith.constant 0 : i32
    return %arg1, %c0_i32 : i32, i32
  }
  func.func @transform_3(%arg0: i32, %arg1: i32) -> (i32, i32) {
    %c0_i32 = arith.constant 0 : i32
    %c0_i32_0 = arith.constant 0 : i32
    %c0_i32_1 = arith.constant 0 : i32
    return %c0_i32, %c0_i32_0 : i32, i32
  }
  func.func @transform_4(%arg0: i32, %arg1: i32) -> (i32, i32) {
    %c0_i32 = arith.constant 0 : i32
    %c0_i32_0 = arith.constant 0 : i32
    return %arg0, %c0_i32 : i32, i32
  }
  func.func @transform_5(%arg0: i32, %arg1: i32) -> (i32, i32) {
    %c0_i32 = arith.constant 0 : i32
    %c0_i32_0 = arith.constant 0 : i32
    return %arg0, %c0_i32 : i32, i32
  }
  func.func @transform_6(%arg0: i32, %arg1: i32) -> (i32, i32) {
    %c0_i32 = arith.constant 0 : i32
    %c0_i32_0 = arith.constant 0 : i32
    return %arg0, %c0_i32 : i32, i32
  }
}

</mosaic_0001>

<sc_bundles>
// kernel: kernel.11.cloned.1.call-start
scs
__scs_entry_jumppad:
0x0: {  	(pc) =	sbr.rel $0x88, $3  }
0x1: {  	(tag) =	ssettag $0x0;
	lr =	simm.s32 $0x1  }
0x2: {  	[smem:$0x3F93] =	sst lr;
	_ =	strace $0xD0000000  }
0x3: {  	_ = 	snop  }
0x4: {  	_ = 	snop  }
0x5: {  	_ = 	snop  }
0x6: {  	_ = 	snop  }
0x7: {  	_ = 	snop  }
__scs_overlays_trampoline_lowered:
0x8: {  	[smem:$0x3FA2] =	sst s0  }
0x9: {  	[smem:$0x3FA3] =	sst s1  }
0xa: {  	[smem:$0x3FA4] =	sst s2  }
0xb: {  	[smem:$0x3FA5] =	sst s3  }
0xc: {  	[smem:$0x3FA6] =	sst s4  }
0xd: {  	[smem:$0x3FA7] =	sst s5  }
0xe: {  	[smem:$0x3FA8] =	sst s6  }
0xf: {  	[smem:$0x3FA9] =	sst s7  }
0x10: {  	[smem:$0x3FAA] =	sst s8  }
0x11: {  	[smem:$0x3FAB] =	sst s9;
	s0 =	simm.s32 @!p0 $0x0  }
0x12: {  	s1 =	sld [smem:$0x3F91];
	s0 =	simm.s32 @p0 $0x1  }
0x13: {  	[smem:$0x3FAC] =	sst s0;
	s0 =	simm.s32 @!p1 $0x0  }
0x14: {  	s2 =	sld [smem:$0x3F90];
	s0 =	simm.s32 @p1 $0x1  }
0x15: {  	[smem:$0x3FAD] =	sst s0;
	s0 =	simm.s32 @!p2 $0x0  }
0x16: {  	s3 =	sld [smem:$0x3FDB];
	s0 =	simm.s32 @p2 $0x1  }
0x17: {  	s4 =	simm.s32 $0x1BF5;
	[smem:$0x3FAF] =	sst s0  }
0x18: {  	s0 =	sld [smem:$0x3F92];
	_ =	swait.ge [sflag:s4], $0x0  }
0x19: {  	s7 =	sld [smem:$0x3F93]  }
0x1a: {  	s8 =	sadd.s32 $0xFFFFE003, lr  }
0x1b: {  	s9 =	sadd.s32 $0xFFFFFEF7, lr;
	s5 =	simm.s32 $0xFFFFFFFF;
	p2 =	slt.u32 s8, $0xFFFFF086  }
0x1c: {  	p1 =	slt.u32 s9, $0xF7A;
	s5 =	simm.s32 @!p2 $0x0  }
0x1d: {  	s5 =	simm.s32 @p1 $0x1;
	p0 =	seq.s32 s7, s2  }
0x1e: {  	s7 =	smul.u32 @!p0 $0xF7A, s2;
	p2 =	seq.s32 @!p0 s5, $0x0  }
0x1f: {  	s9 =	smul.u32 $0xF7A, s1;
	s8 =	simm.s32 @!p0 $0x1BF5;
	p2 =	por !p2, p0  }
0x20: {  	[sflag:s8] =	ssyncset.s32 @!p0 $0xFFFFF086;
	s6 =	sadd.s32 @!p0 s3, s7;
	s7 =	simm.s32 @!p0 $0x108  }
0x21: {  	s3 =	sadd.s32 s3, s9;
	s6 =	sadd.s32 @!p0 $0x88, s6;
	s7 =	simm.s32 @p2 $0x1082  }
0x22: {  	[simem:s7], [sflag:s8] =	dma.local @!p0 [hbm:s6], $0xF7A  }
0x23: {  	s9 =	sor.u32 $0xD0000000, s2;
	s6 =	simm.s32 $0x108;
	_ =	swait.ge @!p0 [sflag:s8], $0x0  }
0x24: {  	s3 =	sadd.s32 $0x88, s3;
	s6 =	simm.s32 @!p1 $0x1082;
	[sflag:s4] =	ssyncset.s32 $0xFFFFF086  }
0x25: {  	[simem:s6], [sflag:s4] =	dma.local [hbm:s3], $0xF7A  }
0x26: {  	[smem:$0x3F93] =	sst s1;
	(tag) =	ssettag s2;
	_ =	strace s9  }
0x27: {  	s1 =	sld [smem:$0x3FA3]  }
0x28: {  	s2 =	sld [smem:$0x3FA4]  }
0x29: {  	s4 =	sld [smem:$0x3FA6]  }
0x2a: {  	p0 =	seq.s32 s5, $0x0;
	s5 =	sld [smem:$0x3FA7]  }
0x2b: {  	s6 =	sld [smem:$0x3FA8]  }
0x2c: {  	s7 =	sld [smem:$0x3FA9]  }
0x2d: {  	s3 =	simm.s32 $0x108;
	s8 =	sld [smem:$0x3FAA]  }
0x2e: {  	s3 =	simm.s32 @!p0 $0x1082;
	s9 =	sld [smem:$0x3FAB]  }
0x2f: {  	lr =	sadd.s32 s0, s3;
	s0 =	sld [smem:$0x3FA2]  }
0x30: {  	s3 =	sld [smem:$0x3FA5]  }
0x31: {  	[smem:$0x3FAE] =	sst s10  }
0x32: {  	s10 =	sld [smem:$0x3FAC];
	_ =	sdelay $0x3  }
0x33: {  	p0 =	seq.s32 s10, $0x1;
	s10 =	sld [smem:$0x3FAE];
	_ =	sdelay $0x3  }
0x34: {  	[smem:$0x3FAE] =	sst s10  }
0x35: {  	s10 =	sld [smem:$0x3FAD];
	_ =	sdelay $0x3  }
0x36: {  	p1 =	seq.s32 s10, $0x1;
	s10 =	sld [smem:$0x3FAE];
	_ =	sdelay $0x3  }
0x37: {  	[smem:$0x3FAE] =	sst s10  }
0x38: {  	s10 =	sld [smem:$0x3FAF]  }
0x39: {  	_ = 	snop;
	(pc) =	sbr.ind lr, $3  }
0x3a: {  	_ = 	snop  }
0x3b: {  	_ = 	snop  }
0x3c: {  	p2 =	seq.s32 s10, $0x1;
	s10 =	sld [smem:$0x3FAE]  }
0x3d: {  	_ =	shalt  }
0x3e: {  	_ =	shalt  }
0x3f: {  	_ =	shalt  }
0x40: {  	_ =	shalt  }
0x41: {  	_ =	shalt  }
0x42: {  	_ =	shalt  }
0x43: {  	_ =	shalt  }
0x44: {  	_ =	shalt  }
0x45: {  	_ =	shalt  }
0x46: {  	_ =	shalt  }
0x47: {  	_ =	shalt  }
0x48: {  	_ =	shalt  }
0x49: {  	_ =	shalt  }
0x4a: {  	_ =	shalt  }
0x4b: {  	_ =	shalt  }
0x4c: {  	_ =	shalt  }
0x4d: {  	_ =	shalt  }
0x4e: {  	_ =	shalt  }
0x4f: {  	_ =	shalt  }
0x50: {  	_ =	shalt  }
0x51: {  	_ =	shalt  }
0x52: {  	_ =	shalt  }
0x53: {  	_ =	shalt  }
0x54: {  	_ =	shalt  }
0x55: {  	_ =	shalt  }
0x56: {  	_ =	shalt  }
0x57: {  	_ =	shalt  }
0x58: {  	_ =	shalt  }
0x59: {  	_ =	shalt  }
0x5a: {  	_ =	shalt  }
0x5b: {  	_ =	shalt  }
0x5c: {  	_ =	shalt  }
0x5d: {  	_ =	shalt  }
0x5e: {  	_ =	shalt  }
0x5f: {  	_ =	shalt  }
0x60: {  	_ =	shalt  }
0x61: {  	_ =	shalt  }
0x62: {  	_ =	shalt  }
0x63: {  	_ =	shalt  }
0x64: {  	_ =	shalt  }
0x65: {  	_ =	shalt  }
0x66: {  	_ =	shalt  }
0x67: {  	_ =	shalt  }
0x68: {  	_ =	shalt  }
0x69: {  	_ =	shalt  }
0x6a: {  	_ =	shalt  }
0x6b: {  	_ =	shalt  }
0x6c: {  	_ =	shalt  }
0x6d: {  	_ =	shalt  }
0x6e: {  	_ =	shalt  }
0x6f: {  	_ =	shalt  }
0x70: {  	_ =	shalt  }
0x71: {  	_ =	shalt  }
0x72: {  	_ =	shalt  }
0x73: {  	_ =	shalt  }
0x74: {  	_ =	shalt  }
0x75: {  	_ =	shalt  }
0x76: {  	_ =	shalt  }
0x77: {  	_ =	shalt  }
0x78: {  	_ =	shalt  }
0x79: {  	_ =	shalt  }
0x7a: {  	_ =	shalt  }
0x7b: {  	_ =	shalt  }
0x7c: {  	_ =	shalt  }
0x7d: {  	_ =	shalt  }
0x7e: {  	_ =	shalt  }
0x7f: {  	_ =	shalt  }
0x80: {  	_ =	shalt  }
0x81: {  	_ =	shalt  }
0x82: {  	_ =	shalt  }
0x83: {  	_ =	shalt  }
0x84: {  	_ =	shalt  }
0x85: {  	_ =	shalt  }
0x86: {  	_ =	shalt  }
0x87: {  	_ =	shalt  }
.Lfunc_end0:
.L_simem_size_0:
called_computation_lowered:
.L_overlay_start_0:
0x88: {  	s2 =	sld [smem:$0x3FD9]  }
0x89: {  	s3 =	sld [smem:$0x3FFE];
	_ =	sdelay $0x1  }
0x8a: {  	s1 =	srdreg.scid  }
0x8b: {  	s0 =	sand.u32 $0x1, s1  }
0x8c: {  	s16 =	sshll.u32 s0, $0xA;
	s2 =	sadd.s32 s3, s2  }
0x8d: {  	s2 =	sadd.s32 s2, s16  }
0x8e: {  	[smem:$0x3FBA] =	sst s2  }
0x8f: {  	_ = 	snop  }
0x90: {  	(tm) =	ssettm $0x1  }
0x91: {  	s17 =	sld [smem:$0x3FFB];
	_ =	sdelay $0x3  }
0x92: {  	_ =	strace s17  }
0x93: {  	s2 =	sld [smem:$0x3FFC];
	_ =	sdelay $0x3  }
0x94: {  	_ =	strace s2  }
0x95: {  	s2 =	sld [smem:$0x3FFD];
	_ =	sdelay $0x3  }
0x96: {  	_ =	strace s2  }
0x97: {  	_ =	strace $0x8FFFFFFF  }
0x98: {  	s18 =	sld [smem:$0x3FDB];
	_ =	sdelay $0x1  }
0x99: {  	s19 =	simm.s32 $_scs_section_size  }
0x9a: {  	s4 =	simm.s32 $_size__tile_overlayer_lowered;
	s5 =	simm.s32 $_tile_overlayer_lowered  }
0x9b: {  	s22 =	simm.s32 $0x1BFF;
	s21 =	sshll.u32 s5, $0x1;
	s2 =	sadd.s32 s19, s18  }
0x9c: {  	s6 =	simm.s32 $0x0;
	s20 =	sshll.u32 s4, $0x1;
	s4 =	sadd.s32 s21, s2  }
0x9d: {  	[timem:s6], [sflag:s22] =	dma.local [hbm:s4], s20  }
0x9e: {  	_ =	swait.ge [sflag:s22], s20  }
0x9f: {  	s3 =	ssub.s32 $0x0, s20;
	[sflag:s22] =	ssyncset.done $0x0  }
0xa0: {  	[sflag:s22] =	ssyncadd.s32 s3;
	_ =	sdelay $0x1  }
0xa1: {  	s23 =	simm.s32 $0x1B8B  }
0xa2: {  	_ =	swait.ge [sflag:s23], $0x1  }
0xa3: {  	[sflag:s23] =	ssyncset.done $0x0  }
0xa4: {  	s25 =	simm.s32 $0x1B8E;
	s24 =	sld [smem:$0x3FFE];
	[sflag:s23] =	ssyncadd.s32 $0xFFFFFFFF  }
0xa5: {  	s26 =	simm.s32 $execute0_lowered;
	[smem:$0x3FD2] =	sst s25  }
0xa6: {  	s4 =	sshll.u32 s26, $0x1;
	_ =	strace $0x80000046;
	[dreg:$0x1] =	wrdreg $0xFFFFFFFF  }
0xa7: {  	s28 =	simm.s32 $_size_execute0_lowered;
	s2 =	sadd.s32 s2, s4;
	[dreg:$0x0] =	wrdreg $0x0  }
0xa8: {  	s4 =	sshll.u32 s28, $0x1;
	[dreg:$0x2] =	wrdreg s2  }
0xa9: {  	[dreg:$0x3] =	wrdreg s4  }
0xaa: {  	[dreg:$0x4] =	wrdreg $0xC0  }
0xab: {  	_ =	task [dreg:s6], $0x5FFFF  }
0xac: {  	[dreg:$0x1] =	wrdreg $0xFFFFFFFF  }
0xad: {  	[dreg:$0x0] =	wrdreg $0x60  }
0xae: {  	[dreg:$0x2] =	wrdreg s24  }
0xaf: {  	[dreg:$0x3] =	wrdreg $0x94000  }
0xb0: {  	[dreg:$0x4] =	wrdreg $0x9  }
0xb1: {  	_ =	task.clear_ibuf [dreg:s6], $0x5FFFF;
	_ =	strace $0x90000046  }
0xb2: {  	s29 =	simm.s32 $0x9;
	_ =	strace $0x80000048  }
0xb3: {  	_ =	swait.ge [sflag:s29], $0x1  }
0xb4: {  	[sflag:s29] =	ssyncadd.s32 $0xFFFFFFFF  }
0xb5: {  	_ =	strace $0x90000048  }
0xb6: {  	_ =	sfence  }
0xb7: {  	s30 =	sld [smem:$0x0];
	_ =	sdelay $0x2  }
0xb8: {  	s31 =	sshll.u32 s1, $0xD;
	s1 =	sshrl.u32 s1, $0x2  }
0xb9: {  	s3 =	sand.u32 $0x4000, s31;
	s1 =	sadd.s32 s1, s30  }
0xba: {  	s0 =	sor.u32 s3, s0;
	s1 =	sshll.u32 s1, $0x11  }
0xbb: {  	s0 =	sor.u32 s1, s0  }
0xbc: {  	s0 =	sadd.s32 $0x8F2B, s0  }
0xbd: {  	[sflag:s0] =	ssyncadd.remote.s32 $0x1  }
0xbe: {  	_ =	sfence.sel $0xFFFF  }
0xbf: {  	[dreg:$0x0] =	wrdreg $0xFFFFFFFF;
	(pc) =	sbr.abs _section_cstart, $3  }
0xc0: {  	[dreg:$0x1] =	wrdreg $0xFFFFFFFF  }
0xc1: {  	_ =	task.clear_ibuf [dreg:s6], $0x2FFFF;
	_ =	strace $0x9FFFFFFF  }
0xc2: {  	(tm) =	ssettm $0x7FFFFFFF  }
0xc3: {  	_ =	shalt  }
tec
execute0_lowered:
.L_overlay_start_1:
0x0: {  	(tag) =	ssettag $0x1  }
0x1: {  	s0 =	srdreg.scid;
	s7 =	rddreg [dreg:$0x0]  }
0x2: {  	s2 =	rddreg [dreg:$0x1];
	s3 =	simm.s32 $0x0;
	s14 =	simm.s32 $0x1  }
0x3: {  	s15 =	simm.s32 $0x1400;
	s16 =	simm.s32 $0x5400;
	s6 =	sand.u32 $0x1, s0  }
0x4: {  	s17 =	simm.s32 $0x80;
	s0 =	stileid.u32;
	s8 =	smul.u32 $0x140000, s6  }
0x5: {  	s20 =	simm.s32 $0x0;
	[smem:$0x7FF] =	sst s3;
	s9 =	smul.u32 $0x14000, s0  }
0x6: {  	s5 =	sadd.s32 $0x8A00, s7;
	s1 =	sshll.u32 s6, $0x4;
	s11 =	smul.u32 $0x50000, s0  }
0x7: {  	s6 =	ssub.s32 $0x2, s6;
	s18 =	sshll.u32 s0, $0x6;
	s4 =	sor.u32 s0, s1  }
0x8: {  	s1 =	rddreg [dreg:$0x2];
	_ =	strace $0x80000047;
	s31 =	sshrl.u32 s6, $0x1  }
0x9: {  	s18 =	sor.u32 $0x1C01, s18;
	s4 =	smul.u32 $0x280, s4;
	s8 =	sadd.s32 s9, s8  }
0xa: {  	s11 =	sshrl.u32 s11, $0x2;
	s13 =	ssub.s32 s6, s31;
	s8 =	sshrl.u32 s8, $0x3  }
0xb: {  	s6 =	sadd.s32 s11, s2;
	s13 =	smax.u32 s13, $0x1;
	s10 =	sadd.s32 s4, s7  }
0xc: {  	s4 =	sadd.s32 $0x9200, s7;
	s12 =	sadd.s32 s8, s7;
	s8 =	sadd.s32 $0x4000, s6  }
0xd: {  	s9 =	sadd.s32 $0x8000, s6;
	s11 =	sadd.s32 $0x10000, s6;
	s19 =	sshrl.u32 s6, $0x3  }
0xe: {  	s7 =	sadd.s32 $0x3A00, s10;
	s10 =	sadd.s32 $0xC000, s6;
	s12 =	sadd.s32 $0x9A00, s12  }
.LBB2_1:
0xf: {  	[tilespmem:s3], [sflag:$0x1] =	stream.linear.gather [hbm4b:s7+s3], $0x1400, $0x38;
	[tilespmem:$0x1D400] =	vst v63  }
0x10: {  	_ =	swait.ge [sflag:s14], $0x1400  }
0x11: {  	[sflag:s14] =	ssyncset.done $0x0  }
0x12: {  	[sflag:s14] =	ssyncadd.s32 $0xFFFFEC00  }
0x13: {  	[tilespmem:s15], [sflag:$0x1] =	stream.linear.gather [hbm4b:s4+s3], $0x4000, $0x38;
	[tilespmem:$0x1D400] =	vst v63  }
0x14: {  	_ =	swait.ge [sflag:s14], $0x4000  }
0x15: {  	[sflag:s14] =	ssyncset.done $0x0  }
0x16: {  	[sflag:s14] =	ssyncadd.s32 $0xFFFFC000  }
0x17: {  	[tilespmem:s16], [sflag:$0x1] =	stream.linear.gather [hbm4b:s5+s3], $0x4000, $0x38;
	[tilespmem:$0x1D400] =	vst v63  }
0x18: {  	_ =	swait.ge [sflag:s14], $0x4000  }
0x19: {  	[sflag:s14] =	ssyncset.done $0x0  }
0x1a: {  	[sflag:s14] =	ssyncadd.s32 $0xFFFFC000  }
0x1b: {  	[spmem:s6] =	stream.linear.scatter [tilespmem:s16], [sflag:$0x1], $0x4000, $0x38;
	[tilespmem:$0x1D400] =	vst v63  }
0x1c: {  	_ =	swait.ge [sflag:s14], $0x4000  }
0x1d: {  	[sflag:s14] =	ssyncset.done $0x0  }
0x1e: {  	[sflag:s14] =	ssyncadd.s32 $0xFFFFC000  }
0x1f: {  	[spmem:s8] =	stream.linear.scatter [tilespmem:s16], [sflag:$0x1], $0x4000, $0x38;
	[tilespmem:$0x1D400] =	vst v63  }
0x20: {  	_ =	swait.ge [sflag:s14], $0x4000  }
0x21: {  	[sflag:s14] =	ssyncset.done $0x0  }
0x22: {  	[sflag:s14] =	ssyncadd.s32 $0xFFFFC000  }
0x23: {  	[spmem:s9] =	stream.linear.scatter [tilespmem:s16], [sflag:$0x1], $0x4000, $0x38;
	[tilespmem:$0x1D400] =	vst v63  }
0x24: {  	_ =	swait.ge [sflag:s14], $0x4000  }
0x25: {  	[sflag:s14] =	ssyncset.done $0x0  }
0x26: {  	[sflag:s14] =	ssyncadd.s32 $0xFFFFC000  }
0x27: {  	[spmem:s10] =	stream.linear.scatter [tilespmem:s16], [sflag:$0x1], $0x4000, $0x38;
	[tilespmem:$0x1D400] =	vst v63  }
0x28: {  	_ =	swait.ge [sflag:s14], $0x4000  }
0x29: {  	[sflag:s14] =	ssyncset.done $0x0  }
0x2a: {  	[sflag:s14] =	ssyncadd.s32 $0xFFFFC000  }
0x2b: {  	[spmem:s11] =	stream.linear.scatter [tilespmem:s16], [sflag:$0x1], $0x4000, $0x38;
	[tilespmem:$0x1D400] =	vst v63  }
0x2c: {  	_ =	swait.ge [sflag:s14], $0x4000  }
0x2d: {  	[sflag:s14] =	ssyncset.done $0x0  }
0x2e: {  	[sflag:s14] =	ssyncadd.s32 $0xFFFFC000  }
0x2f: {  	s21 =	simm.s32 $0x0;
	[bflag:$0x0] =	sbarrier.arrive $0xFFFF  }
0x30: {  	[spmem:s2] =	stream.indirect.scatter.add.f32 [tilespmem:s15], [sflag:$0x1], $0x80, s21, s17, $0xb8;
	[tilespmem:$0x1D400] =	vst v63  }
0x31: {  	_ =	swait.ge [sflag:s14], $0x4000  }
0x32: {  	s21 =	simm.s32 $0x200;
	[sflag:s14] =	ssyncset.done $0x0  }
.LBB2_2:
0x33: {  	s22 =	sshra.s32 s21, $0x2;
	[sflag:s14] =	ssyncadd.s32 $0xFFFFC000;
	p0 =	sne.s32 s21, $0x4E00  }
0x34: {  	[spmem:s2] =	stream.indirect.scatter.add.f32 [tilespmem:s15], [sflag:$0x1], $0x80, s22, s17, $0xb8;
	[tilespmem:$0x1D400] =	vst v63  }
.Ltmp0:
0x35: {  	_ = 	snop;
	(pc) =	sbr.rel @p0 .LBB2_2-.Ltmp0, $4  }
0x36: {  	_ = 	snop  }
0x37: {  	s21 =	sadd.s32 $0x200, s21  }
0x38: {  	_ =	swait.ge [sflag:s14], $0x4000  }
0x39: {  	[sflag:s14] =	ssyncset.done $0x0  }
0x3a: {  	s20 =	sadd.s32 $0x1, s20  }
0x3b: {  	[sflag:s14] =	ssyncadd.s32 $0xFFFFC000;
	p0 =	sne.s32 s20, s13  }
.Ltmp1:
0x3c: {  	[bflag:$0x0] =	sbarrier.arrive $0xFFFF;
	(pc) =	sbr.rel @p0 .LBB2_1-.Ltmp1, $4  }
0x3d: {  	[hbm:s12], [sflag:s18] =	dma.local [spmem:s19], $0x2800  }
0x3e: {  	_ =	swait.ge [sflag:s14], $0x2800  }
0x3f: {  	[sflag:s14] =	ssyncset.done $0x0  }
0x40: {  	[sflag:s14] =	ssyncadd.s32 $0xFFFFD800  }
0x41: {  	_ =	sfence.sel $0x180000  }
0x42: {  	[bflag:$0x0] =	sbarrier.arrive $0xFFFF  }
0x43: {  	p0 =	sne.s32 s0, $0x0;
	_ =	strace $0x90000047  }
0x44: {  	s0 =	sadd.s32 @!p0 $0x100000, s1;
	[bflag:$0x2] =	sbarrier.arrive $0xFFFF  }
0x45: {  	[sflag:s0] =	ssyncadd.tile.s32 @!p0 $0x1;
	_ =	shalt  }
.Lfunc_end2:
_tile_overlayer_lowered:
.L_overlay_start_2:
0x46: {  	(tag) =	ssettag $0x2  }
0x47: {  	s0 =	rddreg [dreg:$0x0];
	s2 =	stileid.u32  }
0x48: {  	s1 =	rddreg [dreg:$0x1];
	p0 =	sne.s32 s2, $0x0  }
0x49: {  	s3 =	rddreg [dreg:$0x2];
	[bflag:$0x3] =	sbarrier.arrive $0xFFFF;
	s2 =	simm.s32 @!p0 $0x1C01  }
0x4a: {  	[timem:s3], [sflag:s2] =	dma.local @!p0 [hbm:s0], s1  }
0x4b: {  	s0 =	simm.s32 @!p0 $0x1  }
0x4c: {  	_ =	swait.ge @!p0 [sflag:s0], s1  }
0x4d: {  	s1 =	ssub.s32 @!p0 $0x0, s1;
	[sflag:s0] =	ssyncset.done @!p0 $0x0  }
0x4e: {  	[sflag:s0] =	ssyncadd.s32 @!p0 s1  }
0x4f: {  	[bflag:$0x3] =	sbarrier.arrive $0xFFFF  }
0x50: {  	_ =	shalt  }

// kernel: kernel.14.cloned.1.call-start
scs
__scs_entry_jumppad:
0x0: {  	(pc) =	sbr.rel $0x88, $3  }
0x1: {  	(tag) =	ssettag $0x0;
	lr =	simm.s32 $0x1  }
0x2: {  	[smem:$0x3F93] =	sst lr;
	_ =	strace $0xD0000000  }
0x3: {  	_ = 	snop  }
0x4: {  	_ = 	snop  }
0x5: {  	_ = 	snop  }
0x6: {  	_ = 	snop  }
0x7: {  	_ = 	snop  }
__scs_overlays_trampoline_lowered:
0x8: {  	[smem:$0x3FA2] =	sst s0  }
0x9: {  	[smem:$0x3FA3] =	sst s1  }
0xa: {  	[smem:$0x3FA4] =	sst s2  }
0xb: {  	[smem:$0x3FA5] =	sst s3  }
0xc: {  	[smem:$0x3FA6] =	sst s4  }
0xd: {  	[smem:$0x3FA7] =	sst s5  }
0xe: {  	[smem:$0x3FA8] =	sst s6  }
0xf: {  	[smem:$0x3FA9] =	sst s7  }
0x10: {  	[smem:$0x3FAA] =	sst s8  }
0x11: {  	[smem:$0x3FAB] =	sst s9;
	s0 =	simm.s32 @!p0 $0x0  }
0x12: {  	s1 =	sld [smem:$0x3F91];
	s0 =	simm.s32 @p0 $0x1  }
0x13: {  	[smem:$0x3FAC] =	sst s0;
	s0 =	simm.s32 @!p1 $0x0  }
0x14: {  	s2 =	sld [smem:$0x3F90];
	s0 =	simm.s32 @p1 $0x1  }
0x15: {  	[smem:$0x3FAD] =	sst s0;
	s0 =	simm.s32 @!p2 $0x0  }
0x16: {  	s3 =	sld [smem:$0x3FDB];
	s0 =	simm.s32 @p2 $0x1  }
0x17: {  	s4 =	simm.s32 $0x1BF5;
	[smem:$0x3FAF] =	sst s0  }
0x18: {  	s0 =	sld [smem:$0x3F92];
	_ =	swait.ge [sflag:s4], $0x0  }
0x19: {  	s7 =	sld [smem:$0x3F93]  }
0x1a: {  	s8 =	sadd.s32 $0xFFFFE003, lr  }
0x1b: {  	s9 =	sadd.s32 $0xFFFFFEF7, lr;
	s5 =	simm.s32 $0xFFFFFFFF;
	p2 =	slt.u32 s8, $0xFFFFF086  }
0x1c: {  	p1 =	slt.u32 s9, $0xF7A;
	s5 =	simm.s32 @!p2 $0x0  }
0x1d: {  	s5 =	simm.s32 @p1 $0x1;
	p0 =	seq.s32 s7, s2  }
0x1e: {  	s7 =	smul.u32 @!p0 $0xF7A, s2;
	p2 =	seq.s32 @!p0 s5, $0x0  }
0x1f: {  	s9 =	smul.u32 $0xF7A, s1;
	s8 =	simm.s32 @!p0 $0x1BF5;
	p2 =	por !p2, p0  }
0x20: {  	[sflag:s8] =	ssyncset.s32 @!p0 $0xFFFFF086;
	s6 =	sadd.s32 @!p0 s3, s7;
	s7 =	simm.s32 @!p0 $0x108  }
0x21: {  	s3 =	sadd.s32 s3, s9;
	s6 =	sadd.s32 @!p0 $0x88, s6;
	s7 =	simm.s32 @p2 $0x1082  }
0x22: {  	[simem:s7], [sflag:s8] =	dma.local @!p0 [hbm:s6], $0xF7A  }
0x23: {  	s9 =	sor.u32 $0xD0000000, s2;
	s6 =	simm.s32 $0x108;
	_ =	swait.ge @!p0 [sflag:s8], $0x0  }
0x24: {  	s3 =	sadd.s32 $0x88, s3;
	s6 =	simm.s32 @!p1 $0x1082;
	[sflag:s4] =	ssyncset.s32 $0xFFFFF086  }
0x25: {  	[simem:s6], [sflag:s4] =	dma.local [hbm:s3], $0xF7A  }
0x26: {  	[smem:$0x3F93] =	sst s1;
	(tag) =	ssettag s2;
	_ =	strace s9  }
0x27: {  	s1 =	sld [smem:$0x3FA3]  }
0x28: {  	s2 =	sld [smem:$0x3FA4]  }
0x29: {  	s4 =	sld [smem:$0x3FA6]  }
0x2a: {  	p0 =	seq.s32 s5, $0x0;
	s5 =	sld [smem:$0x3FA7]  }
0x2b: {  	s6 =	sld [smem:$0x3FA8]  }
0x2c: {  	s7 =	sld [smem:$0x3FA9]  }
0x2d: {  	s3 =	simm.s32 $0x108;
	s8 =	sld [smem:$0x3FAA]  }
0x2e: {  	s3 =	simm.s32 @!p0 $0x1082;
	s9 =	sld [smem:$0x3FAB]  }
0x2f: {  	lr =	sadd.s32 s0, s3;
	s0 =	sld [smem:$0x3FA2]  }
0x30: {  	s3 =	sld [smem:$0x3FA5]  }
0x31: {  	[smem:$0x3FAE] =	sst s10  }
0x32: {  	s10 =	sld [smem:$0x3FAC];
	_ =	sdelay $0x3  }
0x33: {  	p0 =	seq.s32 s10, $0x1;
	s10 =	sld [smem:$0x3FAE];
	_ =	sdelay $0x3  }
0x34: {  	[smem:$0x3FAE] =	sst s10  }
0x35: {  	s10 =	sld [smem:$0x3FAD];
	_ =	sdelay $0x3  }
0x36: {  	p1 =	seq.s32 s10, $0x1;
	s10 =	sld [smem:$0x3FAE];
	_ =	sdelay $0x3  }
0x37: {  	[smem:$0x3FAE] =	sst s10  }
0x38: {  	s10 =	sld [smem:$0x3FAF]  }
0x39: {  	_ = 	snop;
	(pc) =	sbr.ind lr, $3  }
0x3a: {  	_ = 	snop  }
0x3b: {  	_ = 	snop  }
0x3c: {  	p2 =	seq.s32 s10, $0x1;
	s10 =	sld [smem:$0x3FAE]  }
0x3d: {  	_ =	shalt  }
0x3e: {  	_ =	shalt  }
0x3f: {  	_ =	shalt  }
0x40: {  	_ =	shalt  }
0x41: {  	_ =	shalt  }
0x42: {  	_ =	shalt  }
0x43: {  	_ =	shalt  }
0x44: {  	_ =	shalt  }
0x45: {  	_ =	shalt  }
0x46: {  	_ =	shalt  }
0x47: {  	_ =	shalt  }
0x48: {  	_ =	shalt  }
0x49: {  	_ =	shalt  }
0x4a: {  	_ =	shalt  }
0x4b: {  	_ =	shalt  }
0x4c: {  	_ =	shalt  }
0x4d: {  	_ =	shalt  }
0x4e: {  	_ =	shalt  }
0x4f: {  	_ =	shalt  }
0x50: {  	_ =	shalt  }
0x51: {  	_ =	shalt  }
0x52: {  	_ =	shalt  }
0x53: {  	_ =	shalt  }
0x54: {  	_ =	shalt  }
0x55: {  	_ =	shalt  }
0x56: {  	_ =	shalt  }
0x57: {  	_ =	shalt  }
0x58: {  	_ =	shalt  }
0x59: {  	_ =	shalt  }
0x5a: {  	_ =	shalt  }
0x5b: {  	_ =	shalt  }
0x5c: {  	_ =	shalt  }
0x5d: {  	_ =	shalt  }
0x5e: {  	_ =	shalt  }
0x5f: {  	_ =	shalt  }
0x60: {  	_ =	shalt  }
0x61: {  	_ =	shalt  }
0x62: {  	_ =	shalt  }
0x63: {  	_ =	shalt  }
0x64: {  	_ =	shalt  }
0x65: {  	_ =	shalt  }
0x66: {  	_ =	shalt  }
0x67: {  	_ =	shalt  }
0x68: {  	_ =	shalt  }
0x69: {  	_ =	shalt  }
0x6a: {  	_ =	shalt  }
0x6b: {  	_ =	shalt  }
0x6c: {  	_ =	shalt  }
0x6d: {  	_ =	shalt  }
0x6e: {  	_ =	shalt  }
0x6f: {  	_ =	shalt  }
0x70: {  	_ =	shalt  }
0x71: {  	_ =	shalt  }
0x72: {  	_ =	shalt  }
0x73: {  	_ =	shalt  }
0x74: {  	_ =	shalt  }
0x75: {  	_ =	shalt  }
0x76: {  	_ =	shalt  }
0x77: {  	_ =	shalt  }
0x78: {  	_ =	shalt  }
0x79: {  	_ =	shalt  }
0x7a: {  	_ =	shalt  }
0x7b: {  	_ =	shalt  }
0x7c: {  	_ =	shalt  }
0x7d: {  	_ =	shalt  }
0x7e: {  	_ =	shalt  }
0x7f: {  	_ =	shalt  }
0x80: {  	_ =	shalt  }
0x81: {  	_ =	shalt  }
0x82: {  	_ =	shalt  }
0x83: {  	_ =	shalt  }
0x84: {  	_ =	shalt  }
0x85: {  	_ =	shalt  }
0x86: {  	_ =	shalt  }
0x87: {  	_ =	shalt  }
.Lfunc_end0:
.L_simem_size_0:
called_computation.1_lowered:
.L_overlay_start_0:
0x88: {  	s2 =	sld [smem:$0x3FD9]  }
0x89: {  	s3 =	sld [smem:$0x3FFE];
	_ =	sdelay $0x1  }
0x8a: {  	s1 =	srdreg.scid  }
0x8b: {  	s0 =	sand.u32 $0x1, s1  }
0x8c: {  	s17 =	sshll.u32 s0, $0xA;
	s2 =	sadd.s32 s3, s2  }
0x8d: {  	s2 =	sadd.s32 s2, s17  }
0x8e: {  	[smem:$0x3FBA] =	sst s2  }
0x8f: {  	_ = 	snop  }
0x90: {  	s2 =	sld [smem:$0x3FD0];
	(tm) =	ssettm $0x1  }
0x91: {  	s18 =	sld [smem:$0x3FFB];
	_ =	sdelay $0x3  }
0x92: {  	_ =	strace s18  }
0x93: {  	s3 =	sld [smem:$0x3FFC];
	_ =	sdelay $0x3  }
0x94: {  	_ =	strace s3  }
0x95: {  	s3 =	sld [smem:$0x3FFD];
	_ =	sdelay $0x3  }
0x96: {  	_ =	strace s3  }
0x97: {  	_ =	strace $0x8FFFFFFF  }
0x98: {  	s19 =	sld [smem:$0x3FDB];
	_ =	sdelay $0x1  }
0x99: {  	s4 =	simm.s32 $_scs_section_size  }
0x9a: {  	s5 =	simm.s32 $_size__tile_overlayer_lowered;
	s6 =	simm.s32 $_tile_overlayer_lowered  }
0x9b: {  	s22 =	simm.s32 $0x1BFF;
	s21 =	sshll.u32 s6, $0x1;
	s3 =	sadd.s32 s4, s19  }
0x9c: {  	s7 =	simm.s32 $0x0;
	s20 =	sshll.u32 s5, $0x1;
	s5 =	sadd.s32 s21, s3  }
0x9d: {  	[timem:s7], [sflag:s22] =	dma.local [hbm:s5], s20  }
0x9e: {  	_ =	swait.ge [sflag:s22], s20  }
0x9f: {  	s4 =	ssub.s32 $0x0, s20;
	[sflag:s22] =	ssyncset.done $0x0  }
0xa0: {  	[sflag:s22] =	ssyncadd.s32 s4;
	_ =	sdelay $0x1  }
0xa1: {  	s23 =	simm.s32 $0x1B8B  }
0xa2: {  	_ =	swait.ge [sflag:s23], $0x1  }
0xa3: {  	[sflag:s23] =	ssyncset.done $0x0  }
0xa4: {  	s25 =	simm.s32 $0x1B8E;
	s24 =	sld [smem:$0x3FFE];
	[sflag:s23] =	ssyncadd.s32 $0xFFFFFFFF  }
0xa5: {  	s26 =	simm.s32 $execute0_lowered;
	[smem:$0x3FD2] =	sst s25  }
0xa6: {  	s5 =	sshll.u32 s26, $0x1;
	_ =	strace $0x80000049;
	[dreg:$0x1] =	wrdreg $0xFFFFFFFF  }
0xa7: {  	s28 =	simm.s32 $_size_execute0_lowered;
	s3 =	sadd.s32 s3, s5;
	[dreg:$0x0] =	wrdreg $0x0  }
0xa8: {  	s5 =	sshll.u32 s28, $0x1;
	[dreg:$0x2] =	wrdreg s3  }
0xa9: {  	[dreg:$0x3] =	wrdreg s5  }
0xaa: {  	[dreg:$0x4] =	wrdreg $0xC0  }
0xab: {  	_ =	task [dreg:s7], $0x5FFFF  }
0xac: {  	[dreg:$0x1] =	wrdreg $0xFFFFFFFF  }
0xad: {  	[dreg:$0x0] =	wrdreg $0x60  }
0xae: {  	[dreg:$0x2] =	wrdreg s24  }
0xaf: {  	[dreg:$0x3] =	wrdreg s2  }
0xb0: {  	[dreg:$0x4] =	wrdreg $0xBC000  }
0xb1: {  	[dreg:$0x5] =	wrdreg $0x9  }
0xb2: {  	_ =	task.clear_ibuf [dreg:s7], $0x6FFFF;
	_ =	strace $0x90000049  }
0xb3: {  	s29 =	simm.s32 $0x9;
	_ =	strace $0x8000004B  }
0xb4: {  	_ =	swait.ge [sflag:s29], $0x1  }
0xb5: {  	[sflag:s29] =	ssyncadd.s32 $0xFFFFFFFF  }
0xb6: {  	_ =	strace $0x9000004B  }
0xb7: {  	_ =	sfence  }
0xb8: {  	s30 =	sld [smem:$0x0];
	_ =	sdelay $0x2  }
0xb9: {  	s31 =	sshll.u32 s1, $0xD;
	s1 =	sshrl.u32 s1, $0x2  }
0xba: {  	s3 =	sand.u32 $0x4000, s31;
	s1 =	sadd.s32 s1, s30  }
0xbb: {  	s0 =	sor.u32 s3, s0;
	s1 =	sshll.u32 s1, $0x11  }
0xbc: {  	s0 =	sor.u32 s1, s0  }
0xbd: {  	s0 =	sadd.s32 $0x8F2B, s0  }
0xbe: {  	[sflag:s0] =	ssyncadd.remote.s32 $0x1  }
0xbf: {  	_ =	sfence.sel $0xFFFF  }
0xc0: {  	[dreg:$0x0] =	wrdreg $0xFFFFFFFF;
	(pc) =	sbr.abs _section_cstart, $3  }
0xc1: {  	[dreg:$0x1] =	wrdreg $0xFFFFFFFF  }
0xc2: {  	_ =	task.clear_ibuf [dreg:s7], $0x2FFFF;
	_ =	strace $0x9FFFFFFF  }
0xc3: {  	(tm) =	ssettm $0x7FFFFFFF  }
tec
execute0_lowered:
.L_overlay_start_1:
0x0: {  	(tag) =	ssettag $0x1  }
0x1: {  	s6 =	rddreg [dreg:$0x0]  }
0x2: {  	s7 =	rddreg [dreg:$0x1]  }
0x3: {  	s1 =	rddreg [dreg:$0x2];
	s2 =	srdreg.scid;
	s3 =	simm.s32 $0x0  }
0x4: {  	s17 =	simm.s32 $0x3C00;
	s18 =	simm.s32 $0x2800;
	s19 =	simm.s32 $0x80  }
0x5: {  	s20 =	simm.s32 $0x7C00;
	s21 =	simm.s32 $0x1;
	s22 =	simm.s32 $0x2  }
0x6: {  	s24 =	simm.s32 $0x3B00;
	s25 =	simm.s32 $0x3B80;
	s26 =	sand.u32 $0x1, s2  }
0x7: {  	s28 =	simm.s32 $0x2780;
	s2 =	stileid.u32;
	s8 =	smul.u32 $0x140000, s26  }
0x8: {  	s29 =	simm.s32 $0x0;
	[smem:$0x7FF] =	sst s3;
	s9 =	smul.u32 $0x14000, s2  }
0x9: {  	s4 =	sadd.s32 $0x9200, s6;
	s12 =	sadd.s32 $0x59A00, s6;
	s30 =	smul.u32 $0x50000, s2  }
0xa: {  	s5 =	sadd.s32 $0x8A00, s6;
	s10 =	ssub.s32 $0x2, s26;
	s13 =	smul.u32 $0x500, s2  }
0xb: {  	_ =	strace $0x8000004A;
	s14 =	smul.u32 $0x2800, s2;
	s11 =	sshrl.u32 s10, $0x1  }
0xc: {  	s8 =	sadd.s32 s9, s8;
	s9 =	sshrl.u32 s30, $0x2;
	s16 =	ssub.s32 s10, s11  }
0xd: {  	s7 =	sadd.s32 s7, s13;
	s31 =	sshrl.u32 s14, $0x3;
	s8 =	sshrl.u32 s8, $0x3  }
0xe: {  	s14 =	sadd.s32 s12, s31;
	s15 =	sadd.s32 s8, s6;
	s6 =	sadd.s32 s9, s1  }
0xf: {  	s12 =	sadd.s32 s12, s13;
	s13 =	sadd.s32 $0x280, s14;
	s8 =	sadd.s32 $0x4000, s6  }
0x10: {  	s9 =	sadd.s32 $0x8000, s6;
	s10 =	sadd.s32 $0xC000, s6;
	s11 =	sadd.s32 $0x10000, s6  }
0x11: {  	v0 =	vmov s26;
	s14 =	sadd.s32 $0x5EA00, s15;
	s15 =	smax.u32 s16, $0x1;
	s16 =	simm.s32 $0x3  }
.LBB2_1:
0x12: {  	[tilespmem:s3], [sflag:$0x3] =	stream.linear.gather [hbm4b:s7+s3], $0x2800, $0x38;
	[tilespmem:$0x1FC00] =	vst v63  }
0x13: {  	_ =	swait.ge [sflag:s16], $0x2800  }
0x14: {  	[sflag:s16] =	ssyncset.done $0x0  }
0x15: {  	[sflag:s16] =	ssyncadd.s32 $0xFFFFD800  }
0x16: {  	[tilespmem:s17], [sflag:$0x3] =	stream.linear.gather [hbm4b:s5+s3], $0x4000, $0x38;
	[tilespmem:$0x1FC00] =	vst v63  }
0x17: {  	_ =	swait.ge [sflag:s16], $0x4000  }
0x18: {  	[sflag:s16] =	ssyncset.done $0x0  }
0x19: {  	[sflag:s16] =	ssyncadd.s32 $0xFFFFC000  }
0x1a: {  	[spmem:s6] =	stream.linear.scatter [tilespmem:s17], [sflag:$0x3], $0x4000, $0x38;
	[tilespmem:$0x1FC00] =	vst v63  }
0x1b: {  	_ =	swait.ge [sflag:s16], $0x4000  }
0x1c: {  	[sflag:s16] =	ssyncset.done $0x0  }
0x1d: {  	[sflag:s16] =	ssyncadd.s32 $0xFFFFC000  }
0x1e: {  	[spmem:s8] =	stream.linear.scatter [tilespmem:s17], [sflag:$0x3], $0x4000, $0x38;
	[tilespmem:$0x1FC00] =	vst v63  }
0x1f: {  	_ =	swait.ge [sflag:s16], $0x4000  }
0x20: {  	[sflag:s16] =	ssyncset.done $0x0  }
0x21: {  	[sflag:s16] =	ssyncadd.s32 $0xFFFFC000  }
0x22: {  	[spmem:s9] =	stream.linear.scatter [tilespmem:s17], [sflag:$0x3], $0x4000, $0x38;
	[tilespmem:$0x1FC00] =	vst v63  }
0x23: {  	_ =	swait.ge [sflag:s16], $0x4000  }
0x24: {  	[sflag:s16] =	ssyncset.done $0x0  }
0x25: {  	[sflag:s16] =	ssyncadd.s32 $0xFFFFC000  }
0x26: {  	[spmem:s10] =	stream.linear.scatter [tilespmem:s17], [sflag:$0x3], $0x4000, $0x38;
	[tilespmem:$0x1FC00] =	vst v63  }
0x27: {  	_ =	swait.ge [sflag:s16], $0x4000  }
0x28: {  	[sflag:s16] =	ssyncset.done $0x0  }
0x29: {  	[sflag:s16] =	ssyncadd.s32 $0xFFFFC000  }
0x2a: {  	[spmem:s11] =	stream.linear.scatter [tilespmem:s17], [sflag:$0x3], $0x4000, $0x38;
	[tilespmem:$0x1FC00] =	vst v63  }
0x2b: {  	_ =	swait.ge [sflag:s16], $0x4000  }
0x2c: {  	[sflag:s16] =	ssyncset.done $0x0  }
0x2d: {  	s30 =	simm.s32 $0x0;
	s31 =	simm.s32 $0x40;
	[sflag:s16] =	ssyncadd.s32 $0xFFFFC000  }
.LBB2_2:
0x2e: {  	p0 =	sne.s32 s31, $0x9FC0;
	v1 =	vld [tilespmem:s30+$0x0];
	_ =	sdelay $0x2  }
.Ltmp0:
0x2f: {  	(pc) =	sbr.rel @p0 .LBB2_2-.Ltmp0, $4  }
0x30: {  	_ = 	snop  }
0x31: {  	v1 =	vshll.u32 v1, $0x1  }
0x32: {  	v1 =	vor.u32 v0, v1  }
0x33: {  	[tilespmem:s30+$0x0] =	vst v1;
	s30 =	sshra.s32 s31, $0x2;
	s31 =	sadd.s32 $0x40, s31  }
0x34: {  	v1 =	vld [tilespmem:s30+$0x0];
	_ =	sdelay $0x4  }
0x35: {  	v1 =	vshll.u32 v1, $0x1  }
0x36: {  	v1 =	vor.u32 v0, v1  }
0x37: {  	[tilespmem:s30+$0x0] =	vst v1  }
0x38: {  	s30 =	simm.s32 $0x0;
	[bflag:$0x0] =	sbarrier.arrive $0xFFFF  }
0x39: {  	[tilespmem:s18], [sflag:$0x3] =	stream.linear.gather [hbm4b:s12+s30], $0x1400, $0x38;
	[tilespmem:$0x1FC00] =	vst v63  }
0x3a: {  	_ =	swait.ge [sflag:s16], $0x1400  }
0x3b: {  	[sflag:s16] =	ssyncset.done $0x0  }
0x3c: {  	[sflag:s16] =	ssyncadd.s32 $0xFFFFEC00  }
0x3d: {  	[tilespmem:s17], [sflag:$0x1] =	stream.indirect.gather [hbm4b:s4+s19], $0x80, s30, s19, $0xb8;
	[tilespmem:$0x1FC00] =	vst v63  }
0x3e: {  	s30 =	simm.s32 $0x80  }
0x3f: {  	[tilespmem:s20], [sflag:$0x2] =	stream.indirect.gather [hbm4b:s4+s19], $0x80, s30, s19, $0xb8;
	[tilespmem:$0x1FC00] =	vst v63  }
0x40: {  	_ =	swait.ge [sflag:s21], $0x4000  }
0x41: {  	[sflag:s21] =	ssyncset.done $0x0  }
0x42: {  	s30 =	simm.s32 $0x2800;
	[sflag:s21] =	ssyncadd.s32 $0xFFFFC000  }
0x43: {  	[spmem:s1] =	stream.indirect.scatter.add.f32 [tilespmem:s17], [sflag:$0x3], $0x80, s30, s19, $0xb8;
	[tilespmem:$0x1FC00] =	vst v63  }
0x44: {  	_ =	swait.ge [sflag:s16], $0x4000  }
0x45: {  	[sflag:s16] =	ssyncset.done $0x0  }
0x46: {  	s30 =	simm.s32 $0x100;
	[sflag:s16] =	ssyncadd.s32 $0xFFFFC000  }
0x47: {  	[tilespmem:s17], [sflag:$0x1] =	stream.indirect.gather [hbm4b:s4+s19], $0x80, s30, s19, $0xb8;
	[tilespmem:$0x1FC00] =	vst v63  }
0x48: {  	_ =	swait.ge [sflag:s22], $0x4000  }
0x49: {  	[sflag:s22] =	ssyncset.done $0x0  }
0x4a: {  	s30 =	simm.s32 $0x2880;
	[sflag:s22] =	ssyncadd.s32 $0xFFFFC000  }
0x4b: {  	[spmem:s1] =	stream.indirect.scatter.add.f32 [tilespmem:s20], [sflag:$0x3], $0x80, s30, s19, $0xb8;
	[tilespmem:$0x1FC00] =	vst v63  }
0x4c: {  	_ =	swait.ge [sflag:s16], $0x4000  }
0x4d: {  	s31 =	simm.s32 $0x800;
	s30 =	simm.s32 $0x100;
	[sflag:s16] =	ssyncset.done $0x0  }
.LBB2_4:
0x4e: {  	s0 =	sadd.s32 $0x80, s30  }
0x4f: {  	[sflag:s16] =	ssyncadd.s32 $0xFFFFC000;
	s23 =	smov.u32 s31;
	s26 =	sadd.s32 $0x400, s31  }
0x50: {  	[tilespmem:s20], [sflag:$0x2] =	stream.indirect.gather [hbm4b:s4+s19], $0x80, s0, s19, $0xb8;
	[tilespmem:$0x1FC00] =	vst v63  }
0x51: {  	p0 =	sne.s32 s31, $0x4800;
	_ =	swait.ge [sflag:s21], $0x4000  }
0x52: {  	[sflag:s21] =	ssyncset.done $0x0  }
0x53: {  	s0 =	sadd.s32 $0x2800, s30;
	[sflag:s21] =	ssyncadd.s32 $0xFFFFC000  }
0x54: {  	[spmem:s1] =	stream.indirect.scatter.add.f32 [tilespmem:s17], [sflag:$0x3], $0x80, s0, s19, $0xb8;
	[tilespmem:$0x1FC00] =	vst v63  }
0x55: {  	_ =	swait.ge [sflag:s16], $0x4000  }
0x56: {  	[sflag:s16] =	ssyncset.done $0x0  }
0x57: {  	s0 =	sadd.s32 $0x100, s30;
	[sflag:s16] =	ssyncadd.s32 $0xFFFFC000  }
0x58: {  	[tilespmem:s17], [sflag:$0x1] =	stream.indirect.gather [hbm4b:s4+s19], $0x80, s0, s19, $0xb8;
	[tilespmem:$0x1FC00] =	vst v63  }
0x59: {  	_ =	swait.ge [sflag:s22], $0x4000  }
.Ltmp1:
0x5a: {  	[sflag:s22] =	ssyncset.done $0x0;
	(pc) =	sbr.rel @p0 .LBB2_4-.Ltmp1, $4  }
0x5b: {  	s0 =	sadd.s32 $0x2880, s30;
	[sflag:s22] =	ssyncadd.s32 $0xFFFFC000  }
0x5c: {  	[spmem:s1] =	stream.indirect.scatter.add.f32 [tilespmem:s20], [sflag:$0x3], $0x80, s0, s19, $0xb8;
	[tilespmem:$0x1FC00] =	vst v63  }
0x5d: {  	_ =	swait.ge [sflag:s16], $0x4000  }
0x5e: {  	s31 =	smov.u32 s26;
	s30 =	sshra.s32 s23, $0x2;
	[sflag:s16] =	ssyncset.done $0x0  }
0x5f: {  	s0 =	sadd.s32 $0x80, s30;
	[sflag:s16] =	ssyncadd.s32 $0xFFFFC000  }
0x60: {  	[tilespmem:s20], [sflag:$0x2] =	stream.indirect.gather [hbm4b:s4+s19], $0x80, s0, s19, $0xb8;
	[tilespmem:$0x1FC00] =	vst v63  }
0x61: {  	_ =	swait.ge [sflag:s21], $0x4000  }
0x62: {  	[sflag:s21] =	ssyncset.done $0x0  }
0x63: {  	s23 =	sadd.s32 $0x2800, s30;
	[sflag:s21] =	ssyncadd.s32 $0xFFFFC000  }
0x64: {  	[spmem:s1] =	stream.indirect.scatter.add.f32 [tilespmem:s17], [sflag:$0x3], $0x80, s23, s19, $0xb8;
	[tilespmem:$0x1FC00] =	vst v63  }
0x65: {  	_ =	swait.ge [sflag:s16], $0x4000  }
0x66: {  	[sflag:s16] =	ssyncset.done $0x0  }
0x67: {  	s26 =	sadd.s32 $0x100, s30;
	[sflag:s16] =	ssyncadd.s32 $0xFFFFC000  }
0x68: {  	[tilespmem:s17], [sflag:$0x1] =	stream.indirect.gather [hbm4b:s4+s19], $0x80, s26, s19, $0xb8;
	[tilespmem:$0x1FC00] =	vst v63  }
0x69: {  	_ =	swait.ge [sflag:s22], $0x4000  }
0x6a: {  	[sflag:s22] =	ssyncset.done $0x0  }
0x6b: {  	s23 =	sadd.s32 $0x2880, s30;
	[sflag:s22] =	ssyncadd.s32 $0xFFFFC000  }
0x6c: {  	[spmem:s1] =	stream.indirect.scatter.add.f32 [tilespmem:s20], [sflag:$0x3], $0x80, s23, s19, $0xb8;
	[tilespmem:$0x1FC00] =	vst v63  }
0x6d: {  	_ =	swait.ge [sflag:s16], $0x4000  }
0x6e: {  	[sflag:s16] =	ssyncset.done $0x0  }
0x6f: {  	s26 =	simm.s32 $0x1380;
	[sflag:s16] =	ssyncadd.s32 $0xFFFFC000  }
0x70: {  	[tilespmem:s20], [sflag:$0x2] =	stream.indirect.gather [hbm4b:s4+s19], $0x80, s26, s19, $0xb8;
	[tilespmem:$0x1FC00] =	vst v63  }
0x71: {  	_ =	swait.ge [sflag:s21], $0x4000  }
0x72: {  	[sflag:s21] =	ssyncset.done $0x0  }
0x73: {  	[sflag:s21] =	ssyncadd.s32 $0xFFFFC000  }
0x74: {  	[spmem:s1] =	stream.indirect.scatter.add.f32 [tilespmem:s17], [sflag:$0x3], $0x80, s24, s19, $0xb8;
	[tilespmem:$0x1FC00] =	vst v63  }
0x75: {  	_ =	swait.ge [sflag:s16], $0x4000  }
0x76: {  	[sflag:s16] =	ssyncset.done $0x0  }
0x77: {  	[sflag:s16] =	ssyncadd.s32 $0xFFFFC000  }
0x78: {  	_ =	swait.ge [sflag:s22], $0x4000  }
0x79: {  	[sflag:s22] =	ssyncset.done $0x0  }
0x7a: {  	[sflag:s22] =	ssyncadd.s32 $0xFFFFC000  }
0x7b: {  	[spmem:s1] =	stream.indirect.scatter.add.f32 [tilespmem:s20], [sflag:$0x3], $0x80, s25, s19, $0xb8;
	[tilespmem:$0x1FC00] =	vst v63  }
0x7c: {  	_ =	swait.ge [sflag:s16], $0x4000  }
0x7d: {  	[sflag:s16] =	ssyncset.done $0x0  }
0x7e: {  	s23 =	simm.s32 $0x0;
	[sflag:s16] =	ssyncadd.s32 $0xFFFFC000  }
0x7f: {  	[tilespmem:s18], [sflag:$0x3] =	stream.linear.gather [hbm4b:s13+s23], $0x1400, $0x38;
	[tilespmem:$0x1FC00] =	vst v63  }
0x80: {  	_ =	swait.ge [sflag:s16], $0x1400  }
0x81: {  	[sflag:s16] =	ssyncset.done $0x0  }
0x82: {  	s26 =	simm.s32 $0x1400;
	[sflag:s16] =	ssyncadd.s32 $0xFFFFEC00  }
0x83: {  	[tilespmem:s17], [sflag:$0x1] =	stream.indirect.gather [hbm4b:s4+s19], $0x80, s26, s19, $0xb8;
	[tilespmem:$0x1FC00] =	vst v63  }
0x84: {  	s23 =	simm.s32 $0x1480  }
0x85: {  	[tilespmem:s20], [sflag:$0x2] =	stream.indirect.gather [hbm4b:s4+s19], $0x80, s23, s19, $0xb8;
	[tilespmem:$0x1FC00] =	vst v63  }
0x86: {  	_ =	swait.ge [sflag:s21], $0x4000  }
0x87: {  	[sflag:s21] =	ssyncset.done $0x0  }
0x88: {  	s26 =	simm.s32 $0x2800;
	[sflag:s21] =	ssyncadd.s32 $0xFFFFC000  }
0x89: {  	[spmem:s1] =	stream.indirect.scatter.add.f32 [tilespmem:s17], [sflag:$0x3], $0x80, s26, s19, $0xb8;
	[tilespmem:$0x1FC00] =	vst v63  }
0x8a: {  	_ =	swait.ge [sflag:s16], $0x4000  }
0x8b: {  	[sflag:s16] =	ssyncset.done $0x0  }
0x8c: {  	s23 =	simm.s32 $0x1500;
	[sflag:s16] =	ssyncadd.s32 $0xFFFFC000  }
0x8d: {  	[tilespmem:s17], [sflag:$0x1] =	stream.indirect.gather [hbm4b:s4+s19], $0x80, s23, s19, $0xb8;
	[tilespmem:$0x1FC00] =	vst v63  }
0x8e: {  	_ =	swait.ge [sflag:s22], $0x4000  }
0x8f: {  	[sflag:s22] =	ssyncset.done $0x0  }
0x90: {  	s26 =	simm.s32 $0x2880;
	[sflag:s22] =	ssyncadd.s32 $0xFFFFC000  }
0x91: {  	[spmem:s1] =	stream.indirect.scatter.add.f32 [tilespmem:s20], [sflag:$0x3], $0x80, s26, s19, $0xb8;
	[tilespmem:$0x1FC00] =	vst v63  }
0x92: {  	_ =	swait.ge [sflag:s16], $0x4000  }
0x93: {  	s31 =	simm.s32 $0x800;
	s30 =	simm.s32 $0x100;
	[sflag:s16] =	ssyncset.done $0x0  }
.LBB2_6:
0x94: {  	s0 =	sadd.s32 $0x1480, s30  }
0x95: {  	[sflag:s16] =	ssyncadd.s32 $0xFFFFC000;
	s23 =	smov.u32 s31;
	s26 =	sadd.s32 $0x400, s31  }
0x96: {  	[tilespmem:s20], [sflag:$0x2] =	stream.indirect.gather [hbm4b:s4+s19], $0x80, s0, s19, $0xb8;
	[tilespmem:$0x1FC00] =	vst v63  }
0x97: {  	p0 =	sne.s32 s31, $0x4800;
	_ =	swait.ge [sflag:s21], $0x4000  }
0x98: {  	[sflag:s21] =	ssyncset.done $0x0  }
0x99: {  	s0 =	sadd.s32 $0x2800, s30;
	[sflag:s21] =	ssyncadd.s32 $0xFFFFC000  }
0x9a: {  	[spmem:s1] =	stream.indirect.scatter.add.f32 [tilespmem:s17], [sflag:$0x3], $0x80, s0, s19, $0xb8;
	[tilespmem:$0x1FC00] =	vst v63  }
0x9b: {  	_ =	swait.ge [sflag:s16], $0x4000  }
0x9c: {  	[sflag:s16] =	ssyncset.done $0x0  }
0x9d: {  	s0 =	sadd.s32 $0x1500, s30;
	[sflag:s16] =	ssyncadd.s32 $0xFFFFC000  }
0x9e: {  	[tilespmem:s17], [sflag:$0x1] =	stream.indirect.gather [hbm4b:s4+s19], $0x80, s0, s19, $0xb8;
	[tilespmem:$0x1FC00] =	vst v63  }
0x9f: {  	_ =	swait.ge [sflag:s22], $0x4000  }
.Ltmp2:
0xa0: {  	[sflag:s22] =	ssyncset.done $0x0;
	(pc) =	sbr.rel @p0 .LBB2_6-.Ltmp2, $4  }
0xa1: {  	s0 =	sadd.s32 $0x2880, s30;
	[sflag:s22] =	ssyncadd.s32 $0xFFFFC000  }
0xa2: {  	[spmem:s1] =	stream.indirect.scatter.add.f32 [tilespmem:s20], [sflag:$0x3], $0x80, s0, s19, $0xb8;
	[tilespmem:$0x1FC00] =	vst v63  }
0xa3: {  	_ =	swait.ge [sflag:s16], $0x4000  }
0xa4: {  	s31 =	smov.u32 s26;
	s30 =	sshra.s32 s23, $0x2;
	[sflag:s16] =	ssyncset.done $0x0  }
0xa5: {  	s0 =	sadd.s32 $0x1480, s30;
	[sflag:s16] =	ssyncadd.s32 $0xFFFFC000  }
0xa6: {  	[tilespmem:s20], [sflag:$0x2] =	stream.indirect.gather [hbm4b:s4+s19], $0x80, s0, s19, $0xb8;
	[tilespmem:$0x1FC00] =	vst v63  }
0xa7: {  	_ =	swait.ge [sflag:s21], $0x4000  }
0xa8: {  	[sflag:s21] =	ssyncset.done $0x0  }
0xa9: {  	s23 =	sadd.s32 $0x2800, s30;
	[sflag:s21] =	ssyncadd.s32 $0xFFFFC000  }
0xaa: {  	[spmem:s1] =	stream.indirect.scatter.add.f32 [tilespmem:s17], [sflag:$0x3], $0x80, s23, s19, $0xb8;
	[tilespmem:$0x1FC00] =	vst v63  }
0xab: {  	_ =	swait.ge [sflag:s16], $0x4000  }
0xac: {  	[sflag:s16] =	ssyncset.done $0x0  }
0xad: {  	s26 =	sadd.s32 $0x1500, s30;
	[sflag:s16] =	ssyncadd.s32 $0xFFFFC000  }
0xae: {  	[tilespmem:s17], [sflag:$0x1] =	stream.indirect.gather [hbm4b:s4+s19], $0x80, s26, s19, $0xb8;
	[tilespmem:$0x1FC00] =	vst v63  }
0xaf: {  	_ =	swait.ge [sflag:s22], $0x4000  }
0xb0: {  	[sflag:s22] =	ssyncset.done $0x0  }
0xb1: {  	s30 =	sadd.s32 $0x2880, s30;
	[sflag:s22] =	ssyncadd.s32 $0xFFFFC000  }
0xb2: {  	[spmem:s1] =	stream.indirect.scatter.add.f32 [tilespmem:s20], [sflag:$0x3], $0x80, s30, s19, $0xb8;
	[tilespmem:$0x1FC00] =	vst v63  }
0xb3: {  	_ =	swait.ge [sflag:s16], $0x4000  }
0xb4: {  	[sflag:s16] =	ssyncset.done $0x0  }
0xb5: {  	[sflag:s16] =	ssyncadd.s32 $0xFFFFC000  }
0xb6: {  	[tilespmem:s20], [sflag:$0x2] =	stream.indirect.gather [hbm4b:s4+s19], $0x80, s28, s19, $0xb8;
	[tilespmem:$0x1FC00] =	vst v63  }
0xb7: {  	_ =	swait.ge [sflag:s21], $0x4000  }
0xb8: {  	[sflag:s21] =	ssyncset.done $0x0  }
0xb9: {  	[sflag:s21] =	ssyncadd.s32 $0xFFFFC000  }
0xba: {  	[spmem:s1] =	stream.indirect.scatter.add.f32 [tilespmem:s17], [sflag:$0x3], $0x80, s24, s19, $0xb8;
	[tilespmem:$0x1FC00] =	vst v63  }
0xbb: {  	_ =	swait.ge [sflag:s16], $0x4000  }
0xbc: {  	[sflag:s16] =	ssyncset.done $0x0  }
0xbd: {  	[sflag:s16] =	ssyncadd.s32 $0xFFFFC000  }
0xbe: {  	_ =	swait.ge [sflag:s22], $0x4000  }
0xbf: {  	[sflag:s22] =	ssyncset.done $0x0  }
0xc0: {  	[sflag:s22] =	ssyncadd.s32 $0xFFFFC000  }
0xc1: {  	[spmem:s1] =	stream.indirect.scatter.add.f32 [tilespmem:s20], [sflag:$0x3], $0x80, s25, s19, $0xb8;
	[tilespmem:$0x1FC00] =	vst v63  }
0xc2: {  	_ =	swait.ge [sflag:s16], $0x4000  }
0xc3: {  	s31 =	sshll.u32 s2, $0x6;
	s29 =	sadd.s32 $0x1, s29;
	[sflag:s16] =	ssyncset.done $0x0  }
0xc4: {  	s0 =	sor.u32 $0x1C03, s31;
	p0 =	sne.s32 s29, s15;
	[sflag:s16] =	ssyncadd.s32 $0xFFFFC000  }
.Ltmp3:
0xc5: {  	s23 =	sshrl.u32 s6, $0x3;
	[bflag:$0x0] =	sbarrier.arrive $0xFFFF;
	(pc) =	sbr.rel @p0 .LBB2_1-.Ltmp3, $4  }
0xc6: {  	[hbm:s14], [sflag:s0] =	dma.local [spmem:s23], $0x2800  }
0xc7: {  	_ =	swait.ge [sflag:s16], $0x2800  }
0xc8: {  	[sflag:s16] =	ssyncset.done $0x0  }
0xc9: {  	[sflag:s16] =	ssyncadd.s32 $0xFFFFD800  }
0xca: {  	_ =	sfence.sel $0x180000  }
0xcb: {  	[bflag:$0x0] =	sbarrier.arrive $0xFFFF  }
0xcc: {  	_ =	strace $0x9000004A  }
0xcd: {  	[bflag:$0x2] =	sbarrier.arrive $0xFFFF  }
0xce: {  	p0 =	sne.s32 s2, $0x0;
	s0 =	rddreg [dreg:$0x3]  }
0xcf: {  	s0 =	sadd.s32 @!p0 $0x100000, s0  }
0xd0: {  	[sflag:s0] =	ssyncadd.tile.s32 @!p0 $0x1;
	_ =	shalt  }
.Lfunc_end2:
_tile_overlayer_lowered:
.L_overlay_start_2:
0xd1: {  	(tag) =	ssettag $0x2  }
0xd2: {  	s0 =	rddreg [dreg:$0x0];
	s2 =	stileid.u32  }
0xd3: {  	s1 =	rddreg [dreg:$0x1];
	p0 =	sne.s32 s2, $0x0  }
0xd4: {  	s3 =	rddreg [dreg:$0x2];
	[bflag:$0x3] =	sbarrier.arrive $0xFFFF;
	s2 =	simm.s32 @!p0 $0x1C03  }
0xd5: {  	[timem:s3], [sflag:s2] =	dma.local @!p0 [hbm:s0], s1  }
0xd6: {  	s0 =	simm.s32 @!p0 $0x3  }
0xd7: {  	_ =	swait.ge @!p0 [sflag:s0], s1  }
0xd8: {  	s1 =	ssub.s32 @!p0 $0x0, s1;
	[sflag:s0] =	ssyncset.done @!p0 $0x0  }
0xd9: {  	[sflag:s0] =	ssyncadd.s32 @!p0 s1  }
0xda: {  	[bflag:$0x3] =	sbarrier.arrive $0xFFFF  }
0xdb: {  	_ =	shalt  }

// kernel: kernel.17.cloned.1.call-start
scs
__scs_entry_jumppad:
0x0: {  	(pc) =	sbr.rel $0x88, $3  }
0x1: {  	(tag) =	ssettag $0x0;
	lr =	simm.s32 $0x1  }
0x2: {  	[smem:$0x3F93] =	sst lr;
	_ =	strace $0xD0000000  }
0x3: {  	_ = 	snop  }
0x4: {  	_ = 	snop  }
0x5: {  	_ = 	snop  }
0x6: {  	_ = 	snop  }
0x7: {  	_ = 	snop  }
__scs_overlays_trampoline_lowered:
0x8: {  	[smem:$0x3FA2] =	sst s0  }
0x9: {  	[smem:$0x3FA3] =	sst s1  }
0xa: {  	[smem:$0x3FA4] =	sst s2  }
0xb: {  	[smem:$0x3FA5] =	sst s3  }
0xc: {  	[smem:$0x3FA6] =	sst s4  }
0xd: {  	[smem:$0x3FA7] =	sst s5  }
0xe: {  	[smem:$0x3FA8] =	sst s6  }
0xf: {  	[smem:$0x3FA9] =	sst s7  }
0x10: {  	[smem:$0x3FAA] =	sst s8  }
0x11: {  	[smem:$0x3FAB] =	sst s9;
	s0 =	simm.s32 @!p0 $0x0  }
0x12: {  	s1 =	sld [smem:$0x3F91];
	s0 =	simm.s32 @p0 $0x1  }
0x13: {  	[smem:$0x3FAC] =	sst s0;
	s0 =	simm.s32 @!p1 $0x0  }
0x14: {  	s2 =	sld [smem:$0x3F90];
	s0 =	simm.s32 @p1 $0x1  }
0x15: {  	[smem:$0x3FAD] =	sst s0;
	s0 =	simm.s32 @!p2 $0x0  }
0x16: {  	s3 =	sld [smem:$0x3FDB];
	s0 =	simm.s32 @p2 $0x1  }
0x17: {  	s4 =	simm.s32 $0x1BF5;
	[smem:$0x3FAF] =	sst s0  }
0x18: {  	s0 =	sld [smem:$0x3F92];
	_ =	swait.ge [sflag:s4], $0x0  }
0x19: {  	s7 =	sld [smem:$0x3F93]  }
0x1a: {  	s8 =	sadd.s32 $0xFFFFE003, lr  }
0x1b: {  	s9 =	sadd.s32 $0xFFFFFEF7, lr;
	s5 =	simm.s32 $0xFFFFFFFF;
	p2 =	slt.u32 s8, $0xFFFFF086  }
0x1c: {  	p1 =	slt.u32 s9, $0xF7A;
	s5 =	simm.s32 @!p2 $0x0  }
0x1d: {  	s5 =	simm.s32 @p1 $0x1;
	p0 =	seq.s32 s7, s2  }
0x1e: {  	s7 =	smul.u32 @!p0 $0xF7A, s2;
	p2 =	seq.s32 @!p0 s5, $0x0  }
0x1f: {  	s9 =	smul.u32 $0xF7A, s1;
	s8 =	simm.s32 @!p0 $0x1BF5;
	p2 =	por !p2, p0  }
0x20: {  	[sflag:s8] =	ssyncset.s32 @!p0 $0xFFFFF086;
	s6 =	sadd.s32 @!p0 s3, s7;
	s7 =	simm.s32 @!p0 $0x108  }
0x21: {  	s3 =	sadd.s32 s3, s9;
	s6 =	sadd.s32 @!p0 $0x88, s6;
	s7 =	simm.s32 @p2 $0x1082  }
0x22: {  	[simem:s7], [sflag:s8] =	dma.local @!p0 [hbm:s6], $0xF7A  }
0x23: {  	s9 =	sor.u32 $0xD0000000, s2;
	s6 =	simm.s32 $0x108;
	_ =	swait.ge @!p0 [sflag:s8], $0x0  }
0x24: {  	s3 =	sadd.s32 $0x88, s3;
	s6 =	simm.s32 @!p1 $0x1082;
	[sflag:s4] =	ssyncset.s32 $0xFFFFF086  }
0x25: {  	[simem:s6], [sflag:s4] =	dma.local [hbm:s3], $0xF7A  }
0x26: {  	[smem:$0x3F93] =	sst s1;
	(tag) =	ssettag s2;
	_ =	strace s9  }
0x27: {  	s1 =	sld [smem:$0x3FA3]  }
0x28: {  	s2 =	sld [smem:$0x3FA4]  }
0x29: {  	s4 =	sld [smem:$0x3FA6]  }
0x2a: {  	p0 =	seq.s32 s5, $0x0;
	s5 =	sld [smem:$0x3FA7]  }
0x2b: {  	s6 =	sld [smem:$0x3FA8]  }
0x2c: {  	s7 =	sld [smem:$0x3FA9]  }
0x2d: {  	s3 =	simm.s32 $0x108;
	s8 =	sld [smem:$0x3FAA]  }
0x2e: {  	s3 =	simm.s32 @!p0 $0x1082;
	s9 =	sld [smem:$0x3FAB]  }
0x2f: {  	lr =	sadd.s32 s0, s3;
	s0 =	sld [smem:$0x3FA2]  }
0x30: {  	s3 =	sld [smem:$0x3FA5]  }
0x31: {  	[smem:$0x3FAE] =	sst s10  }
0x32: {  	s10 =	sld [smem:$0x3FAC];
	_ =	sdelay $0x3  }
0x33: {  	p0 =	seq.s32 s10, $0x1;
	s10 =	sld [smem:$0x3FAE];
	_ =	sdelay $0x3  }
0x34: {  	[smem:$0x3FAE] =	sst s10  }
0x35: {  	s10 =	sld [smem:$0x3FAD];
	_ =	sdelay $0x3  }
0x36: {  	p1 =	seq.s32 s10, $0x1;
	s10 =	sld [smem:$0x3FAE];
	_ =	sdelay $0x3  }
0x37: {  	[smem:$0x3FAE] =	sst s10  }
0x38: {  	s10 =	sld [smem:$0x3FAF]  }
0x39: {  	_ = 	snop;
	(pc) =	sbr.ind lr, $3  }
0x3a: {  	_ = 	snop  }
0x3b: {  	_ = 	snop  }
0x3c: {  	p2 =	seq.s32 s10, $0x1;
	s10 =	sld [smem:$0x3FAE]  }
0x3d: {  	_ =	shalt  }
0x3e: {  	_ =	shalt  }
0x3f: {  	_ =	shalt  }
0x40: {  	_ =	shalt  }
0x41: {  	_ =	shalt  }
0x42: {  	_ =	shalt  }
0x43: {  	_ =	shalt  }
0x44: {  	_ =	shalt  }
0x45: {  	_ =	shalt  }
0x46: {  	_ =	shalt  }
0x47: {  	_ =	shalt  }
0x48: {  	_ =	shalt  }
0x49: {  	_ =	shalt  }
0x4a: {  	_ =	shalt  }
0x4b: {  	_ =	shalt  }
0x4c: {  	_ =	shalt  }
0x4d: {  	_ =	shalt  }
0x4e: {  	_ =	shalt  }
0x4f: {  	_ =	shalt  }
0x50: {  	_ =	shalt  }
0x51: {  	_ =	shalt  }
0x52: {  	_ =	shalt  }
0x53: {  	_ =	shalt  }
0x54: {  	_ =	shalt  }
0x55: {  	_ =	shalt  }
0x56: {  	_ =	shalt  }
0x57: {  	_ =	shalt  }
0x58: {  	_ =	shalt  }
0x59: {  	_ =	shalt  }
0x5a: {  	_ =	shalt  }
0x5b: {  	_ =	shalt  }
0x5c: {  	_ =	shalt  }
0x5d: {  	_ =	shalt  }
0x5e: {  	_ =	shalt  }
0x5f: {  	_ =	shalt  }
0x60: {  	_ =	shalt  }
0x61: {  	_ =	shalt  }
0x62: {  	_ =	shalt  }
0x63: {  	_ =	shalt  }
0x64: {  	_ =	shalt  }
0x65: {  	_ =	shalt  }
0x66: {  	_ =	shalt  }
0x67: {  	_ =	shalt  }
0x68: {  	_ =	shalt  }
0x69: {  	_ =	shalt  }
0x6a: {  	_ =	shalt  }
0x6b: {  	_ =	shalt  }
0x6c: {  	_ =	shalt  }
0x6d: {  	_ =	shalt  }
0x6e: {  	_ =	shalt  }
0x6f: {  	_ =	shalt  }
0x70: {  	_ =	shalt  }
0x71: {  	_ =	shalt  }
0x72: {  	_ =	shalt  }
0x73: {  	_ =	shalt  }
0x74: {  	_ =	shalt  }
0x75: {  	_ =	shalt  }
0x76: {  	_ =	shalt  }
0x77: {  	_ =	shalt  }
0x78: {  	_ =	shalt  }
0x79: {  	_ =	shalt  }
0x7a: {  	_ =	shalt  }
0x7b: {  	_ =	shalt  }
0x7c: {  	_ =	shalt  }
0x7d: {  	_ =	shalt  }
0x7e: {  	_ =	shalt  }
0x7f: {  	_ =	shalt  }
0x80: {  	_ =	shalt  }
0x81: {  	_ =	shalt  }
0x82: {  	_ =	shalt  }
0x83: {  	_ =	shalt  }
0x84: {  	_ =	shalt  }
0x85: {  	_ =	shalt  }
0x86: {  	_ =	shalt  }
0x87: {  	_ =	shalt  }
.Lfunc_end0:
.L_simem_size_0:
called_computation.2_lowered:
.L_overlay_start_0:
0x88: {  	s2 =	sld [smem:$0x3FD9]  }
0x89: {  	s3 =	sld [smem:$0x3FFE];
	_ =	sdelay $0x1  }
0x8a: {  	s1 =	srdreg.scid  }
0x8b: {  	s0 =	sand.u32 $0x1, s1  }
0x8c: {  	s17 =	sshll.u32 s0, $0xA;
	s2 =	sadd.s32 s3, s2  }
0x8d: {  	s2 =	sadd.s32 s2, s17  }
0x8e: {  	[smem:$0x3FBA] =	sst s2  }
0x8f: {  	_ = 	snop  }
0x90: {  	s2 =	sld [smem:$0x3FD0];
	(tm) =	ssettm $0x1  }
0x91: {  	s18 =	sld [smem:$0x3FFB];
	_ =	sdelay $0x3  }
0x92: {  	_ =	strace s18  }
0x93: {  	s3 =	sld [smem:$0x3FFC];
	_ =	sdelay $0x3  }
0x94: {  	_ =	strace s3  }
0x95: {  	s3 =	sld [smem:$0x3FFD];
	_ =	sdelay $0x3  }
0x96: {  	_ =	strace s3  }
0x97: {  	_ =	strace $0x8FFFFFFF  }
0x98: {  	s19 =	sld [smem:$0x3FDB];
	_ =	sdelay $0x1  }
0x99: {  	s4 =	simm.s32 $_scs_section_size  }
0x9a: {  	s5 =	simm.s32 $_size__tile_overlayer_lowered;
	s6 =	simm.s32 $_tile_overlayer_lowered  }
0x9b: {  	s22 =	simm.s32 $0x1BFF;
	s21 =	sshll.u32 s6, $0x1;
	s3 =	sadd.s32 s4, s19  }
0x9c: {  	s7 =	simm.s32 $0x0;
	s20 =	sshll.u32 s5, $0x1;
	s5 =	sadd.s32 s21, s3  }
0x9d: {  	[timem:s7], [sflag:s22] =	dma.local [hbm:s5], s20  }
0x9e: {  	_ =	swait.ge [sflag:s22], s20  }
0x9f: {  	s4 =	ssub.s32 $0x0, s20;
	[sflag:s22] =	ssyncset.done $0x0  }
0xa0: {  	[sflag:s22] =	ssyncadd.s32 s4;
	_ =	sdelay $0x1  }
0xa1: {  	s23 =	simm.s32 $0x1B8B  }
0xa2: {  	_ =	swait.ge [sflag:s23], $0x1  }
0xa3: {  	[sflag:s23] =	ssyncset.done $0x0  }
0xa4: {  	s25 =	simm.s32 $0x1B8E;
	s24 =	sld [smem:$0x3FFE];
	[sflag:s23] =	ssyncadd.s32 $0xFFFFFFFF  }
0xa5: {  	s26 =	simm.s32 $execute0_lowered;
	[smem:$0x3FD2] =	sst s25  }
0xa6: {  	s5 =	sshll.u32 s26, $0x1;
	_ =	strace $0x8000004C;
	[dreg:$0x1] =	wrdreg $0xFFFFFFFF  }
0xa7: {  	s28 =	simm.s32 $_size_execute0_lowered;
	s3 =	sadd.s32 s3, s5;
	[dreg:$0x0] =	wrdreg $0x0  }
0xa8: {  	s5 =	sshll.u32 s28, $0x1;
	[dreg:$0x2] =	wrdreg s3  }
0xa9: {  	[dreg:$0x3] =	wrdreg s5  }
0xaa: {  	[dreg:$0x4] =	wrdreg $0xC0  }
0xab: {  	_ =	task [dreg:s7], $0x5FFFF  }
0xac: {  	[dreg:$0x1] =	wrdreg $0xFFFFFFFF  }
0xad: {  	[dreg:$0x0] =	wrdreg $0x60  }
0xae: {  	[dreg:$0x2] =	wrdreg s24  }
0xaf: {  	[dreg:$0x3] =	wrdreg s2  }
0xb0: {  	[dreg:$0x4] =	wrdreg $0xBC000  }
0xb1: {  	[dreg:$0x5] =	wrdreg $0x9  }
0xb2: {  	_ =	task.clear_ibuf [dreg:s7], $0x6FFFF;
	_ =	strace $0x9000004C  }
0xb3: {  	s29 =	simm.s32 $0x9;
	_ =	strace $0x8000004E  }
0xb4: {  	_ =	swait.ge [sflag:s29], $0x1  }
0xb5: {  	[sflag:s29] =	ssyncadd.s32 $0xFFFFFFFF  }
0xb6: {  	_ =	strace $0x9000004E  }
0xb7: {  	_ =	sfence  }
0xb8: {  	s30 =	sld [smem:$0x0];
	_ =	sdelay $0x2  }
0xb9: {  	s31 =	sshll.u32 s1, $0xD;
	s1 =	sshrl.u32 s1, $0x2  }
0xba: {  	s3 =	sand.u32 $0x4000, s31;
	s1 =	sadd.s32 s1, s30  }
0xbb: {  	s0 =	sor.u32 s3, s0;
	s1 =	sshll.u32 s1, $0x11  }
0xbc: {  	s0 =	sor.u32 s1, s0  }
0xbd: {  	s0 =	sadd.s32 $0x8F2B, s0  }
0xbe: {  	[sflag:s0] =	ssyncadd.remote.s32 $0x1  }
0xbf: {  	_ =	sfence.sel $0xFFFF  }
0xc0: {  	[dreg:$0x0] =	wrdreg $0xFFFFFFFF;
	(pc) =	sbr.abs _section_cstart, $3  }
0xc1: {  	[dreg:$0x1] =	wrdreg $0xFFFFFFFF  }
0xc2: {  	_ =	task.clear_ibuf [dreg:s7], $0x2FFFF;
	_ =	strace $0x9FFFFFFF  }
0xc3: {  	(tm) =	ssettm $0x7FFFFFFF  }
tec
execute0_lowered:
.L_overlay_start_1:
0x0: {  	(tag) =	ssettag $0x1  }
0x1: {  	s0 =	rddreg [dreg:$0x0]  }
0x2: {  	s2 =	rddreg [dreg:$0x1]  }
0x3: {  	s1 =	rddreg [dreg:$0x2]  }
0x4: {  	s3 =	simm.s32 $0x0;
	s6 =	srdreg.scid;
	s25 =	stileid.u32  }
0x5: {  	s18 =	simm.s32 $0x3;
	s19 =	simm.s32 $0x3C00;
	s20 =	simm.s32 $0x2800  }
0x6: {  	s21 =	simm.s32 $0x80;
	s22 =	simm.s32 $0x7C00;
	s23 =	simm.s32 $0x1  }
0x7: {  	s24 =	simm.s32 $0x2;
	s28 =	simm.s32 $0x3B80;
	s29 =	simm.s32 $0x1400  }
0x8: {  	s30 =	simm.s32 $0x2780;
	[smem:$0x7FF] =	sst s3;
	s8 =	smul.u32 $0x50000, s25  }
0x9: {  	s4 =	sadd.s32 $0x31FA00, s0;
	s7 =	sadd.s32 $0x59A00, s0;
	s14 =	smul.u32 $0x500, s25  }
0xa: {  	s5 =	sadd.s32 $0x8A00, s0;
	s13 =	sand.u32 $0x1, s6;
	s11 =	smul.u32 $0x2800, s25  }
0xb: {  	s6 =	sadd.s32 $0x5EA00, s0;
	s16 =	smul.u32 $0x14000, s25;
	s25 =	simm.s32 $0x1380  }
0xc: {  	_ =	strace $0x8000004D;
	s26 =	ssub.s32 $0x2, s13;
	s13 =	sshll.u32 s13, $0x2  }
0xd: {  	s9 =	sshrl.u32 s26, $0x1;
	s8 =	sshrl.u32 s8, $0x2;
	s2 =	sadd.s32 s2, s14  }
0xe: {  	s31 =	sshrl.u32 s11, $0x3;
	s14 =	sadd.s32 s7, s14;
	s0 =	ssub.s32 s26, s9  }
0xf: {  	[dreg:$0x4] =	wrdreg s2;
	s8 =	sadd.s32 s8, s1;
	s2 =	sadd.s32 s7, s31  }
0x10: {  	s26 =	simm.s32 $0x3B00;
	s9 =	sadd.s32 $0x4000, s8;
	s10 =	sadd.s32 $0x8000, s8  }
0x11: {  	s11 =	sadd.s32 $0xC000, s8;
	s12 =	sadd.s32 $0x10000, s8;
	s0 =	smax.u32 s0, $0x1  }
0x12: {  	v0 =	vmov s13;
	s15 =	sadd.s32 $0x280, s2;
	s2 =	simm.s32 $0x0;
	[dreg:$0x5] =	wrdreg s0  }
.LBB2_1:
0x13: {  	[dreg:$0x6] =	wrdreg s2  }
0x14: {  	s0 =	simm.s32 $0x0;
	s31 =	rddreg [dreg:$0x4]  }
0x15: {  	[tilespmem:s0], [sflag:$0x3] =	stream.linear.gather [hbm4b:s31+s0], $0x2800, $0x38;
	[tilespmem:$0x1FC00] =	vst v63  }
0x16: {  	_ =	swait.ge [sflag:s18], $0x2800  }
0x17: {  	[sflag:s18] =	ssyncset.done $0x0  }
0x18: {  	s0 =	simm.s32 $0x0;
	[sflag:s18] =	ssyncadd.s32 $0xFFFFD800  }
.LBB2_2:
0x19: {  	s2 =	simm.s32 $0x0  }
0x1a: {  	[tilespmem:s19], [sflag:$0x3] =	stream.linear.gather [hbm4b:s5+s2], $0x4000, $0x38;
	[tilespmem:$0x1FC00] =	vst v63  }
0x1b: {  	_ =	swait.ge [sflag:s18], $0x4000  }
0x1c: {  	[sflag:s18] =	ssyncset.done $0x0  }
0x1d: {  	[sflag:s18] =	ssyncadd.s32 $0xFFFFC000  }
0x1e: {  	[spmem:s8] =	stream.linear.scatter [tilespmem:s19], [sflag:$0x3], $0x4000, $0x38;
	[tilespmem:$0x1FC00] =	vst v63  }
0x1f: {  	_ =	swait.ge [sflag:s18], $0x4000  }
0x20: {  	[sflag:s18] =	ssyncset.done $0x0  }
0x21: {  	[sflag:s18] =	ssyncadd.s32 $0xFFFFC000  }
0x22: {  	[spmem:s9] =	stream.linear.scatter [tilespmem:s19], [sflag:$0x3], $0x4000, $0x38;
	[tilespmem:$0x1FC00] =	vst v63  }
0x23: {  	_ =	swait.ge [sflag:s18], $0x4000  }
0x24: {  	[sflag:s18] =	ssyncset.done $0x0  }
0x25: {  	[sflag:s18] =	ssyncadd.s32 $0xFFFFC000  }
0x26: {  	[spmem:s10] =	stream.linear.scatter [tilespmem:s19], [sflag:$0x3], $0x4000, $0x38;
	[tilespmem:$0x1FC00] =	vst v63  }
0x27: {  	_ =	swait.ge [sflag:s18], $0x4000  }
0x28: {  	[sflag:s18] =	ssyncset.done $0x0  }
0x29: {  	[sflag:s18] =	ssyncadd.s32 $0xFFFFC000  }
0x2a: {  	[spmem:s11] =	stream.linear.scatter [tilespmem:s19], [sflag:$0x3], $0x4000, $0x38;
	[tilespmem:$0x1FC00] =	vst v63  }
0x2b: {  	_ =	swait.ge [sflag:s18], $0x4000  }
0x2c: {  	[sflag:s18] =	ssyncset.done $0x0  }
0x2d: {  	[sflag:s18] =	ssyncadd.s32 $0xFFFFC000  }
0x2e: {  	[spmem:s12] =	stream.linear.scatter [tilespmem:s19], [sflag:$0x3], $0x4000, $0x38;
	[tilespmem:$0x1FC00] =	vst v63  }
0x2f: {  	_ =	swait.ge [sflag:s18], $0x4000  }
0x30: {  	p0 =	seq.s32 s0, $0x0;
	[sflag:s18] =	ssyncset.done $0x0  }
0x31: {  	s7 =	simm.s32 $0x40;
	s2 =	simm.s32 $0x0;
	[sflag:s18] =	ssyncadd.s32 $0xFFFFC000  }
.LBB2_3:
0x32: {  	p1 =	sne.s32 s7, $0x9FC0;
	v1 =	vld [tilespmem:s2+$0x0];
	_ =	sdelay $0x3  }
.Ltmp0:
0x33: {  	(pc) =	sbr.rel @p1 .LBB2_3-.Ltmp0, $4  }
0x34: {  	v2 =	vshll.u32 v1, $0x3  }
0x35: {  	v1 =	vadd.s32 $0x1, v1;
	v2 =	vor.u32 v0, v2  }
0x36: {  	v1 =	vpsel p0, v2, v1  }
0x37: {  	[tilespmem:s2+$0x0] =	vst v1;
	s2 =	sshra.s32 s7, $0x2;
	s7 =	sadd.s32 $0x40, s7  }
0x38: {  	v1 =	vld [tilespmem:s2+$0x0];
	_ =	sdelay $0x4  }
0x39: {  	v2 =	vshll.u32 v1, $0x3  }
0x3a: {  	v1 =	vadd.s32 $0x1, v1;
	v2 =	vor.u32 v0, v2  }
0x3b: {  	v1 =	vpsel p0, v2, v1  }
0x3c: {  	[tilespmem:s2+$0x0] =	vst v1  }
0x3d: {  	s31 =	simm.s32 $0x0;
	[bflag:$0x0] =	sbarrier.arrive $0xFFFF  }
0x3e: {  	[tilespmem:s20], [sflag:$0x3] =	stream.linear.gather [hbm4b:s14+s31], $0x1400, $0x38;
	[tilespmem:$0x1FC00] =	vst v63  }
0x3f: {  	_ =	swait.ge [sflag:s18], $0x1400  }
0x40: {  	[sflag:s18] =	ssyncset.done $0x0  }
0x41: {  	[sflag:s18] =	ssyncadd.s32 $0xFFFFEC00  }
0x42: {  	[tilespmem:s19], [sflag:$0x1] =	stream.indirect.gather [hbm4b:s4+s21], $0x80, s31, s21, $0xb8;
	[tilespmem:$0x1FC00] =	vst v63  }
0x43: {  	s3 =	simm.s32 $0x80  }
0x44: {  	[tilespmem:s22], [sflag:$0x2] =	stream.indirect.gather [hbm4b:s4+s21], $0x80, s3, s21, $0xb8;
	[tilespmem:$0x1FC00] =	vst v63  }
0x45: {  	_ =	swait.ge [sflag:s23], $0x4000  }
0x46: {  	[sflag:s23] =	ssyncset.done $0x0  }
0x47: {  	s7 =	simm.s32 $0x2800;
	[sflag:s23] =	ssyncadd.s32 $0xFFFFC000  }
0x48: {  	[spmem:s1] =	stream.indirect.scatter.add.f32 [tilespmem:s19], [sflag:$0x3], $0x80, s7, s21, $0xb8;
	[tilespmem:$0x1FC00] =	vst v63  }
0x49: {  	_ =	swait.ge [sflag:s18], $0x4000  }
0x4a: {  	[sflag:s18] =	ssyncset.done $0x0  }
0x4b: {  	s17 =	simm.s32 $0x100;
	[sflag:s18] =	ssyncadd.s32 $0xFFFFC000  }
0x4c: {  	[tilespmem:s19], [sflag:$0x1] =	stream.indirect.gather [hbm4b:s4+s21], $0x80, s17, s21, $0xb8;
	[tilespmem:$0x1FC00] =	vst v63  }
0x4d: {  	_ =	swait.ge [sflag:s24], $0x4000  }
0x4e: {  	[sflag:s24] =	ssyncset.done $0x0  }
0x4f: {  	s31 =	simm.s32 $0x2880;
	[sflag:s24] =	ssyncadd.s32 $0xFFFFC000  }
0x50: {  	[spmem:s1] =	stream.indirect.scatter.add.f32 [tilespmem:s22], [sflag:$0x3], $0x80, s31, s21, $0xb8;
	[tilespmem:$0x1FC00] =	vst v63  }
0x51: {  	_ =	swait.ge [sflag:s18], $0x4000  }
0x52: {  	s2 =	simm.s32 $0x100;
	s7 =	simm.s32 $0x800;
	[sflag:s18] =	ssyncset.done $0x0  }
.LBB2_5:
0x53: {  	s17 =	sadd.s32 $0x80, s2  }
0x54: {  	[sflag:s18] =	ssyncadd.s32 $0xFFFFC000;
	s31 =	smov.u32 s7;
	s3 =	sadd.s32 $0x400, s7  }
0x55: {  	[tilespmem:s22], [sflag:$0x2] =	stream.indirect.gather [hbm4b:s4+s21], $0x80, s17, s21, $0xb8;
	[tilespmem:$0x1FC00] =	vst v63  }
0x56: {  	p0 =	sne.s32 s7, $0x4800;
	_ =	swait.ge [sflag:s23], $0x4000  }
0x57: {  	[sflag:s23] =	ssyncset.done $0x0  }
0x58: {  	s7 =	sadd.s32 $0x2800, s2;
	[sflag:s23] =	ssyncadd.s32 $0xFFFFC000  }
0x59: {  	[spmem:s1] =	stream.indirect.scatter.add.f32 [tilespmem:s19], [sflag:$0x3], $0x80, s7, s21, $0xb8;
	[tilespmem:$0x1FC00] =	vst v63  }
0x5a: {  	_ =	swait.ge [sflag:s18], $0x4000  }
0x5b: {  	[sflag:s18] =	ssyncset.done $0x0  }
0x5c: {  	s7 =	sadd.s32 $0x100, s2;
	[sflag:s18] =	ssyncadd.s32 $0xFFFFC000  }
0x5d: {  	[tilespmem:s19], [sflag:$0x1] =	stream.indirect.gather [hbm4b:s4+s21], $0x80, s7, s21, $0xb8;
	[tilespmem:$0x1FC00] =	vst v63  }
0x5e: {  	_ =	swait.ge [sflag:s24], $0x4000  }
.Ltmp1:
0x5f: {  	[sflag:s24] =	ssyncset.done $0x0;
	(pc) =	sbr.rel @p0 .LBB2_5-.Ltmp1, $4  }
0x60: {  	s2 =	sadd.s32 $0x2880, s2;
	[sflag:s24] =	ssyncadd.s32 $0xFFFFC000  }
0x61: {  	[spmem:s1] =	stream.indirect.scatter.add.f32 [tilespmem:s22], [sflag:$0x3], $0x80, s2, s21, $0xb8;
	[tilespmem:$0x1FC00] =	vst v63  }
0x62: {  	_ =	swait.ge [sflag:s18], $0x4000  }
0x63: {  	s7 =	smov.u32 s3;
	s2 =	sshra.s32 s31, $0x2;
	[sflag:s18] =	ssyncset.done $0x0  }
0x64: {  	s3 =	sadd.s32 $0x80, s2;
	[sflag:s18] =	ssyncadd.s32 $0xFFFFC000  }
0x65: {  	[tilespmem:s22], [sflag:$0x2] =	stream.indirect.gather [hbm4b:s4+s21], $0x80, s3, s21, $0xb8;
	[tilespmem:$0x1FC00] =	vst v63  }
0x66: {  	_ =	swait.ge [sflag:s23], $0x4000  }
0x67: {  	[sflag:s23] =	ssyncset.done $0x0  }
0x68: {  	s31 =	sadd.s32 $0x2800, s2;
	[sflag:s23] =	ssyncadd.s32 $0xFFFFC000  }
0x69: {  	[spmem:s1] =	stream.indirect.scatter.add.f32 [tilespmem:s19], [sflag:$0x3], $0x80, s31, s21, $0xb8;
	[tilespmem:$0x1FC00] =	vst v63  }
0x6a: {  	_ =	swait.ge [sflag:s18], $0x4000  }
0x6b: {  	[sflag:s18] =	ssyncset.done $0x0  }
0x6c: {  	s7 =	sadd.s32 $0x100, s2;
	[sflag:s18] =	ssyncadd.s32 $0xFFFFC000  }
0x6d: {  	[tilespmem:s19], [sflag:$0x1] =	stream.indirect.gather [hbm4b:s4+s21], $0x80, s7, s21, $0xb8;
	[tilespmem:$0x1FC00] =	vst v63  }
0x6e: {  	_ =	swait.ge [sflag:s24], $0x4000  }
0x6f: {  	[sflag:s24] =	ssyncset.done $0x0  }
0x70: {  	s17 =	sadd.s32 $0x2880, s2;
	[sflag:s24] =	ssyncadd.s32 $0xFFFFC000  }
0x71: {  	[spmem:s1] =	stream.indirect.scatter.add.f32 [tilespmem:s22], [sflag:$0x3], $0x80, s17, s21, $0xb8;
	[tilespmem:$0x1FC00] =	vst v63  }
0x72: {  	_ =	swait.ge [sflag:s18], $0x4000  }
0x73: {  	[sflag:s18] =	ssyncset.done $0x0  }
0x74: {  	[sflag:s18] =	ssyncadd.s32 $0xFFFFC000  }
0x75: {  	[tilespmem:s22], [sflag:$0x2] =	stream.indirect.gather [hbm4b:s4+s21], $0x80, s25, s21, $0xb8;
	[tilespmem:$0x1FC00] =	vst v63  }
0x76: {  	_ =	swait.ge [sflag:s23], $0x4000  }
0x77: {  	[sflag:s23] =	ssyncset.done $0x0  }
0x78: {  	[sflag:s23] =	ssyncadd.s32 $0xFFFFC000  }
0x79: {  	[spmem:s1] =	stream.indirect.scatter.add.f32 [tilespmem:s19], [sflag:$0x3], $0x80, s26, s21, $0xb8;
	[tilespmem:$0x1FC00] =	vst v63  }
0x7a: {  	_ =	swait.ge [sflag:s18], $0x4000  }
0x7b: {  	[sflag:s18] =	ssyncset.done $0x0  }
0x7c: {  	[sflag:s18] =	ssyncadd.s32 $0xFFFFC000  }
0x7d: {  	_ =	swait.ge [sflag:s24], $0x4000  }
0x7e: {  	[sflag:s24] =	ssyncset.done $0x0  }
0x7f: {  	[sflag:s24] =	ssyncadd.s32 $0xFFFFC000  }
0x80: {  	[spmem:s1] =	stream.indirect.scatter.add.f32 [tilespmem:s22], [sflag:$0x3], $0x80, s28, s21, $0xb8;
	[tilespmem:$0x1FC00] =	vst v63  }
0x81: {  	_ =	swait.ge [sflag:s18], $0x4000  }
0x82: {  	[sflag:s18] =	ssyncset.done $0x0  }
0x83: {  	s31 =	simm.s32 $0x0;
	[sflag:s18] =	ssyncadd.s32 $0xFFFFC000  }
0x84: {  	[tilespmem:s20], [sflag:$0x3] =	stream.linear.gather [hbm4b:s15+s31], $0x1400, $0x38;
	[tilespmem:$0x1FC00] =	vst v63  }
0x85: {  	_ =	swait.ge [sflag:s18], $0x1400  }
0x86: {  	[sflag:s18] =	ssyncset.done $0x0  }
0x87: {  	[sflag:s18] =	ssyncadd.s32 $0xFFFFEC00  }
0x88: {  	[tilespmem:s19], [sflag:$0x1] =	stream.indirect.gather [hbm4b:s4+s21], $0x80, s29, s21, $0xb8;
	[tilespmem:$0x1FC00] =	vst v63  }
0x89: {  	s3 =	simm.s32 $0x1480  }
0x8a: {  	[tilespmem:s22], [sflag:$0x2] =	stream.indirect.gather [hbm4b:s4+s21], $0x80, s3, s21, $0xb8;
	[tilespmem:$0x1FC00] =	vst v63  }
0x8b: {  	_ =	swait.ge [sflag:s23], $0x4000  }
0x8c: {  	[sflag:s23] =	ssyncset.done $0x0  }
0x8d: {  	s7 =	simm.s32 $0x2800;
	[sflag:s23] =	ssyncadd.s32 $0xFFFFC000  }
0x8e: {  	[spmem:s1] =	stream.indirect.scatter.add.f32 [tilespmem:s19], [sflag:$0x3], $0x80, s7, s21, $0xb8;
	[tilespmem:$0x1FC00] =	vst v63  }
0x8f: {  	_ =	swait.ge [sflag:s18], $0x4000  }
0x90: {  	[sflag:s18] =	ssyncset.done $0x0  }
0x91: {  	s17 =	simm.s32 $0x1500;
	[sflag:s18] =	ssyncadd.s32 $0xFFFFC000  }
0x92: {  	[tilespmem:s19], [sflag:$0x1] =	stream.indirect.gather [hbm4b:s4+s21], $0x80, s17, s21, $0xb8;
	[tilespmem:$0x1FC00] =	vst v63  }
0x93: {  	_ =	swait.ge [sflag:s24], $0x4000  }
0x94: {  	[sflag:s24] =	ssyncset.done $0x0  }
0x95: {  	s31 =	simm.s32 $0x2880;
	[sflag:s24] =	ssyncadd.s32 $0xFFFFC000  }
0x96: {  	[spmem:s1] =	stream.indirect.scatter.add.f32 [tilespmem:s22], [sflag:$0x3], $0x80, s31, s21, $0xb8;
	[tilespmem:$0x1FC00] =	vst v63  }
0x97: {  	_ =	swait.ge [sflag:s18], $0x4000  }
0x98: {  	s2 =	simm.s32 $0x100;
	s7 =	simm.s32 $0x800;
	[sflag:s18] =	ssyncset.done $0x0  }
.LBB2_7:
0x99: {  	s3 =	sadd.s32 $0x1480, s2  }
0x9a: {  	[sflag:s18] =	ssyncadd.s32 $0xFFFFC000;
	s17 =	smov.u32 s7;
	s31 =	sadd.s32 $0x400, s7  }
0x9b: {  	[tilespmem:s22], [sflag:$0x2] =	stream.indirect.gather [hbm4b:s4+s21], $0x80, s3, s21, $0xb8;
	[tilespmem:$0x1FC00] =	vst v63  }
0x9c: {  	p0 =	sne.s32 s7, $0x4800;
	_ =	swait.ge [sflag:s23], $0x4000  }
0x9d: {  	[sflag:s23] =	ssyncset.done $0x0  }
0x9e: {  	s3 =	sadd.s32 $0x2800, s2;
	[sflag:s23] =	ssyncadd.s32 $0xFFFFC000  }
0x9f: {  	[spmem:s1] =	stream.indirect.scatter.add.f32 [tilespmem:s19], [sflag:$0x3], $0x80, s3, s21, $0xb8;
	[tilespmem:$0x1FC00] =	vst v63  }
0xa0: {  	_ =	swait.ge [sflag:s18], $0x4000  }
0xa1: {  	[sflag:s18] =	ssyncset.done $0x0  }
0xa2: {  	s3 =	sadd.s32 $0x1500, s2;
	[sflag:s18] =	ssyncadd.s32 $0xFFFFC000  }
0xa3: {  	[tilespmem:s19], [sflag:$0x1] =	stream.indirect.gather [hbm4b:s4+s21], $0x80, s3, s21, $0xb8;
	[tilespmem:$0x1FC00] =	vst v63  }
0xa4: {  	_ =	swait.ge [sflag:s24], $0x4000  }
.Ltmp2:
0xa5: {  	[sflag:s24] =	ssyncset.done $0x0;
	(pc) =	sbr.rel @p0 .LBB2_7-.Ltmp2, $4  }
0xa6: {  	s2 =	sadd.s32 $0x2880, s2;
	[sflag:s24] =	ssyncadd.s32 $0xFFFFC000  }
0xa7: {  	[spmem:s1] =	stream.indirect.scatter.add.f32 [tilespmem:s22], [sflag:$0x3], $0x80, s2, s21, $0xb8;
	[tilespmem:$0x1FC00] =	vst v63  }
0xa8: {  	_ =	swait.ge [sflag:s18], $0x4000  }
0xa9: {  	s7 =	smov.u32 s31;
	s2 =	sshra.s32 s17, $0x2;
	[sflag:s18] =	ssyncset.done $0x0  }
0xaa: {  	s3 =	sadd.s32 $0x1480, s2;
	[sflag:s18] =	ssyncadd.s32 $0xFFFFC000  }
0xab: {  	[tilespmem:s22], [sflag:$0x2] =	stream.indirect.gather [hbm4b:s4+s21], $0x80, s3, s21, $0xb8;
	[tilespmem:$0x1FC00] =	vst v63  }
0xac: {  	_ =	swait.ge [sflag:s23], $0x4000  }
0xad: {  	[sflag:s23] =	ssyncset.done $0x0  }
0xae: {  	s17 =	sadd.s32 $0x2800, s2;
	[sflag:s23] =	ssyncadd.s32 $0xFFFFC000  }
0xaf: {  	[spmem:s1] =	stream.indirect.scatter.add.f32 [tilespmem:s19], [sflag:$0x3], $0x80, s17, s21, $0xb8;
	[tilespmem:$0x1FC00] =	vst v63  }
0xb0: {  	_ =	swait.ge [sflag:s18], $0x4000  }
0xb1: {  	[sflag:s18] =	ssyncset.done $0x0  }
0xb2: {  	s31 =	sadd.s32 $0x1500, s2;
	[sflag:s18] =	ssyncadd.s32 $0xFFFFC000  }
0xb3: {  	[tilespmem:s19], [sflag:$0x1] =	stream.indirect.gather [hbm4b:s4+s21], $0x80, s31, s21, $0xb8;
	[tilespmem:$0x1FC00] =	vst v63  }
0xb4: {  	_ =	swait.ge [sflag:s24], $0x4000  }
0xb5: {  	[sflag:s24] =	ssyncset.done $0x0  }
0xb6: {  	s7 =	sadd.s32 $0x2880, s2;
	[sflag:s24] =	ssyncadd.s32 $0xFFFFC000  }
0xb7: {  	[spmem:s1] =	stream.indirect.scatter.add.f32 [tilespmem:s22], [sflag:$0x3], $0x80, s7, s21, $0xb8;
	[tilespmem:$0x1FC00] =	vst v63  }
0xb8: {  	_ =	swait.ge [sflag:s18], $0x4000  }
0xb9: {  	[sflag:s18] =	ssyncset.done $0x0  }
0xba: {  	[sflag:s18] =	ssyncadd.s32 $0xFFFFC000  }
0xbb: {  	[tilespmem:s22], [sflag:$0x2] =	stream.indirect.gather [hbm4b:s4+s21], $0x80, s30, s21, $0xb8;
	[tilespmem:$0x1FC00] =	vst v63  }
0xbc: {  	_ =	swait.ge [sflag:s23], $0x4000  }
0xbd: {  	[sflag:s23] =	ssyncset.done $0x0  }
0xbe: {  	[sflag:s23] =	ssyncadd.s32 $0xFFFFC000  }
0xbf: {  	[spmem:s1] =	stream.indirect.scatter.add.f32 [tilespmem:s19], [sflag:$0x3], $0x80, s26, s21, $0xb8;
	[tilespmem:$0x1FC00] =	vst v63  }
0xc0: {  	_ =	swait.ge [sflag:s18], $0x4000  }
0xc1: {  	[sflag:s18] =	ssyncset.done $0x0  }
0xc2: {  	[sflag:s18] =	ssyncadd.s32 $0xFFFFC000  }
0xc3: {  	_ =	swait.ge [sflag:s24], $0x4000  }
0xc4: {  	s17 =	sadd.s32 s13, s0;
	s0 =	sadd.s32 $0x1, s0;
	[sflag:s24] =	ssyncset.done $0x0  }
0xc5: {  	s2 =	smul.u32 $0x140000, s17;
	p0 =	sne.s32 s0, $0x4;
	[sflag:s24] =	ssyncadd.s32 $0xFFFFC000  }
0xc6: {  	[spmem:s1] =	stream.indirect.scatter.add.f32 [tilespmem:s22], [sflag:$0x3], $0x80, s28, s21, $0xb8;
	[tilespmem:$0x1FC00] =	vst v63  }
0xc7: {  	s2 =	sadd.s32 s16, s2;
	s31 =	stileid.u32;
	_ =	swait.ge [sflag:s18], $0x4000  }
0xc8: {  	s2 =	sshrl.u32 s2, $0x3;
	s3 =	sshll.u32 s31, $0x6;
	[sflag:s18] =	ssyncset.done $0x0  }
0xc9: {  	s2 =	sadd.s32 s6, s2;
	s3 =	sor.u32 $0x1C03, s3;
	[sflag:s18] =	ssyncadd.s32 $0xFFFFC000  }
.Ltmp3:
0xca: {  	s7 =	sshrl.u32 s8, $0x3;
	[bflag:$0x0] =	sbarrier.arrive $0xFFFF;
	(pc) =	sbr.rel @p0 .LBB2_2-.Ltmp3, $4  }
0xcb: {  	[hbm:s2], [sflag:s3] =	dma.local [spmem:s7], $0x2800  }
0xcc: {  	_ =	swait.ge [sflag:s18], $0x2800  }
0xcd: {  	[sflag:s18] =	ssyncset.done $0x0  }
0xce: {  	[sflag:s18] =	ssyncadd.s32 $0xFFFFD800  }
0xcf: {  	s2 =	rddreg [dreg:$0x6]  }
0xd0: {  	s0 =	rddreg [dreg:$0x5];
	s2 =	sadd.s32 $0x1, s2  }
0xd1: {  	p0 =	sne.s32 s2, s0  }
.Ltmp4:
0xd2: {  	_ = 	snop;
	(pc) =	sbr.rel @p0 .LBB2_1-.Ltmp4, $1  }
0xd3: {  	_ =	sdelay $0x3  }
0xd4: {  	_ =	sfence.sel $0x180000  }
0xd5: {  	[bflag:$0x0] =	sbarrier.arrive $0xFFFF  }
0xd6: {  	_ =	strace $0x9000004D  }
0xd7: {  	s0 =	stileid.u32;
	[bflag:$0x2] =	sbarrier.arrive $0xFFFF  }
0xd8: {  	p0 =	sne.s32 s0, $0x0;
	s0 =	rddreg [dreg:$0x3]  }
0xd9: {  	s0 =	sadd.s32 @!p0 $0x100000, s0  }
0xda: {  	[sflag:s0] =	ssyncadd.tile.s32 @!p0 $0x1;
	_ =	shalt  }
.Lfunc_end2:
_tile_overlayer_lowered:
.L_overlay_start_2:
0xdb: {  	(tag) =	ssettag $0x2  }
0xdc: {  	s0 =	rddreg [dreg:$0x0];
	s2 =	stileid.u32  }
0xdd: {  	s1 =	rddreg [dreg:$0x1];
	p0 =	sne.s32 s2, $0x0  }
0xde: {  	s3 =	rddreg [dreg:$0x2];
	[bflag:$0x3] =	sbarrier.arrive $0xFFFF;
	s2 =	simm.s32 @!p0 $0x1C03  }
0xdf: {  	[timem:s3], [sflag:s2] =	dma.local @!p0 [hbm:s0], s1  }
0xe0: {  	s0 =	simm.s32 @!p0 $0x3  }
0xe1: {  	_ =	swait.ge @!p0 [sflag:s0], s1  }
0xe2: {  	s1 =	ssub.s32 @!p0 $0x0, s1;
	[sflag:s0] =	ssyncset.done @!p0 $0x0  }
0xe3: {  	[sflag:s0] =	ssyncadd.s32 @!p0 s1  }
0xe4: {  	[bflag:$0x3] =	sbarrier.arrive $0xFFFF  }
0xe5: {  	_ =	shalt  }

// kernel: kernel.20.cloned.1.call-start
scs
__scs_entry_jumppad:
0x0: {  	(pc) =	sbr.rel $0x88, $3  }
0x1: {  	(tag) =	ssettag $0x0;
	lr =	simm.s32 $0x1  }
0x2: {  	[smem:$0x3F93] =	sst lr;
	_ =	strace $0xD0000000  }
0x3: {  	_ = 	snop  }
0x4: {  	_ = 	snop  }
0x5: {  	_ = 	snop  }
0x6: {  	_ = 	snop  }
0x7: {  	_ = 	snop  }
__scs_overlays_trampoline_lowered:
0x8: {  	[smem:$0x3FA2] =	sst s0  }
0x9: {  	[smem:$0x3FA3] =	sst s1  }
0xa: {  	[smem:$0x3FA4] =	sst s2  }
0xb: {  	[smem:$0x3FA5] =	sst s3  }
0xc: {  	[smem:$0x3FA6] =	sst s4  }
0xd: {  	[smem:$0x3FA7] =	sst s5  }
0xe: {  	[smem:$0x3FA8] =	sst s6  }
0xf: {  	[smem:$0x3FA9] =	sst s7  }
0x10: {  	[smem:$0x3FAA] =	sst s8  }
0x11: {  	[smem:$0x3FAB] =	sst s9;
	s0 =	simm.s32 @!p0 $0x0  }
0x12: {  	s1 =	sld [smem:$0x3F91];
	s0 =	simm.s32 @p0 $0x1  }
0x13: {  	[smem:$0x3FAC] =	sst s0;
	s0 =	simm.s32 @!p1 $0x0  }
0x14: {  	s2 =	sld [smem:$0x3F90];
	s0 =	simm.s32 @p1 $0x1  }
0x15: {  	[smem:$0x3FAD] =	sst s0;
	s0 =	simm.s32 @!p2 $0x0  }
0x16: {  	s3 =	sld [smem:$0x3FDB];
	s0 =	simm.s32 @p2 $0x1  }
0x17: {  	s4 =	simm.s32 $0x1BF5;
	[smem:$0x3FAF] =	sst s0  }
0x18: {  	s0 =	sld [smem:$0x3F92];
	_ =	swait.ge [sflag:s4], $0x0  }
0x19: {  	s7 =	sld [smem:$0x3F93]  }
0x1a: {  	s8 =	sadd.s32 $0xFFFFE003, lr  }
0x1b: {  	s9 =	sadd.s32 $0xFFFFFEF7, lr;
	s5 =	simm.s32 $0xFFFFFFFF;
	p2 =	slt.u32 s8, $0xFFFFF086  }
0x1c: {  	p1 =	slt.u32 s9, $0xF7A;
	s5 =	simm.s32 @!p2 $0x0  }
0x1d: {  	s5 =	simm.s32 @p1 $0x1;
	p0 =	seq.s32 s7, s2  }
0x1e: {  	s7 =	smul.u32 @!p0 $0xF7A, s2;
	p2 =	seq.s32 @!p0 s5, $0x0  }
0x1f: {  	s9 =	smul.u32 $0xF7A, s1;
	s8 =	simm.s32 @!p0 $0x1BF5;
	p2 =	por !p2, p0  }
0x20: {  	[sflag:s8] =	ssyncset.s32 @!p0 $0xFFFFF086;
	s6 =	sadd.s32 @!p0 s3, s7;
	s7 =	simm.s32 @!p0 $0x108  }
0x21: {  	s3 =	sadd.s32 s3, s9;
	s6 =	sadd.s32 @!p0 $0x88, s6;
	s7 =	simm.s32 @p2 $0x1082  }
0x22: {  	[simem:s7], [sflag:s8] =	dma.local @!p0 [hbm:s6], $0xF7A  }
0x23: {  	s9 =	sor.u32 $0xD0000000, s2;
	s6 =	simm.s32 $0x108;
	_ =	swait.ge @!p0 [sflag:s8], $0x0  }
0x24: {  	s3 =	sadd.s32 $0x88, s3;
	s6 =	simm.s32 @!p1 $0x1082;
	[sflag:s4] =	ssyncset.s32 $0xFFFFF086  }
0x25: {  	[simem:s6], [sflag:s4] =	dma.local [hbm:s3], $0xF7A  }
0x26: {  	[smem:$0x3F93] =	sst s1;
	(tag) =	ssettag s2;
	_ =	strace s9  }
0x27: {  	s1 =	sld [smem:$0x3FA3]  }
0x28: {  	s2 =	sld [smem:$0x3FA4]  }
0x29: {  	s4 =	sld [smem:$0x3FA6]  }
0x2a: {  	p0 =	seq.s32 s5, $0x0;
	s5 =	sld [smem:$0x3FA7]  }
0x2b: {  	s6 =	sld [smem:$0x3FA8]  }
0x2c: {  	s7 =	sld [smem:$0x3FA9]  }
0x2d: {  	s3 =	simm.s32 $0x108;
	s8 =	sld [smem:$0x3FAA]  }
0x2e: {  	s3 =	simm.s32 @!p0 $0x1082;
	s9 =	sld [smem:$0x3FAB]  }
0x2f: {  	lr =	sadd.s32 s0, s3;
	s0 =	sld [smem:$0x3FA2]  }
0x30: {  	s3 =	sld [smem:$0x3FA5]  }
0x31: {  	[smem:$0x3FAE] =	sst s10  }
0x32: {  	s10 =	sld [smem:$0x3FAC];
	_ =	sdelay $0x3  }
0x33: {  	p0 =	seq.s32 s10, $0x1;
	s10 =	sld [smem:$0x3FAE];
	_ =	sdelay $0x3  }
0x34: {  	[smem:$0x3FAE] =	sst s10  }
0x35: {  	s10 =	sld [smem:$0x3FAD];
	_ =	sdelay $0x3  }
0x36: {  	p1 =	seq.s32 s10, $0x1;
	s10 =	sld [smem:$0x3FAE];
	_ =	sdelay $0x3  }
0x37: {  	[smem:$0x3FAE] =	sst s10  }
0x38: {  	s10 =	sld [smem:$0x3FAF]  }
0x39: {  	_ = 	snop;
	(pc) =	sbr.ind lr, $3  }
0x3a: {  	_ = 	snop  }
0x3b: {  	_ = 	snop  }
0x3c: {  	p2 =	seq.s32 s10, $0x1;
	s10 =	sld [smem:$0x3FAE]  }
0x3d: {  	_ =	shalt  }
0x3e: {  	_ =	shalt  }
0x3f: {  	_ =	shalt  }
0x40: {  	_ =	shalt  }
0x41: {  	_ =	shalt  }
0x42: {  	_ =	shalt  }
0x43: {  	_ =	shalt  }
0x44: {  	_ =	shalt  }
0x45: {  	_ =	shalt  }
0x46: {  	_ =	shalt  }
0x47: {  	_ =	shalt  }
0x48: {  	_ =	shalt  }
0x49: {  	_ =	shalt  }
0x4a: {  	_ =	shalt  }
0x4b: {  	_ =	shalt  }
0x4c: {  	_ =	shalt  }
0x4d: {  	_ =	shalt  }
0x4e: {  	_ =	shalt  }
0x4f: {  	_ =	shalt  }
0x50: {  	_ =	shalt  }
0x51: {  	_ =	shalt  }
0x52: {  	_ =	shalt  }
0x53: {  	_ =	shalt  }
0x54: {  	_ =	shalt  }
0x55: {  	_ =	shalt  }
0x56: {  	_ =	shalt  }
0x57: {  	_ =	shalt  }
0x58: {  	_ =	shalt  }
0x59: {  	_ =	shalt  }
0x5a: {  	_ =	shalt  }
0x5b: {  	_ =	shalt  }
0x5c: {  	_ =	shalt  }
0x5d: {  	_ =	shalt  }
0x5e: {  	_ =	shalt  }
0x5f: {  	_ =	shalt  }
0x60: {  	_ =	shalt  }
0x61: {  	_ =	shalt  }
0x62: {  	_ =	shalt  }
0x63: {  	_ =	shalt  }
0x64: {  	_ =	shalt  }
0x65: {  	_ =	shalt  }
0x66: {  	_ =	shalt  }
0x67: {  	_ =	shalt  }
0x68: {  	_ =	shalt  }
0x69: {  	_ =	shalt  }
0x6a: {  	_ =	shalt  }
0x6b: {  	_ =	shalt  }
0x6c: {  	_ =	shalt  }
0x6d: {  	_ =	shalt  }
0x6e: {  	_ =	shalt  }
0x6f: {  	_ =	shalt  }
0x70: {  	_ =	shalt  }
0x71: {  	_ =	shalt  }
0x72: {  	_ =	shalt  }
0x73: {  	_ =	shalt  }
0x74: {  	_ =	shalt  }
0x75: {  	_ =	shalt  }
0x76: {  	_ =	shalt  }
0x77: {  	_ =	shalt  }
0x78: {  	_ =	shalt  }
0x79: {  	_ =	shalt  }
0x7a: {  	_ =	shalt  }
0x7b: {  	_ =	shalt  }
0x7c: {  	_ =	shalt  }
0x7d: {  	_ =	shalt  }
0x7e: {  	_ =	shalt  }
0x7f: {  	_ =	shalt  }
0x80: {  	_ =	shalt  }
0x81: {  	_ =	shalt  }
0x82: {  	_ =	shalt  }
0x83: {  	_ =	shalt  }
0x84: {  	_ =	shalt  }
0x85: {  	_ =	shalt  }
0x86: {  	_ =	shalt  }
0x87: {  	_ =	shalt  }
.Lfunc_end0:
.L_simem_size_0:
called_computation.3_lowered:
.L_overlay_start_0:
0x88: {  	s2 =	sld [smem:$0x3FD9]  }
0x89: {  	s3 =	sld [smem:$0x3FFE];
	_ =	sdelay $0x1  }
0x8a: {  	s1 =	srdreg.scid  }
0x8b: {  	s0 =	sand.u32 $0x1, s1  }
0x8c: {  	s17 =	sshll.u32 s0, $0xA;
	s2 =	sadd.s32 s3, s2  }
0x8d: {  	s2 =	sadd.s32 s2, s17  }
0x8e: {  	[smem:$0x3FBA] =	sst s2  }
0x8f: {  	_ = 	snop  }
0x90: {  	s2 =	sld [smem:$0x3FD0];
	(tm) =	ssettm $0x1  }
0x91: {  	s18 =	sld [smem:$0x3FFB];
	_ =	sdelay $0x3  }
0x92: {  	_ =	strace s18  }
0x93: {  	s3 =	sld [smem:$0x3FFC];
	_ =	sdelay $0x3  }
0x94: {  	_ =	strace s3  }
0x95: {  	s3 =	sld [smem:$0x3FFD];
	_ =	sdelay $0x3  }
0x96: {  	_ =	strace s3  }
0x97: {  	_ =	strace $0x8FFFFFFF  }
0x98: {  	s19 =	sld [smem:$0x3FDB];
	_ =	sdelay $0x1  }
0x99: {  	s4 =	simm.s32 $_scs_section_size  }
0x9a: {  	s5 =	simm.s32 $_size__tile_overlayer_lowered;
	s6 =	simm.s32 $_tile_overlayer_lowered  }
0x9b: {  	s22 =	simm.s32 $0x1BFF;
	s21 =	sshll.u32 s6, $0x1;
	s3 =	sadd.s32 s4, s19  }
0x9c: {  	s7 =	simm.s32 $0x0;
	s20 =	sshll.u32 s5, $0x1;
	s5 =	sadd.s32 s21, s3  }
0x9d: {  	[timem:s7], [sflag:s22] =	dma.local [hbm:s5], s20  }
0x9e: {  	_ =	swait.ge [sflag:s22], s20  }
0x9f: {  	s4 =	ssub.s32 $0x0, s20;
	[sflag:s22] =	ssyncset.done $0x0  }
0xa0: {  	[sflag:s22] =	ssyncadd.s32 s4;
	_ =	sdelay $0x1  }
0xa1: {  	s23 =	simm.s32 $0x1B8B  }
0xa2: {  	_ =	swait.ge [sflag:s23], $0x1  }
0xa3: {  	[sflag:s23] =	ssyncset.done $0x0  }
0xa4: {  	s25 =	simm.s32 $0x1B8E;
	s24 =	sld [smem:$0x3FFE];
	[sflag:s23] =	ssyncadd.s32 $0xFFFFFFFF  }
0xa5: {  	s26 =	simm.s32 $execute0_lowered;
	[smem:$0x3FD2] =	sst s25  }
0xa6: {  	s5 =	sshll.u32 s26, $0x1;
	_ =	strace $0x8000004F;
	[dreg:$0x1] =	wrdreg $0xFFFFFFFF  }
0xa7: {  	s28 =	simm.s32 $_size_execute0_lowered;
	s3 =	sadd.s32 s3, s5;
	[dreg:$0x0] =	wrdreg $0x0  }
0xa8: {  	s5 =	sshll.u32 s28, $0x1;
	[dreg:$0x2] =	wrdreg s3  }
0xa9: {  	[dreg:$0x3] =	wrdreg s5  }
0xaa: {  	[dreg:$0x4] =	wrdreg $0xC0  }
0xab: {  	_ =	task [dreg:s7], $0x5FFFF  }
0xac: {  	[dreg:$0x1] =	wrdreg $0xFFFFFFFF  }
0xad: {  	[dreg:$0x0] =	wrdreg $0x60  }
0xae: {  	[dreg:$0x2] =	wrdreg s24  }
0xaf: {  	[dreg:$0x3] =	wrdreg s2  }
0xb0: {  	[dreg:$0x4] =	wrdreg $0xBC000  }
0xb1: {  	[dreg:$0x5] =	wrdreg $0x9  }
0xb2: {  	_ =	task.clear_ibuf [dreg:s7], $0x6FFFF;
	_ =	strace $0x9000004F  }
0xb3: {  	s29 =	simm.s32 $0x9;
	_ =	strace $0x80000051  }
0xb4: {  	_ =	swait.ge [sflag:s29], $0x1  }
0xb5: {  	[sflag:s29] =	ssyncadd.s32 $0xFFFFFFFF  }
0xb6: {  	_ =	strace $0x90000051  }
0xb7: {  	_ =	sfence  }
0xb8: {  	s30 =	sld [smem:$0x0];
	_ =	sdelay $0x2  }
0xb9: {  	s31 =	sshll.u32 s1, $0xD;
	s1 =	sshrl.u32 s1, $0x2  }
0xba: {  	s3 =	sand.u32 $0x4000, s31;
	s1 =	sadd.s32 s1, s30  }
0xbb: {  	s0 =	sor.u32 s3, s0;
	s1 =	sshll.u32 s1, $0x11  }
0xbc: {  	s0 =	sor.u32 s1, s0  }
0xbd: {  	s0 =	sadd.s32 $0x8F2B, s0  }
0xbe: {  	[sflag:s0] =	ssyncadd.remote.s32 $0x1  }
0xbf: {  	_ =	sfence.sel $0xFFFF  }
0xc0: {  	[dreg:$0x0] =	wrdreg $0xFFFFFFFF;
	(pc) =	sbr.abs _section_cstart, $3  }
0xc1: {  	[dreg:$0x1] =	wrdreg $0xFFFFFFFF  }
0xc2: {  	_ =	task.clear_ibuf [dreg:s7], $0x2FFFF;
	_ =	strace $0x9FFFFFFF  }
0xc3: {  	(tm) =	ssettm $0x7FFFFFFF  }
tec
execute0_lowered:
.L_overlay_start_1:
0x0: {  	(tag) =	ssettag $0x1  }
0x1: {  	s0 =	rddreg [dreg:$0x0]  }
0x2: {  	s2 =	rddreg [dreg:$0x1]  }
0x3: {  	s1 =	rddreg [dreg:$0x2]  }
0x4: {  	s3 =	simm.s32 $0x0;
	s6 =	srdreg.scid;
	s25 =	stileid.u32  }
0x5: {  	s18 =	simm.s32 $0x3;
	s19 =	simm.s32 $0x3C00;
	s20 =	simm.s32 $0x2800  }
0x6: {  	s21 =	simm.s32 $0x80;
	s22 =	simm.s32 $0x7C00;
	s23 =	simm.s32 $0x1  }
0x7: {  	s24 =	simm.s32 $0x2;
	s28 =	simm.s32 $0x3B80;
	s29 =	simm.s32 $0x1400  }
0x8: {  	s30 =	simm.s32 $0x2780;
	[smem:$0x7FF] =	sst s3;
	s8 =	smul.u32 $0x50000, s25  }
0x9: {  	s4 =	sadd.s32 $0x5EA00, s0;
	s7 =	sadd.s32 $0x59A00, s0;
	s14 =	smul.u32 $0x500, s25  }
0xa: {  	s5 =	sadd.s32 $0x8A00, s0;
	s13 =	sand.u32 $0x1, s6;
	s11 =	smul.u32 $0x2800, s25  }
0xb: {  	s6 =	sadd.s32 $0x197200, s0;
	s16 =	smul.u32 $0x14000, s25;
	s25 =	simm.s32 $0x1380  }
0xc: {  	_ =	strace $0x80000050;
	s26 =	ssub.s32 $0x2, s13;
	s13 =	sshll.u32 s13, $0x2  }
0xd: {  	s9 =	sshrl.u32 s26, $0x1;
	s8 =	sshrl.u32 s8, $0x2;
	s2 =	sadd.s32 s2, s14  }
0xe: {  	s31 =	sshrl.u32 s11, $0x3;
	s14 =	sadd.s32 s7, s14;
	s0 =	ssub.s32 s26, s9  }
0xf: {  	[dreg:$0x4] =	wrdreg s2;
	s8 =	sadd.s32 s8, s1;
	s2 =	sadd.s32 s7, s31  }
0x10: {  	s26 =	simm.s32 $0x3B00;
	s9 =	sadd.s32 $0x4000, s8;
	s10 =	sadd.s32 $0x8000, s8  }
0x11: {  	s11 =	sadd.s32 $0xC000, s8;
	s12 =	sadd.s32 $0x10000, s8;
	s0 =	smax.u32 s0, $0x1  }
0x12: {  	v0 =	vmov s13;
	s15 =	sadd.s32 $0x280, s2;
	s2 =	simm.s32 $0x0;
	[dreg:$0x5] =	wrdreg s0  }
.LBB2_1:
0x13: {  	[dreg:$0x6] =	wrdreg s2  }
0x14: {  	s0 =	simm.s32 $0x0;
	s31 =	rddreg [dreg:$0x4]  }
0x15: {  	[tilespmem:s0], [sflag:$0x3] =	stream.linear.gather [hbm4b:s31+s0], $0x2800, $0x38;
	[tilespmem:$0x1FC00] =	vst v63  }
0x16: {  	_ =	swait.ge [sflag:s18], $0x2800  }
0x17: {  	[sflag:s18] =	ssyncset.done $0x0  }
0x18: {  	s0 =	simm.s32 $0x0;
	[sflag:s18] =	ssyncadd.s32 $0xFFFFD800  }
.LBB2_2:
0x19: {  	s2 =	simm.s32 $0x0  }
0x1a: {  	[tilespmem:s19], [sflag:$0x3] =	stream.linear.gather [hbm4b:s5+s2], $0x4000, $0x38;
	[tilespmem:$0x1FC00] =	vst v63  }
0x1b: {  	_ =	swait.ge [sflag:s18], $0x4000  }
0x1c: {  	[sflag:s18] =	ssyncset.done $0x0  }
0x1d: {  	[sflag:s18] =	ssyncadd.s32 $0xFFFFC000  }
0x1e: {  	[spmem:s8] =	stream.linear.scatter [tilespmem:s19], [sflag:$0x3], $0x4000, $0x38;
	[tilespmem:$0x1FC00] =	vst v63  }
0x1f: {  	_ =	swait.ge [sflag:s18], $0x4000  }
0x20: {  	[sflag:s18] =	ssyncset.done $0x0  }
0x21: {  	[sflag:s18] =	ssyncadd.s32 $0xFFFFC000  }
0x22: {  	[spmem:s9] =	stream.linear.scatter [tilespmem:s19], [sflag:$0x3], $0x4000, $0x38;
	[tilespmem:$0x1FC00] =	vst v63  }
0x23: {  	_ =	swait.ge [sflag:s18], $0x4000  }
0x24: {  	[sflag:s18] =	ssyncset.done $0x0  }
0x25: {  	[sflag:s18] =	ssyncadd.s32 $0xFFFFC000  }
0x26: {  	[spmem:s10] =	stream.linear.scatter [tilespmem:s19], [sflag:$0x3], $0x4000, $0x38;
	[tilespmem:$0x1FC00] =	vst v63  }
0x27: {  	_ =	swait.ge [sflag:s18], $0x4000  }
0x28: {  	[sflag:s18] =	ssyncset.done $0x0  }
0x29: {  	[sflag:s18] =	ssyncadd.s32 $0xFFFFC000  }
0x2a: {  	[spmem:s11] =	stream.linear.scatter [tilespmem:s19], [sflag:$0x3], $0x4000, $0x38;
	[tilespmem:$0x1FC00] =	vst v63  }
0x2b: {  	_ =	swait.ge [sflag:s18], $0x4000  }
0x2c: {  	[sflag:s18] =	ssyncset.done $0x0  }
0x2d: {  	[sflag:s18] =	ssyncadd.s32 $0xFFFFC000  }
0x2e: {  	[spmem:s12] =	stream.linear.scatter [tilespmem:s19], [sflag:$0x3], $0x4000, $0x38;
	[tilespmem:$0x1FC00] =	vst v63  }
0x2f: {  	_ =	swait.ge [sflag:s18], $0x4000  }
0x30: {  	p0 =	seq.s32 s0, $0x0;
	[sflag:s18] =	ssyncset.done $0x0  }
0x31: {  	s7 =	simm.s32 $0x40;
	s2 =	simm.s32 $0x0;
	[sflag:s18] =	ssyncadd.s32 $0xFFFFC000  }
.LBB2_3:
0x32: {  	p1 =	sne.s32 s7, $0x9FC0;
	v1 =	vld [tilespmem:s2+$0x0];
	_ =	sdelay $0x3  }
.Ltmp0:
0x33: {  	(pc) =	sbr.rel @p1 .LBB2_3-.Ltmp0, $4  }
0x34: {  	v2 =	vshll.u32 v1, $0x3  }
0x35: {  	v1 =	vadd.s32 $0x1, v1;
	v2 =	vor.u32 v0, v2  }
0x36: {  	v1 =	vpsel p0, v2, v1  }
0x37: {  	[tilespmem:s2+$0x0] =	vst v1;
	s2 =	sshra.s32 s7, $0x2;
	s7 =	sadd.s32 $0x40, s7  }
0x38: {  	v1 =	vld [tilespmem:s2+$0x0];
	_ =	sdelay $0x4  }
0x39: {  	v2 =	vshll.u32 v1, $0x3  }
0x3a: {  	v1 =	vadd.s32 $0x1, v1;
	v2 =	vor.u32 v0, v2  }
0x3b: {  	v1 =	vpsel p0, v2, v1  }
0x3c: {  	[tilespmem:s2+$0x0] =	vst v1  }
0x3d: {  	s31 =	simm.s32 $0x0;
	[bflag:$0x0] =	sbarrier.arrive $0xFFFF  }
0x3e: {  	[tilespmem:s20], [sflag:$0x3] =	stream.linear.gather [hbm4b:s14+s31], $0x1400, $0x38;
	[tilespmem:$0x1FC00] =	vst v63  }
0x3f: {  	_ =	swait.ge [sflag:s18], $0x1400  }
0x40: {  	[sflag:s18] =	ssyncset.done $0x0  }
0x41: {  	[sflag:s18] =	ssyncadd.s32 $0xFFFFEC00  }
0x42: {  	[tilespmem:s19], [sflag:$0x1] =	stream.indirect.gather [hbm4b:s4+s21], $0x80, s31, s21, $0xb8;
	[tilespmem:$0x1FC00] =	vst v63  }
0x43: {  	s3 =	simm.s32 $0x80  }
0x44: {  	[tilespmem:s22], [sflag:$0x2] =	stream.indirect.gather [hbm4b:s4+s21], $0x80, s3, s21, $0xb8;
	[tilespmem:$0x1FC00] =	vst v63  }
0x45: {  	_ =	swait.ge [sflag:s23], $0x4000  }
0x46: {  	[sflag:s23] =	ssyncset.done $0x0  }
0x47: {  	s7 =	simm.s32 $0x2800;
	[sflag:s23] =	ssyncadd.s32 $0xFFFFC000  }
0x48: {  	[spmem:s1] =	stream.indirect.scatter.add.f32 [tilespmem:s19], [sflag:$0x3], $0x80, s7, s21, $0xb8;
	[tilespmem:$0x1FC00] =	vst v63  }
0x49: {  	_ =	swait.ge [sflag:s18], $0x4000  }
0x4a: {  	[sflag:s18] =	ssyncset.done $0x0  }
0x4b: {  	s17 =	simm.s32 $0x100;
	[sflag:s18] =	ssyncadd.s32 $0xFFFFC000  }
0x4c: {  	[tilespmem:s19], [sflag:$0x1] =	stream.indirect.gather [hbm4b:s4+s21], $0x80, s17, s21, $0xb8;
	[tilespmem:$0x1FC00] =	vst v63  }
0x4d: {  	_ =	swait.ge [sflag:s24], $0x4000  }
0x4e: {  	[sflag:s24] =	ssyncset.done $0x0  }
0x4f: {  	s31 =	simm.s32 $0x2880;
	[sflag:s24] =	ssyncadd.s32 $0xFFFFC000  }
0x50: {  	[spmem:s1] =	stream.indirect.scatter.add.f32 [tilespmem:s22], [sflag:$0x3], $0x80, s31, s21, $0xb8;
	[tilespmem:$0x1FC00] =	vst v63  }
0x51: {  	_ =	swait.ge [sflag:s18], $0x4000  }
0x52: {  	s2 =	simm.s32 $0x100;
	s7 =	simm.s32 $0x800;
	[sflag:s18] =	ssyncset.done $0x0  }
.LBB2_5:
0x53: {  	s17 =	sadd.s32 $0x80, s2  }
0x54: {  	[sflag:s18] =	ssyncadd.s32 $0xFFFFC000;
	s31 =	smov.u32 s7;
	s3 =	sadd.s32 $0x400, s7  }
0x55: {  	[tilespmem:s22], [sflag:$0x2] =	stream.indirect.gather [hbm4b:s4+s21], $0x80, s17, s21, $0xb8;
	[tilespmem:$0x1FC00] =	vst v63  }
0x56: {  	p0 =	sne.s32 s7, $0x4800;
	_ =	swait.ge [sflag:s23], $0x4000  }
0x57: {  	[sflag:s23] =	ssyncset.done $0x0  }
0x58: {  	s7 =	sadd.s32 $0x2800, s2;
	[sflag:s23] =	ssyncadd.s32 $0xFFFFC000  }
0x59: {  	[spmem:s1] =	stream.indirect.scatter.add.f32 [tilespmem:s19], [sflag:$0x3], $0x80, s7, s21, $0xb8;
	[tilespmem:$0x1FC00] =	vst v63  }
0x5a: {  	_ =	swait.ge [sflag:s18], $0x4000  }
0x5b: {  	[sflag:s18] =	ssyncset.done $0x0  }
0x5c: {  	s7 =	sadd.s32 $0x100, s2;
	[sflag:s18] =	ssyncadd.s32 $0xFFFFC000  }
0x5d: {  	[tilespmem:s19], [sflag:$0x1] =	stream.indirect.gather [hbm4b:s4+s21], $0x80, s7, s21, $0xb8;
	[tilespmem:$0x1FC00] =	vst v63  }
0x5e: {  	_ =	swait.ge [sflag:s24], $0x4000  }
.Ltmp1:
0x5f: {  	[sflag:s24] =	ssyncset.done $0x0;
	(pc) =	sbr.rel @p0 .LBB2_5-.Ltmp1, $4  }
0x60: {  	s2 =	sadd.s32 $0x2880, s2;
	[sflag:s24] =	ssyncadd.s32 $0xFFFFC000  }
0x61: {  	[spmem:s1] =	stream.indirect.scatter.add.f32 [tilespmem:s22], [sflag:$0x3], $0x80, s2, s21, $0xb8;
	[tilespmem:$0x1FC00] =	vst v63  }
0x62: {  	_ =	swait.ge [sflag:s18], $0x4000  }
0x63: {  	s7 =	smov.u32 s3;
	s2 =	sshra.s32 s31, $0x2;
	[sflag:s18] =	ssyncset.done $0x0  }
0x64: {  	s3 =	sadd.s32 $0x80, s2;
	[sflag:s18] =	ssyncadd.s32 $0xFFFFC000  }
0x65: {  	[tilespmem:s22], [sflag:$0x2] =	stream.indirect.gather [hbm4b:s4+s21], $0x80, s3, s21, $0xb8;
	[tilespmem:$0x1FC00] =	vst v63  }
0x66: {  	_ =	swait.ge [sflag:s23], $0x4000  }
0x67: {  	[sflag:s23] =	ssyncset.done $0x0  }
0x68: {  	s31 =	sadd.s32 $0x2800, s2;
	[sflag:s23] =	ssyncadd.s32 $0xFFFFC000  }
0x69: {  	[spmem:s1] =	stream.indirect.scatter.add.f32 [tilespmem:s19], [sflag:$0x3], $0x80, s31, s21, $0xb8;
	[tilespmem:$0x1FC00] =	vst v63  }
0x6a: {  	_ =	swait.ge [sflag:s18], $0x4000  }
0x6b: {  	[sflag:s18] =	ssyncset.done $0x0  }
0x6c: {  	s7 =	sadd.s32 $0x100, s2;
	[sflag:s18] =	ssyncadd.s32 $0xFFFFC000  }
0x6d: {  	[tilespmem:s19], [sflag:$0x1] =	stream.indirect.gather [hbm4b:s4+s21], $0x80, s7, s21, $0xb8;
	[tilespmem:$0x1FC00] =	vst v63  }
0x6e: {  	_ =	swait.ge [sflag:s24], $0x4000  }
0x6f: {  	[sflag:s24] =	ssyncset.done $0x0  }
0x70: {  	s17 =	sadd.s32 $0x2880, s2;
	[sflag:s24] =	ssyncadd.s32 $0xFFFFC000  }
0x71: {  	[spmem:s1] =	stream.indirect.scatter.add.f32 [tilespmem:s22], [sflag:$0x3], $0x80, s17, s21, $0xb8;
	[tilespmem:$0x1FC00] =	vst v63  }
0x72: {  	_ =	swait.ge [sflag:s18], $0x4000  }
0x73: {  	[sflag:s18] =	ssyncset.done $0x0  }
0x74: {  	[sflag:s18] =	ssyncadd.s32 $0xFFFFC000  }
0x75: {  	[tilespmem:s22], [sflag:$0x2] =	stream.indirect.gather [hbm4b:s4+s21], $0x80, s25, s21, $0xb8;
	[tilespmem:$0x1FC00] =	vst v63  }
0x76: {  	_ =	swait.ge [sflag:s23], $0x4000  }
0x77: {  	[sflag:s23] =	ssyncset.done $0x0  }
0x78: {  	[sflag:s23] =	ssyncadd.s32 $0xFFFFC000  }
0x79: {  	[spmem:s1] =	stream.indirect.scatter.add.f32 [tilespmem:s19], [sflag:$0x3], $0x80, s26, s21, $0xb8;
	[tilespmem:$0x1FC00] =	vst v63  }
0x7a: {  	_ =	swait.ge [sflag:s18], $0x4000  }
0x7b: {  	[sflag:s18] =	ssyncset.done $0x0  }
0x7c: {  	[sflag:s18] =	ssyncadd.s32 $0xFFFFC000  }
0x7d: {  	_ =	swait.ge [sflag:s24], $0x4000  }
0x7e: {  	[sflag:s24] =	ssyncset.done $0x0  }
0x7f: {  	[sflag:s24] =	ssyncadd.s32 $0xFFFFC000  }
0x80: {  	[spmem:s1] =	stream.indirect.scatter.add.f32 [tilespmem:s22], [sflag:$0x3], $0x80, s28, s21, $0xb8;
	[tilespmem:$0x1FC00] =	vst v63  }
0x81: {  	_ =	swait.ge [sflag:s18], $0x4000  }
0x82: {  	[sflag:s18] =	ssyncset.done $0x0  }
0x83: {  	s31 =	simm.s32 $0x0;
	[sflag:s18] =	ssyncadd.s32 $0xFFFFC000  }
0x84: {  	[tilespmem:s20], [sflag:$0x3] =	stream.linear.gather [hbm4b:s15+s31], $0x1400, $0x38;
	[tilespmem:$0x1FC00] =	vst v63  }
0x85: {  	_ =	swait.ge [sflag:s18], $0x1400  }
0x86: {  	[sflag:s18] =	ssyncset.done $0x0  }
0x87: {  	[sflag:s18] =	ssyncadd.s32 $0xFFFFEC00  }
0x88: {  	[tilespmem:s19], [sflag:$0x1] =	stream.indirect.gather [hbm4b:s4+s21], $0x80, s29, s21, $0xb8;
	[tilespmem:$0x1FC00] =	vst v63  }
0x89: {  	s3 =	simm.s32 $0x1480  }
0x8a: {  	[tilespmem:s22], [sflag:$0x2] =	stream.indirect.gather [hbm4b:s4+s21], $0x80, s3, s21, $0xb8;
	[tilespmem:$0x1FC00] =	vst v63  }
0x8b: {  	_ =	swait.ge [sflag:s23], $0x4000  }
0x8c: {  	[sflag:s23] =	ssyncset.done $0x0  }
0x8d: {  	s7 =	simm.s32 $0x2800;
	[sflag:s23] =	ssyncadd.s32 $0xFFFFC000  }
0x8e: {  	[spmem:s1] =	stream.indirect.scatter.add.f32 [tilespmem:s19], [sflag:$0x3], $0x80, s7, s21, $0xb8;
	[tilespmem:$0x1FC00] =	vst v63  }
0x8f: {  	_ =	swait.ge [sflag:s18], $0x4000  }
0x90: {  	[sflag:s18] =	ssyncset.done $0x0  }
0x91: {  	s17 =	simm.s32 $0x1500;
	[sflag:s18] =	ssyncadd.s32 $0xFFFFC000  }
0x92: {  	[tilespmem:s19], [sflag:$0x1] =	stream.indirect.gather [hbm4b:s4+s21], $0x80, s17, s21, $0xb8;
	[tilespmem:$0x1FC00] =	vst v63  }
0x93: {  	_ =	swait.ge [sflag:s24], $0x4000  }
0x94: {  	[sflag:s24] =	ssyncset.done $0x0  }
0x95: {  	s31 =	simm.s32 $0x2880;
	[sflag:s24] =	ssyncadd.s32 $0xFFFFC000  }
0x96: {  	[spmem:s1] =	stream.indirect.scatter.add.f32 [tilespmem:s22], [sflag:$0x3], $0x80, s31, s21, $0xb8;
	[tilespmem:$0x1FC00] =	vst v63  }
0x97: {  	_ =	swait.ge [sflag:s18], $0x4000  }
0x98: {  	s2 =	simm.s32 $0x100;
	s7 =	simm.s32 $0x800;
	[sflag:s18] =	ssyncset.done $0x0  }
.LBB2_7:
0x99: {  	s3 =	sadd.s32 $0x1480, s2  }
0x9a: {  	[sflag:s18] =	ssyncadd.s32 $0xFFFFC000;
	s17 =	smov.u32 s7;
	s31 =	sadd.s32 $0x400, s7  }
0x9b: {  	[tilespmem:s22], [sflag:$0x2] =	stream.indirect.gather [hbm4b:s4+s21], $0x80, s3, s21, $0xb8;
	[tilespmem:$0x1FC00] =	vst v63  }
0x9c: {  	p0 =	sne.s32 s7, $0x4800;
	_ =	swait.ge [sflag:s23], $0x4000  }
0x9d: {  	[sflag:s23] =	ssyncset.done $0x0  }
0x9e: {  	s3 =	sadd.s32 $0x2800, s2;
	[sflag:s23] =	ssyncadd.s32 $0xFFFFC000  }
0x9f: {  	[spmem:s1] =	stream.indirect.scatter.add.f32 [tilespmem:s19], [sflag:$0x3], $0x80, s3, s21, $0xb8;
	[tilespmem:$0x1FC00] =	vst v63  }
0xa0: {  	_ =	swait.ge [sflag:s18], $0x4000  }
0xa1: {  	[sflag:s18] =	ssyncset.done $0x0  }
0xa2: {  	s3 =	sadd.s32 $0x1500, s2;
	[sflag:s18] =	ssyncadd.s32 $0xFFFFC000  }
0xa3: {  	[tilespmem:s19], [sflag:$0x1] =	stream.indirect.gather [hbm4b:s4+s21], $0x80, s3, s21, $0xb8;
	[tilespmem:$0x1FC00] =	vst v63  }
0xa4: {  	_ =	swait.ge [sflag:s24], $0x4000  }
.Ltmp2:
0xa5: {  	[sflag:s24] =	ssyncset.done $0x0;
	(pc) =	sbr.rel @p0 .LBB2_7-.Ltmp2, $4  }
0xa6: {  	s2 =	sadd.s32 $0x2880, s2;
	[sflag:s24] =	ssyncadd.s32 $0xFFFFC000  }
0xa7: {  	[spmem:s1] =	stream.indirect.scatter.add.f32 [tilespmem:s22], [sflag:$0x3], $0x80, s2, s21, $0xb8;
	[tilespmem:$0x1FC00] =	vst v63  }
0xa8: {  	_ =	swait.ge [sflag:s18], $0x4000  }
0xa9: {  	s7 =	smov.u32 s31;
	s2 =	sshra.s32 s17, $0x2;
	[sflag:s18] =	ssyncset.done $0x0  }
0xaa: {  	s3 =	sadd.s32 $0x1480, s2;
	[sflag:s18] =	ssyncadd.s32 $0xFFFFC000  }
0xab: {  	[tilespmem:s22], [sflag:$0x2] =	stream.indirect.gather [hbm4b:s4+s21], $0x80, s3, s21, $0xb8;
	[tilespmem:$0x1FC00] =	vst v63  }
0xac: {  	_ =	swait.ge [sflag:s23], $0x4000  }
0xad: {  	[sflag:s23] =	ssyncset.done $0x0  }
0xae: {  	s17 =	sadd.s32 $0x2800, s2;
	[sflag:s23] =	ssyncadd.s32 $0xFFFFC000  }
0xaf: {  	[spmem:s1] =	stream.indirect.scatter.add.f32 [tilespmem:s19], [sflag:$0x3], $0x80, s17, s21, $0xb8;
	[tilespmem:$0x1FC00] =	vst v63  }
0xb0: {  	_ =	swait.ge [sflag:s18], $0x4000  }
0xb1: {  	[sflag:s18] =	ssyncset.done $0x0  }
0xb2: {  	s31 =	sadd.s32 $0x1500, s2;
	[sflag:s18] =	ssyncadd.s32 $0xFFFFC000  }
0xb3: {  	[tilespmem:s19], [sflag:$0x1] =	stream.indirect.gather [hbm4b:s4+s21], $0x80, s31, s21, $0xb8;
	[tilespmem:$0x1FC00] =	vst v63  }
0xb4: {  	_ =	swait.ge [sflag:s24], $0x4000  }
0xb5: {  	[sflag:s24] =	ssyncset.done $0x0  }
0xb6: {  	s7 =	sadd.s32 $0x2880, s2;
	[sflag:s24] =	ssyncadd.s32 $0xFFFFC000  }
0xb7: {  	[spmem:s1] =	stream.indirect.scatter.add.f32 [tilespmem:s22], [sflag:$0x3], $0x80, s7, s21, $0xb8;
	[tilespmem:$0x1FC00] =	vst v63  }
0xb8: {  	_ =	swait.ge [sflag:s18], $0x4000  }
0xb9: {  	[sflag:s18] =	ssyncset.done $0x0  }
0xba: {  	[sflag:s18] =	ssyncadd.s32 $0xFFFFC000  }
0xbb: {  	[tilespmem:s22], [sflag:$0x2] =	stream.indirect.gather [hbm4b:s4+s21], $0x80, s30, s21, $0xb8;
	[tilespmem:$0x1FC00] =	vst v63  }
0xbc: {  	_ =	swait.ge [sflag:s23], $0x4000  }
0xbd: {  	[sflag:s23] =	ssyncset.done $0x0  }
0xbe: {  	[sflag:s23] =	ssyncadd.s32 $0xFFFFC000  }
0xbf: {  	[spmem:s1] =	stream.indirect.scatter.add.f32 [tilespmem:s19], [sflag:$0x3], $0x80, s26, s21, $0xb8;
	[tilespmem:$0x1FC00] =	vst v63  }
0xc0: {  	_ =	swait.ge [sflag:s18], $0x4000  }
0xc1: {  	[sflag:s18] =	ssyncset.done $0x0  }
0xc2: {  	[sflag:s18] =	ssyncadd.s32 $0xFFFFC000  }
0xc3: {  	_ =	swait.ge [sflag:s24], $0x4000  }
0xc4: {  	s17 =	sadd.s32 s13, s0;
	s0 =	sadd.s32 $0x1, s0;
	[sflag:s24] =	ssyncset.done $0x0  }
0xc5: {  	s2 =	smul.u32 $0x140000, s17;
	p0 =	sne.s32 s0, $0x4;
	[sflag:s24] =	ssyncadd.s32 $0xFFFFC000  }
0xc6: {  	[spmem:s1] =	stream.indirect.scatter.add.f32 [tilespmem:s22], [sflag:$0x3], $0x80, s28, s21, $0xb8;
	[tilespmem:$0x1FC00] =	vst v63  }
0xc7: {  	s2 =	sadd.s32 s16, s2;
	s31 =	stileid.u32;
	_ =	swait.ge [sflag:s18], $0x4000  }
0xc8: {  	s2 =	sshrl.u32 s2, $0x3;
	s3 =	sshll.u32 s31, $0x6;
	[sflag:s18] =	ssyncset.done $0x0  }
0xc9: {  	s2 =	sadd.s32 s6, s2;
	s3 =	sor.u32 $0x1C03, s3;
	[sflag:s18] =	ssyncadd.s32 $0xFFFFC000  }
.Ltmp3:
0xca: {  	s7 =	sshrl.u32 s8, $0x3;
	[bflag:$0x0] =	sbarrier.arrive $0xFFFF;
	(pc) =	sbr.rel @p0 .LBB2_2-.Ltmp3, $4  }
0xcb: {  	[hbm:s2], [sflag:s3] =	dma.local [spmem:s7], $0x2800  }
0xcc: {  	_ =	swait.ge [sflag:s18], $0x2800  }
0xcd: {  	[sflag:s18] =	ssyncset.done $0x0  }
0xce: {  	[sflag:s18] =	ssyncadd.s32 $0xFFFFD800  }
0xcf: {  	s2 =	rddreg [dreg:$0x6]  }
0xd0: {  	s0 =	rddreg [dreg:$0x5];
	s2 =	sadd.s32 $0x1, s2  }
0xd1: {  	p0 =	sne.s32 s2, s0  }
.Ltmp4:
0xd2: {  	_ = 	snop;
	(pc) =	sbr.rel @p0 .LBB2_1-.Ltmp4, $1  }
0xd3: {  	_ =	sdelay $0x3  }
0xd4: {  	_ =	sfence.sel $0x180000  }
0xd5: {  	[bflag:$0x0] =	sbarrier.arrive $0xFFFF  }
0xd6: {  	_ =	strace $0x90000050  }
0xd7: {  	s0 =	stileid.u32;
	[bflag:$0x2] =	sbarrier.arrive $0xFFFF  }
0xd8: {  	p0 =	sne.s32 s0, $0x0;
	s0 =	rddreg [dreg:$0x3]  }
0xd9: {  	s0 =	sadd.s32 @!p0 $0x100000, s0  }
0xda: {  	[sflag:s0] =	ssyncadd.tile.s32 @!p0 $0x1;
	_ =	shalt  }
.Lfunc_end2:
_tile_overlayer_lowered:
.L_overlay_start_2:
0xdb: {  	(tag) =	ssettag $0x2  }
0xdc: {  	s0 =	rddreg [dreg:$0x0];
	s2 =	stileid.u32  }
0xdd: {  	s1 =	rddreg [dreg:$0x1];
	p0 =	sne.s32 s2, $0x0  }
0xde: {  	s3 =	rddreg [dreg:$0x2];
	[bflag:$0x3] =	sbarrier.arrive $0xFFFF;
	s2 =	simm.s32 @!p0 $0x1C03  }
0xdf: {  	[timem:s3], [sflag:s2] =	dma.local @!p0 [hbm:s0], s1  }
0xe0: {  	s0 =	simm.s32 @!p0 $0x3  }
0xe1: {  	_ =	swait.ge @!p0 [sflag:s0], s1  }
0xe2: {  	s1 =	ssub.s32 @!p0 $0x0, s1;
	[sflag:s0] =	ssyncset.done @!p0 $0x0  }
0xe3: {  	[sflag:s0] =	ssyncadd.s32 @!p0 s1  }
0xe4: {  	[bflag:$0x3] =	sbarrier.arrive $0xFFFF  }
0xe5: {  	_ =	shalt  }

// kernel: kernel.23.cloned.1.call-start
scs
__scs_entry_jumppad:
0x0: {  	(pc) =	sbr.rel $0x88, $3  }
0x1: {  	(tag) =	ssettag $0x0;
	lr =	simm.s32 $0x1  }
0x2: {  	[smem:$0x3F93] =	sst lr;
	_ =	strace $0xD0000000  }
0x3: {  	_ = 	snop  }
0x4: {  	_ = 	snop  }
0x5: {  	_ = 	snop  }
0x6: {  	_ = 	snop  }
0x7: {  	_ = 	snop  }
__scs_overlays_trampoline_lowered:
0x8: {  	[smem:$0x3FA2] =	sst s0  }
0x9: {  	[smem:$0x3FA3] =	sst s1  }
0xa: {  	[smem:$0x3FA4] =	sst s2  }
0xb: {  	[smem:$0x3FA5] =	sst s3  }
0xc: {  	[smem:$0x3FA6] =	sst s4  }
0xd: {  	[smem:$0x3FA7] =	sst s5  }
0xe: {  	[smem:$0x3FA8] =	sst s6  }
0xf: {  	[smem:$0x3FA9] =	sst s7  }
0x10: {  	[smem:$0x3FAA] =	sst s8  }
0x11: {  	[smem:$0x3FAB] =	sst s9;
	s0 =	simm.s32 @!p0 $0x0  }
0x12: {  	s1 =	sld [smem:$0x3F91];
	s0 =	simm.s32 @p0 $0x1  }
0x13: {  	[smem:$0x3FAC] =	sst s0;
	s0 =	simm.s32 @!p1 $0x0  }
0x14: {  	s2 =	sld [smem:$0x3F90];
	s0 =	simm.s32 @p1 $0x1  }
0x15: {  	[smem:$0x3FAD] =	sst s0;
	s0 =	simm.s32 @!p2 $0x0  }
0x16: {  	s3 =	sld [smem:$0x3FDB];
	s0 =	simm.s32 @p2 $0x1  }
0x17: {  	s4 =	simm.s32 $0x1BF5;
	[smem:$0x3FAF] =	sst s0  }
0x18: {  	s0 =	sld [smem:$0x3F92];
	_ =	swait.ge [sflag:s4], $0x0  }
0x19: {  	s7 =	sld [smem:$0x3F93]  }
0x1a: {  	s8 =	sadd.s32 $0xFFFFE003, lr  }
0x1b: {  	s9 =	sadd.s32 $0xFFFFFEF7, lr;
	s5 =	simm.s32 $0xFFFFFFFF;
	p2 =	slt.u32 s8, $0xFFFFF086  }
0x1c: {  	p1 =	slt.u32 s9, $0xF7A;
	s5 =	simm.s32 @!p2 $0x0  }
0x1d: {  	s5 =	simm.s32 @p1 $0x1;
	p0 =	seq.s32 s7, s2  }
0x1e: {  	s7 =	smul.u32 @!p0 $0xF7A, s2;
	p2 =	seq.s32 @!p0 s5, $0x0  }
0x1f: {  	s9 =	smul.u32 $0xF7A, s1;
	s8 =	simm.s32 @!p0 $0x1BF5;
	p2 =	por !p2, p0  }
0x20: {  	[sflag:s8] =	ssyncset.s32 @!p0 $0xFFFFF086;
	s6 =	sadd.s32 @!p0 s3, s7;
	s7 =	simm.s32 @!p0 $0x108  }
0x21: {  	s3 =	sadd.s32 s3, s9;
	s6 =	sadd.s32 @!p0 $0x88, s6;
	s7 =	simm.s32 @p2 $0x1082  }
0x22: {  	[simem:s7], [sflag:s8] =	dma.local @!p0 [hbm:s6], $0xF7A  }
0x23: {  	s9 =	sor.u32 $0xD0000000, s2;
	s6 =	simm.s32 $0x108;
	_ =	swait.ge @!p0 [sflag:s8], $0x0  }
0x24: {  	s3 =	sadd.s32 $0x88, s3;
	s6 =	simm.s32 @!p1 $0x1082;
	[sflag:s4] =	ssyncset.s32 $0xFFFFF086  }
0x25: {  	[simem:s6], [sflag:s4] =	dma.local [hbm:s3], $0xF7A  }
0x26: {  	[smem:$0x3F93] =	sst s1;
	(tag) =	ssettag s2;
	_ =	strace s9  }
0x27: {  	s1 =	sld [smem:$0x3FA3]  }
0x28: {  	s2 =	sld [smem:$0x3FA4]  }
0x29: {  	s4 =	sld [smem:$0x3FA6]  }
0x2a: {  	p0 =	seq.s32 s5, $0x0;
	s5 =	sld [smem:$0x3FA7]  }
0x2b: {  	s6 =	sld [smem:$0x3FA8]  }
0x2c: {  	s7 =	sld [smem:$0x3FA9]  }
0x2d: {  	s3 =	simm.s32 $0x108;
	s8 =	sld [smem:$0x3FAA]  }
0x2e: {  	s3 =	simm.s32 @!p0 $0x1082;
	s9 =	sld [smem:$0x3FAB]  }
0x2f: {  	lr =	sadd.s32 s0, s3;
	s0 =	sld [smem:$0x3FA2]  }
0x30: {  	s3 =	sld [smem:$0x3FA5]  }
0x31: {  	[smem:$0x3FAE] =	sst s10  }
0x32: {  	s10 =	sld [smem:$0x3FAC];
	_ =	sdelay $0x3  }
0x33: {  	p0 =	seq.s32 s10, $0x1;
	s10 =	sld [smem:$0x3FAE];
	_ =	sdelay $0x3  }
0x34: {  	[smem:$0x3FAE] =	sst s10  }
0x35: {  	s10 =	sld [smem:$0x3FAD];
	_ =	sdelay $0x3  }
0x36: {  	p1 =	seq.s32 s10, $0x1;
	s10 =	sld [smem:$0x3FAE];
	_ =	sdelay $0x3  }
0x37: {  	[smem:$0x3FAE] =	sst s10  }
0x38: {  	s10 =	sld [smem:$0x3FAF]  }
0x39: {  	_ = 	snop;
	(pc) =	sbr.ind lr, $3  }
0x3a: {  	_ = 	snop  }
0x3b: {  	_ = 	snop  }
0x3c: {  	p2 =	seq.s32 s10, $0x1;
	s10 =	sld [smem:$0x3FAE]  }
0x3d: {  	_ =	shalt  }
0x3e: {  	_ =	shalt  }
0x3f: {  	_ =	shalt  }
0x40: {  	_ =	shalt  }
0x41: {  	_ =	shalt  }
0x42: {  	_ =	shalt  }
0x43: {  	_ =	shalt  }
0x44: {  	_ =	shalt  }
0x45: {  	_ =	shalt  }
0x46: {  	_ =	shalt  }
0x47: {  	_ =	shalt  }
0x48: {  	_ =	shalt  }
0x49: {  	_ =	shalt  }
0x4a: {  	_ =	shalt  }
0x4b: {  	_ =	shalt  }
0x4c: {  	_ =	shalt  }
0x4d: {  	_ =	shalt  }
0x4e: {  	_ =	shalt  }
0x4f: {  	_ =	shalt  }
0x50: {  	_ =	shalt  }
0x51: {  	_ =	shalt  }
0x52: {  	_ =	shalt  }
0x53: {  	_ =	shalt  }
0x54: {  	_ =	shalt  }
0x55: {  	_ =	shalt  }
0x56: {  	_ =	shalt  }
0x57: {  	_ =	shalt  }
0x58: {  	_ =	shalt  }
0x59: {  	_ =	shalt  }
0x5a: {  	_ =	shalt  }
0x5b: {  	_ =	shalt  }
0x5c: {  	_ =	shalt  }
0x5d: {  	_ =	shalt  }
0x5e: {  	_ =	shalt  }
0x5f: {  	_ =	shalt  }
0x60: {  	_ =	shalt  }
0x61: {  	_ =	shalt  }
0x62: {  	_ =	shalt  }
0x63: {  	_ =	shalt  }
0x64: {  	_ =	shalt  }
0x65: {  	_ =	shalt  }
0x66: {  	_ =	shalt  }
0x67: {  	_ =	shalt  }
0x68: {  	_ =	shalt  }
0x69: {  	_ =	shalt  }
0x6a: {  	_ =	shalt  }
0x6b: {  	_ =	shalt  }
0x6c: {  	_ =	shalt  }
0x6d: {  	_ =	shalt  }
0x6e: {  	_ =	shalt  }
0x6f: {  	_ =	shalt  }
0x70: {  	_ =	shalt  }
0x71: {  	_ =	shalt  }
0x72: {  	_ =	shalt  }
0x73: {  	_ =	shalt  }
0x74: {  	_ =	shalt  }
0x75: {  	_ =	shalt  }
0x76: {  	_ =	shalt  }
0x77: {  	_ =	shalt  }
0x78: {  	_ =	shalt  }
0x79: {  	_ =	shalt  }
0x7a: {  	_ =	shalt  }
0x7b: {  	_ =	shalt  }
0x7c: {  	_ =	shalt  }
0x7d: {  	_ =	shalt  }
0x7e: {  	_ =	shalt  }
0x7f: {  	_ =	shalt  }
0x80: {  	_ =	shalt  }
0x81: {  	_ =	shalt  }
0x82: {  	_ =	shalt  }
0x83: {  	_ =	shalt  }
0x84: {  	_ =	shalt  }
0x85: {  	_ =	shalt  }
0x86: {  	_ =	shalt  }
0x87: {  	_ =	shalt  }
.Lfunc_end0:
.L_simem_size_0:
called_computation.4_lowered:
.L_overlay_start_0:
0x88: {  	s2 =	sld [smem:$0x3FD9]  }
0x89: {  	s3 =	sld [smem:$0x3FFE];
	_ =	sdelay $0x1  }
0x8a: {  	s1 =	srdreg.scid  }
0x8b: {  	s0 =	sand.u32 $0x1, s1  }
0x8c: {  	s17 =	sshll.u32 s0, $0xA;
	s2 =	sadd.s32 s3, s2  }
0x8d: {  	s2 =	sadd.s32 s2, s17  }
0x8e: {  	[smem:$0x3FBA] =	sst s2  }
0x8f: {  	_ = 	snop  }
0x90: {  	s2 =	sld [smem:$0x3FD0];
	(tm) =	ssettm $0x1  }
0x91: {  	s18 =	sld [smem:$0x3FFB];
	_ =	sdelay $0x3  }
0x92: {  	_ =	strace s18  }
0x93: {  	s3 =	sld [smem:$0x3FFC];
	_ =	sdelay $0x3  }
0x94: {  	_ =	strace s3  }
0x95: {  	s3 =	sld [smem:$0x3FFD];
	_ =	sdelay $0x3  }
0x96: {  	_ =	strace s3  }
0x97: {  	_ =	strace $0x8FFFFFFF  }
0x98: {  	s19 =	sld [smem:$0x3FDB];
	_ =	sdelay $0x1  }
0x99: {  	s4 =	simm.s32 $_scs_section_size  }
0x9a: {  	s5 =	simm.s32 $_size__tile_overlayer_lowered;
	s6 =	simm.s32 $_tile_overlayer_lowered  }
0x9b: {  	s22 =	simm.s32 $0x1BFF;
	s21 =	sshll.u32 s6, $0x1;
	s3 =	sadd.s32 s4, s19  }
0x9c: {  	s7 =	simm.s32 $0x0;
	s20 =	sshll.u32 s5, $0x1;
	s5 =	sadd.s32 s21, s3  }
0x9d: {  	[timem:s7], [sflag:s22] =	dma.local [hbm:s5], s20  }
0x9e: {  	_ =	swait.ge [sflag:s22], s20  }
0x9f: {  	s4 =	ssub.s32 $0x0, s20;
	[sflag:s22] =	ssyncset.done $0x0  }
0xa0: {  	[sflag:s22] =	ssyncadd.s32 s4;
	_ =	sdelay $0x1  }
0xa1: {  	s23 =	simm.s32 $0x1B8B  }
0xa2: {  	_ =	swait.ge [sflag:s23], $0x1  }
0xa3: {  	[sflag:s23] =	ssyncset.done $0x0  }
0xa4: {  	s25 =	simm.s32 $0x1B8E;
	s24 =	sld [smem:$0x3FFE];
	[sflag:s23] =	ssyncadd.s32 $0xFFFFFFFF  }
0xa5: {  	s26 =	simm.s32 $execute0_lowered;
	[smem:$0x3FD2] =	sst s25  }
0xa6: {  	s5 =	sshll.u32 s26, $0x1;
	_ =	strace $0x80000052;
	[dreg:$0x1] =	wrdreg $0xFFFFFFFF  }
0xa7: {  	s28 =	simm.s32 $_size_execute0_lowered;
	s3 =	sadd.s32 s3, s5;
	[dreg:$0x0] =	wrdreg $0x0  }
0xa8: {  	s5 =	sshll.u32 s28, $0x1;
	[dreg:$0x2] =	wrdreg s3  }
0xa9: {  	[dreg:$0x3] =	wrdreg s5  }
0xaa: {  	[dreg:$0x4] =	wrdreg $0xC0  }
0xab: {  	_ =	task [dreg:s7], $0x5FFFF  }
0xac: {  	[dreg:$0x1] =	wrdreg $0xFFFFFFFF  }
0xad: {  	[dreg:$0x0] =	wrdreg $0x60  }
0xae: {  	[dreg:$0x2] =	wrdreg s24  }
0xaf: {  	[dreg:$0x3] =	wrdreg s2  }
0xb0: {  	[dreg:$0x4] =	wrdreg $0xA8000  }
0xb1: {  	[dreg:$0x5] =	wrdreg $0x9  }
0xb2: {  	_ =	task.clear_ibuf [dreg:s7], $0x6FFFF;
	_ =	strace $0x90000052  }
0xb3: {  	s29 =	simm.s32 $0x9;
	_ =	strace $0x80000054  }
0xb4: {  	_ =	swait.ge [sflag:s29], $0x1  }
0xb5: {  	[sflag:s29] =	ssyncadd.s32 $0xFFFFFFFF  }
0xb6: {  	_ =	strace $0x90000054  }
0xb7: {  	_ =	sfence  }
0xb8: {  	s30 =	sld [smem:$0x0];
	_ =	sdelay $0x2  }
0xb9: {  	s31 =	sshll.u32 s1, $0xD;
	s1 =	sshrl.u32 s1, $0x2  }
0xba: {  	s3 =	sand.u32 $0x4000, s31;
	s1 =	sadd.s32 s1, s30  }
0xbb: {  	s0 =	sor.u32 s3, s0;
	s1 =	sshll.u32 s1, $0x11  }
0xbc: {  	s0 =	sor.u32 s1, s0  }
0xbd: {  	s0 =	sadd.s32 $0x8F2B, s0  }
0xbe: {  	[sflag:s0] =	ssyncadd.remote.s32 $0x1  }
0xbf: {  	_ =	sfence.sel $0xFFFF  }
0xc0: {  	[dreg:$0x0] =	wrdreg $0xFFFFFFFF;
	(pc) =	sbr.abs _section_cstart, $3  }
0xc1: {  	[dreg:$0x1] =	wrdreg $0xFFFFFFFF  }
0xc2: {  	_ =	task.clear_ibuf [dreg:s7], $0x2FFFF;
	_ =	strace $0x9FFFFFFF  }
0xc3: {  	(tm) =	ssettm $0x7FFFFFFF  }
tec
execute0_lowered:
.L_overlay_start_1:
0x0: {  	(tag) =	ssettag $0x1  }
0x1: {  	s6 =	rddreg [dreg:$0x0]  }
0x2: {  	s7 =	rddreg [dreg:$0x1]  }
0x3: {  	s0 =	srdreg.scid;
	s2 =	rddreg [dreg:$0x2];
	s3 =	simm.s32 $0x0  }
0x4: {  	s16 =	simm.s32 $0x1400;
	s17 =	simm.s32 $0x6800;
	s18 =	simm.s32 $0x80  }
0x5: {  	s19 =	simm.s32 $0x2800;
	s5 =	sand.u32 $0x1, s0;
	s0 =	stileid.u32  }
0x6: {  	s22 =	simm.s32 $0x0;
	[smem:$0x7FF] =	sst s3;
	s9 =	smul.u32 $0x140000, s5  }
0x7: {  	s4 =	sadd.s32 $0x9200, s6;
	s1 =	sshll.u32 s5, $0x4;
	s10 =	smul.u32 $0x14000, s0  }
0x8: {  	s30 =	ssub.s32 $0x2, s5;
	s12 =	smul.u32 $0x50000, s0;
	s5 =	sadd.s32 $0x8A00, s6  }
0x9: {  	s20 =	sshll.u32 s0, $0x6;
	s1 =	sor.u32 s0, s1;
	s13 =	sshrl.u32 s30, $0x1  }
0xa: {  	s20 =	sor.u32 $0x1C01, s20;
	s8 =	smul.u32 $0x280, s1;
	s1 =	rddreg [dreg:$0x3]  }
0xb: {  	_ =	strace $0x80000053;
	s9 =	sadd.s32 s10, s9;
	s15 =	ssub.s32 s30, s13  }
0xc: {  	s31 =	sshrl.u32 s12, $0x2;
	s9 =	sshrl.u32 s9, $0x3;
	s11 =	sadd.s32 s8, s6  }
0xd: {  	s14 =	sadd.s32 s9, s6;
	s6 =	sadd.s32 s7, s8;
	s8 =	sadd.s32 s31, s2  }
0xe: {  	s7 =	sadd.s32 $0x59A00, s11;
	s9 =	sadd.s32 $0x4000, s8;
	s10 =	sadd.s32 $0x8000, s8  }
0xf: {  	s11 =	sadd.s32 $0xC000, s8;
	s12 =	sadd.s32 $0x10000, s8;
	s13 =	sadd.s32 $0x5EA00, s14  }
0x10: {  	s14 =	smax.u32 s15, $0x1;
	s15 =	simm.s32 $0x1;
	s21 =	sshrl.u32 s8, $0x3  }
.LBB2_1:
0x11: {  	[tilespmem:s3], [sflag:$0x1] =	stream.linear.gather [hbm4b:s6+s3], $0x1400, $0x38;
	[tilespmem:$0x1E800] =	vst v63  }
0x12: {  	_ =	swait.ge [sflag:s15], $0x1400  }
0x13: {  	[sflag:s15] =	ssyncset.done $0x0  }
0x14: {  	[sflag:s15] =	ssyncadd.s32 $0xFFFFEC00  }
0x15: {  	[tilespmem:s16], [sflag:$0x1] =	stream.linear.gather [hbm4b:s7+s3], $0x1400, $0x38;
	[tilespmem:$0x1E800] =	vst v63  }
0x16: {  	_ =	swait.ge [sflag:s15], $0x1400  }
0x17: {  	[sflag:s15] =	ssyncset.done $0x0  }
0x18: {  	[sflag:s15] =	ssyncadd.s32 $0xFFFFEC00  }
0x19: {  	[tilespmem:s17], [sflag:$0x1] =	stream.linear.gather [hbm4b:s5+s3], $0x4000, $0x38;
	[tilespmem:$0x1E800] =	vst v63  }
0x1a: {  	_ =	swait.ge [sflag:s15], $0x4000  }
0x1b: {  	[sflag:s15] =	ssyncset.done $0x0  }
0x1c: {  	[sflag:s15] =	ssyncadd.s32 $0xFFFFC000  }
0x1d: {  	[spmem:s8] =	stream.linear.scatter [tilespmem:s17], [sflag:$0x1], $0x4000, $0x38;
	[tilespmem:$0x1E800] =	vst v63  }
0x1e: {  	_ =	swait.ge [sflag:s15], $0x4000  }
0x1f: {  	[sflag:s15] =	ssyncset.done $0x0  }
0x20: {  	[sflag:s15] =	ssyncadd.s32 $0xFFFFC000  }
0x21: {  	[spmem:s9] =	stream.linear.scatter [tilespmem:s17], [sflag:$0x1], $0x4000, $0x38;
	[tilespmem:$0x1E800] =	vst v63  }
0x22: {  	_ =	swait.ge [sflag:s15], $0x4000  }
0x23: {  	[sflag:s15] =	ssyncset.done $0x0  }
0x24: {  	[sflag:s15] =	ssyncadd.s32 $0xFFFFC000  }
0x25: {  	[spmem:s10] =	stream.linear.scatter [tilespmem:s17], [sflag:$0x1], $0x4000, $0x38;
	[tilespmem:$0x1E800] =	vst v63  }
0x26: {  	_ =	swait.ge [sflag:s15], $0x4000  }
0x27: {  	[sflag:s15] =	ssyncset.done $0x0  }
0x28: {  	[sflag:s15] =	ssyncadd.s32 $0xFFFFC000  }
0x29: {  	[spmem:s11] =	stream.linear.scatter [tilespmem:s17], [sflag:$0x1], $0x4000, $0x38;
	[tilespmem:$0x1E800] =	vst v63  }
0x2a: {  	_ =	swait.ge [sflag:s15], $0x4000  }
0x2b: {  	[sflag:s15] =	ssyncset.done $0x0  }
0x2c: {  	[sflag:s15] =	ssyncadd.s32 $0xFFFFC000  }
0x2d: {  	[spmem:s12] =	stream.linear.scatter [tilespmem:s17], [sflag:$0x1], $0x4000, $0x38;
	[tilespmem:$0x1E800] =	vst v63  }
0x2e: {  	_ =	swait.ge [sflag:s15], $0x4000  }
0x2f: {  	[sflag:s15] =	ssyncset.done $0x0  }
0x30: {  	[sflag:s15] =	ssyncadd.s32 $0xFFFFC000  }
0x31: {  	s23 =	simm.s32 $0x0;
	[bflag:$0x0] =	sbarrier.arrive $0xFFFF  }
0x32: {  	[tilespmem:s19], [sflag:$0x1] =	stream.indirect.gather [hbm4b:s4+s18], $0x80, s23, s18, $0xb8;
	[tilespmem:$0x1E800] =	vst v63  }
0x33: {  	_ =	swait.ge [sflag:s15], $0x4000  }
0x34: {  	[sflag:s15] =	ssyncset.done $0x0  }
0x35: {  	s31 =	simm.s32 $0x1400;
	[sflag:s15] =	ssyncadd.s32 $0xFFFFC000  }
0x36: {  	[spmem:s2] =	stream.indirect.scatter.add.f32 [tilespmem:s19], [sflag:$0x1], $0x80, s31, s18, $0xb8;
	[tilespmem:$0x1E800] =	vst v63  }
0x37: {  	_ =	swait.ge [sflag:s15], $0x4000  }
0x38: {  	s24 =	simm.s32 $0x400;
	s23 =	simm.s32 $0x200;
	[sflag:s15] =	ssyncset.done $0x0  }
.LBB2_2:
0x39: {  	s25 =	sshra.s32 s23, $0x2  }
0x3a: {  	[sflag:s15] =	ssyncadd.s32 $0xFFFFC000;
	s23 =	smov.u32 s24;
	s26 =	sadd.s32 $0x200, s24  }
0x3b: {  	[tilespmem:s19], [sflag:$0x1] =	stream.indirect.gather [hbm4b:s4+s18], $0x80, s25, s18, $0xb8;
	[tilespmem:$0x1E800] =	vst v63  }
0x3c: {  	p0 =	sne.s32 s24, $0x4E00;
	_ =	swait.ge [sflag:s15], $0x4000  }
.Ltmp0:
0x3d: {  	[sflag:s15] =	ssyncset.done $0x0;
	(pc) =	sbr.rel @p0 .LBB2_2-.Ltmp0, $4  }
0x3e: {  	s24 =	sadd.s32 $0x1400, s25;
	[sflag:s15] =	ssyncadd.s32 $0xFFFFC000  }
0x3f: {  	[spmem:s2] =	stream.indirect.scatter.add.f32 [tilespmem:s19], [sflag:$0x1], $0x80, s24, s18, $0xb8;
	[tilespmem:$0x1E800] =	vst v63  }
0x40: {  	_ =	swait.ge [sflag:s15], $0x4000  }
0x41: {  	s24 =	smov.u32 s26;
	[sflag:s15] =	ssyncset.done $0x0  }
0x42: {  	s23 =	sshra.s32 s23, $0x2;
	[sflag:s15] =	ssyncadd.s32 $0xFFFFC000  }
0x43: {  	[tilespmem:s19], [sflag:$0x1] =	stream.indirect.gather [hbm4b:s4+s18], $0x80, s23, s18, $0xb8;
	[tilespmem:$0x1E800] =	vst v63  }
0x44: {  	_ =	swait.ge [sflag:s15], $0x4000  }
0x45: {  	[sflag:s15] =	ssyncset.done $0x0  }
0x46: {  	s23 =	sadd.s32 $0x1400, s23;
	[sflag:s15] =	ssyncadd.s32 $0xFFFFC000  }
0x47: {  	[spmem:s2] =	stream.indirect.scatter.add.f32 [tilespmem:s19], [sflag:$0x1], $0x80, s23, s18, $0xb8;
	[tilespmem:$0x1E800] =	vst v63  }
0x48: {  	_ =	swait.ge [sflag:s15], $0x4000  }
0x49: {  	s22 =	sadd.s32 $0x1, s22;
	[sflag:s15] =	ssyncset.done $0x0  }
0x4a: {  	p0 =	sne.s32 s22, s14;
	[sflag:s15] =	ssyncadd.s32 $0xFFFFC000  }
.Ltmp1:
0x4b: {  	[bflag:$0x0] =	sbarrier.arrive $0xFFFF;
	(pc) =	sbr.rel @p0 .LBB2_1-.Ltmp1, $4  }
0x4c: {  	[hbm:s13], [sflag:s20] =	dma.local [spmem:s21], $0x2800  }
0x4d: {  	_ =	swait.ge [sflag:s15], $0x2800  }
0x4e: {  	[sflag:s15] =	ssyncset.done $0x0  }
0x4f: {  	[sflag:s15] =	ssyncadd.s32 $0xFFFFD800  }
0x50: {  	_ =	sfence.sel $0x180000  }
0x51: {  	[bflag:$0x0] =	sbarrier.arrive $0xFFFF  }
0x52: {  	p0 =	sne.s32 s0, $0x0;
	_ =	strace $0x90000053  }
0x53: {  	s0 =	sadd.s32 @!p0 $0x100000, s1;
	[bflag:$0x2] =	sbarrier.arrive $0xFFFF  }
0x54: {  	[sflag:s0] =	ssyncadd.tile.s32 @!p0 $0x1;
	_ =	shalt  }
.Lfunc_end2:
_tile_overlayer_lowered:
.L_overlay_start_2:
0x55: {  	(tag) =	ssettag $0x2  }
0x56: {  	s0 =	rddreg [dreg:$0x0];
	s2 =	stileid.u32  }
0x57: {  	s1 =	rddreg [dreg:$0x1];
	p0 =	sne.s32 s2, $0x0  }
0x58: {  	s3 =	rddreg [dreg:$0x2];
	[bflag:$0x3] =	sbarrier.arrive $0xFFFF;
	s2 =	simm.s32 @!p0 $0x1C01  }
0x59: {  	[timem:s3], [sflag:s2] =	dma.local @!p0 [hbm:s0], s1  }
0x5a: {  	s0 =	simm.s32 @!p0 $0x1  }
0x5b: {  	_ =	swait.ge @!p0 [sflag:s0], s1  }
0x5c: {  	s1 =	ssub.s32 @!p0 $0x0, s1;
	[sflag:s0] =	ssyncset.done @!p0 $0x0  }
0x5d: {  	[sflag:s0] =	ssyncadd.s32 @!p0 s1  }
0x5e: {  	[bflag:$0x3] =	sbarrier.arrive $0xFFFF  }
0x5f: {  	_ =	shalt  }

</sc_bundles>
